<compile_context>
chip_gen: v7x
topology: tpu7x:2x2x1
jax: 0.10.2.dev20260603
libtpu: 0.0.44.dev20260713+nightly
codegen_flags: <defaults>
</compile_context>

<pallas_src>
import functools
import math

import jax
import jax.numpy as jnp
from jax import lax
from jax.experimental import pallas as pl
from jax.experimental.pallas import tpu as pltpu
from jax.experimental.pallas import tpu_sc as plsc

_DIM = 64
_SCALE = math.sqrt(float(_DIM))

_NC = 2
_NS = 16
_NW = _NC * _NS

_IDX_ROW = 128
_CHUNK_ROWS = 2
_CHUNK = _IDX_ROW * _CHUNK_ROWS
_NBUF = 4


@functools.lru_cache(maxsize=None)
def _build(n_idx_rows):
  rows_per_w = n_idx_rows // _NW
  chunks = rows_per_w // _CHUNK_ROWS
  outer = chunks // _NBUF
  assert rows_per_w * _NW == n_idx_rows
  assert chunks * _CHUNK_ROWS == rows_per_w
  assert outer * _NBUF == chunks and outer >= 3
  b_total = n_idx_rows * _IDX_ROW
  mesh = plsc.VectorSubcoreMesh(core_axis_name="c", subcore_axis_name="s")

  @functools.partial(
      pl.kernel,
      mesh=mesh,
      out_type=jax.ShapeDtypeStruct((b_total, _DIM), jnp.float32),
      scratch_types=(
          [pltpu.VMEM((_CHUNK_ROWS, _IDX_ROW), jnp.int32)] * _NBUF
          + [pltpu.VMEM((_CHUNK, _DIM), jnp.float32)] * _NBUF
          + [pltpu.SemaphoreType.DMA] * (3 * _NBUF)
      ),
      compiler_params=pltpu.CompilerParams(use_tc_tiling_on_sc=False),
  )
  def k(idx_hbm, table_hbm, out_hbm, *bufs):
    ibuf = bufs[:_NBUF]
    rbuf = bufs[_NBUF:2 * _NBUF]
    gsem = bufs[2 * _NBUF:3 * _NBUF]
    osem = bufs[3 * _NBUF:4 * _NBUF]
    isem = bufs[4 * _NBUF:5 * _NBUF]

    wid = lax.axis_index("s") * _NC + lax.axis_index("c")
    row_base = wid * rows_per_w

    def idx_row(g):
      return row_base + g * _CHUNK_ROWS

    def fire_gathers(g, b):
      del g
      for j in range(_CHUNK_ROWS):
        pltpu.async_copy(
            table_hbm.at[ibuf[b].at[j]],
            rbuf[b].at[pl.ds(j * _IDX_ROW, _IDX_ROW)],
            gsem[b],
        )

    def wait_gathers(b):
      for j in range(_CHUNK_ROWS):
        pltpu.make_async_copy(
            table_hbm.at[pl.ds(0, _IDX_ROW)],
            rbuf[b].at[pl.ds(j * _IDX_ROW, _IDX_ROW)],
            gsem[b],
        ).wait()

    def fire_idx(g, b):
      pltpu.async_copy(
          idx_hbm.at[pl.ds(idx_row(g), _CHUNK_ROWS)], ibuf[b], isem[b])

    def wait_idx(b):
      pltpu.make_async_copy(
          idx_hbm.at[pl.ds(0, _CHUNK_ROWS)], ibuf[b], isem[b]).wait()

    def fire_out(g, b):
      pltpu.async_copy(
          rbuf[b], out_hbm.at[pl.ds(idx_row(g) * _IDX_ROW, _CHUNK)], osem[b])

    def wait_out(b):
      pltpu.make_async_copy(
          rbuf[b], out_hbm.at[pl.ds(0, _CHUNK)], osem[b]).wait()

    def scale(b):
      ref = rbuf[b]

      @plsc.parallel_loop(0, _CHUNK, unroll=8)
      def _(r):
        for c in range(_DIM // 16):
          sl = pl.ds(c * 16, 16)
          ref[r, sl] = ref[r, sl] * _SCALE

    def body(g, b, first=False, fire_i=True, fire_g=True):
      wait_gathers(b)
      if fire_i:
        fire_idx(g + _NBUF, b)
      scale(b)
      fire_out(g, b)
      if fire_g:
        bn = (b + _NBUF - 1) % _NBUF
        if not first:
          wait_out(bn)
        wait_idx(bn)
        fire_gathers(g + _NBUF - 1, bn)

    for b in range(_NBUF - 1):
      pltpu.sync_copy(idx_hbm.at[pl.ds(idx_row(b), _CHUNK_ROWS)], ibuf[b])
      fire_gathers(b, b)
    fire_idx(_NBUF - 1, _NBUF - 1)

    body(0, 0, first=True)
    for b in range(1, _NBUF):
      body(b, b)

    @pl.loop(1, outer - 1)
    def _(i):
      g0 = i * _NBUF
      for b in range(_NBUF):
        body(g0 + b, b)

    gl = (outer - 1) * _NBUF
    body(gl, 0, fire_i=False)
    for b in range(1, _NBUF):
      body(gl + b, b, fire_i=False, fire_g=False)

    for b in range(_NBUF):
      wait_out(b)

  return k


def kernel(inputs, table):
  b, t = inputs.shape
  n = b * t
  idx2d = inputs.reshape(n // _IDX_ROW, _IDX_ROW).astype(jnp.int32)
  out = _build(n // _IDX_ROW)(idx2d, table)
  return out.reshape(b, t, _DIM)

# --- scband reference (transcript-rebuilt; emitter-appended) ---
"""Pipeline reference for scband-embedding-29368986370582 (READ-ONLY COPY).

The authoritative reference and input builder live on the scoring server;
editing this copy changes nothing except your own understanding.
"""

import jax, jax.numpy as jnp
import numpy as np

VOCAB = 1000000
DIM = 64

def setup_inputs(seed: int = 0) -> dict:
    key = jax.random.key(seed)
    k1, k2 = jax.random.split(key)
    inputs = jax.random.randint(k1, (4096, 200), 0, VOCAB, dtype=jnp.int64 if jax.config.read('jax_enable_x64') else jnp.int32)
    table = jax.random.normal(k2, (VOCAB, DIM), dtype=jnp.float32) * 0.02
    return {"inputs": inputs, "table": table}

def reference(inputs, table):
    # Embedding lookup followed by scaling with sqrt(model_dim), as in the keras layer.
    emb = jnp.take(table, inputs, axis=0)
    return emb * jnp.sqrt(jnp.asarray(DIM, dtype=emb.dtype))

if __name__ == "__main__":
    import jax
    _d = setup_inputs()
    print(jax.jit(kernel)(*tuple(_d.values())))

</pallas_src>

<mosaic_0001>
#map = affine_map<(d0, d1) -> (0, 0)>
module attributes {stable_mosaic.version = 14 : i64} {
  func.func @k(%arg0: i32, %arg1: i32, %arg2: memref<6400x128xi32, #tpu.memory_space<hbm>>, %arg3: memref<1000000x64xf32, #tpu.memory_space<hbm>>, %arg4: memref<819200x64xf32, #tpu.memory_space<hbm>>, %arg5: memref<2x128xi32, #tpu.memory_space<vmem>>, %arg6: memref<2x128xi32, #tpu.memory_space<vmem>>, %arg7: memref<2x128xi32, #tpu.memory_space<vmem>>, %arg8: memref<2x128xi32, #tpu.memory_space<vmem>>, %arg9: memref<256x64xf32, #tpu.memory_space<vmem>>, %arg10: memref<256x64xf32, #tpu.memory_space<vmem>>, %arg11: memref<256x64xf32, #tpu.memory_space<vmem>>, %arg12: memref<256x64xf32, #tpu.memory_space<vmem>>, %arg13: memref<!tpu.dma_semaphore, #tpu.memory_space<semaphore_mem>>, %arg14: memref<!tpu.dma_semaphore, #tpu.memory_space<semaphore_mem>>, %arg15: memref<!tpu.dma_semaphore, #tpu.memory_space<semaphore_mem>>, %arg16: memref<!tpu.dma_semaphore, #tpu.memory_space<semaphore_mem>>, %arg17: memref<!tpu.dma_semaphore, #tpu.memory_space<semaphore_mem>>, %arg18: memref<!tpu.dma_semaphore, #tpu.memory_space<semaphore_mem>>, %arg19: memref<!tpu.dma_semaphore, #tpu.memory_space<semaphore_mem>>, %arg20: memref<!tpu.dma_semaphore, #tpu.memory_space<semaphore_mem>>, %arg21: memref<!tpu.dma_semaphore, #tpu.memory_space<semaphore_mem>>, %arg22: memref<!tpu.dma_semaphore, #tpu.memory_space<semaphore_mem>>, %arg23: memref<!tpu.dma_semaphore, #tpu.memory_space<semaphore_mem>>, %arg24: memref<!tpu.dma_semaphore, #tpu.memory_space<semaphore_mem>>) attributes {dimension_semantics = [#tpu.dimension_semantics<core_parallel>, #tpu.dimension_semantics<subcore_parallel>], iteration_bounds = array<i64: 2, 16>, scalar_prefetch = 0 : i64, scratch_operands = 20 : i64, tpu.core_type = #tpu.core_type<sc_vector_subcore>, window_params = [{transform_indices = #map}, {transform_indices = #map}, {transform_indices = #map}]} {
    %mul3A = arith.constant 2 : i32
    %mul3A_0 = arith.muli %arg1, %mul3A : i32
    %add3A = arith.addi %mul3A_0, %arg0 : i32
    %mul3A_1 = arith.constant 200 : i32
    %mul3A_2 = arith.muli %add3A, %mul3A_1 : i32
    %add3A_3 = arith.constant 0 : i32
    %add3A_4 = arith.addi %mul3A_2, %add3A_3 : i32
    "tpu.region"() ({
      %run_scoped3A = tpu.sem_alloc : memref<!tpu.dma_semaphore, #tpu.memory_space<semaphore_mem>>
      %dma_start3A_558 = arith.constant 0 : i32
      %dma_start3A_559 = tpu.memref_slice %arg2[%add3A_4, %dma_start3A_558] : memref<6400x128xi32, #tpu.memory_space<hbm>> -> memref<2x128xi32, #tpu.memory_space<hbm>>
      %dma_start3A_560 = arith.constant 0 : i32
      %dma_start3A_561 = tpu.memref_slice %arg2[%add3A_4, %dma_start3A_560] : memref<6400x128xi32, #tpu.memory_space<hbm>> -> memref<2x128xi32, #tpu.memory_space<hbm>>
      tpu.enqueue_dma source(%dma_start3A_561 : memref<2x128xi32, #tpu.memory_space<hbm>>) target(%arg5 : memref<2x128xi32, #tpu.memory_space<vmem>>) target_semaphore(%run_scoped3A : memref<!tpu.dma_semaphore, #tpu.memory_space<semaphore_mem>>)
      %dma_wait3A_562 = arith.constant 0 : i32
      %dma_wait3A_563 = tpu.memref_slice %arg2[%add3A_4, %dma_wait3A_562] : memref<6400x128xi32, #tpu.memory_space<hbm>> -> memref<2x128xi32, #tpu.memory_space<hbm>>
      %dma_wait3A_564 = arith.constant 0 : i32
      %dma_wait3A_565 = tpu.memref_slice %arg2[%add3A_4, %dma_wait3A_564] : memref<6400x128xi32, #tpu.memory_space<hbm>> -> memref<2x128xi32, #tpu.memory_space<hbm>>
      tpu.wait_dma2 semaphore(%run_scoped3A : memref<!tpu.dma_semaphore, #tpu.memory_space<semaphore_mem>>) src(%dma_wait3A_565 : memref<2x128xi32, #tpu.memory_space<hbm>>) dst(%arg5 : memref<2x128xi32, #tpu.memory_space<vmem>>)
      tpu.yield
    }) : () -> ()
    %dma_start3A = arith.constant 0 : i32
    %dma_start3A_5 = arith.constant 0 : i32
    %dma_start3A_6 = arith.constant 0 : i32
    %dma_start3A_7 = tpu.memref_slice %arg9[%dma_start3A_5, %dma_start3A_6] : memref<256x64xf32, #tpu.memory_space<vmem>> -> memref<128x64xf32, #tpu.memory_space<vmem>>
    %dma_start3A_8 = arith.constant 0 : i32
    %dma_start3A_9 = tpu.memref_slice %arg5[%dma_start3A, %dma_start3A_8] : memref<2x128xi32, #tpu.memory_space<vmem>> -> memref<1x128xi32, #tpu.memory_space<vmem>>
    %dma_start3A_10 = tpu.memref_squeeze %dma_start3A_9 : memref<1x128xi32, #tpu.memory_space<vmem>> -> memref<128xi32, #tpu.memory_space<vmem>>
    %dma_start3A_11 = arith.constant 0 : i32
    %dma_start3A_12 = arith.constant 0 : i32
    %dma_start3A_13 = tpu.memref_slice %arg3[%dma_start3A_11, %dma_start3A_12] : memref<1000000x64xf32, #tpu.memory_space<hbm>> -> memref<1000000x64xf32, #tpu.memory_space<hbm>>
    tpu.enqueue_indirect_dma source(%dma_start3A_13 : memref<1000000x64xf32, #tpu.memory_space<hbm>>) target(%dma_start3A_7 : memref<128x64xf32, #tpu.memory_space<vmem>>) offsets(%dma_start3A_10 : memref<128xi32, #tpu.memory_space<vmem>>) semaphore(%arg13 : memref<!tpu.dma_semaphore, #tpu.memory_space<semaphore_mem>>)
    %dma_start3A_14 = arith.constant 1 : i32
    %dma_start3A_15 = arith.constant 128 : i32
    %dma_start3A_16 = arith.constant 0 : i32
    %dma_start3A_17 = tpu.memref_slice %arg9[%dma_start3A_15, %dma_start3A_16] : memref<256x64xf32, #tpu.memory_space<vmem>> -> memref<128x64xf32, #tpu.memory_space<vmem>>
    %dma_start3A_18 = arith.constant 0 : i32
    %dma_start3A_19 = tpu.memref_slice %arg5[%dma_start3A_14, %dma_start3A_18] : memref<2x128xi32, #tpu.memory_space<vmem>> -> memref<1x128xi32, #tpu.memory_space<vmem>>
    %dma_start3A_20 = tpu.memref_squeeze %dma_start3A_19 : memref<1x128xi32, #tpu.memory_space<vmem>> -> memref<128xi32, #tpu.memory_space<vmem>>
    %dma_start3A_21 = arith.constant 0 : i32
    %dma_start3A_22 = arith.constant 0 : i32
    %dma_start3A_23 = tpu.memref_slice %arg3[%dma_start3A_21, %dma_start3A_22] : memref<1000000x64xf32, #tpu.memory_space<hbm>> -> memref<1000000x64xf32, #tpu.memory_space<hbm>>
    tpu.enqueue_indirect_dma source(%dma_start3A_23 : memref<1000000x64xf32, #tpu.memory_space<hbm>>) target(%dma_start3A_17 : memref<128x64xf32, #tpu.memory_space<vmem>>) offsets(%dma_start3A_20 : memref<128xi32, #tpu.memory_space<vmem>>) semaphore(%arg13 : memref<!tpu.dma_semaphore, #tpu.memory_space<semaphore_mem>>)
    %add3A_24 = arith.constant 2 : i32
    %add3A_25 = arith.addi %mul3A_2, %add3A_24 : i32
    "tpu.region"() ({
      %run_scoped3A = tpu.sem_alloc : memref<!tpu.dma_semaphore, #tpu.memory_space<semaphore_mem>>
      %dma_start3A_558 = arith.constant 0 : i32
      %dma_start3A_559 = tpu.memref_slice %arg2[%add3A_25, %dma_start3A_558] : memref<6400x128xi32, #tpu.memory_space<hbm>> -> memref<2x128xi32, #tpu.memory_space<hbm>>
      %dma_start3A_560 = arith.constant 0 : i32
      %dma_start3A_561 = tpu.memref_slice %arg2[%add3A_25, %dma_start3A_560] : memref<6400x128xi32, #tpu.memory_space<hbm>> -> memref<2x128xi32, #tpu.memory_space<hbm>>
      tpu.enqueue_dma source(%dma_start3A_561 : memref<2x128xi32, #tpu.memory_space<hbm>>) target(%arg6 : memref<2x128xi32, #tpu.memory_space<vmem>>) target_semaphore(%run_scoped3A : memref<!tpu.dma_semaphore, #tpu.memory_space<semaphore_mem>>)
      %dma_wait3A_562 = arith.constant 0 : i32
      %dma_wait3A_563 = tpu.memref_slice %arg2[%add3A_25, %dma_wait3A_562] : memref<6400x128xi32, #tpu.memory_space<hbm>> -> memref<2x128xi32, #tpu.memory_space<hbm>>
      %dma_wait3A_564 = arith.constant 0 : i32
      %dma_wait3A_565 = tpu.memref_slice %arg2[%add3A_25, %dma_wait3A_564] : memref<6400x128xi32, #tpu.memory_space<hbm>> -> memref<2x128xi32, #tpu.memory_space<hbm>>
      tpu.wait_dma2 semaphore(%run_scoped3A : memref<!tpu.dma_semaphore, #tpu.memory_space<semaphore_mem>>) src(%dma_wait3A_565 : memref<2x128xi32, #tpu.memory_space<hbm>>) dst(%arg6 : memref<2x128xi32, #tpu.memory_space<vmem>>)
      tpu.yield
    }) : () -> ()
    %dma_start3A_26 = arith.constant 0 : i32
    %dma_start3A_27 = arith.constant 0 : i32
    %dma_start3A_28 = arith.constant 0 : i32
    %dma_start3A_29 = tpu.memref_slice %arg10[%dma_start3A_27, %dma_start3A_28] : memref<256x64xf32, #tpu.memory_space<vmem>> -> memref<128x64xf32, #tpu.memory_space<vmem>>
    %dma_start3A_30 = arith.constant 0 : i32
    %dma_start3A_31 = tpu.memref_slice %arg6[%dma_start3A_26, %dma_start3A_30] : memref<2x128xi32, #tpu.memory_space<vmem>> -> memref<1x128xi32, #tpu.memory_space<vmem>>
    %dma_start3A_32 = tpu.memref_squeeze %dma_start3A_31 : memref<1x128xi32, #tpu.memory_space<vmem>> -> memref<128xi32, #tpu.memory_space<vmem>>
    %dma_start3A_33 = arith.constant 0 : i32
    %dma_start3A_34 = arith.constant 0 : i32
    %dma_start3A_35 = tpu.memref_slice %arg3[%dma_start3A_33, %dma_start3A_34] : memref<1000000x64xf32, #tpu.memory_space<hbm>> -> memref<1000000x64xf32, #tpu.memory_space<hbm>>
    tpu.enqueue_indirect_dma source(%dma_start3A_35 : memref<1000000x64xf32, #tpu.memory_space<hbm>>) target(%dma_start3A_29 : memref<128x64xf32, #tpu.memory_space<vmem>>) offsets(%dma_start3A_32 : memref<128xi32, #tpu.memory_space<vmem>>) semaphore(%arg14 : memref<!tpu.dma_semaphore, #tpu.memory_space<semaphore_mem>>)
    %dma_start3A_36 = arith.constant 1 : i32
    %dma_start3A_37 = arith.constant 128 : i32
    %dma_start3A_38 = arith.constant 0 : i32
    %dma_start3A_39 = tpu.memref_slice %arg10[%dma_start3A_37, %dma_start3A_38] : memref<256x64xf32, #tpu.memory_space<vmem>> -> memref<128x64xf32, #tpu.memory_space<vmem>>
    %dma_start3A_40 = arith.constant 0 : i32
    %dma_start3A_41 = tpu.memref_slice %arg6[%dma_start3A_36, %dma_start3A_40] : memref<2x128xi32, #tpu.memory_space<vmem>> -> memref<1x128xi32, #tpu.memory_space<vmem>>
    %dma_start3A_42 = tpu.memref_squeeze %dma_start3A_41 : memref<1x128xi32, #tpu.memory_space<vmem>> -> memref<128xi32, #tpu.memory_space<vmem>>
    %dma_start3A_43 = arith.constant 0 : i32
    %dma_start3A_44 = arith.constant 0 : i32
    %dma_start3A_45 = tpu.memref_slice %arg3[%dma_start3A_43, %dma_start3A_44] : memref<1000000x64xf32, #tpu.memory_space<hbm>> -> memref<1000000x64xf32, #tpu.memory_space<hbm>>
    tpu.enqueue_indirect_dma source(%dma_start3A_45 : memref<1000000x64xf32, #tpu.memory_space<hbm>>) target(%dma_start3A_39 : memref<128x64xf32, #tpu.memory_space<vmem>>) offsets(%dma_start3A_42 : memref<128xi32, #tpu.memory_space<vmem>>) semaphore(%arg14 : memref<!tpu.dma_semaphore, #tpu.memory_space<semaphore_mem>>)
    %add3A_46 = arith.constant 4 : i32
    %add3A_47 = arith.addi %mul3A_2, %add3A_46 : i32
    "tpu.region"() ({
      %run_scoped3A = tpu.sem_alloc : memref<!tpu.dma_semaphore, #tpu.memory_space<semaphore_mem>>
      %dma_start3A_558 = arith.constant 0 : i32
      %dma_start3A_559 = tpu.memref_slice %arg2[%add3A_47, %dma_start3A_558] : memref<6400x128xi32, #tpu.memory_space<hbm>> -> memref<2x128xi32, #tpu.memory_space<hbm>>
      %dma_start3A_560 = arith.constant 0 : i32
      %dma_start3A_561 = tpu.memref_slice %arg2[%add3A_47, %dma_start3A_560] : memref<6400x128xi32, #tpu.memory_space<hbm>> -> memref<2x128xi32, #tpu.memory_space<hbm>>
      tpu.enqueue_dma source(%dma_start3A_561 : memref<2x128xi32, #tpu.memory_space<hbm>>) target(%arg7 : memref<2x128xi32, #tpu.memory_space<vmem>>) target_semaphore(%run_scoped3A : memref<!tpu.dma_semaphore, #tpu.memory_space<semaphore_mem>>)
      %dma_wait3A_562 = arith.constant 0 : i32
      %dma_wait3A_563 = tpu.memref_slice %arg2[%add3A_47, %dma_wait3A_562] : memref<6400x128xi32, #tpu.memory_space<hbm>> -> memref<2x128xi32, #tpu.memory_space<hbm>>
      %dma_wait3A_564 = arith.constant 0 : i32
      %dma_wait3A_565 = tpu.memref_slice %arg2[%add3A_47, %dma_wait3A_564] : memref<6400x128xi32, #tpu.memory_space<hbm>> -> memref<2x128xi32, #tpu.memory_space<hbm>>
      tpu.wait_dma2 semaphore(%run_scoped3A : memref<!tpu.dma_semaphore, #tpu.memory_space<semaphore_mem>>) src(%dma_wait3A_565 : memref<2x128xi32, #tpu.memory_space<hbm>>) dst(%arg7 : memref<2x128xi32, #tpu.memory_space<vmem>>)
      tpu.yield
    }) : () -> ()
    %dma_start3A_48 = arith.constant 0 : i32
    %dma_start3A_49 = arith.constant 0 : i32
    %dma_start3A_50 = arith.constant 0 : i32
    %dma_start3A_51 = tpu.memref_slice %arg11[%dma_start3A_49, %dma_start3A_50] : memref<256x64xf32, #tpu.memory_space<vmem>> -> memref<128x64xf32, #tpu.memory_space<vmem>>
    %dma_start3A_52 = arith.constant 0 : i32
    %dma_start3A_53 = tpu.memref_slice %arg7[%dma_start3A_48, %dma_start3A_52] : memref<2x128xi32, #tpu.memory_space<vmem>> -> memref<1x128xi32, #tpu.memory_space<vmem>>
    %dma_start3A_54 = tpu.memref_squeeze %dma_start3A_53 : memref<1x128xi32, #tpu.memory_space<vmem>> -> memref<128xi32, #tpu.memory_space<vmem>>
    %dma_start3A_55 = arith.constant 0 : i32
    %dma_start3A_56 = arith.constant 0 : i32
    %dma_start3A_57 = tpu.memref_slice %arg3[%dma_start3A_55, %dma_start3A_56] : memref<1000000x64xf32, #tpu.memory_space<hbm>> -> memref<1000000x64xf32, #tpu.memory_space<hbm>>
    tpu.enqueue_indirect_dma source(%dma_start3A_57 : memref<1000000x64xf32, #tpu.memory_space<hbm>>) target(%dma_start3A_51 : memref<128x64xf32, #tpu.memory_space<vmem>>) offsets(%dma_start3A_54 : memref<128xi32, #tpu.memory_space<vmem>>) semaphore(%arg15 : memref<!tpu.dma_semaphore, #tpu.memory_space<semaphore_mem>>)
    %dma_start3A_58 = arith.constant 1 : i32
    %dma_start3A_59 = arith.constant 128 : i32
    %dma_start3A_60 = arith.constant 0 : i32
    %dma_start3A_61 = tpu.memref_slice %arg11[%dma_start3A_59, %dma_start3A_60] : memref<256x64xf32, #tpu.memory_space<vmem>> -> memref<128x64xf32, #tpu.memory_space<vmem>>
    %dma_start3A_62 = arith.constant 0 : i32
    %dma_start3A_63 = tpu.memref_slice %arg7[%dma_start3A_58, %dma_start3A_62] : memref<2x128xi32, #tpu.memory_space<vmem>> -> memref<1x128xi32, #tpu.memory_space<vmem>>
    %dma_start3A_64 = tpu.memref_squeeze %dma_start3A_63 : memref<1x128xi32, #tpu.memory_space<vmem>> -> memref<128xi32, #tpu.memory_space<vmem>>
    %dma_start3A_65 = arith.constant 0 : i32
    %dma_start3A_66 = arith.constant 0 : i32
    %dma_start3A_67 = tpu.memref_slice %arg3[%dma_start3A_65, %dma_start3A_66] : memref<1000000x64xf32, #tpu.memory_space<hbm>> -> memref<1000000x64xf32, #tpu.memory_space<hbm>>
    tpu.enqueue_indirect_dma source(%dma_start3A_67 : memref<1000000x64xf32, #tpu.memory_space<hbm>>) target(%dma_start3A_61 : memref<128x64xf32, #tpu.memory_space<vmem>>) offsets(%dma_start3A_64 : memref<128xi32, #tpu.memory_space<vmem>>) semaphore(%arg15 : memref<!tpu.dma_semaphore, #tpu.memory_space<semaphore_mem>>)
    %add3A_68 = arith.constant 6 : i32
    %add3A_69 = arith.addi %mul3A_2, %add3A_68 : i32
    %dma_start3A_70 = arith.constant 0 : i32
    %dma_start3A_71 = tpu.memref_slice %arg2[%add3A_69, %dma_start3A_70] : memref<6400x128xi32, #tpu.memory_space<hbm>> -> memref<2x128xi32, #tpu.memory_space<hbm>>
    %dma_start3A_72 = arith.constant 0 : i32
    %dma_start3A_73 = tpu.memref_slice %arg2[%add3A_69, %dma_start3A_72] : memref<6400x128xi32, #tpu.memory_space<hbm>> -> memref<2x128xi32, #tpu.memory_space<hbm>>
    tpu.enqueue_dma source(%dma_start3A_73 : memref<2x128xi32, #tpu.memory_space<hbm>>) target(%arg8 : memref<2x128xi32, #tpu.memory_space<vmem>>) target_semaphore(%arg24 : memref<!tpu.dma_semaphore, #tpu.memory_space<semaphore_mem>>)
    %dma_wait3A = arith.constant 0 : i32
    %dma_wait3A_74 = arith.constant 0 : i32
    %dma_wait3A_75 = tpu.memref_slice %arg9[%dma_wait3A, %dma_wait3A_74] : memref<256x64xf32, #tpu.memory_space<vmem>> -> memref<128x64xf32, #tpu.memory_space<vmem>>
    %dma_wait3A_76 = arith.constant 0 : i32
    %dma_wait3A_77 = arith.constant 0 : i32
    %dma_wait3A_78 = tpu.memref_slice %arg3[%dma_wait3A_76, %dma_wait3A_77] : memref<1000000x64xf32, #tpu.memory_space<hbm>> -> memref<128x64xf32, #tpu.memory_space<hbm>>
    %dma_wait3A_79 = arith.constant 0 : i32
    %dma_wait3A_80 = arith.constant 0 : i32
    %dma_wait3A_81 = tpu.memref_slice %arg9[%dma_wait3A_79, %dma_wait3A_80] : memref<256x64xf32, #tpu.memory_space<vmem>> -> memref<128x64xf32, #tpu.memory_space<vmem>>
    %dma_wait3A_82 = arith.constant 0 : i32
    %dma_wait3A_83 = arith.constant 0 : i32
    %dma_wait3A_84 = tpu.memref_slice %arg3[%dma_wait3A_82, %dma_wait3A_83] : memref<1000000x64xf32, #tpu.memory_space<hbm>> -> memref<128x64xf32, #tpu.memory_space<hbm>>
    tpu.wait_dma2 semaphore(%arg13 : memref<!tpu.dma_semaphore, #tpu.memory_space<semaphore_mem>>) src(%dma_wait3A_84 : memref<128x64xf32, #tpu.memory_space<hbm>>) dst(%dma_wait3A_81 : memref<128x64xf32, #tpu.memory_space<vmem>>)
    %dma_wait3A_85 = arith.constant 128 : i32
    %dma_wait3A_86 = arith.constant 0 : i32
    %dma_wait3A_87 = tpu.memref_slice %arg9[%dma_wait3A_85, %dma_wait3A_86] : memref<256x64xf32, #tpu.memory_space<vmem>> -> memref<128x64xf32, #tpu.memory_space<vmem>>
    %dma_wait3A_88 = arith.constant 0 : i32
    %dma_wait3A_89 = arith.constant 0 : i32
    %dma_wait3A_90 = tpu.memref_slice %arg3[%dma_wait3A_88, %dma_wait3A_89] : memref<1000000x64xf32, #tpu.memory_space<hbm>> -> memref<128x64xf32, #tpu.memory_space<hbm>>
    %dma_wait3A_91 = arith.constant 128 : i32
    %dma_wait3A_92 = arith.constant 0 : i32
    %dma_wait3A_93 = tpu.memref_slice %arg9[%dma_wait3A_91, %dma_wait3A_92] : memref<256x64xf32, #tpu.memory_space<vmem>> -> memref<128x64xf32, #tpu.memory_space<vmem>>
    %dma_wait3A_94 = arith.constant 0 : i32
    %dma_wait3A_95 = arith.constant 0 : i32
    %dma_wait3A_96 = tpu.memref_slice %arg3[%dma_wait3A_94, %dma_wait3A_95] : memref<1000000x64xf32, #tpu.memory_space<hbm>> -> memref<128x64xf32, #tpu.memory_space<hbm>>
    tpu.wait_dma2 semaphore(%arg13 : memref<!tpu.dma_semaphore, #tpu.memory_space<semaphore_mem>>) src(%dma_wait3A_96 : memref<128x64xf32, #tpu.memory_space<hbm>>) dst(%dma_wait3A_93 : memref<128x64xf32, #tpu.memory_space<vmem>>)
    %add3A_97 = arith.constant 8 : i32
    %add3A_98 = arith.addi %mul3A_2, %add3A_97 : i32
    %dma_start3A_99 = arith.constant 0 : i32
    %dma_start3A_100 = tpu.memref_slice %arg2[%add3A_98, %dma_start3A_99] : memref<6400x128xi32, #tpu.memory_space<hbm>> -> memref<2x128xi32, #tpu.memory_space<hbm>>
    %dma_start3A_101 = arith.constant 0 : i32
    %dma_start3A_102 = tpu.memref_slice %arg2[%add3A_98, %dma_start3A_101] : memref<6400x128xi32, #tpu.memory_space<hbm>> -> memref<2x128xi32, #tpu.memory_space<hbm>>
    tpu.enqueue_dma source(%dma_start3A_102 : memref<2x128xi32, #tpu.memory_space<hbm>>) target(%arg5 : memref<2x128xi32, #tpu.memory_space<vmem>>) target_semaphore(%arg21 : memref<!tpu.dma_semaphore, #tpu.memory_space<semaphore_mem>>)
    %parallel_loop3A = arith.constant 0 : i32
    %parallel_loop3A_103 = arith.constant 256 : i32
    %parallel_loop3A_104 = arith.constant 1 : i32
    scf.for %parallel_loop3A_558 = %parallel_loop3A to %parallel_loop3A_103 step %parallel_loop3A_104  : i32 {
      %parallel_loop3A_559 = arith.index_cast %parallel_loop3A_558 : i32 to index
      %parallel_loop3A_560 = arith.constant 0 : index
      %parallel_loop3A_561 = tpu.vector_load %arg9[%parallel_loop3A_559, %parallel_loop3A_560] {strides = array<i32>} : memref<256x64xf32, #tpu.memory_space<vmem>>, vector<1x16xf32>,
      %parallel_loop3A_562 = vector.shape_cast %parallel_loop3A_561 : vector<1x16xf32> to vector<16xf32>
      %parallel_loop3A_563 = arith.constant 8.000000e+00 : f32
      %parallel_loop3A_564 = vector.broadcast %parallel_loop3A_563 : f32 to vector<16xf32>
      %parallel_loop3A_565 = arith.mulf %parallel_loop3A_562, %parallel_loop3A_564 : vector<16xf32>
      %parallel_loop3A_566 = arith.index_cast %parallel_loop3A_558 : i32 to index
      %parallel_loop3A_567 = arith.constant 0 : index
      %parallel_loop3A_568 = tpu.vector_load %arg9[%parallel_loop3A_566, %parallel_loop3A_567] {strides = array<i32>} : memref<256x64xf32, #tpu.memory_space<vmem>>, vector<1x16xf32>,
      %parallel_loop3A_569 = vector.shape_cast %parallel_loop3A_568 : vector<1x16xf32> to vector<16xf32>
      %parallel_loop3A_570 = vector.shape_cast %parallel_loop3A_565 : vector<16xf32> to vector<1x16xf32>
      tpu.vector_store %arg9[%parallel_loop3A_566, %parallel_loop3A_567], %parallel_loop3A_570 {strides = array<i32>} : memref<256x64xf32, #tpu.memory_space<vmem>>, vector<1x16xf32>,
      %parallel_loop3A_571 = arith.index_cast %parallel_loop3A_558 : i32 to index
      %parallel_loop3A_572 = arith.constant 16 : index
      %parallel_loop3A_573 = tpu.vector_load %arg9[%parallel_loop3A_571, %parallel_loop3A_572] {strides = array<i32>} : memref<256x64xf32, #tpu.memory_space<vmem>>, vector<1x16xf32>,
      %parallel_loop3A_574 = vector.shape_cast %parallel_loop3A_573 : vector<1x16xf32> to vector<16xf32>
      %parallel_loop3A_575 = arith.constant 8.000000e+00 : f32
      %parallel_loop3A_576 = vector.broadcast %parallel_loop3A_575 : f32 to vector<16xf32>
      %parallel_loop3A_577 = arith.mulf %parallel_loop3A_574, %parallel_loop3A_576 : vector<16xf32>
      %parallel_loop3A_578 = arith.index_cast %parallel_loop3A_558 : i32 to index
      %parallel_loop3A_579 = arith.constant 16 : index
      %parallel_loop3A_580 = tpu.vector_load %arg9[%parallel_loop3A_578, %parallel_loop3A_579] {strides = array<i32>} : memref<256x64xf32, #tpu.memory_space<vmem>>, vector<1x16xf32>,
      %parallel_loop3A_581 = vector.shape_cast %parallel_loop3A_580 : vector<1x16xf32> to vector<16xf32>
      %parallel_loop3A_582 = vector.shape_cast %parallel_loop3A_577 : vector<16xf32> to vector<1x16xf32>
      tpu.vector_store %arg9[%parallel_loop3A_578, %parallel_loop3A_579], %parallel_loop3A_582 {strides = array<i32>} : memref<256x64xf32, #tpu.memory_space<vmem>>, vector<1x16xf32>,
      %parallel_loop3A_583 = arith.index_cast %parallel_loop3A_558 : i32 to index
      %parallel_loop3A_584 = arith.constant 32 : index
      %parallel_loop3A_585 = tpu.vector_load %arg9[%parallel_loop3A_583, %parallel_loop3A_584] {strides = array<i32>} : memref<256x64xf32, #tpu.memory_space<vmem>>, vector<1x16xf32>,
      %parallel_loop3A_586 = vector.shape_cast %parallel_loop3A_585 : vector<1x16xf32> to vector<16xf32>
      %parallel_loop3A_587 = arith.constant 8.000000e+00 : f32
      %parallel_loop3A_588 = vector.broadcast %parallel_loop3A_587 : f32 to vector<16xf32>
      %parallel_loop3A_589 = arith.mulf %parallel_loop3A_586, %parallel_loop3A_588 : vector<16xf32>
      %parallel_loop3A_590 = arith.index_cast %parallel_loop3A_558 : i32 to index
      %parallel_loop3A_591 = arith.constant 32 : index
      %parallel_loop3A_592 = tpu.vector_load %arg9[%parallel_loop3A_590, %parallel_loop3A_591] {strides = array<i32>} : memref<256x64xf32, #tpu.memory_space<vmem>>, vector<1x16xf32>,
      %parallel_loop3A_593 = vector.shape_cast %parallel_loop3A_592 : vector<1x16xf32> to vector<16xf32>
      %parallel_loop3A_594 = vector.shape_cast %parallel_loop3A_589 : vector<16xf32> to vector<1x16xf32>
      tpu.vector_store %arg9[%parallel_loop3A_590, %parallel_loop3A_591], %parallel_loop3A_594 {strides = array<i32>} : memref<256x64xf32, #tpu.memory_space<vmem>>, vector<1x16xf32>,
      %parallel_loop3A_595 = arith.index_cast %parallel_loop3A_558 : i32 to index
      %parallel_loop3A_596 = arith.constant 48 : index
      %parallel_loop3A_597 = tpu.vector_load %arg9[%parallel_loop3A_595, %parallel_loop3A_596] {strides = array<i32>} : memref<256x64xf32, #tpu.memory_space<vmem>>, vector<1x16xf32>,
      %parallel_loop3A_598 = vector.shape_cast %parallel_loop3A_597 : vector<1x16xf32> to vector<16xf32>
      %parallel_loop3A_599 = arith.constant 8.000000e+00 : f32
      %parallel_loop3A_600 = vector.broadcast %parallel_loop3A_599 : f32 to vector<16xf32>
      %parallel_loop3A_601 = arith.mulf %parallel_loop3A_598, %parallel_loop3A_600 : vector<16xf32>
      %parallel_loop3A_602 = arith.index_cast %parallel_loop3A_558 : i32 to index
      %parallel_loop3A_603 = arith.constant 48 : index
      %parallel_loop3A_604 = tpu.vector_load %arg9[%parallel_loop3A_602, %parallel_loop3A_603] {strides = array<i32>} : memref<256x64xf32, #tpu.memory_space<vmem>>, vector<1x16xf32>,
      %parallel_loop3A_605 = vector.shape_cast %parallel_loop3A_604 : vector<1x16xf32> to vector<16xf32>
      %parallel_loop3A_606 = vector.shape_cast %parallel_loop3A_601 : vector<16xf32> to vector<1x16xf32>
      tpu.vector_store %arg9[%parallel_loop3A_602, %parallel_loop3A_603], %parallel_loop3A_606 {strides = array<i32>} : memref<256x64xf32, #tpu.memory_space<vmem>>, vector<1x16xf32>,
    } {sc.loop_unroll_factor = 8 : i64, sc.parallel_access}
    %add3A_105 = arith.constant 0 : i32
    %add3A_106 = arith.addi %mul3A_2, %add3A_105 : i32
    %mul3A_107 = arith.constant 128 : i32
    %mul3A_108 = arith.muli %add3A_106, %mul3A_107 : i32
    %dma_start3A_109 = arith.constant 0 : i32
    %dma_start3A_110 = tpu.memref_slice %arg4[%mul3A_108, %dma_start3A_109] : memref<819200x64xf32, #tpu.memory_space<hbm>> -> memref<256x64xf32, #tpu.memory_space<hbm>>
    %dma_start3A_111 = arith.constant 0 : i32
    %dma_start3A_112 = tpu.memref_slice %arg4[%mul3A_108, %dma_start3A_111] : memref<819200x64xf32, #tpu.memory_space<hbm>> -> memref<256x64xf32, #tpu.memory_space<hbm>>
    tpu.enqueue_dma source(%arg9 : memref<256x64xf32, #tpu.memory_space<vmem>>) target(%dma_start3A_112 : memref<256x64xf32, #tpu.memory_space<hbm>>) target_semaphore(%arg17 : memref<!tpu.dma_semaphore, #tpu.memory_space<semaphore_mem>>)
    %dma_wait3A_113 = arith.constant 0 : i32
    %dma_wait3A_114 = arith.constant 0 : i32
    %dma_wait3A_115 = tpu.memref_slice %arg2[%dma_wait3A_113, %dma_wait3A_114] : memref<6400x128xi32, #tpu.memory_space<hbm>> -> memref<2x128xi32, #tpu.memory_space<hbm>>
    %dma_wait3A_116 = arith.constant 0 : i32
    %dma_wait3A_117 = arith.constant 0 : i32
    %dma_wait3A_118 = tpu.memref_slice %arg2[%dma_wait3A_116, %dma_wait3A_117] : memref<6400x128xi32, #tpu.memory_space<hbm>> -> memref<2x128xi32, #tpu.memory_space<hbm>>
    tpu.wait_dma2 semaphore(%arg24 : memref<!tpu.dma_semaphore, #tpu.memory_space<semaphore_mem>>) src(%dma_wait3A_118 : memref<2x128xi32, #tpu.memory_space<hbm>>) dst(%arg8 : memref<2x128xi32, #tpu.memory_space<vmem>>)
    %dma_start3A_119 = arith.constant 0 : i32
    %dma_start3A_120 = arith.constant 0 : i32
    %dma_start3A_121 = arith.constant 0 : i32
    %dma_start3A_122 = tpu.memref_slice %arg12[%dma_start3A_120, %dma_start3A_121] : memref<256x64xf32, #tpu.memory_space<vmem>> -> memref<128x64xf32, #tpu.memory_space<vmem>>
    %dma_start3A_123 = arith.constant 0 : i32
    %dma_start3A_124 = tpu.memref_slice %arg8[%dma_start3A_119, %dma_start3A_123] : memref<2x128xi32, #tpu.memory_space<vmem>> -> memref<1x128xi32, #tpu.memory_space<vmem>>
    %dma_start3A_125 = tpu.memref_squeeze %dma_start3A_124 : memref<1x128xi32, #tpu.memory_space<vmem>> -> memref<128xi32, #tpu.memory_space<vmem>>
    %dma_start3A_126 = arith.constant 0 : i32
    %dma_start3A_127 = arith.constant 0 : i32
    %dma_start3A_128 = tpu.memref_slice %arg3[%dma_start3A_126, %dma_start3A_127] : memref<1000000x64xf32, #tpu.memory_space<hbm>> -> memref<1000000x64xf32, #tpu.memory_space<hbm>>
    tpu.enqueue_indirect_dma source(%dma_start3A_128 : memref<1000000x64xf32, #tpu.memory_space<hbm>>) target(%dma_start3A_122 : memref<128x64xf32, #tpu.memory_space<vmem>>) offsets(%dma_start3A_125 : memref<128xi32, #tpu.memory_space<vmem>>) semaphore(%arg16 : memref<!tpu.dma_semaphore, #tpu.memory_space<semaphore_mem>>)
    %dma_start3A_129 = arith.constant 1 : i32
    %dma_start3A_130 = arith.constant 128 : i32
    %dma_start3A_131 = arith.constant 0 : i32
    %dma_start3A_132 = tpu.memref_slice %arg12[%dma_start3A_130, %dma_start3A_131] : memref<256x64xf32, #tpu.memory_space<vmem>> -> memref<128x64xf32, #tpu.memory_space<vmem>>
    %dma_start3A_133 = arith.constant 0 : i32
    %dma_start3A_134 = tpu.memref_slice %arg8[%dma_start3A_129, %dma_start3A_133] : memref<2x128xi32, #tpu.memory_space<vmem>> -> memref<1x128xi32, #tpu.memory_space<vmem>>
    %dma_start3A_135 = tpu.memref_squeeze %dma_start3A_134 : memref<1x128xi32, #tpu.memory_space<vmem>> -> memref<128xi32, #tpu.memory_space<vmem>>
    %dma_start3A_136 = arith.constant 0 : i32
    %dma_start3A_137 = arith.constant 0 : i32
    %dma_start3A_138 = tpu.memref_slice %arg3[%dma_start3A_136, %dma_start3A_137] : memref<1000000x64xf32, #tpu.memory_space<hbm>> -> memref<1000000x64xf32, #tpu.memory_space<hbm>>
    tpu.enqueue_indirect_dma source(%dma_start3A_138 : memref<1000000x64xf32, #tpu.memory_space<hbm>>) target(%dma_start3A_132 : memref<128x64xf32, #tpu.memory_space<vmem>>) offsets(%dma_start3A_135 : memref<128xi32, #tpu.memory_space<vmem>>) semaphore(%arg16 : memref<!tpu.dma_semaphore, #tpu.memory_space<semaphore_mem>>)
    %dma_wait3A_139 = arith.constant 0 : i32
    %dma_wait3A_140 = arith.constant 0 : i32
    %dma_wait3A_141 = tpu.memref_slice %arg10[%dma_wait3A_139, %dma_wait3A_140] : memref<256x64xf32, #tpu.memory_space<vmem>> -> memref<128x64xf32, #tpu.memory_space<vmem>>
    %dma_wait3A_142 = arith.constant 0 : i32
    %dma_wait3A_143 = arith.constant 0 : i32
    %dma_wait3A_144 = tpu.memref_slice %arg3[%dma_wait3A_142, %dma_wait3A_143] : memref<1000000x64xf32, #tpu.memory_space<hbm>> -> memref<128x64xf32, #tpu.memory_space<hbm>>
    %dma_wait3A_145 = arith.constant 0 : i32
    %dma_wait3A_146 = arith.constant 0 : i32
    %dma_wait3A_147 = tpu.memref_slice %arg10[%dma_wait3A_145, %dma_wait3A_146] : memref<256x64xf32, #tpu.memory_space<vmem>> -> memref<128x64xf32, #tpu.memory_space<vmem>>
    %dma_wait3A_148 = arith.constant 0 : i32
    %dma_wait3A_149 = arith.constant 0 : i32
    %dma_wait3A_150 = tpu.memref_slice %arg3[%dma_wait3A_148, %dma_wait3A_149] : memref<1000000x64xf32, #tpu.memory_space<hbm>> -> memref<128x64xf32, #tpu.memory_space<hbm>>
    tpu.wait_dma2 semaphore(%arg14 : memref<!tpu.dma_semaphore, #tpu.memory_space<semaphore_mem>>) src(%dma_wait3A_150 : memref<128x64xf32, #tpu.memory_space<hbm>>) dst(%dma_wait3A_147 : memref<128x64xf32, #tpu.memory_space<vmem>>)
    %dma_wait3A_151 = arith.constant 128 : i32
    %dma_wait3A_152 = arith.constant 0 : i32
    %dma_wait3A_153 = tpu.memref_slice %arg10[%dma_wait3A_151, %dma_wait3A_152] : memref<256x64xf32, #tpu.memory_space<vmem>> -> memref<128x64xf32, #tpu.memory_space<vmem>>
    %dma_wait3A_154 = arith.constant 0 : i32
    %dma_wait3A_155 = arith.constant 0 : i32
    %dma_wait3A_156 = tpu.memref_slice %arg3[%dma_wait3A_154, %dma_wait3A_155] : memref<1000000x64xf32, #tpu.memory_space<hbm>> -> memref<128x64xf32, #tpu.memory_space<hbm>>
    %dma_wait3A_157 = arith.constant 128 : i32
    %dma_wait3A_158 = arith.constant 0 : i32
    %dma_wait3A_159 = tpu.memref_slice %arg10[%dma_wait3A_157, %dma_wait3A_158] : memref<256x64xf32, #tpu.memory_space<vmem>> -> memref<128x64xf32, #tpu.memory_space<vmem>>
    %dma_wait3A_160 = arith.constant 0 : i32
    %dma_wait3A_161 = arith.constant 0 : i32
    %dma_wait3A_162 = tpu.memref_slice %arg3[%dma_wait3A_160, %dma_wait3A_161] : memref<1000000x64xf32, #tpu.memory_space<hbm>> -> memref<128x64xf32, #tpu.memory_space<hbm>>
    tpu.wait_dma2 semaphore(%arg14 : memref<!tpu.dma_semaphore, #tpu.memory_space<semaphore_mem>>) src(%dma_wait3A_162 : memref<128x64xf32, #tpu.memory_space<hbm>>) dst(%dma_wait3A_159 : memref<128x64xf32, #tpu.memory_space<vmem>>)
    %add3A_163 = arith.constant 10 : i32
    %add3A_164 = arith.addi %mul3A_2, %add3A_163 : i32
    %dma_start3A_165 = arith.constant 0 : i32
    %dma_start3A_166 = tpu.memref_slice %arg2[%add3A_164, %dma_start3A_165] : memref<6400x128xi32, #tpu.memory_space<hbm>> -> memref<2x128xi32, #tpu.memory_space<hbm>>
    %dma_start3A_167 = arith.constant 0 : i32
    %dma_start3A_168 = tpu.memref_slice %arg2[%add3A_164, %dma_start3A_167] : memref<6400x128xi32, #tpu.memory_space<hbm>> -> memref<2x128xi32, #tpu.memory_space<hbm>>
    tpu.enqueue_dma source(%dma_start3A_168 : memref<2x128xi32, #tpu.memory_space<hbm>>) target(%arg6 : memref<2x128xi32, #tpu.memory_space<vmem>>) target_semaphore(%arg22 : memref<!tpu.dma_semaphore, #tpu.memory_space<semaphore_mem>>)
    %parallel_loop3A_169 = arith.constant 0 : i32
    %parallel_loop3A_170 = arith.constant 256 : i32
    %parallel_loop3A_171 = arith.constant 1 : i32
    scf.for %parallel_loop3A_558 = %parallel_loop3A_169 to %parallel_loop3A_170 step %parallel_loop3A_171  : i32 {
      %parallel_loop3A_559 = arith.index_cast %parallel_loop3A_558 : i32 to index
      %parallel_loop3A_560 = arith.constant 0 : index
      %parallel_loop3A_561 = tpu.vector_load %arg10[%parallel_loop3A_559, %parallel_loop3A_560] {strides = array<i32>} : memref<256x64xf32, #tpu.memory_space<vmem>>, vector<1x16xf32>,
      %parallel_loop3A_562 = vector.shape_cast %parallel_loop3A_561 : vector<1x16xf32> to vector<16xf32>
      %parallel_loop3A_563 = arith.constant 8.000000e+00 : f32
      %parallel_loop3A_564 = vector.broadcast %parallel_loop3A_563 : f32 to vector<16xf32>
      %parallel_loop3A_565 = arith.mulf %parallel_loop3A_562, %parallel_loop3A_564 : vector<16xf32>
      %parallel_loop3A_566 = arith.index_cast %parallel_loop3A_558 : i32 to index
      %parallel_loop3A_567 = arith.constant 0 : index
      %parallel_loop3A_568 = tpu.vector_load %arg10[%parallel_loop3A_566, %parallel_loop3A_567] {strides = array<i32>} : memref<256x64xf32, #tpu.memory_space<vmem>>, vector<1x16xf32>,
      %parallel_loop3A_569 = vector.shape_cast %parallel_loop3A_568 : vector<1x16xf32> to vector<16xf32>
      %parallel_loop3A_570 = vector.shape_cast %parallel_loop3A_565 : vector<16xf32> to vector<1x16xf32>
      tpu.vector_store %arg10[%parallel_loop3A_566, %parallel_loop3A_567], %parallel_loop3A_570 {strides = array<i32>} : memref<256x64xf32, #tpu.memory_space<vmem>>, vector<1x16xf32>,
      %parallel_loop3A_571 = arith.index_cast %parallel_loop3A_558 : i32 to index
      %parallel_loop3A_572 = arith.constant 16 : index
      %parallel_loop3A_573 = tpu.vector_load %arg10[%parallel_loop3A_571, %parallel_loop3A_572] {strides = array<i32>} : memref<256x64xf32, #tpu.memory_space<vmem>>, vector<1x16xf32>,
      %parallel_loop3A_574 = vector.shape_cast %parallel_loop3A_573 : vector<1x16xf32> to vector<16xf32>
      %parallel_loop3A_575 = arith.constant 8.000000e+00 : f32
      %parallel_loop3A_576 = vector.broadcast %parallel_loop3A_575 : f32 to vector<16xf32>
      %parallel_loop3A_577 = arith.mulf %parallel_loop3A_574, %parallel_loop3A_576 : vector<16xf32>
      %parallel_loop3A_578 = arith.index_cast %parallel_loop3A_558 : i32 to index
      %parallel_loop3A_579 = arith.constant 16 : index
      %parallel_loop3A_580 = tpu.vector_load %arg10[%parallel_loop3A_578, %parallel_loop3A_579] {strides = array<i32>} : memref<256x64xf32, #tpu.memory_space<vmem>>, vector<1x16xf32>,
      %parallel_loop3A_581 = vector.shape_cast %parallel_loop3A_580 : vector<1x16xf32> to vector<16xf32>
      %parallel_loop3A_582 = vector.shape_cast %parallel_loop3A_577 : vector<16xf32> to vector<1x16xf32>
      tpu.vector_store %arg10[%parallel_loop3A_578, %parallel_loop3A_579], %parallel_loop3A_582 {strides = array<i32>} : memref<256x64xf32, #tpu.memory_space<vmem>>, vector<1x16xf32>,
      %parallel_loop3A_583 = arith.index_cast %parallel_loop3A_558 : i32 to index
      %parallel_loop3A_584 = arith.constant 32 : index
      %parallel_loop3A_585 = tpu.vector_load %arg10[%parallel_loop3A_583, %parallel_loop3A_584] {strides = array<i32>} : memref<256x64xf32, #tpu.memory_space<vmem>>, vector<1x16xf32>,
      %parallel_loop3A_586 = vector.shape_cast %parallel_loop3A_585 : vector<1x16xf32> to vector<16xf32>
      %parallel_loop3A_587 = arith.constant 8.000000e+00 : f32
      %parallel_loop3A_588 = vector.broadcast %parallel_loop3A_587 : f32 to vector<16xf32>
      %parallel_loop3A_589 = arith.mulf %parallel_loop3A_586, %parallel_loop3A_588 : vector<16xf32>
      %parallel_loop3A_590 = arith.index_cast %parallel_loop3A_558 : i32 to index
      %parallel_loop3A_591 = arith.constant 32 : index
      %parallel_loop3A_592 = tpu.vector_load %arg10[%parallel_loop3A_590, %parallel_loop3A_591] {strides = array<i32>} : memref<256x64xf32, #tpu.memory_space<vmem>>, vector<1x16xf32>,
      %parallel_loop3A_593 = vector.shape_cast %parallel_loop3A_592 : vector<1x16xf32> to vector<16xf32>
      %parallel_loop3A_594 = vector.shape_cast %parallel_loop3A_589 : vector<16xf32> to vector<1x16xf32>
      tpu.vector_store %arg10[%parallel_loop3A_590, %parallel_loop3A_591], %parallel_loop3A_594 {strides = array<i32>} : memref<256x64xf32, #tpu.memory_space<vmem>>, vector<1x16xf32>,
      %parallel_loop3A_595 = arith.index_cast %parallel_loop3A_558 : i32 to index
      %parallel_loop3A_596 = arith.constant 48 : index
      %parallel_loop3A_597 = tpu.vector_load %arg10[%parallel_loop3A_595, %parallel_loop3A_596] {strides = array<i32>} : memref<256x64xf32, #tpu.memory_space<vmem>>, vector<1x16xf32>,
      %parallel_loop3A_598 = vector.shape_cast %parallel_loop3A_597 : vector<1x16xf32> to vector<16xf32>
      %parallel_loop3A_599 = arith.constant 8.000000e+00 : f32
      %parallel_loop3A_600 = vector.broadcast %parallel_loop3A_599 : f32 to vector<16xf32>
      %parallel_loop3A_601 = arith.mulf %parallel_loop3A_598, %parallel_loop3A_600 : vector<16xf32>
      %parallel_loop3A_602 = arith.index_cast %parallel_loop3A_558 : i32 to index
      %parallel_loop3A_603 = arith.constant 48 : index
      %parallel_loop3A_604 = tpu.vector_load %arg10[%parallel_loop3A_602, %parallel_loop3A_603] {strides = array<i32>} : memref<256x64xf32, #tpu.memory_space<vmem>>, vector<1x16xf32>,
      %parallel_loop3A_605 = vector.shape_cast %parallel_loop3A_604 : vector<1x16xf32> to vector<16xf32>
      %parallel_loop3A_606 = vector.shape_cast %parallel_loop3A_601 : vector<16xf32> to vector<1x16xf32>
      tpu.vector_store %arg10[%parallel_loop3A_602, %parallel_loop3A_603], %parallel_loop3A_606 {strides = array<i32>} : memref<256x64xf32, #tpu.memory_space<vmem>>, vector<1x16xf32>,
    } {sc.loop_unroll_factor = 8 : i64, sc.parallel_access}
    %add3A_172 = arith.constant 2 : i32
    %add3A_173 = arith.addi %mul3A_2, %add3A_172 : i32
    %mul3A_174 = arith.constant 128 : i32
    %mul3A_175 = arith.muli %add3A_173, %mul3A_174 : i32
    %dma_start3A_176 = arith.constant 0 : i32
    %dma_start3A_177 = tpu.memref_slice %arg4[%mul3A_175, %dma_start3A_176] : memref<819200x64xf32, #tpu.memory_space<hbm>> -> memref<256x64xf32, #tpu.memory_space<hbm>>
    %dma_start3A_178 = arith.constant 0 : i32
    %dma_start3A_179 = tpu.memref_slice %arg4[%mul3A_175, %dma_start3A_178] : memref<819200x64xf32, #tpu.memory_space<hbm>> -> memref<256x64xf32, #tpu.memory_space<hbm>>
    tpu.enqueue_dma source(%arg10 : memref<256x64xf32, #tpu.memory_space<vmem>>) target(%dma_start3A_179 : memref<256x64xf32, #tpu.memory_space<hbm>>) target_semaphore(%arg18 : memref<!tpu.dma_semaphore, #tpu.memory_space<semaphore_mem>>)
    %dma_wait3A_180 = arith.constant 0 : i32
    %dma_wait3A_181 = arith.constant 0 : i32
    %dma_wait3A_182 = tpu.memref_slice %arg4[%dma_wait3A_180, %dma_wait3A_181] : memref<819200x64xf32, #tpu.memory_space<hbm>> -> memref<256x64xf32, #tpu.memory_space<hbm>>
    %dma_wait3A_183 = arith.constant 0 : i32
    %dma_wait3A_184 = arith.constant 0 : i32
    %dma_wait3A_185 = tpu.memref_slice %arg4[%dma_wait3A_183, %dma_wait3A_184] : memref<819200x64xf32, #tpu.memory_space<hbm>> -> memref<256x64xf32, #tpu.memory_space<hbm>>
    tpu.wait_dma2 semaphore(%arg17 : memref<!tpu.dma_semaphore, #tpu.memory_space<semaphore_mem>>) src(%arg9 : memref<256x64xf32, #tpu.memory_space<vmem>>) dst(%dma_wait3A_185 : memref<256x64xf32, #tpu.memory_space<hbm>>)
    %dma_wait3A_186 = arith.constant 0 : i32
    %dma_wait3A_187 = arith.constant 0 : i32
    %dma_wait3A_188 = tpu.memref_slice %arg2[%dma_wait3A_186, %dma_wait3A_187] : memref<6400x128xi32, #tpu.memory_space<hbm>> -> memref<2x128xi32, #tpu.memory_space<hbm>>
    %dma_wait3A_189 = arith.constant 0 : i32
    %dma_wait3A_190 = arith.constant 0 : i32
    %dma_wait3A_191 = tpu.memref_slice %arg2[%dma_wait3A_189, %dma_wait3A_190] : memref<6400x128xi32, #tpu.memory_space<hbm>> -> memref<2x128xi32, #tpu.memory_space<hbm>>
    tpu.wait_dma2 semaphore(%arg21 : memref<!tpu.dma_semaphore, #tpu.memory_space<semaphore_mem>>) src(%dma_wait3A_191 : memref<2x128xi32, #tpu.memory_space<hbm>>) dst(%arg5 : memref<2x128xi32, #tpu.memory_space<vmem>>)
    %dma_start3A_192 = arith.constant 0 : i32
    %dma_start3A_193 = arith.constant 0 : i32
    %dma_start3A_194 = arith.constant 0 : i32
    %dma_start3A_195 = tpu.memref_slice %arg9[%dma_start3A_193, %dma_start3A_194] : memref<256x64xf32, #tpu.memory_space<vmem>> -> memref<128x64xf32, #tpu.memory_space<vmem>>
    %dma_start3A_196 = arith.constant 0 : i32
    %dma_start3A_197 = tpu.memref_slice %arg5[%dma_start3A_192, %dma_start3A_196] : memref<2x128xi32, #tpu.memory_space<vmem>> -> memref<1x128xi32, #tpu.memory_space<vmem>>
    %dma_start3A_198 = tpu.memref_squeeze %dma_start3A_197 : memref<1x128xi32, #tpu.memory_space<vmem>> -> memref<128xi32, #tpu.memory_space<vmem>>
    %dma_start3A_199 = arith.constant 0 : i32
    %dma_start3A_200 = arith.constant 0 : i32
    %dma_start3A_201 = tpu.memref_slice %arg3[%dma_start3A_199, %dma_start3A_200] : memref<1000000x64xf32, #tpu.memory_space<hbm>> -> memref<1000000x64xf32, #tpu.memory_space<hbm>>
    tpu.enqueue_indirect_dma source(%dma_start3A_201 : memref<1000000x64xf32, #tpu.memory_space<hbm>>) target(%dma_start3A_195 : memref<128x64xf32, #tpu.memory_space<vmem>>) offsets(%dma_start3A_198 : memref<128xi32, #tpu.memory_space<vmem>>) semaphore(%arg13 : memref<!tpu.dma_semaphore, #tpu.memory_space<semaphore_mem>>)
    %dma_start3A_202 = arith.constant 1 : i32
    %dma_start3A_203 = arith.constant 128 : i32
    %dma_start3A_204 = arith.constant 0 : i32
    %dma_start3A_205 = tpu.memref_slice %arg9[%dma_start3A_203, %dma_start3A_204] : memref<256x64xf32, #tpu.memory_space<vmem>> -> memref<128x64xf32, #tpu.memory_space<vmem>>
    %dma_start3A_206 = arith.constant 0 : i32
    %dma_start3A_207 = tpu.memref_slice %arg5[%dma_start3A_202, %dma_start3A_206] : memref<2x128xi32, #tpu.memory_space<vmem>> -> memref<1x128xi32, #tpu.memory_space<vmem>>
    %dma_start3A_208 = tpu.memref_squeeze %dma_start3A_207 : memref<1x128xi32, #tpu.memory_space<vmem>> -> memref<128xi32, #tpu.memory_space<vmem>>
    %dma_start3A_209 = arith.constant 0 : i32
    %dma_start3A_210 = arith.constant 0 : i32
    %dma_start3A_211 = tpu.memref_slice %arg3[%dma_start3A_209, %dma_start3A_210] : memref<1000000x64xf32, #tpu.memory_space<hbm>> -> memref<1000000x64xf32, #tpu.memory_space<hbm>>
    tpu.enqueue_indirect_dma source(%dma_start3A_211 : memref<1000000x64xf32, #tpu.memory_space<hbm>>) target(%dma_start3A_205 : memref<128x64xf32, #tpu.memory_space<vmem>>) offsets(%dma_start3A_208 : memref<128xi32, #tpu.memory_space<vmem>>) semaphore(%arg13 : memref<!tpu.dma_semaphore, #tpu.memory_space<semaphore_mem>>)
    %dma_wait3A_212 = arith.constant 0 : i32
    %dma_wait3A_213 = arith.constant 0 : i32
    %dma_wait3A_214 = tpu.memref_slice %arg11[%dma_wait3A_212, %dma_wait3A_213] : memref<256x64xf32, #tpu.memory_space<vmem>> -> memref<128x64xf32, #tpu.memory_space<vmem>>
    %dma_wait3A_215 = arith.constant 0 : i32
    %dma_wait3A_216 = arith.constant 0 : i32
    %dma_wait3A_217 = tpu.memref_slice %arg3[%dma_wait3A_215, %dma_wait3A_216] : memref<1000000x64xf32, #tpu.memory_space<hbm>> -> memref<128x64xf32, #tpu.memory_space<hbm>>
    %dma_wait3A_218 = arith.constant 0 : i32
    %dma_wait3A_219 = arith.constant 0 : i32
    %dma_wait3A_220 = tpu.memref_slice %arg11[%dma_wait3A_218, %dma_wait3A_219] : memref<256x64xf32, #tpu.memory_space<vmem>> -> memref<128x64xf32, #tpu.memory_space<vmem>>
    %dma_wait3A_221 = arith.constant 0 : i32
    %dma_wait3A_222 = arith.constant 0 : i32
    %dma_wait3A_223 = tpu.memref_slice %arg3[%dma_wait3A_221, %dma_wait3A_222] : memref<1000000x64xf32, #tpu.memory_space<hbm>> -> memref<128x64xf32, #tpu.memory_space<hbm>>
    tpu.wait_dma2 semaphore(%arg15 : memref<!tpu.dma_semaphore, #tpu.memory_space<semaphore_mem>>) src(%dma_wait3A_223 : memref<128x64xf32, #tpu.memory_space<hbm>>) dst(%dma_wait3A_220 : memref<128x64xf32, #tpu.memory_space<vmem>>)
    %dma_wait3A_224 = arith.constant 128 : i32
    %dma_wait3A_225 = arith.constant 0 : i32
    %dma_wait3A_226 = tpu.memref_slice %arg11[%dma_wait3A_224, %dma_wait3A_225] : memref<256x64xf32, #tpu.memory_space<vmem>> -> memref<128x64xf32, #tpu.memory_space<vmem>>
    %dma_wait3A_227 = arith.constant 0 : i32
    %dma_wait3A_228 = arith.constant 0 : i32
    %dma_wait3A_229 = tpu.memref_slice %arg3[%dma_wait3A_227, %dma_wait3A_228] : memref<1000000x64xf32, #tpu.memory_space<hbm>> -> memref<128x64xf32, #tpu.memory_space<hbm>>
    %dma_wait3A_230 = arith.constant 128 : i32
    %dma_wait3A_231 = arith.constant 0 : i32
    %dma_wait3A_232 = tpu.memref_slice %arg11[%dma_wait3A_230, %dma_wait3A_231] : memref<256x64xf32, #tpu.memory_space<vmem>> -> memref<128x64xf32, #tpu.memory_space<vmem>>
    %dma_wait3A_233 = arith.constant 0 : i32
    %dma_wait3A_234 = arith.constant 0 : i32
    %dma_wait3A_235 = tpu.memref_slice %arg3[%dma_wait3A_233, %dma_wait3A_234] : memref<1000000x64xf32, #tpu.memory_space<hbm>> -> memref<128x64xf32, #tpu.memory_space<hbm>>
    tpu.wait_dma2 semaphore(%arg15 : memref<!tpu.dma_semaphore, #tpu.memory_space<semaphore_mem>>) src(%dma_wait3A_235 : memref<128x64xf32, #tpu.memory_space<hbm>>) dst(%dma_wait3A_232 : memref<128x64xf32, #tpu.memory_space<vmem>>)
    %add3A_236 = arith.constant 12 : i32
    %add3A_237 = arith.addi %mul3A_2, %add3A_236 : i32
    %dma_start3A_238 = arith.constant 0 : i32
    %dma_start3A_239 = tpu.memref_slice %arg2[%add3A_237, %dma_start3A_238] : memref<6400x128xi32, #tpu.memory_space<hbm>> -> memref<2x128xi32, #tpu.memory_space<hbm>>
    %dma_start3A_240 = arith.constant 0 : i32
    %dma_start3A_241 = tpu.memref_slice %arg2[%add3A_237, %dma_start3A_240] : memref<6400x128xi32, #tpu.memory_space<hbm>> -> memref<2x128xi32, #tpu.memory_space<hbm>>
    tpu.enqueue_dma source(%dma_start3A_241 : memref<2x128xi32, #tpu.memory_space<hbm>>) target(%arg7 : memref<2x128xi32, #tpu.memory_space<vmem>>) target_semaphore(%arg23 : memref<!tpu.dma_semaphore, #tpu.memory_space<semaphore_mem>>)
    %parallel_loop3A_242 = arith.constant 0 : i32
    %parallel_loop3A_243 = arith.constant 256 : i32
    %parallel_loop3A_244 = arith.constant 1 : i32
    scf.for %parallel_loop3A_558 = %parallel_loop3A_242 to %parallel_loop3A_243 step %parallel_loop3A_244  : i32 {
      %parallel_loop3A_559 = arith.index_cast %parallel_loop3A_558 : i32 to index
      %parallel_loop3A_560 = arith.constant 0 : index
      %parallel_loop3A_561 = tpu.vector_load %arg11[%parallel_loop3A_559, %parallel_loop3A_560] {strides = array<i32>} : memref<256x64xf32, #tpu.memory_space<vmem>>, vector<1x16xf32>,
      %parallel_loop3A_562 = vector.shape_cast %parallel_loop3A_561 : vector<1x16xf32> to vector<16xf32>
      %parallel_loop3A_563 = arith.constant 8.000000e+00 : f32
      %parallel_loop3A_564 = vector.broadcast %parallel_loop3A_563 : f32 to vector<16xf32>
      %parallel_loop3A_565 = arith.mulf %parallel_loop3A_562, %parallel_loop3A_564 : vector<16xf32>
      %parallel_loop3A_566 = arith.index_cast %parallel_loop3A_558 : i32 to index
      %parallel_loop3A_567 = arith.constant 0 : index
      %parallel_loop3A_568 = tpu.vector_load %arg11[%parallel_loop3A_566, %parallel_loop3A_567] {strides = array<i32>} : memref<256x64xf32, #tpu.memory_space<vmem>>, vector<1x16xf32>,
      %parallel_loop3A_569 = vector.shape_cast %parallel_loop3A_568 : vector<1x16xf32> to vector<16xf32>
      %parallel_loop3A_570 = vector.shape_cast %parallel_loop3A_565 : vector<16xf32> to vector<1x16xf32>
      tpu.vector_store %arg11[%parallel_loop3A_566, %parallel_loop3A_567], %parallel_loop3A_570 {strides = array<i32>} : memref<256x64xf32, #tpu.memory_space<vmem>>, vector<1x16xf32>,
      %parallel_loop3A_571 = arith.index_cast %parallel_loop3A_558 : i32 to index
      %parallel_loop3A_572 = arith.constant 16 : index
      %parallel_loop3A_573 = tpu.vector_load %arg11[%parallel_loop3A_571, %parallel_loop3A_572] {strides = array<i32>} : memref<256x64xf32, #tpu.memory_space<vmem>>, vector<1x16xf32>,
      %parallel_loop3A_574 = vector.shape_cast %parallel_loop3A_573 : vector<1x16xf32> to vector<16xf32>
      %parallel_loop3A_575 = arith.constant 8.000000e+00 : f32
      %parallel_loop3A_576 = vector.broadcast %parallel_loop3A_575 : f32 to vector<16xf32>
      %parallel_loop3A_577 = arith.mulf %parallel_loop3A_574, %parallel_loop3A_576 : vector<16xf32>
      %parallel_loop3A_578 = arith.index_cast %parallel_loop3A_558 : i32 to index
      %parallel_loop3A_579 = arith.constant 16 : index
      %parallel_loop3A_580 = tpu.vector_load %arg11[%parallel_loop3A_578, %parallel_loop3A_579] {strides = array<i32>} : memref<256x64xf32, #tpu.memory_space<vmem>>, vector<1x16xf32>,
      %parallel_loop3A_581 = vector.shape_cast %parallel_loop3A_580 : vector<1x16xf32> to vector<16xf32>
      %parallel_loop3A_582 = vector.shape_cast %parallel_loop3A_577 : vector<16xf32> to vector<1x16xf32>
      tpu.vector_store %arg11[%parallel_loop3A_578, %parallel_loop3A_579], %parallel_loop3A_582 {strides = array<i32>} : memref<256x64xf32, #tpu.memory_space<vmem>>, vector<1x16xf32>,
      %parallel_loop3A_583 = arith.index_cast %parallel_loop3A_558 : i32 to index
      %parallel_loop3A_584 = arith.constant 32 : index
      %parallel_loop3A_585 = tpu.vector_load %arg11[%parallel_loop3A_583, %parallel_loop3A_584] {strides = array<i32>} : memref<256x64xf32, #tpu.memory_space<vmem>>, vector<1x16xf32>,
      %parallel_loop3A_586 = vector.shape_cast %parallel_loop3A_585 : vector<1x16xf32> to vector<16xf32>
      %parallel_loop3A_587 = arith.constant 8.000000e+00 : f32
      %parallel_loop3A_588 = vector.broadcast %parallel_loop3A_587 : f32 to vector<16xf32>
      %parallel_loop3A_589 = arith.mulf %parallel_loop3A_586, %parallel_loop3A_588 : vector<16xf32>
      %parallel_loop3A_590 = arith.index_cast %parallel_loop3A_558 : i32 to index
      %parallel_loop3A_591 = arith.constant 32 : index
      %parallel_loop3A_592 = tpu.vector_load %arg11[%parallel_loop3A_590, %parallel_loop3A_591] {strides = array<i32>} : memref<256x64xf32, #tpu.memory_space<vmem>>, vector<1x16xf32>,
      %parallel_loop3A_593 = vector.shape_cast %parallel_loop3A_592 : vector<1x16xf32> to vector<16xf32>
      %parallel_loop3A_594 = vector.shape_cast %parallel_loop3A_589 : vector<16xf32> to vector<1x16xf32>
      tpu.vector_store %arg11[%parallel_loop3A_590, %parallel_loop3A_591], %parallel_loop3A_594 {strides = array<i32>} : memref<256x64xf32, #tpu.memory_space<vmem>>, vector<1x16xf32>,
      %parallel_loop3A_595 = arith.index_cast %parallel_loop3A_558 : i32 to index
      %parallel_loop3A_596 = arith.constant 48 : index
      %parallel_loop3A_597 = tpu.vector_load %arg11[%parallel_loop3A_595, %parallel_loop3A_596] {strides = array<i32>} : memref<256x64xf32, #tpu.memory_space<vmem>>, vector<1x16xf32>,
      %parallel_loop3A_598 = vector.shape_cast %parallel_loop3A_597 : vector<1x16xf32> to vector<16xf32>
      %parallel_loop3A_599 = arith.constant 8.000000e+00 : f32
      %parallel_loop3A_600 = vector.broadcast %parallel_loop3A_599 : f32 to vector<16xf32>
      %parallel_loop3A_601 = arith.mulf %parallel_loop3A_598, %parallel_loop3A_600 : vector<16xf32>
      %parallel_loop3A_602 = arith.index_cast %parallel_loop3A_558 : i32 to index
      %parallel_loop3A_603 = arith.constant 48 : index
      %parallel_loop3A_604 = tpu.vector_load %arg11[%parallel_loop3A_602, %parallel_loop3A_603] {strides = array<i32>} : memref<256x64xf32, #tpu.memory_space<vmem>>, vector<1x16xf32>,
      %parallel_loop3A_605 = vector.shape_cast %parallel_loop3A_604 : vector<1x16xf32> to vector<16xf32>
      %parallel_loop3A_606 = vector.shape_cast %parallel_loop3A_601 : vector<16xf32> to vector<1x16xf32>
      tpu.vector_store %arg11[%parallel_loop3A_602, %parallel_loop3A_603], %parallel_loop3A_606 {strides = array<i32>} : memref<256x64xf32, #tpu.memory_space<vmem>>, vector<1x16xf32>,
    } {sc.loop_unroll_factor = 8 : i64, sc.parallel_access}
    %add3A_245 = arith.constant 4 : i32
    %add3A_246 = arith.addi %mul3A_2, %add3A_245 : i32
    %mul3A_247 = arith.constant 128 : i32
    %mul3A_248 = arith.muli %add3A_246, %mul3A_247 : i32
    %dma_start3A_249 = arith.constant 0 : i32
    %dma_start3A_250 = tpu.memref_slice %arg4[%mul3A_248, %dma_start3A_249] : memref<819200x64xf32, #tpu.memory_space<hbm>> -> memref<256x64xf32, #tpu.memory_space<hbm>>
    %dma_start3A_251 = arith.constant 0 : i32
    %dma_start3A_252 = tpu.memref_slice %arg4[%mul3A_248, %dma_start3A_251] : memref<819200x64xf32, #tpu.memory_space<hbm>> -> memref<256x64xf32, #tpu.memory_space<hbm>>
    tpu.enqueue_dma source(%arg11 : memref<256x64xf32, #tpu.memory_space<vmem>>) target(%dma_start3A_252 : memref<256x64xf32, #tpu.memory_space<hbm>>) target_semaphore(%arg19 : memref<!tpu.dma_semaphore, #tpu.memory_space<semaphore_mem>>)
    %dma_wait3A_253 = arith.constant 0 : i32
    %dma_wait3A_254 = arith.constant 0 : i32
    %dma_wait3A_255 = tpu.memref_slice %arg4[%dma_wait3A_253, %dma_wait3A_254] : memref<819200x64xf32, #tpu.memory_space<hbm>> -> memref<256x64xf32, #tpu.memory_space<hbm>>
    %dma_wait3A_256 = arith.constant 0 : i32
    %dma_wait3A_257 = arith.constant 0 : i32
    %dma_wait3A_258 = tpu.memref_slice %arg4[%dma_wait3A_256, %dma_wait3A_257] : memref<819200x64xf32, #tpu.memory_space<hbm>> -> memref<256x64xf32, #tpu.memory_space<hbm>>
    tpu.wait_dma2 semaphore(%arg18 : memref<!tpu.dma_semaphore, #tpu.memory_space<semaphore_mem>>) src(%arg10 : memref<256x64xf32, #tpu.memory_space<vmem>>) dst(%dma_wait3A_258 : memref<256x64xf32, #tpu.memory_space<hbm>>)
    %dma_wait3A_259 = arith.constant 0 : i32
    %dma_wait3A_260 = arith.constant 0 : i32
    %dma_wait3A_261 = tpu.memref_slice %arg2[%dma_wait3A_259, %dma_wait3A_260] : memref<6400x128xi32, #tpu.memory_space<hbm>> -> memref<2x128xi32, #tpu.memory_space<hbm>>
    %dma_wait3A_262 = arith.constant 0 : i32
    %dma_wait3A_263 = arith.constant 0 : i32
    %dma_wait3A_264 = tpu.memref_slice %arg2[%dma_wait3A_262, %dma_wait3A_263] : memref<6400x128xi32, #tpu.memory_space<hbm>> -> memref<2x128xi32, #tpu.memory_space<hbm>>
    tpu.wait_dma2 semaphore(%arg22 : memref<!tpu.dma_semaphore, #tpu.memory_space<semaphore_mem>>) src(%dma_wait3A_264 : memref<2x128xi32, #tpu.memory_space<hbm>>) dst(%arg6 : memref<2x128xi32, #tpu.memory_space<vmem>>)
    %dma_start3A_265 = arith.constant 0 : i32
    %dma_start3A_266 = arith.constant 0 : i32
    %dma_start3A_267 = arith.constant 0 : i32
    %dma_start3A_268 = tpu.memref_slice %arg10[%dma_start3A_266, %dma_start3A_267] : memref<256x64xf32, #tpu.memory_space<vmem>> -> memref<128x64xf32, #tpu.memory_space<vmem>>
    %dma_start3A_269 = arith.constant 0 : i32
    %dma_start3A_270 = tpu.memref_slice %arg6[%dma_start3A_265, %dma_start3A_269] : memref<2x128xi32, #tpu.memory_space<vmem>> -> memref<1x128xi32, #tpu.memory_space<vmem>>
    %dma_start3A_271 = tpu.memref_squeeze %dma_start3A_270 : memref<1x128xi32, #tpu.memory_space<vmem>> -> memref<128xi32, #tpu.memory_space<vmem>>
    %dma_start3A_272 = arith.constant 0 : i32
    %dma_start3A_273 = arith.constant 0 : i32
    %dma_start3A_274 = tpu.memref_slice %arg3[%dma_start3A_272, %dma_start3A_273] : memref<1000000x64xf32, #tpu.memory_space<hbm>> -> memref<1000000x64xf32, #tpu.memory_space<hbm>>
    tpu.enqueue_indirect_dma source(%dma_start3A_274 : memref<1000000x64xf32, #tpu.memory_space<hbm>>) target(%dma_start3A_268 : memref<128x64xf32, #tpu.memory_space<vmem>>) offsets(%dma_start3A_271 : memref<128xi32, #tpu.memory_space<vmem>>) semaphore(%arg14 : memref<!tpu.dma_semaphore, #tpu.memory_space<semaphore_mem>>)
    %dma_start3A_275 = arith.constant 1 : i32
    %dma_start3A_276 = arith.constant 128 : i32
    %dma_start3A_277 = arith.constant 0 : i32
    %dma_start3A_278 = tpu.memref_slice %arg10[%dma_start3A_276, %dma_start3A_277] : memref<256x64xf32, #tpu.memory_space<vmem>> -> memref<128x64xf32, #tpu.memory_space<vmem>>
    %dma_start3A_279 = arith.constant 0 : i32
    %dma_start3A_280 = tpu.memref_slice %arg6[%dma_start3A_275, %dma_start3A_279] : memref<2x128xi32, #tpu.memory_space<vmem>> -> memref<1x128xi32, #tpu.memory_space<vmem>>
    %dma_start3A_281 = tpu.memref_squeeze %dma_start3A_280 : memref<1x128xi32, #tpu.memory_space<vmem>> -> memref<128xi32, #tpu.memory_space<vmem>>
    %dma_start3A_282 = arith.constant 0 : i32
    %dma_start3A_283 = arith.constant 0 : i32
    %dma_start3A_284 = tpu.memref_slice %arg3[%dma_start3A_282, %dma_start3A_283] : memref<1000000x64xf32, #tpu.memory_space<hbm>> -> memref<1000000x64xf32, #tpu.memory_space<hbm>>
    tpu.enqueue_indirect_dma source(%dma_start3A_284 : memref<1000000x64xf32, #tpu.memory_space<hbm>>) target(%dma_start3A_278 : memref<128x64xf32, #tpu.memory_space<vmem>>) offsets(%dma_start3A_281 : memref<128xi32, #tpu.memory_space<vmem>>) semaphore(%arg14 : memref<!tpu.dma_semaphore, #tpu.memory_space<semaphore_mem>>)
    %dma_wait3A_285 = arith.constant 0 : i32
    %dma_wait3A_286 = arith.constant 0 : i32
    %dma_wait3A_287 = tpu.memref_slice %arg12[%dma_wait3A_285, %dma_wait3A_286] : memref<256x64xf32, #tpu.memory_space<vmem>> -> memref<128x64xf32, #tpu.memory_space<vmem>>
    %dma_wait3A_288 = arith.constant 0 : i32
    %dma_wait3A_289 = arith.constant 0 : i32
    %dma_wait3A_290 = tpu.memref_slice %arg3[%dma_wait3A_288, %dma_wait3A_289] : memref<1000000x64xf32, #tpu.memory_space<hbm>> -> memref<128x64xf32, #tpu.memory_space<hbm>>
    %dma_wait3A_291 = arith.constant 0 : i32
    %dma_wait3A_292 = arith.constant 0 : i32
    %dma_wait3A_293 = tpu.memref_slice %arg12[%dma_wait3A_291, %dma_wait3A_292] : memref<256x64xf32, #tpu.memory_space<vmem>> -> memref<128x64xf32, #tpu.memory_space<vmem>>
    %dma_wait3A_294 = arith.constant 0 : i32
    %dma_wait3A_295 = arith.constant 0 : i32
    %dma_wait3A_296 = tpu.memref_slice %arg3[%dma_wait3A_294, %dma_wait3A_295] : memref<1000000x64xf32, #tpu.memory_space<hbm>> -> memref<128x64xf32, #tpu.memory_space<hbm>>
    tpu.wait_dma2 semaphore(%arg16 : memref<!tpu.dma_semaphore, #tpu.memory_space<semaphore_mem>>) src(%dma_wait3A_296 : memref<128x64xf32, #tpu.memory_space<hbm>>) dst(%dma_wait3A_293 : memref<128x64xf32, #tpu.memory_space<vmem>>)
    %dma_wait3A_297 = arith.constant 128 : i32
    %dma_wait3A_298 = arith.constant 0 : i32
    %dma_wait3A_299 = tpu.memref_slice %arg12[%dma_wait3A_297, %dma_wait3A_298] : memref<256x64xf32, #tpu.memory_space<vmem>> -> memref<128x64xf32, #tpu.memory_space<vmem>>
    %dma_wait3A_300 = arith.constant 0 : i32
    %dma_wait3A_301 = arith.constant 0 : i32
    %dma_wait3A_302 = tpu.memref_slice %arg3[%dma_wait3A_300, %dma_wait3A_301] : memref<1000000x64xf32, #tpu.memory_space<hbm>> -> memref<128x64xf32, #tpu.memory_space<hbm>>
    %dma_wait3A_303 = arith.constant 128 : i32
    %dma_wait3A_304 = arith.constant 0 : i32
    %dma_wait3A_305 = tpu.memref_slice %arg12[%dma_wait3A_303, %dma_wait3A_304] : memref<256x64xf32, #tpu.memory_space<vmem>> -> memref<128x64xf32, #tpu.memory_space<vmem>>
    %dma_wait3A_306 = arith.constant 0 : i32
    %dma_wait3A_307 = arith.constant 0 : i32
    %dma_wait3A_308 = tpu.memref_slice %arg3[%dma_wait3A_306, %dma_wait3A_307] : memref<1000000x64xf32, #tpu.memory_space<hbm>> -> memref<128x64xf32, #tpu.memory_space<hbm>>
    tpu.wait_dma2 semaphore(%arg16 : memref<!tpu.dma_semaphore, #tpu.memory_space<semaphore_mem>>) src(%dma_wait3A_308 : memref<128x64xf32, #tpu.memory_space<hbm>>) dst(%dma_wait3A_305 : memref<128x64xf32, #tpu.memory_space<vmem>>)
    %add3A_309 = arith.constant 14 : i32
    %add3A_310 = arith.addi %mul3A_2, %add3A_309 : i32
    %dma_start3A_311 = arith.constant 0 : i32
    %dma_start3A_312 = tpu.memref_slice %arg2[%add3A_310, %dma_start3A_311] : memref<6400x128xi32, #tpu.memory_space<hbm>> -> memref<2x128xi32, #tpu.memory_space<hbm>>
    %dma_start3A_313 = arith.constant 0 : i32
    %dma_start3A_314 = tpu.memref_slice %arg2[%add3A_310, %dma_start3A_313] : memref<6400x128xi32, #tpu.memory_space<hbm>> -> memref<2x128xi32, #tpu.memory_space<hbm>>
    tpu.enqueue_dma source(%dma_start3A_314 : memref<2x128xi32, #tpu.memory_space<hbm>>) target(%arg8 : memref<2x128xi32, #tpu.memory_space<vmem>>) target_semaphore(%arg24 : memref<!tpu.dma_semaphore, #tpu.memory_space<semaphore_mem>>)
    %parallel_loop3A_315 = arith.constant 0 : i32
    %parallel_loop3A_316 = arith.constant 256 : i32
    %parallel_loop3A_317 = arith.constant 1 : i32
    scf.for %parallel_loop3A_558 = %parallel_loop3A_315 to %parallel_loop3A_316 step %parallel_loop3A_317  : i32 {
      %parallel_loop3A_559 = arith.index_cast %parallel_loop3A_558 : i32 to index
      %parallel_loop3A_560 = arith.constant 0 : index
      %parallel_loop3A_561 = tpu.vector_load %arg12[%parallel_loop3A_559, %parallel_loop3A_560] {strides = array<i32>} : memref<256x64xf32, #tpu.memory_space<vmem>>, vector<1x16xf32>,
      %parallel_loop3A_562 = vector.shape_cast %parallel_loop3A_561 : vector<1x16xf32> to vector<16xf32>
      %parallel_loop3A_563 = arith.constant 8.000000e+00 : f32
      %parallel_loop3A_564 = vector.broadcast %parallel_loop3A_563 : f32 to vector<16xf32>
      %parallel_loop3A_565 = arith.mulf %parallel_loop3A_562, %parallel_loop3A_564 : vector<16xf32>
      %parallel_loop3A_566 = arith.index_cast %parallel_loop3A_558 : i32 to index
      %parallel_loop3A_567 = arith.constant 0 : index
      %parallel_loop3A_568 = tpu.vector_load %arg12[%parallel_loop3A_566, %parallel_loop3A_567] {strides = array<i32>} : memref<256x64xf32, #tpu.memory_space<vmem>>, vector<1x16xf32>,
      %parallel_loop3A_569 = vector.shape_cast %parallel_loop3A_568 : vector<1x16xf32> to vector<16xf32>
      %parallel_loop3A_570 = vector.shape_cast %parallel_loop3A_565 : vector<16xf32> to vector<1x16xf32>
      tpu.vector_store %arg12[%parallel_loop3A_566, %parallel_loop3A_567], %parallel_loop3A_570 {strides = array<i32>} : memref<256x64xf32, #tpu.memory_space<vmem>>, vector<1x16xf32>,
      %parallel_loop3A_571 = arith.index_cast %parallel_loop3A_558 : i32 to index
      %parallel_loop3A_572 = arith.constant 16 : index
      %parallel_loop3A_573 = tpu.vector_load %arg12[%parallel_loop3A_571, %parallel_loop3A_572] {strides = array<i32>} : memref<256x64xf32, #tpu.memory_space<vmem>>, vector<1x16xf32>,
      %parallel_loop3A_574 = vector.shape_cast %parallel_loop3A_573 : vector<1x16xf32> to vector<16xf32>
      %parallel_loop3A_575 = arith.constant 8.000000e+00 : f32
      %parallel_loop3A_576 = vector.broadcast %parallel_loop3A_575 : f32 to vector<16xf32>
      %parallel_loop3A_577 = arith.mulf %parallel_loop3A_574, %parallel_loop3A_576 : vector<16xf32>
      %parallel_loop3A_578 = arith.index_cast %parallel_loop3A_558 : i32 to index
      %parallel_loop3A_579 = arith.constant 16 : index
      %parallel_loop3A_580 = tpu.vector_load %arg12[%parallel_loop3A_578, %parallel_loop3A_579] {strides = array<i32>} : memref<256x64xf32, #tpu.memory_space<vmem>>, vector<1x16xf32>,
      %parallel_loop3A_581 = vector.shape_cast %parallel_loop3A_580 : vector<1x16xf32> to vector<16xf32>
      %parallel_loop3A_582 = vector.shape_cast %parallel_loop3A_577 : vector<16xf32> to vector<1x16xf32>
      tpu.vector_store %arg12[%parallel_loop3A_578, %parallel_loop3A_579], %parallel_loop3A_582 {strides = array<i32>} : memref<256x64xf32, #tpu.memory_space<vmem>>, vector<1x16xf32>,
      %parallel_loop3A_583 = arith.index_cast %parallel_loop3A_558 : i32 to index
      %parallel_loop3A_584 = arith.constant 32 : index
      %parallel_loop3A_585 = tpu.vector_load %arg12[%parallel_loop3A_583, %parallel_loop3A_584] {strides = array<i32>} : memref<256x64xf32, #tpu.memory_space<vmem>>, vector<1x16xf32>,
      %parallel_loop3A_586 = vector.shape_cast %parallel_loop3A_585 : vector<1x16xf32> to vector<16xf32>
      %parallel_loop3A_587 = arith.constant 8.000000e+00 : f32
      %parallel_loop3A_588 = vector.broadcast %parallel_loop3A_587 : f32 to vector<16xf32>
      %parallel_loop3A_589 = arith.mulf %parallel_loop3A_586, %parallel_loop3A_588 : vector<16xf32>
      %parallel_loop3A_590 = arith.index_cast %parallel_loop3A_558 : i32 to index
      %parallel_loop3A_591 = arith.constant 32 : index
      %parallel_loop3A_592 = tpu.vector_load %arg12[%parallel_loop3A_590, %parallel_loop3A_591] {strides = array<i32>} : memref<256x64xf32, #tpu.memory_space<vmem>>, vector<1x16xf32>,
      %parallel_loop3A_593 = vector.shape_cast %parallel_loop3A_592 : vector<1x16xf32> to vector<16xf32>
      %parallel_loop3A_594 = vector.shape_cast %parallel_loop3A_589 : vector<16xf32> to vector<1x16xf32>
      tpu.vector_store %arg12[%parallel_loop3A_590, %parallel_loop3A_591], %parallel_loop3A_594 {strides = array<i32>} : memref<256x64xf32, #tpu.memory_space<vmem>>, vector<1x16xf32>,
      %parallel_loop3A_595 = arith.index_cast %parallel_loop3A_558 : i32 to index
      %parallel_loop3A_596 = arith.constant 48 : index
      %parallel_loop3A_597 = tpu.vector_load %arg12[%parallel_loop3A_595, %parallel_loop3A_596] {strides = array<i32>} : memref<256x64xf32, #tpu.memory_space<vmem>>, vector<1x16xf32>,
      %parallel_loop3A_598 = vector.shape_cast %parallel_loop3A_597 : vector<1x16xf32> to vector<16xf32>
      %parallel_loop3A_599 = arith.constant 8.000000e+00 : f32
      %parallel_loop3A_600 = vector.broadcast %parallel_loop3A_599 : f32 to vector<16xf32>
      %parallel_loop3A_601 = arith.mulf %parallel_loop3A_598, %parallel_loop3A_600 : vector<16xf32>
      %parallel_loop3A_602 = arith.index_cast %parallel_loop3A_558 : i32 to index
      %parallel_loop3A_603 = arith.constant 48 : index
      %parallel_loop3A_604 = tpu.vector_load %arg12[%parallel_loop3A_602, %parallel_loop3A_603] {strides = array<i32>} : memref<256x64xf32, #tpu.memory_space<vmem>>, vector<1x16xf32>,
      %parallel_loop3A_605 = vector.shape_cast %parallel_loop3A_604 : vector<1x16xf32> to vector<16xf32>
      %parallel_loop3A_606 = vector.shape_cast %parallel_loop3A_601 : vector<16xf32> to vector<1x16xf32>
      tpu.vector_store %arg12[%parallel_loop3A_602, %parallel_loop3A_603], %parallel_loop3A_606 {strides = array<i32>} : memref<256x64xf32, #tpu.memory_space<vmem>>, vector<1x16xf32>,
    } {sc.loop_unroll_factor = 8 : i64, sc.parallel_access}
    %add3A_318 = arith.constant 6 : i32
    %add3A_319 = arith.addi %mul3A_2, %add3A_318 : i32
    %mul3A_320 = arith.constant 128 : i32
    %mul3A_321 = arith.muli %add3A_319, %mul3A_320 : i32
    %dma_start3A_322 = arith.constant 0 : i32
    %dma_start3A_323 = tpu.memref_slice %arg4[%mul3A_321, %dma_start3A_322] : memref<819200x64xf32, #tpu.memory_space<hbm>> -> memref<256x64xf32, #tpu.memory_space<hbm>>
    %dma_start3A_324 = arith.constant 0 : i32
    %dma_start3A_325 = tpu.memref_slice %arg4[%mul3A_321, %dma_start3A_324] : memref<819200x64xf32, #tpu.memory_space<hbm>> -> memref<256x64xf32, #tpu.memory_space<hbm>>
    tpu.enqueue_dma source(%arg12 : memref<256x64xf32, #tpu.memory_space<vmem>>) target(%dma_start3A_325 : memref<256x64xf32, #tpu.memory_space<hbm>>) target_semaphore(%arg20 : memref<!tpu.dma_semaphore, #tpu.memory_space<semaphore_mem>>)
    %dma_wait3A_326 = arith.constant 0 : i32
    %dma_wait3A_327 = arith.constant 0 : i32
    %dma_wait3A_328 = tpu.memref_slice %arg4[%dma_wait3A_326, %dma_wait3A_327] : memref<819200x64xf32, #tpu.memory_space<hbm>> -> memref<256x64xf32, #tpu.memory_space<hbm>>
    %dma_wait3A_329 = arith.constant 0 : i32
    %dma_wait3A_330 = arith.constant 0 : i32
    %dma_wait3A_331 = tpu.memref_slice %arg4[%dma_wait3A_329, %dma_wait3A_330] : memref<819200x64xf32, #tpu.memory_space<hbm>> -> memref<256x64xf32, #tpu.memory_space<hbm>>
    tpu.wait_dma2 semaphore(%arg19 : memref<!tpu.dma_semaphore, #tpu.memory_space<semaphore_mem>>) src(%arg11 : memref<256x64xf32, #tpu.memory_space<vmem>>) dst(%dma_wait3A_331 : memref<256x64xf32, #tpu.memory_space<hbm>>)
    %dma_wait3A_332 = arith.constant 0 : i32
    %dma_wait3A_333 = arith.constant 0 : i32
    %dma_wait3A_334 = tpu.memref_slice %arg2[%dma_wait3A_332, %dma_wait3A_333] : memref<6400x128xi32, #tpu.memory_space<hbm>> -> memref<2x128xi32, #tpu.memory_space<hbm>>
    %dma_wait3A_335 = arith.constant 0 : i32
    %dma_wait3A_336 = arith.constant 0 : i32
    %dma_wait3A_337 = tpu.memref_slice %arg2[%dma_wait3A_335, %dma_wait3A_336] : memref<6400x128xi32, #tpu.memory_space<hbm>> -> memref<2x128xi32, #tpu.memory_space<hbm>>
    tpu.wait_dma2 semaphore(%arg23 : memref<!tpu.dma_semaphore, #tpu.memory_space<semaphore_mem>>) src(%dma_wait3A_337 : memref<2x128xi32, #tpu.memory_space<hbm>>) dst(%arg7 : memref<2x128xi32, #tpu.memory_space<vmem>>)
    %dma_start3A_338 = arith.constant 0 : i32
    %dma_start3A_339 = arith.constant 0 : i32
    %dma_start3A_340 = arith.constant 0 : i32
    %dma_start3A_341 = tpu.memref_slice %arg11[%dma_start3A_339, %dma_start3A_340] : memref<256x64xf32, #tpu.memory_space<vmem>> -> memref<128x64xf32, #tpu.memory_space<vmem>>
    %dma_start3A_342 = arith.constant 0 : i32
    %dma_start3A_343 = tpu.memref_slice %arg7[%dma_start3A_338, %dma_start3A_342] : memref<2x128xi32, #tpu.memory_space<vmem>> -> memref<1x128xi32, #tpu.memory_space<vmem>>
    %dma_start3A_344 = tpu.memref_squeeze %dma_start3A_343 : memref<1x128xi32, #tpu.memory_space<vmem>> -> memref<128xi32, #tpu.memory_space<vmem>>
    %dma_start3A_345 = arith.constant 0 : i32
    %dma_start3A_346 = arith.constant 0 : i32
    %dma_start3A_347 = tpu.memref_slice %arg3[%dma_start3A_345, %dma_start3A_346] : memref<1000000x64xf32, #tpu.memory_space<hbm>> -> memref<1000000x64xf32, #tpu.memory_space<hbm>>
    tpu.enqueue_indirect_dma source(%dma_start3A_347 : memref<1000000x64xf32, #tpu.memory_space<hbm>>) target(%dma_start3A_341 : memref<128x64xf32, #tpu.memory_space<vmem>>) offsets(%dma_start3A_344 : memref<128xi32, #tpu.memory_space<vmem>>) semaphore(%arg15 : memref<!tpu.dma_semaphore, #tpu.memory_space<semaphore_mem>>)
    %dma_start3A_348 = arith.constant 1 : i32
    %dma_start3A_349 = arith.constant 128 : i32
    %dma_start3A_350 = arith.constant 0 : i32
    %dma_start3A_351 = tpu.memref_slice %arg11[%dma_start3A_349, %dma_start3A_350] : memref<256x64xf32, #tpu.memory_space<vmem>> -> memref<128x64xf32, #tpu.memory_space<vmem>>
    %dma_start3A_352 = arith.constant 0 : i32
    %dma_start3A_353 = tpu.memref_slice %arg7[%dma_start3A_348, %dma_start3A_352] : memref<2x128xi32, #tpu.memory_space<vmem>> -> memref<1x128xi32, #tpu.memory_space<vmem>>
    %dma_start3A_354 = tpu.memref_squeeze %dma_start3A_353 : memref<1x128xi32, #tpu.memory_space<vmem>> -> memref<128xi32, #tpu.memory_space<vmem>>
    %dma_start3A_355 = arith.constant 0 : i32
    %dma_start3A_356 = arith.constant 0 : i32
    %dma_start3A_357 = tpu.memref_slice %arg3[%dma_start3A_355, %dma_start3A_356] : memref<1000000x64xf32, #tpu.memory_space<hbm>> -> memref<1000000x64xf32, #tpu.memory_space<hbm>>
    tpu.enqueue_indirect_dma source(%dma_start3A_357 : memref<1000000x64xf32, #tpu.memory_space<hbm>>) target(%dma_start3A_351 : memref<128x64xf32, #tpu.memory_space<vmem>>) offsets(%dma_start3A_354 : memref<128xi32, #tpu.memory_space<vmem>>) semaphore(%arg15 : memref<!tpu.dma_semaphore, #tpu.memory_space<semaphore_mem>>)
    %scan3A = arith.constant 0 : i32
    %scan3A_358 = arith.constant 23 : i32
    %scan3A_359 = arith.addi %scan3A, %scan3A_358 : i32
    %scan3A_360 = arith.constant 1 : i32
    scf.for %scan3A_558 = %scan3A to %scan3A_359 step %scan3A_360  : i32 {
      %mul3A_559 = arith.constant 1 : i32
      %mul3A_560 = arith.muli %scan3A_558, %mul3A_559 : i32
      %add3A_561 = arith.constant 1 : i32
      %add3A_562 = arith.addi %add3A_561, %mul3A_560 : i32
      %mul3A_563 = arith.constant 4 : i32
      %mul3A_564 = arith.muli %add3A_562, %mul3A_563 : i32
      %add3A_565 = arith.constant 0 : i32
      %add3A_566 = arith.addi %mul3A_564, %add3A_565 : i32
      %dma_wait3A_567 = arith.constant 0 : i32
      %dma_wait3A_568 = arith.constant 0 : i32
      %dma_wait3A_569 = tpu.memref_slice %arg9[%dma_wait3A_567, %dma_wait3A_568] : memref<256x64xf32, #tpu.memory_space<vmem>> -> memref<128x64xf32, #tpu.memory_space<vmem>>
      %dma_wait3A_570 = arith.constant 0 : i32
      %dma_wait3A_571 = arith.constant 0 : i32
      %dma_wait3A_572 = tpu.memref_slice %arg3[%dma_wait3A_570, %dma_wait3A_571] : memref<1000000x64xf32, #tpu.memory_space<hbm>> -> memref<128x64xf32, #tpu.memory_space<hbm>>
      %dma_wait3A_573 = arith.constant 0 : i32
      %dma_wait3A_574 = arith.constant 0 : i32
      %dma_wait3A_575 = tpu.memref_slice %arg9[%dma_wait3A_573, %dma_wait3A_574] : memref<256x64xf32, #tpu.memory_space<vmem>> -> memref<128x64xf32, #tpu.memory_space<vmem>>
      %dma_wait3A_576 = arith.constant 0 : i32
      %dma_wait3A_577 = arith.constant 0 : i32
      %dma_wait3A_578 = tpu.memref_slice %arg3[%dma_wait3A_576, %dma_wait3A_577] : memref<1000000x64xf32, #tpu.memory_space<hbm>> -> memref<128x64xf32, #tpu.memory_space<hbm>>
      tpu.wait_dma2 semaphore(%arg13 : memref<!tpu.dma_semaphore, #tpu.memory_space<semaphore_mem>>) src(%dma_wait3A_578 : memref<128x64xf32, #tpu.memory_space<hbm>>) dst(%dma_wait3A_575 : memref<128x64xf32, #tpu.memory_space<vmem>>)
      %dma_wait3A_579 = arith.constant 128 : i32
      %dma_wait3A_580 = arith.constant 0 : i32
      %dma_wait3A_581 = tpu.memref_slice %arg9[%dma_wait3A_579, %dma_wait3A_580] : memref<256x64xf32, #tpu.memory_space<vmem>> -> memref<128x64xf32, #tpu.memory_space<vmem>>
      %dma_wait3A_582 = arith.constant 0 : i32
      %dma_wait3A_583 = arith.constant 0 : i32
      %dma_wait3A_584 = tpu.memref_slice %arg3[%dma_wait3A_582, %dma_wait3A_583] : memref<1000000x64xf32, #tpu.memory_space<hbm>> -> memref<128x64xf32, #tpu.memory_space<hbm>>
      %dma_wait3A_585 = arith.constant 128 : i32
      %dma_wait3A_586 = arith.constant 0 : i32
      %dma_wait3A_587 = tpu.memref_slice %arg9[%dma_wait3A_585, %dma_wait3A_586] : memref<256x64xf32, #tpu.memory_space<vmem>> -> memref<128x64xf32, #tpu.memory_space<vmem>>
      %dma_wait3A_588 = arith.constant 0 : i32
      %dma_wait3A_589 = arith.constant 0 : i32
      %dma_wait3A_590 = tpu.memref_slice %arg3[%dma_wait3A_588, %dma_wait3A_589] : memref<1000000x64xf32, #tpu.memory_space<hbm>> -> memref<128x64xf32, #tpu.memory_space<hbm>>
      tpu.wait_dma2 semaphore(%arg13 : memref<!tpu.dma_semaphore, #tpu.memory_space<semaphore_mem>>) src(%dma_wait3A_590 : memref<128x64xf32, #tpu.memory_space<hbm>>) dst(%dma_wait3A_587 : memref<128x64xf32, #tpu.memory_space<vmem>>)
      %add3A_591 = arith.constant 4 : i32
      %add3A_592 = arith.addi %add3A_566, %add3A_591 : i32
      %mul3A_593 = arith.constant 2 : i32
      %mul3A_594 = arith.muli %add3A_592, %mul3A_593 : i32
      %add3A_595 = arith.addi %mul3A_2, %mul3A_594 : i32
      %dma_start3A_596 = arith.constant 0 : i32
      %dma_start3A_597 = tpu.memref_slice %arg2[%add3A_595, %dma_start3A_596] : memref<6400x128xi32, #tpu.memory_space<hbm>> -> memref<2x128xi32, #tpu.memory_space<hbm>>
      %dma_start3A_598 = arith.constant 0 : i32
      %dma_start3A_599 = tpu.memref_slice %arg2[%add3A_595, %dma_start3A_598] : memref<6400x128xi32, #tpu.memory_space<hbm>> -> memref<2x128xi32, #tpu.memory_space<hbm>>
      tpu.enqueue_dma source(%dma_start3A_599 : memref<2x128xi32, #tpu.memory_space<hbm>>) target(%arg5 : memref<2x128xi32, #tpu.memory_space<vmem>>) target_semaphore(%arg21 : memref<!tpu.dma_semaphore, #tpu.memory_space<semaphore_mem>>)
      %parallel_loop3A_600 = arith.constant 0 : i32
      %parallel_loop3A_601 = arith.constant 256 : i32
      %parallel_loop3A_602 = arith.constant 1 : i32
      scf.for %parallel_loop3A_896 = %parallel_loop3A_600 to %parallel_loop3A_601 step %parallel_loop3A_602  : i32 {
        %parallel_loop3A_897 = arith.index_cast %parallel_loop3A_896 : i32 to index
        %parallel_loop3A_898 = arith.constant 0 : index
        %parallel_loop3A_899 = tpu.vector_load %arg9[%parallel_loop3A_897, %parallel_loop3A_898] {strides = array<i32>} : memref<256x64xf32, #tpu.memory_space<vmem>>, vector<1x16xf32>,
        %parallel_loop3A_900 = vector.shape_cast %parallel_loop3A_899 : vector<1x16xf32> to vector<16xf32>
        %parallel_loop3A_901 = arith.constant 8.000000e+00 : f32
        %parallel_loop3A_902 = vector.broadcast %parallel_loop3A_901 : f32 to vector<16xf32>
        %parallel_loop3A_903 = arith.mulf %parallel_loop3A_900, %parallel_loop3A_902 : vector<16xf32>
        %parallel_loop3A_904 = arith.index_cast %parallel_loop3A_896 : i32 to index
        %parallel_loop3A_905 = arith.constant 0 : index
        %parallel_loop3A_906 = tpu.vector_load %arg9[%parallel_loop3A_904, %parallel_loop3A_905] {strides = array<i32>} : memref<256x64xf32, #tpu.memory_space<vmem>>, vector<1x16xf32>,
        %parallel_loop3A_907 = vector.shape_cast %parallel_loop3A_906 : vector<1x16xf32> to vector<16xf32>
        %parallel_loop3A_908 = vector.shape_cast %parallel_loop3A_903 : vector<16xf32> to vector<1x16xf32>
        tpu.vector_store %arg9[%parallel_loop3A_904, %parallel_loop3A_905], %parallel_loop3A_908 {strides = array<i32>} : memref<256x64xf32, #tpu.memory_space<vmem>>, vector<1x16xf32>,
        %parallel_loop3A_909 = arith.index_cast %parallel_loop3A_896 : i32 to index
        %parallel_loop3A_910 = arith.constant 16 : index
        %parallel_loop3A_911 = tpu.vector_load %arg9[%parallel_loop3A_909, %parallel_loop3A_910] {strides = array<i32>} : memref<256x64xf32, #tpu.memory_space<vmem>>, vector<1x16xf32>,
        %parallel_loop3A_912 = vector.shape_cast %parallel_loop3A_911 : vector<1x16xf32> to vector<16xf32>
        %parallel_loop3A_913 = arith.constant 8.000000e+00 : f32
        %parallel_loop3A_914 = vector.broadcast %parallel_loop3A_913 : f32 to vector<16xf32>
        %parallel_loop3A_915 = arith.mulf %parallel_loop3A_912, %parallel_loop3A_914 : vector<16xf32>
        %parallel_loop3A_916 = arith.index_cast %parallel_loop3A_896 : i32 to index
        %parallel_loop3A_917 = arith.constant 16 : index
        %parallel_loop3A_918 = tpu.vector_load %arg9[%parallel_loop3A_916, %parallel_loop3A_917] {strides = array<i32>} : memref<256x64xf32, #tpu.memory_space<vmem>>, vector<1x16xf32>,
        %parallel_loop3A_919 = vector.shape_cast %parallel_loop3A_918 : vector<1x16xf32> to vector<16xf32>
        %parallel_loop3A_920 = vector.shape_cast %parallel_loop3A_915 : vector<16xf32> to vector<1x16xf32>
        tpu.vector_store %arg9[%parallel_loop3A_916, %parallel_loop3A_917], %parallel_loop3A_920 {strides = array<i32>} : memref<256x64xf32, #tpu.memory_space<vmem>>, vector<1x16xf32>,
        %parallel_loop3A_921 = arith.index_cast %parallel_loop3A_896 : i32 to index
        %parallel_loop3A_922 = arith.constant 32 : index
        %parallel_loop3A_923 = tpu.vector_load %arg9[%parallel_loop3A_921, %parallel_loop3A_922] {strides = array<i32>} : memref<256x64xf32, #tpu.memory_space<vmem>>, vector<1x16xf32>,
        %parallel_loop3A_924 = vector.shape_cast %parallel_loop3A_923 : vector<1x16xf32> to vector<16xf32>
        %parallel_loop3A_925 = arith.constant 8.000000e+00 : f32
        %parallel_loop3A_926 = vector.broadcast %parallel_loop3A_925 : f32 to vector<16xf32>
        %parallel_loop3A_927 = arith.mulf %parallel_loop3A_924, %parallel_loop3A_926 : vector<16xf32>
        %parallel_loop3A_928 = arith.index_cast %parallel_loop3A_896 : i32 to index
        %parallel_loop3A_929 = arith.constant 32 : index
        %parallel_loop3A_930 = tpu.vector_load %arg9[%parallel_loop3A_928, %parallel_loop3A_929] {strides = array<i32>} : memref<256x64xf32, #tpu.memory_space<vmem>>, vector<1x16xf32>,
        %parallel_loop3A_931 = vector.shape_cast %parallel_loop3A_930 : vector<1x16xf32> to vector<16xf32>
        %parallel_loop3A_932 = vector.shape_cast %parallel_loop3A_927 : vector<16xf32> to vector<1x16xf32>
        tpu.vector_store %arg9[%parallel_loop3A_928, %parallel_loop3A_929], %parallel_loop3A_932 {strides = array<i32>} : memref<256x64xf32, #tpu.memory_space<vmem>>, vector<1x16xf32>,
        %parallel_loop3A_933 = arith.index_cast %parallel_loop3A_896 : i32 to index
        %parallel_loop3A_934 = arith.constant 48 : index
        %parallel_loop3A_935 = tpu.vector_load %arg9[%parallel_loop3A_933, %parallel_loop3A_934] {strides = array<i32>} : memref<256x64xf32, #tpu.memory_space<vmem>>, vector<1x16xf32>,
        %parallel_loop3A_936 = vector.shape_cast %parallel_loop3A_935 : vector<1x16xf32> to vector<16xf32>
        %parallel_loop3A_937 = arith.constant 8.000000e+00 : f32
        %parallel_loop3A_938 = vector.broadcast %parallel_loop3A_937 : f32 to vector<16xf32>
        %parallel_loop3A_939 = arith.mulf %parallel_loop3A_936, %parallel_loop3A_938 : vector<16xf32>
        %parallel_loop3A_940 = arith.index_cast %parallel_loop3A_896 : i32 to index
        %parallel_loop3A_941 = arith.constant 48 : index
        %parallel_loop3A_942 = tpu.vector_load %arg9[%parallel_loop3A_940, %parallel_loop3A_941] {strides = array<i32>} : memref<256x64xf32, #tpu.memory_space<vmem>>, vector<1x16xf32>,
        %parallel_loop3A_943 = vector.shape_cast %parallel_loop3A_942 : vector<1x16xf32> to vector<16xf32>
        %parallel_loop3A_944 = vector.shape_cast %parallel_loop3A_939 : vector<16xf32> to vector<1x16xf32>
        tpu.vector_store %arg9[%parallel_loop3A_940, %parallel_loop3A_941], %parallel_loop3A_944 {strides = array<i32>} : memref<256x64xf32, #tpu.memory_space<vmem>>, vector<1x16xf32>,
      } {sc.loop_unroll_factor = 8 : i64, sc.parallel_access}
      %mul3A_603 = arith.constant 2 : i32
      %mul3A_604 = arith.muli %add3A_566, %mul3A_603 : i32
      %add3A_605 = arith.addi %mul3A_2, %mul3A_604 : i32
      %mul3A_606 = arith.constant 128 : i32
      %mul3A_607 = arith.muli %add3A_605, %mul3A_606 : i32
      %dma_start3A_608 = arith.constant 0 : i32
      %dma_start3A_609 = tpu.memref_slice %arg4[%mul3A_607, %dma_start3A_608] : memref<819200x64xf32, #tpu.memory_space<hbm>> -> memref<256x64xf32, #tpu.memory_space<hbm>>
      %dma_start3A_610 = arith.constant 0 : i32
      %dma_start3A_611 = tpu.memref_slice %arg4[%mul3A_607, %dma_start3A_610] : memref<819200x64xf32, #tpu.memory_space<hbm>> -> memref<256x64xf32, #tpu.memory_space<hbm>>
      tpu.enqueue_dma source(%arg9 : memref<256x64xf32, #tpu.memory_space<vmem>>) target(%dma_start3A_611 : memref<256x64xf32, #tpu.memory_space<hbm>>) target_semaphore(%arg17 : memref<!tpu.dma_semaphore, #tpu.memory_space<semaphore_mem>>)
      %dma_wait3A_612 = arith.constant 0 : i32
      %dma_wait3A_613 = arith.constant 0 : i32
      %dma_wait3A_614 = tpu.memref_slice %arg4[%dma_wait3A_612, %dma_wait3A_613] : memref<819200x64xf32, #tpu.memory_space<hbm>> -> memref<256x64xf32, #tpu.memory_space<hbm>>
      %dma_wait3A_615 = arith.constant 0 : i32
      %dma_wait3A_616 = arith.constant 0 : i32
      %dma_wait3A_617 = tpu.memref_slice %arg4[%dma_wait3A_615, %dma_wait3A_616] : memref<819200x64xf32, #tpu.memory_space<hbm>> -> memref<256x64xf32, #tpu.memory_space<hbm>>
      tpu.wait_dma2 semaphore(%arg20 : memref<!tpu.dma_semaphore, #tpu.memory_space<semaphore_mem>>) src(%arg12 : memref<256x64xf32, #tpu.memory_space<vmem>>) dst(%dma_wait3A_617 : memref<256x64xf32, #tpu.memory_space<hbm>>)
      %dma_wait3A_618 = arith.constant 0 : i32
      %dma_wait3A_619 = arith.constant 0 : i32
      %dma_wait3A_620 = tpu.memref_slice %arg2[%dma_wait3A_618, %dma_wait3A_619] : memref<6400x128xi32, #tpu.memory_space<hbm>> -> memref<2x128xi32, #tpu.memory_space<hbm>>
      %dma_wait3A_621 = arith.constant 0 : i32
      %dma_wait3A_622 = arith.constant 0 : i32
      %dma_wait3A_623 = tpu.memref_slice %arg2[%dma_wait3A_621, %dma_wait3A_622] : memref<6400x128xi32, #tpu.memory_space<hbm>> -> memref<2x128xi32, #tpu.memory_space<hbm>>
      tpu.wait_dma2 semaphore(%arg24 : memref<!tpu.dma_semaphore, #tpu.memory_space<semaphore_mem>>) src(%dma_wait3A_623 : memref<2x128xi32, #tpu.memory_space<hbm>>) dst(%arg8 : memref<2x128xi32, #tpu.memory_space<vmem>>)
      %add3A_624 = arith.constant 4 : i32
      %add3A_625 = arith.addi %add3A_566, %add3A_624 : i32
      %sub3A = arith.constant 1 : i32
      %sub3A_626 = arith.subi %add3A_625, %sub3A : i32
      %dma_start3A_627 = arith.constant 0 : i32
      %dma_start3A_628 = arith.constant 0 : i32
      %dma_start3A_629 = arith.constant 0 : i32
      %dma_start3A_630 = tpu.memref_slice %arg12[%dma_start3A_628, %dma_start3A_629] : memref<256x64xf32, #tpu.memory_space<vmem>> -> memref<128x64xf32, #tpu.memory_space<vmem>>
      %dma_start3A_631 = arith.constant 0 : i32
      %dma_start3A_632 = tpu.memref_slice %arg8[%dma_start3A_627, %dma_start3A_631] : memref<2x128xi32, #tpu.memory_space<vmem>> -> memref<1x128xi32, #tpu.memory_space<vmem>>
      %dma_start3A_633 = tpu.memref_squeeze %dma_start3A_632 : memref<1x128xi32, #tpu.memory_space<vmem>> -> memref<128xi32, #tpu.memory_space<vmem>>
      %dma_start3A_634 = arith.constant 0 : i32
      %dma_start3A_635 = arith.constant 0 : i32
      %dma_start3A_636 = tpu.memref_slice %arg3[%dma_start3A_634, %dma_start3A_635] : memref<1000000x64xf32, #tpu.memory_space<hbm>> -> memref<1000000x64xf32, #tpu.memory_space<hbm>>
      tpu.enqueue_indirect_dma source(%dma_start3A_636 : memref<1000000x64xf32, #tpu.memory_space<hbm>>) target(%dma_start3A_630 : memref<128x64xf32, #tpu.memory_space<vmem>>) offsets(%dma_start3A_633 : memref<128xi32, #tpu.memory_space<vmem>>) semaphore(%arg16 : memref<!tpu.dma_semaphore, #tpu.memory_space<semaphore_mem>>)
      %dma_start3A_637 = arith.constant 1 : i32
      %dma_start3A_638 = arith.constant 128 : i32
      %dma_start3A_639 = arith.constant 0 : i32
      %dma_start3A_640 = tpu.memref_slice %arg12[%dma_start3A_638, %dma_start3A_639] : memref<256x64xf32, #tpu.memory_space<vmem>> -> memref<128x64xf32, #tpu.memory_space<vmem>>
      %dma_start3A_641 = arith.constant 0 : i32
      %dma_start3A_642 = tpu.memref_slice %arg8[%dma_start3A_637, %dma_start3A_641] : memref<2x128xi32, #tpu.memory_space<vmem>> -> memref<1x128xi32, #tpu.memory_space<vmem>>
      %dma_start3A_643 = tpu.memref_squeeze %dma_start3A_642 : memref<1x128xi32, #tpu.memory_space<vmem>> -> memref<128xi32, #tpu.memory_space<vmem>>
      %dma_start3A_644 = arith.constant 0 : i32
      %dma_start3A_645 = arith.constant 0 : i32
      %dma_start3A_646 = tpu.memref_slice %arg3[%dma_start3A_644, %dma_start3A_645] : memref<1000000x64xf32, #tpu.memory_space<hbm>> -> memref<1000000x64xf32, #tpu.memory_space<hbm>>
      tpu.enqueue_indirect_dma source(%dma_start3A_646 : memref<1000000x64xf32, #tpu.memory_space<hbm>>) target(%dma_start3A_640 : memref<128x64xf32, #tpu.memory_space<vmem>>) offsets(%dma_start3A_643 : memref<128xi32, #tpu.memory_space<vmem>>) semaphore(%arg16 : memref<!tpu.dma_semaphore, #tpu.memory_space<semaphore_mem>>)
      %add3A_647 = arith.constant 1 : i32
      %add3A_648 = arith.addi %mul3A_564, %add3A_647 : i32
      %dma_wait3A_649 = arith.constant 0 : i32
      %dma_wait3A_650 = arith.constant 0 : i32
      %dma_wait3A_651 = tpu.memref_slice %arg10[%dma_wait3A_649, %dma_wait3A_650] : memref<256x64xf32, #tpu.memory_space<vmem>> -> memref<128x64xf32, #tpu.memory_space<vmem>>
      %dma_wait3A_652 = arith.constant 0 : i32
      %dma_wait3A_653 = arith.constant 0 : i32
      %dma_wait3A_654 = tpu.memref_slice %arg3[%dma_wait3A_652, %dma_wait3A_653] : memref<1000000x64xf32, #tpu.memory_space<hbm>> -> memref<128x64xf32, #tpu.memory_space<hbm>>
      %dma_wait3A_655 = arith.constant 0 : i32
      %dma_wait3A_656 = arith.constant 0 : i32
      %dma_wait3A_657 = tpu.memref_slice %arg10[%dma_wait3A_655, %dma_wait3A_656] : memref<256x64xf32, #tpu.memory_space<vmem>> -> memref<128x64xf32, #tpu.memory_space<vmem>>
      %dma_wait3A_658 = arith.constant 0 : i32
      %dma_wait3A_659 = arith.constant 0 : i32
      %dma_wait3A_660 = tpu.memref_slice %arg3[%dma_wait3A_658, %dma_wait3A_659] : memref<1000000x64xf32, #tpu.memory_space<hbm>> -> memref<128x64xf32, #tpu.memory_space<hbm>>
      tpu.wait_dma2 semaphore(%arg14 : memref<!tpu.dma_semaphore, #tpu.memory_space<semaphore_mem>>) src(%dma_wait3A_660 : memref<128x64xf32, #tpu.memory_space<hbm>>) dst(%dma_wait3A_657 : memref<128x64xf32, #tpu.memory_space<vmem>>)
      %dma_wait3A_661 = arith.constant 128 : i32
      %dma_wait3A_662 = arith.constant 0 : i32
      %dma_wait3A_663 = tpu.memref_slice %arg10[%dma_wait3A_661, %dma_wait3A_662] : memref<256x64xf32, #tpu.memory_space<vmem>> -> memref<128x64xf32, #tpu.memory_space<vmem>>
      %dma_wait3A_664 = arith.constant 0 : i32
      %dma_wait3A_665 = arith.constant 0 : i32
      %dma_wait3A_666 = tpu.memref_slice %arg3[%dma_wait3A_664, %dma_wait3A_665] : memref<1000000x64xf32, #tpu.memory_space<hbm>> -> memref<128x64xf32, #tpu.memory_space<hbm>>
      %dma_wait3A_667 = arith.constant 128 : i32
      %dma_wait3A_668 = arith.constant 0 : i32
      %dma_wait3A_669 = tpu.memref_slice %arg10[%dma_wait3A_667, %dma_wait3A_668] : memref<256x64xf32, #tpu.memory_space<vmem>> -> memref<128x64xf32, #tpu.memory_space<vmem>>
      %dma_wait3A_670 = arith.constant 0 : i32
      %dma_wait3A_671 = arith.constant 0 : i32
      %dma_wait3A_672 = tpu.memref_slice %arg3[%dma_wait3A_670, %dma_wait3A_671] : memref<1000000x64xf32, #tpu.memory_space<hbm>> -> memref<128x64xf32, #tpu.memory_space<hbm>>
      tpu.wait_dma2 semaphore(%arg14 : memref<!tpu.dma_semaphore, #tpu.memory_space<semaphore_mem>>) src(%dma_wait3A_672 : memref<128x64xf32, #tpu.memory_space<hbm>>) dst(%dma_wait3A_669 : memref<128x64xf32, #tpu.memory_space<vmem>>)
      %add3A_673 = arith.constant 4 : i32
      %add3A_674 = arith.addi %add3A_648, %add3A_673 : i32
      %mul3A_675 = arith.constant 2 : i32
      %mul3A_676 = arith.muli %add3A_674, %mul3A_675 : i32
      %add3A_677 = arith.addi %mul3A_2, %mul3A_676 : i32
      %dma_start3A_678 = arith.constant 0 : i32
      %dma_start3A_679 = tpu.memref_slice %arg2[%add3A_677, %dma_start3A_678] : memref<6400x128xi32, #tpu.memory_space<hbm>> -> memref<2x128xi32, #tpu.memory_space<hbm>>
      %dma_start3A_680 = arith.constant 0 : i32
      %dma_start3A_681 = tpu.memref_slice %arg2[%add3A_677, %dma_start3A_680] : memref<6400x128xi32, #tpu.memory_space<hbm>> -> memref<2x128xi32, #tpu.memory_space<hbm>>
      tpu.enqueue_dma source(%dma_start3A_681 : memref<2x128xi32, #tpu.memory_space<hbm>>) target(%arg6 : memref<2x128xi32, #tpu.memory_space<vmem>>) target_semaphore(%arg22 : memref<!tpu.dma_semaphore, #tpu.memory_space<semaphore_mem>>)
      %parallel_loop3A_682 = arith.constant 0 : i32
      %parallel_loop3A_683 = arith.constant 256 : i32
      %parallel_loop3A_684 = arith.constant 1 : i32
      scf.for %parallel_loop3A_896 = %parallel_loop3A_682 to %parallel_loop3A_683 step %parallel_loop3A_684  : i32 {
        %parallel_loop3A_897 = arith.index_cast %parallel_loop3A_896 : i32 to index
        %parallel_loop3A_898 = arith.constant 0 : index
        %parallel_loop3A_899 = tpu.vector_load %arg10[%parallel_loop3A_897, %parallel_loop3A_898] {strides = array<i32>} : memref<256x64xf32, #tpu.memory_space<vmem>>, vector<1x16xf32>,
        %parallel_loop3A_900 = vector.shape_cast %parallel_loop3A_899 : vector<1x16xf32> to vector<16xf32>
        %parallel_loop3A_901 = arith.constant 8.000000e+00 : f32
        %parallel_loop3A_902 = vector.broadcast %parallel_loop3A_901 : f32 to vector<16xf32>
        %parallel_loop3A_903 = arith.mulf %parallel_loop3A_900, %parallel_loop3A_902 : vector<16xf32>
        %parallel_loop3A_904 = arith.index_cast %parallel_loop3A_896 : i32 to index
        %parallel_loop3A_905 = arith.constant 0 : index
        %parallel_loop3A_906 = tpu.vector_load %arg10[%parallel_loop3A_904, %parallel_loop3A_905] {strides = array<i32>} : memref<256x64xf32, #tpu.memory_space<vmem>>, vector<1x16xf32>,
        %parallel_loop3A_907 = vector.shape_cast %parallel_loop3A_906 : vector<1x16xf32> to vector<16xf32>
        %parallel_loop3A_908 = vector.shape_cast %parallel_loop3A_903 : vector<16xf32> to vector<1x16xf32>
        tpu.vector_store %arg10[%parallel_loop3A_904, %parallel_loop3A_905], %parallel_loop3A_908 {strides = array<i32>} : memref<256x64xf32, #tpu.memory_space<vmem>>, vector<1x16xf32>,
        %parallel_loop3A_909 = arith.index_cast %parallel_loop3A_896 : i32 to index
        %parallel_loop3A_910 = arith.constant 16 : index
        %parallel_loop3A_911 = tpu.vector_load %arg10[%parallel_loop3A_909, %parallel_loop3A_910] {strides = array<i32>} : memref<256x64xf32, #tpu.memory_space<vmem>>, vector<1x16xf32>,
        %parallel_loop3A_912 = vector.shape_cast %parallel_loop3A_911 : vector<1x16xf32> to vector<16xf32>
        %parallel_loop3A_913 = arith.constant 8.000000e+00 : f32
        %parallel_loop3A_914 = vector.broadcast %parallel_loop3A_913 : f32 to vector<16xf32>
        %parallel_loop3A_915 = arith.mulf %parallel_loop3A_912, %parallel_loop3A_914 : vector<16xf32>
        %parallel_loop3A_916 = arith.index_cast %parallel_loop3A_896 : i32 to index
        %parallel_loop3A_917 = arith.constant 16 : index
        %parallel_loop3A_918 = tpu.vector_load %arg10[%parallel_loop3A_916, %parallel_loop3A_917] {strides = array<i32>} : memref<256x64xf32, #tpu.memory_space<vmem>>, vector<1x16xf32>,
        %parallel_loop3A_919 = vector.shape_cast %parallel_loop3A_918 : vector<1x16xf32> to vector<16xf32>
        %parallel_loop3A_920 = vector.shape_cast %parallel_loop3A_915 : vector<16xf32> to vector<1x16xf32>
        tpu.vector_store %arg10[%parallel_loop3A_916, %parallel_loop3A_917], %parallel_loop3A_920 {strides = array<i32>} : memref<256x64xf32, #tpu.memory_space<vmem>>, vector<1x16xf32>,
        %parallel_loop3A_921 = arith.index_cast %parallel_loop3A_896 : i32 to index
        %parallel_loop3A_922 = arith.constant 32 : index
        %parallel_loop3A_923 = tpu.vector_load %arg10[%parallel_loop3A_921, %parallel_loop3A_922] {strides = array<i32>} : memref<256x64xf32, #tpu.memory_space<vmem>>, vector<1x16xf32>,
        %parallel_loop3A_924 = vector.shape_cast %parallel_loop3A_923 : vector<1x16xf32> to vector<16xf32>
        %parallel_loop3A_925 = arith.constant 8.000000e+00 : f32
        %parallel_loop3A_926 = vector.broadcast %parallel_loop3A_925 : f32 to vector<16xf32>
        %parallel_loop3A_927 = arith.mulf %parallel_loop3A_924, %parallel_loop3A_926 : vector<16xf32>
        %parallel_loop3A_928 = arith.index_cast %parallel_loop3A_896 : i32 to index
        %parallel_loop3A_929 = arith.constant 32 : index
        %parallel_loop3A_930 = tpu.vector_load %arg10[%parallel_loop3A_928, %parallel_loop3A_929] {strides = array<i32>} : memref<256x64xf32, #tpu.memory_space<vmem>>, vector<1x16xf32>,
        %parallel_loop3A_931 = vector.shape_cast %parallel_loop3A_930 : vector<1x16xf32> to vector<16xf32>
        %parallel_loop3A_932 = vector.shape_cast %parallel_loop3A_927 : vector<16xf32> to vector<1x16xf32>
        tpu.vector_store %arg10[%parallel_loop3A_928, %parallel_loop3A_929], %parallel_loop3A_932 {strides = array<i32>} : memref<256x64xf32, #tpu.memory_space<vmem>>, vector<1x16xf32>,
        %parallel_loop3A_933 = arith.index_cast %parallel_loop3A_896 : i32 to index
        %parallel_loop3A_934 = arith.constant 48 : index
        %parallel_loop3A_935 = tpu.vector_load %arg10[%parallel_loop3A_933, %parallel_loop3A_934] {strides = array<i32>} : memref<256x64xf32, #tpu.memory_space<vmem>>, vector<1x16xf32>,
        %parallel_loop3A_936 = vector.shape_cast %parallel_loop3A_935 : vector<1x16xf32> to vector<16xf32>
        %parallel_loop3A_937 = arith.constant 8.000000e+00 : f32
        %parallel_loop3A_938 = vector.broadcast %parallel_loop3A_937 : f32 to vector<16xf32>
        %parallel_loop3A_939 = arith.mulf %parallel_loop3A_936, %parallel_loop3A_938 : vector<16xf32>
        %parallel_loop3A_940 = arith.index_cast %parallel_loop3A_896 : i32 to index
        %parallel_loop3A_941 = arith.constant 48 : index
        %parallel_loop3A_942 = tpu.vector_load %arg10[%parallel_loop3A_940, %parallel_loop3A_941] {strides = array<i32>} : memref<256x64xf32, #tpu.memory_space<vmem>>, vector<1x16xf32>,
        %parallel_loop3A_943 = vector.shape_cast %parallel_loop3A_942 : vector<1x16xf32> to vector<16xf32>
        %parallel_loop3A_944 = vector.shape_cast %parallel_loop3A_939 : vector<16xf32> to vector<1x16xf32>
        tpu.vector_store %arg10[%parallel_loop3A_940, %parallel_loop3A_941], %parallel_loop3A_944 {strides = array<i32>} : memref<256x64xf32, #tpu.memory_space<vmem>>, vector<1x16xf32>,
      } {sc.loop_unroll_factor = 8 : i64, sc.parallel_access}
      %mul3A_685 = arith.constant 2 : i32
      %mul3A_686 = arith.muli %add3A_648, %mul3A_685 : i32
      %add3A_687 = arith.addi %mul3A_2, %mul3A_686 : i32
      %mul3A_688 = arith.constant 128 : i32
      %mul3A_689 = arith.muli %add3A_687, %mul3A_688 : i32
      %dma_start3A_690 = arith.constant 0 : i32
      %dma_start3A_691 = tpu.memref_slice %arg4[%mul3A_689, %dma_start3A_690] : memref<819200x64xf32, #tpu.memory_space<hbm>> -> memref<256x64xf32, #tpu.memory_space<hbm>>
      %dma_start3A_692 = arith.constant 0 : i32
      %dma_start3A_693 = tpu.memref_slice %arg4[%mul3A_689, %dma_start3A_692] : memref<819200x64xf32, #tpu.memory_space<hbm>> -> memref<256x64xf32, #tpu.memory_space<hbm>>
      tpu.enqueue_dma source(%arg10 : memref<256x64xf32, #tpu.memory_space<vmem>>) target(%dma_start3A_693 : memref<256x64xf32, #tpu.memory_space<hbm>>) target_semaphore(%arg18 : memref<!tpu.dma_semaphore, #tpu.memory_space<semaphore_mem>>)
      %dma_wait3A_694 = arith.constant 0 : i32
      %dma_wait3A_695 = arith.constant 0 : i32
      %dma_wait3A_696 = tpu.memref_slice %arg4[%dma_wait3A_694, %dma_wait3A_695] : memref<819200x64xf32, #tpu.memory_space<hbm>> -> memref<256x64xf32, #tpu.memory_space<hbm>>
      %dma_wait3A_697 = arith.constant 0 : i32
      %dma_wait3A_698 = arith.constant 0 : i32
      %dma_wait3A_699 = tpu.memref_slice %arg4[%dma_wait3A_697, %dma_wait3A_698] : memref<819200x64xf32, #tpu.memory_space<hbm>> -> memref<256x64xf32, #tpu.memory_space<hbm>>
      tpu.wait_dma2 semaphore(%arg17 : memref<!tpu.dma_semaphore, #tpu.memory_space<semaphore_mem>>) src(%arg9 : memref<256x64xf32, #tpu.memory_space<vmem>>) dst(%dma_wait3A_699 : memref<256x64xf32, #tpu.memory_space<hbm>>)
      %dma_wait3A_700 = arith.constant 0 : i32
      %dma_wait3A_701 = arith.constant 0 : i32
      %dma_wait3A_702 = tpu.memref_slice %arg2[%dma_wait3A_700, %dma_wait3A_701] : memref<6400x128xi32, #tpu.memory_space<hbm>> -> memref<2x128xi32, #tpu.memory_space<hbm>>
      %dma_wait3A_703 = arith.constant 0 : i32
      %dma_wait3A_704 = arith.constant 0 : i32
      %dma_wait3A_705 = tpu.memref_slice %arg2[%dma_wait3A_703, %dma_wait3A_704] : memref<6400x128xi32, #tpu.memory_space<hbm>> -> memref<2x128xi32, #tpu.memory_space<hbm>>
      tpu.wait_dma2 semaphore(%arg21 : memref<!tpu.dma_semaphore, #tpu.memory_space<semaphore_mem>>) src(%dma_wait3A_705 : memref<2x128xi32, #tpu.memory_space<hbm>>) dst(%arg5 : memref<2x128xi32, #tpu.memory_space<vmem>>)
      %add3A_706 = arith.constant 4 : i32
      %add3A_707 = arith.addi %add3A_648, %add3A_706 : i32
      %sub3A_708 = arith.constant 1 : i32
      %sub3A_709 = arith.subi %add3A_707, %sub3A_708 : i32
      %dma_start3A_710 = arith.constant 0 : i32
      %dma_start3A_711 = arith.constant 0 : i32
      %dma_start3A_712 = arith.constant 0 : i32
      %dma_start3A_713 = tpu.memref_slice %arg9[%dma_start3A_711, %dma_start3A_712] : memref<256x64xf32, #tpu.memory_space<vmem>> -> memref<128x64xf32, #tpu.memory_space<vmem>>
      %dma_start3A_714 = arith.constant 0 : i32
      %dma_start3A_715 = tpu.memref_slice %arg5[%dma_start3A_710, %dma_start3A_714] : memref<2x128xi32, #tpu.memory_space<vmem>> -> memref<1x128xi32, #tpu.memory_space<vmem>>
      %dma_start3A_716 = tpu.memref_squeeze %dma_start3A_715 : memref<1x128xi32, #tpu.memory_space<vmem>> -> memref<128xi32, #tpu.memory_space<vmem>>
      %dma_start3A_717 = arith.constant 0 : i32
      %dma_start3A_718 = arith.constant 0 : i32
      %dma_start3A_719 = tpu.memref_slice %arg3[%dma_start3A_717, %dma_start3A_718] : memref<1000000x64xf32, #tpu.memory_space<hbm>> -> memref<1000000x64xf32, #tpu.memory_space<hbm>>
      tpu.enqueue_indirect_dma source(%dma_start3A_719 : memref<1000000x64xf32, #tpu.memory_space<hbm>>) target(%dma_start3A_713 : memref<128x64xf32, #tpu.memory_space<vmem>>) offsets(%dma_start3A_716 : memref<128xi32, #tpu.memory_space<vmem>>) semaphore(%arg13 : memref<!tpu.dma_semaphore, #tpu.memory_space<semaphore_mem>>)
      %dma_start3A_720 = arith.constant 1 : i32
      %dma_start3A_721 = arith.constant 128 : i32
      %dma_start3A_722 = arith.constant 0 : i32
      %dma_start3A_723 = tpu.memref_slice %arg9[%dma_start3A_721, %dma_start3A_722] : memref<256x64xf32, #tpu.memory_space<vmem>> -> memref<128x64xf32, #tpu.memory_space<vmem>>
      %dma_start3A_724 = arith.constant 0 : i32
      %dma_start3A_725 = tpu.memref_slice %arg5[%dma_start3A_720, %dma_start3A_724] : memref<2x128xi32, #tpu.memory_space<vmem>> -> memref<1x128xi32, #tpu.memory_space<vmem>>
      %dma_start3A_726 = tpu.memref_squeeze %dma_start3A_725 : memref<1x128xi32, #tpu.memory_space<vmem>> -> memref<128xi32, #tpu.memory_space<vmem>>
      %dma_start3A_727 = arith.constant 0 : i32
      %dma_start3A_728 = arith.constant 0 : i32
      %dma_start3A_729 = tpu.memref_slice %arg3[%dma_start3A_727, %dma_start3A_728] : memref<1000000x64xf32, #tpu.memory_space<hbm>> -> memref<1000000x64xf32, #tpu.memory_space<hbm>>
      tpu.enqueue_indirect_dma source(%dma_start3A_729 : memref<1000000x64xf32, #tpu.memory_space<hbm>>) target(%dma_start3A_723 : memref<128x64xf32, #tpu.memory_space<vmem>>) offsets(%dma_start3A_726 : memref<128xi32, #tpu.memory_space<vmem>>) semaphore(%arg13 : memref<!tpu.dma_semaphore, #tpu.memory_space<semaphore_mem>>)
      %add3A_730 = arith.constant 2 : i32
      %add3A_731 = arith.addi %mul3A_564, %add3A_730 : i32
      %dma_wait3A_732 = arith.constant 0 : i32
      %dma_wait3A_733 = arith.constant 0 : i32
      %dma_wait3A_734 = tpu.memref_slice %arg11[%dma_wait3A_732, %dma_wait3A_733] : memref<256x64xf32, #tpu.memory_space<vmem>> -> memref<128x64xf32, #tpu.memory_space<vmem>>
      %dma_wait3A_735 = arith.constant 0 : i32
      %dma_wait3A_736 = arith.constant 0 : i32
      %dma_wait3A_737 = tpu.memref_slice %arg3[%dma_wait3A_735, %dma_wait3A_736] : memref<1000000x64xf32, #tpu.memory_space<hbm>> -> memref<128x64xf32, #tpu.memory_space<hbm>>
      %dma_wait3A_738 = arith.constant 0 : i32
      %dma_wait3A_739 = arith.constant 0 : i32
      %dma_wait3A_740 = tpu.memref_slice %arg11[%dma_wait3A_738, %dma_wait3A_739] : memref<256x64xf32, #tpu.memory_space<vmem>> -> memref<128x64xf32, #tpu.memory_space<vmem>>
      %dma_wait3A_741 = arith.constant 0 : i32
      %dma_wait3A_742 = arith.constant 0 : i32
      %dma_wait3A_743 = tpu.memref_slice %arg3[%dma_wait3A_741, %dma_wait3A_742] : memref<1000000x64xf32, #tpu.memory_space<hbm>> -> memref<128x64xf32, #tpu.memory_space<hbm>>
      tpu.wait_dma2 semaphore(%arg15 : memref<!tpu.dma_semaphore, #tpu.memory_space<semaphore_mem>>) src(%dma_wait3A_743 : memref<128x64xf32, #tpu.memory_space<hbm>>) dst(%dma_wait3A_740 : memref<128x64xf32, #tpu.memory_space<vmem>>)
      %dma_wait3A_744 = arith.constant 128 : i32
      %dma_wait3A_745 = arith.constant 0 : i32
      %dma_wait3A_746 = tpu.memref_slice %arg11[%dma_wait3A_744, %dma_wait3A_745] : memref<256x64xf32, #tpu.memory_space<vmem>> -> memref<128x64xf32, #tpu.memory_space<vmem>>
      %dma_wait3A_747 = arith.constant 0 : i32
      %dma_wait3A_748 = arith.constant 0 : i32
      %dma_wait3A_749 = tpu.memref_slice %arg3[%dma_wait3A_747, %dma_wait3A_748] : memref<1000000x64xf32, #tpu.memory_space<hbm>> -> memref<128x64xf32, #tpu.memory_space<hbm>>
      %dma_wait3A_750 = arith.constant 128 : i32
      %dma_wait3A_751 = arith.constant 0 : i32
      %dma_wait3A_752 = tpu.memref_slice %arg11[%dma_wait3A_750, %dma_wait3A_751] : memref<256x64xf32, #tpu.memory_space<vmem>> -> memref<128x64xf32, #tpu.memory_space<vmem>>
      %dma_wait3A_753 = arith.constant 0 : i32
      %dma_wait3A_754 = arith.constant 0 : i32
      %dma_wait3A_755 = tpu.memref_slice %arg3[%dma_wait3A_753, %dma_wait3A_754] : memref<1000000x64xf32, #tpu.memory_space<hbm>> -> memref<128x64xf32, #tpu.memory_space<hbm>>
      tpu.wait_dma2 semaphore(%arg15 : memref<!tpu.dma_semaphore, #tpu.memory_space<semaphore_mem>>) src(%dma_wait3A_755 : memref<128x64xf32, #tpu.memory_space<hbm>>) dst(%dma_wait3A_752 : memref<128x64xf32, #tpu.memory_space<vmem>>)
      %add3A_756 = arith.constant 4 : i32
      %add3A_757 = arith.addi %add3A_731, %add3A_756 : i32
      %mul3A_758 = arith.constant 2 : i32
      %mul3A_759 = arith.muli %add3A_757, %mul3A_758 : i32
      %add3A_760 = arith.addi %mul3A_2, %mul3A_759 : i32
      %dma_start3A_761 = arith.constant 0 : i32
      %dma_start3A_762 = tpu.memref_slice %arg2[%add3A_760, %dma_start3A_761] : memref<6400x128xi32, #tpu.memory_space<hbm>> -> memref<2x128xi32, #tpu.memory_space<hbm>>
      %dma_start3A_763 = arith.constant 0 : i32
      %dma_start3A_764 = tpu.memref_slice %arg2[%add3A_760, %dma_start3A_763] : memref<6400x128xi32, #tpu.memory_space<hbm>> -> memref<2x128xi32, #tpu.memory_space<hbm>>
      tpu.enqueue_dma source(%dma_start3A_764 : memref<2x128xi32, #tpu.memory_space<hbm>>) target(%arg7 : memref<2x128xi32, #tpu.memory_space<vmem>>) target_semaphore(%arg23 : memref<!tpu.dma_semaphore, #tpu.memory_space<semaphore_mem>>)
      %parallel_loop3A_765 = arith.constant 0 : i32
      %parallel_loop3A_766 = arith.constant 256 : i32
      %parallel_loop3A_767 = arith.constant 1 : i32
      scf.for %parallel_loop3A_896 = %parallel_loop3A_765 to %parallel_loop3A_766 step %parallel_loop3A_767  : i32 {
        %parallel_loop3A_897 = arith.index_cast %parallel_loop3A_896 : i32 to index
        %parallel_loop3A_898 = arith.constant 0 : index
        %parallel_loop3A_899 = tpu.vector_load %arg11[%parallel_loop3A_897, %parallel_loop3A_898] {strides = array<i32>} : memref<256x64xf32, #tpu.memory_space<vmem>>, vector<1x16xf32>,
        %parallel_loop3A_900 = vector.shape_cast %parallel_loop3A_899 : vector<1x16xf32> to vector<16xf32>
        %parallel_loop3A_901 = arith.constant 8.000000e+00 : f32
        %parallel_loop3A_902 = vector.broadcast %parallel_loop3A_901 : f32 to vector<16xf32>
        %parallel_loop3A_903 = arith.mulf %parallel_loop3A_900, %parallel_loop3A_902 : vector<16xf32>
        %parallel_loop3A_904 = arith.index_cast %parallel_loop3A_896 : i32 to index
        %parallel_loop3A_905 = arith.constant 0 : index
        %parallel_loop3A_906 = tpu.vector_load %arg11[%parallel_loop3A_904, %parallel_loop3A_905] {strides = array<i32>} : memref<256x64xf32, #tpu.memory_space<vmem>>, vector<1x16xf32>,
        %parallel_loop3A_907 = vector.shape_cast %parallel_loop3A_906 : vector<1x16xf32> to vector<16xf32>
        %parallel_loop3A_908 = vector.shape_cast %parallel_loop3A_903 : vector<16xf32> to vector<1x16xf32>
        tpu.vector_store %arg11[%parallel_loop3A_904, %parallel_loop3A_905], %parallel_loop3A_908 {strides = array<i32>} : memref<256x64xf32, #tpu.memory_space<vmem>>, vector<1x16xf32>,
        %parallel_loop3A_909 = arith.index_cast %parallel_loop3A_896 : i32 to index
        %parallel_loop3A_910 = arith.constant 16 : index
        %parallel_loop3A_911 = tpu.vector_load %arg11[%parallel_loop3A_909, %parallel_loop3A_910] {strides = array<i32>} : memref<256x64xf32, #tpu.memory_space<vmem>>, vector<1x16xf32>,
        %parallel_loop3A_912 = vector.shape_cast %parallel_loop3A_911 : vector<1x16xf32> to vector<16xf32>
        %parallel_loop3A_913 = arith.constant 8.000000e+00 : f32
        %parallel_loop3A_914 = vector.broadcast %parallel_loop3A_913 : f32 to vector<16xf32>
        %parallel_loop3A_915 = arith.mulf %parallel_loop3A_912, %parallel_loop3A_914 : vector<16xf32>
        %parallel_loop3A_916 = arith.index_cast %parallel_loop3A_896 : i32 to index
        %parallel_loop3A_917 = arith.constant 16 : index
        %parallel_loop3A_918 = tpu.vector_load %arg11[%parallel_loop3A_916, %parallel_loop3A_917] {strides = array<i32>} : memref<256x64xf32, #tpu.memory_space<vmem>>, vector<1x16xf32>,
        %parallel_loop3A_919 = vector.shape_cast %parallel_loop3A_918 : vector<1x16xf32> to vector<16xf32>
        %parallel_loop3A_920 = vector.shape_cast %parallel_loop3A_915 : vector<16xf32> to vector<1x16xf32>
        tpu.vector_store %arg11[%parallel_loop3A_916, %parallel_loop3A_917], %parallel_loop3A_920 {strides = array<i32>} : memref<256x64xf32, #tpu.memory_space<vmem>>, vector<1x16xf32>,
        %parallel_loop3A_921 = arith.index_cast %parallel_loop3A_896 : i32 to index
        %parallel_loop3A_922 = arith.constant 32 : index
        %parallel_loop3A_923 = tpu.vector_load %arg11[%parallel_loop3A_921, %parallel_loop3A_922] {strides = array<i32>} : memref<256x64xf32, #tpu.memory_space<vmem>>, vector<1x16xf32>,
        %parallel_loop3A_924 = vector.shape_cast %parallel_loop3A_923 : vector<1x16xf32> to vector<16xf32>
        %parallel_loop3A_925 = arith.constant 8.000000e+00 : f32
        %parallel_loop3A_926 = vector.broadcast %parallel_loop3A_925 : f32 to vector<16xf32>
        %parallel_loop3A_927 = arith.mulf %parallel_loop3A_924, %parallel_loop3A_926 : vector<16xf32>
        %parallel_loop3A_928 = arith.index_cast %parallel_loop3A_896 : i32 to index
        %parallel_loop3A_929 = arith.constant 32 : index
        %parallel_loop3A_930 = tpu.vector_load %arg11[%parallel_loop3A_928, %parallel_loop3A_929] {strides = array<i32>} : memref<256x64xf32, #tpu.memory_space<vmem>>, vector<1x16xf32>,
        %parallel_loop3A_931 = vector.shape_cast %parallel_loop3A_930 : vector<1x16xf32> to vector<16xf32>
        %parallel_loop3A_932 = vector.shape_cast %parallel_loop3A_927 : vector<16xf32> to vector<1x16xf32>
        tpu.vector_store %arg11[%parallel_loop3A_928, %parallel_loop3A_929], %parallel_loop3A_932 {strides = array<i32>} : memref<256x64xf32, #tpu.memory_space<vmem>>, vector<1x16xf32>,
        %parallel_loop3A_933 = arith.index_cast %parallel_loop3A_896 : i32 to index
        %parallel_loop3A_934 = arith.constant 48 : index
        %parallel_loop3A_935 = tpu.vector_load %arg11[%parallel_loop3A_933, %parallel_loop3A_934] {strides = array<i32>} : memref<256x64xf32, #tpu.memory_space<vmem>>, vector<1x16xf32>,
        %parallel_loop3A_936 = vector.shape_cast %parallel_loop3A_935 : vector<1x16xf32> to vector<16xf32>
        %parallel_loop3A_937 = arith.constant 8.000000e+00 : f32
        %parallel_loop3A_938 = vector.broadcast %parallel_loop3A_937 : f32 to vector<16xf32>
        %parallel_loop3A_939 = arith.mulf %parallel_loop3A_936, %parallel_loop3A_938 : vector<16xf32>
        %parallel_loop3A_940 = arith.index_cast %parallel_loop3A_896 : i32 to index
        %parallel_loop3A_941 = arith.constant 48 : index
        %parallel_loop3A_942 = tpu.vector_load %arg11[%parallel_loop3A_940, %parallel_loop3A_941] {strides = array<i32>} : memref<256x64xf32, #tpu.memory_space<vmem>>, vector<1x16xf32>,
        %parallel_loop3A_943 = vector.shape_cast %parallel_loop3A_942 : vector<1x16xf32> to vector<16xf32>
        %parallel_loop3A_944 = vector.shape_cast %parallel_loop3A_939 : vector<16xf32> to vector<1x16xf32>
        tpu.vector_store %arg11[%parallel_loop3A_940, %parallel_loop3A_941], %parallel_loop3A_944 {strides = array<i32>} : memref<256x64xf32, #tpu.memory_space<vmem>>, vector<1x16xf32>,
      } {sc.loop_unroll_factor = 8 : i64, sc.parallel_access}
      %mul3A_768 = arith.constant 2 : i32
      %mul3A_769 = arith.muli %add3A_731, %mul3A_768 : i32
      %add3A_770 = arith.addi %mul3A_2, %mul3A_769 : i32
      %mul3A_771 = arith.constant 128 : i32
      %mul3A_772 = arith.muli %add3A_770, %mul3A_771 : i32
      %dma_start3A_773 = arith.constant 0 : i32
      %dma_start3A_774 = tpu.memref_slice %arg4[%mul3A_772, %dma_start3A_773] : memref<819200x64xf32, #tpu.memory_space<hbm>> -> memref<256x64xf32, #tpu.memory_space<hbm>>
      %dma_start3A_775 = arith.constant 0 : i32
      %dma_start3A_776 = tpu.memref_slice %arg4[%mul3A_772, %dma_start3A_775] : memref<819200x64xf32, #tpu.memory_space<hbm>> -> memref<256x64xf32, #tpu.memory_space<hbm>>
      tpu.enqueue_dma source(%arg11 : memref<256x64xf32, #tpu.memory_space<vmem>>) target(%dma_start3A_776 : memref<256x64xf32, #tpu.memory_space<hbm>>) target_semaphore(%arg19 : memref<!tpu.dma_semaphore, #tpu.memory_space<semaphore_mem>>)
      %dma_wait3A_777 = arith.constant 0 : i32
      %dma_wait3A_778 = arith.constant 0 : i32
      %dma_wait3A_779 = tpu.memref_slice %arg4[%dma_wait3A_777, %dma_wait3A_778] : memref<819200x64xf32, #tpu.memory_space<hbm>> -> memref<256x64xf32, #tpu.memory_space<hbm>>
      %dma_wait3A_780 = arith.constant 0 : i32
      %dma_wait3A_781 = arith.constant 0 : i32
      %dma_wait3A_782 = tpu.memref_slice %arg4[%dma_wait3A_780, %dma_wait3A_781] : memref<819200x64xf32, #tpu.memory_space<hbm>> -> memref<256x64xf32, #tpu.memory_space<hbm>>
      tpu.wait_dma2 semaphore(%arg18 : memref<!tpu.dma_semaphore, #tpu.memory_space<semaphore_mem>>) src(%arg10 : memref<256x64xf32, #tpu.memory_space<vmem>>) dst(%dma_wait3A_782 : memref<256x64xf32, #tpu.memory_space<hbm>>)
      %dma_wait3A_783 = arith.constant 0 : i32
      %dma_wait3A_784 = arith.constant 0 : i32
      %dma_wait3A_785 = tpu.memref_slice %arg2[%dma_wait3A_783, %dma_wait3A_784] : memref<6400x128xi32, #tpu.memory_space<hbm>> -> memref<2x128xi32, #tpu.memory_space<hbm>>
      %dma_wait3A_786 = arith.constant 0 : i32
      %dma_wait3A_787 = arith.constant 0 : i32
      %dma_wait3A_788 = tpu.memref_slice %arg2[%dma_wait3A_786, %dma_wait3A_787] : memref<6400x128xi32, #tpu.memory_space<hbm>> -> memref<2x128xi32, #tpu.memory_space<hbm>>
      tpu.wait_dma2 semaphore(%arg22 : memref<!tpu.dma_semaphore, #tpu.memory_space<semaphore_mem>>) src(%dma_wait3A_788 : memref<2x128xi32, #tpu.memory_space<hbm>>) dst(%arg6 : memref<2x128xi32, #tpu.memory_space<vmem>>)
      %add3A_789 = arith.constant 4 : i32
      %add3A_790 = arith.addi %add3A_731, %add3A_789 : i32
      %sub3A_791 = arith.constant 1 : i32
      %sub3A_792 = arith.subi %add3A_790, %sub3A_791 : i32
      %dma_start3A_793 = arith.constant 0 : i32
      %dma_start3A_794 = arith.constant 0 : i32
      %dma_start3A_795 = arith.constant 0 : i32
      %dma_start3A_796 = tpu.memref_slice %arg10[%dma_start3A_794, %dma_start3A_795] : memref<256x64xf32, #tpu.memory_space<vmem>> -> memref<128x64xf32, #tpu.memory_space<vmem>>
      %dma_start3A_797 = arith.constant 0 : i32
      %dma_start3A_798 = tpu.memref_slice %arg6[%dma_start3A_793, %dma_start3A_797] : memref<2x128xi32, #tpu.memory_space<vmem>> -> memref<1x128xi32, #tpu.memory_space<vmem>>
      %dma_start3A_799 = tpu.memref_squeeze %dma_start3A_798 : memref<1x128xi32, #tpu.memory_space<vmem>> -> memref<128xi32, #tpu.memory_space<vmem>>
      %dma_start3A_800 = arith.constant 0 : i32
      %dma_start3A_801 = arith.constant 0 : i32
      %dma_start3A_802 = tpu.memref_slice %arg3[%dma_start3A_800, %dma_start3A_801] : memref<1000000x64xf32, #tpu.memory_space<hbm>> -> memref<1000000x64xf32, #tpu.memory_space<hbm>>
      tpu.enqueue_indirect_dma source(%dma_start3A_802 : memref<1000000x64xf32, #tpu.memory_space<hbm>>) target(%dma_start3A_796 : memref<128x64xf32, #tpu.memory_space<vmem>>) offsets(%dma_start3A_799 : memref<128xi32, #tpu.memory_space<vmem>>) semaphore(%arg14 : memref<!tpu.dma_semaphore, #tpu.memory_space<semaphore_mem>>)
      %dma_start3A_803 = arith.constant 1 : i32
      %dma_start3A_804 = arith.constant 128 : i32
      %dma_start3A_805 = arith.constant 0 : i32
      %dma_start3A_806 = tpu.memref_slice %arg10[%dma_start3A_804, %dma_start3A_805] : memref<256x64xf32, #tpu.memory_space<vmem>> -> memref<128x64xf32, #tpu.memory_space<vmem>>
      %dma_start3A_807 = arith.constant 0 : i32
      %dma_start3A_808 = tpu.memref_slice %arg6[%dma_start3A_803, %dma_start3A_807] : memref<2x128xi32, #tpu.memory_space<vmem>> -> memref<1x128xi32, #tpu.memory_space<vmem>>
      %dma_start3A_809 = tpu.memref_squeeze %dma_start3A_808 : memref<1x128xi32, #tpu.memory_space<vmem>> -> memref<128xi32, #tpu.memory_space<vmem>>
      %dma_start3A_810 = arith.constant 0 : i32
      %dma_start3A_811 = arith.constant 0 : i32
      %dma_start3A_812 = tpu.memref_slice %arg3[%dma_start3A_810, %dma_start3A_811] : memref<1000000x64xf32, #tpu.memory_space<hbm>> -> memref<1000000x64xf32, #tpu.memory_space<hbm>>
      tpu.enqueue_indirect_dma source(%dma_start3A_812 : memref<1000000x64xf32, #tpu.memory_space<hbm>>) target(%dma_start3A_806 : memref<128x64xf32, #tpu.memory_space<vmem>>) offsets(%dma_start3A_809 : memref<128xi32, #tpu.memory_space<vmem>>) semaphore(%arg14 : memref<!tpu.dma_semaphore, #tpu.memory_space<semaphore_mem>>)
      %add3A_813 = arith.constant 3 : i32
      %add3A_814 = arith.addi %mul3A_564, %add3A_813 : i32
      %dma_wait3A_815 = arith.constant 0 : i32
      %dma_wait3A_816 = arith.constant 0 : i32
      %dma_wait3A_817 = tpu.memref_slice %arg12[%dma_wait3A_815, %dma_wait3A_816] : memref<256x64xf32, #tpu.memory_space<vmem>> -> memref<128x64xf32, #tpu.memory_space<vmem>>
      %dma_wait3A_818 = arith.constant 0 : i32
      %dma_wait3A_819 = arith.constant 0 : i32
      %dma_wait3A_820 = tpu.memref_slice %arg3[%dma_wait3A_818, %dma_wait3A_819] : memref<1000000x64xf32, #tpu.memory_space<hbm>> -> memref<128x64xf32, #tpu.memory_space<hbm>>
      %dma_wait3A_821 = arith.constant 0 : i32
      %dma_wait3A_822 = arith.constant 0 : i32
      %dma_wait3A_823 = tpu.memref_slice %arg12[%dma_wait3A_821, %dma_wait3A_822] : memref<256x64xf32, #tpu.memory_space<vmem>> -> memref<128x64xf32, #tpu.memory_space<vmem>>
      %dma_wait3A_824 = arith.constant 0 : i32
      %dma_wait3A_825 = arith.constant 0 : i32
      %dma_wait3A_826 = tpu.memref_slice %arg3[%dma_wait3A_824, %dma_wait3A_825] : memref<1000000x64xf32, #tpu.memory_space<hbm>> -> memref<128x64xf32, #tpu.memory_space<hbm>>
      tpu.wait_dma2 semaphore(%arg16 : memref<!tpu.dma_semaphore, #tpu.memory_space<semaphore_mem>>) src(%dma_wait3A_826 : memref<128x64xf32, #tpu.memory_space<hbm>>) dst(%dma_wait3A_823 : memref<128x64xf32, #tpu.memory_space<vmem>>)
      %dma_wait3A_827 = arith.constant 128 : i32
      %dma_wait3A_828 = arith.constant 0 : i32
      %dma_wait3A_829 = tpu.memref_slice %arg12[%dma_wait3A_827, %dma_wait3A_828] : memref<256x64xf32, #tpu.memory_space<vmem>> -> memref<128x64xf32, #tpu.memory_space<vmem>>
      %dma_wait3A_830 = arith.constant 0 : i32
      %dma_wait3A_831 = arith.constant 0 : i32
      %dma_wait3A_832 = tpu.memref_slice %arg3[%dma_wait3A_830, %dma_wait3A_831] : memref<1000000x64xf32, #tpu.memory_space<hbm>> -> memref<128x64xf32, #tpu.memory_space<hbm>>
      %dma_wait3A_833 = arith.constant 128 : i32
      %dma_wait3A_834 = arith.constant 0 : i32
      %dma_wait3A_835 = tpu.memref_slice %arg12[%dma_wait3A_833, %dma_wait3A_834] : memref<256x64xf32, #tpu.memory_space<vmem>> -> memref<128x64xf32, #tpu.memory_space<vmem>>
      %dma_wait3A_836 = arith.constant 0 : i32
      %dma_wait3A_837 = arith.constant 0 : i32
      %dma_wait3A_838 = tpu.memref_slice %arg3[%dma_wait3A_836, %dma_wait3A_837] : memref<1000000x64xf32, #tpu.memory_space<hbm>> -> memref<128x64xf32, #tpu.memory_space<hbm>>
      tpu.wait_dma2 semaphore(%arg16 : memref<!tpu.dma_semaphore, #tpu.memory_space<semaphore_mem>>) src(%dma_wait3A_838 : memref<128x64xf32, #tpu.memory_space<hbm>>) dst(%dma_wait3A_835 : memref<128x64xf32, #tpu.memory_space<vmem>>)
      %add3A_839 = arith.constant 4 : i32
      %add3A_840 = arith.addi %add3A_814, %add3A_839 : i32
      %mul3A_841 = arith.constant 2 : i32
      %mul3A_842 = arith.muli %add3A_840, %mul3A_841 : i32
      %add3A_843 = arith.addi %mul3A_2, %mul3A_842 : i32
      %dma_start3A_844 = arith.constant 0 : i32
      %dma_start3A_845 = tpu.memref_slice %arg2[%add3A_843, %dma_start3A_844] : memref<6400x128xi32, #tpu.memory_space<hbm>> -> memref<2x128xi32, #tpu.memory_space<hbm>>
      %dma_start3A_846 = arith.constant 0 : i32
      %dma_start3A_847 = tpu.memref_slice %arg2[%add3A_843, %dma_start3A_846] : memref<6400x128xi32, #tpu.memory_space<hbm>> -> memref<2x128xi32, #tpu.memory_space<hbm>>
      tpu.enqueue_dma source(%dma_start3A_847 : memref<2x128xi32, #tpu.memory_space<hbm>>) target(%arg8 : memref<2x128xi32, #tpu.memory_space<vmem>>) target_semaphore(%arg24 : memref<!tpu.dma_semaphore, #tpu.memory_space<semaphore_mem>>)
      %parallel_loop3A_848 = arith.constant 0 : i32
      %parallel_loop3A_849 = arith.constant 256 : i32
      %parallel_loop3A_850 = arith.constant 1 : i32
      scf.for %parallel_loop3A_896 = %parallel_loop3A_848 to %parallel_loop3A_849 step %parallel_loop3A_850  : i32 {
        %parallel_loop3A_897 = arith.index_cast %parallel_loop3A_896 : i32 to index
        %parallel_loop3A_898 = arith.constant 0 : index
        %parallel_loop3A_899 = tpu.vector_load %arg12[%parallel_loop3A_897, %parallel_loop3A_898] {strides = array<i32>} : memref<256x64xf32, #tpu.memory_space<vmem>>, vector<1x16xf32>,
        %parallel_loop3A_900 = vector.shape_cast %parallel_loop3A_899 : vector<1x16xf32> to vector<16xf32>
        %parallel_loop3A_901 = arith.constant 8.000000e+00 : f32
        %parallel_loop3A_902 = vector.broadcast %parallel_loop3A_901 : f32 to vector<16xf32>
        %parallel_loop3A_903 = arith.mulf %parallel_loop3A_900, %parallel_loop3A_902 : vector<16xf32>
        %parallel_loop3A_904 = arith.index_cast %parallel_loop3A_896 : i32 to index
        %parallel_loop3A_905 = arith.constant 0 : index
        %parallel_loop3A_906 = tpu.vector_load %arg12[%parallel_loop3A_904, %parallel_loop3A_905] {strides = array<i32>} : memref<256x64xf32, #tpu.memory_space<vmem>>, vector<1x16xf32>,
        %parallel_loop3A_907 = vector.shape_cast %parallel_loop3A_906 : vector<1x16xf32> to vector<16xf32>
        %parallel_loop3A_908 = vector.shape_cast %parallel_loop3A_903 : vector<16xf32> to vector<1x16xf32>
        tpu.vector_store %arg12[%parallel_loop3A_904, %parallel_loop3A_905], %parallel_loop3A_908 {strides = array<i32>} : memref<256x64xf32, #tpu.memory_space<vmem>>, vector<1x16xf32>,
        %parallel_loop3A_909 = arith.index_cast %parallel_loop3A_896 : i32 to index
        %parallel_loop3A_910 = arith.constant 16 : index
        %parallel_loop3A_911 = tpu.vector_load %arg12[%parallel_loop3A_909, %parallel_loop3A_910] {strides = array<i32>} : memref<256x64xf32, #tpu.memory_space<vmem>>, vector<1x16xf32>,
        %parallel_loop3A_912 = vector.shape_cast %parallel_loop3A_911 : vector<1x16xf32> to vector<16xf32>
        %parallel_loop3A_913 = arith.constant 8.000000e+00 : f32
        %parallel_loop3A_914 = vector.broadcast %parallel_loop3A_913 : f32 to vector<16xf32>
        %parallel_loop3A_915 = arith.mulf %parallel_loop3A_912, %parallel_loop3A_914 : vector<16xf32>
        %parallel_loop3A_916 = arith.index_cast %parallel_loop3A_896 : i32 to index
        %parallel_loop3A_917 = arith.constant 16 : index
        %parallel_loop3A_918 = tpu.vector_load %arg12[%parallel_loop3A_916, %parallel_loop3A_917] {strides = array<i32>} : memref<256x64xf32, #tpu.memory_space<vmem>>, vector<1x16xf32>,
        %parallel_loop3A_919 = vector.shape_cast %parallel_loop3A_918 : vector<1x16xf32> to vector<16xf32>
        %parallel_loop3A_920 = vector.shape_cast %parallel_loop3A_915 : vector<16xf32> to vector<1x16xf32>
        tpu.vector_store %arg12[%parallel_loop3A_916, %parallel_loop3A_917], %parallel_loop3A_920 {strides = array<i32>} : memref<256x64xf32, #tpu.memory_space<vmem>>, vector<1x16xf32>,
        %parallel_loop3A_921 = arith.index_cast %parallel_loop3A_896 : i32 to index
        %parallel_loop3A_922 = arith.constant 32 : index
        %parallel_loop3A_923 = tpu.vector_load %arg12[%parallel_loop3A_921, %parallel_loop3A_922] {strides = array<i32>} : memref<256x64xf32, #tpu.memory_space<vmem>>, vector<1x16xf32>,
        %parallel_loop3A_924 = vector.shape_cast %parallel_loop3A_923 : vector<1x16xf32> to vector<16xf32>
        %parallel_loop3A_925 = arith.constant 8.000000e+00 : f32
        %parallel_loop3A_926 = vector.broadcast %parallel_loop3A_925 : f32 to vector<16xf32>
        %parallel_loop3A_927 = arith.mulf %parallel_loop3A_924, %parallel_loop3A_926 : vector<16xf32>
        %parallel_loop3A_928 = arith.index_cast %parallel_loop3A_896 : i32 to index
        %parallel_loop3A_929 = arith.constant 32 : index
        %parallel_loop3A_930 = tpu.vector_load %arg12[%parallel_loop3A_928, %parallel_loop3A_929] {strides = array<i32>} : memref<256x64xf32, #tpu.memory_space<vmem>>, vector<1x16xf32>,
        %parallel_loop3A_931 = vector.shape_cast %parallel_loop3A_930 : vector<1x16xf32> to vector<16xf32>
        %parallel_loop3A_932 = vector.shape_cast %parallel_loop3A_927 : vector<16xf32> to vector<1x16xf32>
        tpu.vector_store %arg12[%parallel_loop3A_928, %parallel_loop3A_929], %parallel_loop3A_932 {strides = array<i32>} : memref<256x64xf32, #tpu.memory_space<vmem>>, vector<1x16xf32>,
        %parallel_loop3A_933 = arith.index_cast %parallel_loop3A_896 : i32 to index
        %parallel_loop3A_934 = arith.constant 48 : index
        %parallel_loop3A_935 = tpu.vector_load %arg12[%parallel_loop3A_933, %parallel_loop3A_934] {strides = array<i32>} : memref<256x64xf32, #tpu.memory_space<vmem>>, vector<1x16xf32>,
        %parallel_loop3A_936 = vector.shape_cast %parallel_loop3A_935 : vector<1x16xf32> to vector<16xf32>
        %parallel_loop3A_937 = arith.constant 8.000000e+00 : f32
        %parallel_loop3A_938 = vector.broadcast %parallel_loop3A_937 : f32 to vector<16xf32>
        %parallel_loop3A_939 = arith.mulf %parallel_loop3A_936, %parallel_loop3A_938 : vector<16xf32>
        %parallel_loop3A_940 = arith.index_cast %parallel_loop3A_896 : i32 to index
        %parallel_loop3A_941 = arith.constant 48 : index
        %parallel_loop3A_942 = tpu.vector_load %arg12[%parallel_loop3A_940, %parallel_loop3A_941] {strides = array<i32>} : memref<256x64xf32, #tpu.memory_space<vmem>>, vector<1x16xf32>,
        %parallel_loop3A_943 = vector.shape_cast %parallel_loop3A_942 : vector<1x16xf32> to vector<16xf32>
        %parallel_loop3A_944 = vector.shape_cast %parallel_loop3A_939 : vector<16xf32> to vector<1x16xf32>
        tpu.vector_store %arg12[%parallel_loop3A_940, %parallel_loop3A_941], %parallel_loop3A_944 {strides = array<i32>} : memref<256x64xf32, #tpu.memory_space<vmem>>, vector<1x16xf32>,
      } {sc.loop_unroll_factor = 8 : i64, sc.parallel_access}
      %mul3A_851 = arith.constant 2 : i32
      %mul3A_852 = arith.muli %add3A_814, %mul3A_851 : i32
      %add3A_853 = arith.addi %mul3A_2, %mul3A_852 : i32
      %mul3A_854 = arith.constant 128 : i32
      %mul3A_855 = arith.muli %add3A_853, %mul3A_854 : i32
      %dma_start3A_856 = arith.constant 0 : i32
      %dma_start3A_857 = tpu.memref_slice %arg4[%mul3A_855, %dma_start3A_856] : memref<819200x64xf32, #tpu.memory_space<hbm>> -> memref<256x64xf32, #tpu.memory_space<hbm>>
      %dma_start3A_858 = arith.constant 0 : i32
      %dma_start3A_859 = tpu.memref_slice %arg4[%mul3A_855, %dma_start3A_858] : memref<819200x64xf32, #tpu.memory_space<hbm>> -> memref<256x64xf32, #tpu.memory_space<hbm>>
      tpu.enqueue_dma source(%arg12 : memref<256x64xf32, #tpu.memory_space<vmem>>) target(%dma_start3A_859 : memref<256x64xf32, #tpu.memory_space<hbm>>) target_semaphore(%arg20 : memref<!tpu.dma_semaphore, #tpu.memory_space<semaphore_mem>>)
      %dma_wait3A_860 = arith.constant 0 : i32
      %dma_wait3A_861 = arith.constant 0 : i32
      %dma_wait3A_862 = tpu.memref_slice %arg4[%dma_wait3A_860, %dma_wait3A_861] : memref<819200x64xf32, #tpu.memory_space<hbm>> -> memref<256x64xf32, #tpu.memory_space<hbm>>
      %dma_wait3A_863 = arith.constant 0 : i32
      %dma_wait3A_864 = arith.constant 0 : i32
      %dma_wait3A_865 = tpu.memref_slice %arg4[%dma_wait3A_863, %dma_wait3A_864] : memref<819200x64xf32, #tpu.memory_space<hbm>> -> memref<256x64xf32, #tpu.memory_space<hbm>>
      tpu.wait_dma2 semaphore(%arg19 : memref<!tpu.dma_semaphore, #tpu.memory_space<semaphore_mem>>) src(%arg11 : memref<256x64xf32, #tpu.memory_space<vmem>>) dst(%dma_wait3A_865 : memref<256x64xf32, #tpu.memory_space<hbm>>)
      %dma_wait3A_866 = arith.constant 0 : i32
      %dma_wait3A_867 = arith.constant 0 : i32
      %dma_wait3A_868 = tpu.memref_slice %arg2[%dma_wait3A_866, %dma_wait3A_867] : memref<6400x128xi32, #tpu.memory_space<hbm>> -> memref<2x128xi32, #tpu.memory_space<hbm>>
      %dma_wait3A_869 = arith.constant 0 : i32
      %dma_wait3A_870 = arith.constant 0 : i32
      %dma_wait3A_871 = tpu.memref_slice %arg2[%dma_wait3A_869, %dma_wait3A_870] : memref<6400x128xi32, #tpu.memory_space<hbm>> -> memref<2x128xi32, #tpu.memory_space<hbm>>
      tpu.wait_dma2 semaphore(%arg23 : memref<!tpu.dma_semaphore, #tpu.memory_space<semaphore_mem>>) src(%dma_wait3A_871 : memref<2x128xi32, #tpu.memory_space<hbm>>) dst(%arg7 : memref<2x128xi32, #tpu.memory_space<vmem>>)
      %add3A_872 = arith.constant 4 : i32
      %add3A_873 = arith.addi %add3A_814, %add3A_872 : i32
      %sub3A_874 = arith.constant 1 : i32
      %sub3A_875 = arith.subi %add3A_873, %sub3A_874 : i32
      %dma_start3A_876 = arith.constant 0 : i32
      %dma_start3A_877 = arith.constant 0 : i32
      %dma_start3A_878 = arith.constant 0 : i32
      %dma_start3A_879 = tpu.memref_slice %arg11[%dma_start3A_877, %dma_start3A_878] : memref<256x64xf32, #tpu.memory_space<vmem>> -> memref<128x64xf32, #tpu.memory_space<vmem>>
      %dma_start3A_880 = arith.constant 0 : i32
      %dma_start3A_881 = tpu.memref_slice %arg7[%dma_start3A_876, %dma_start3A_880] : memref<2x128xi32, #tpu.memory_space<vmem>> -> memref<1x128xi32, #tpu.memory_space<vmem>>
      %dma_start3A_882 = tpu.memref_squeeze %dma_start3A_881 : memref<1x128xi32, #tpu.memory_space<vmem>> -> memref<128xi32, #tpu.memory_space<vmem>>
      %dma_start3A_883 = arith.constant 0 : i32
      %dma_start3A_884 = arith.constant 0 : i32
      %dma_start3A_885 = tpu.memref_slice %arg3[%dma_start3A_883, %dma_start3A_884] : memref<1000000x64xf32, #tpu.memory_space<hbm>> -> memref<1000000x64xf32, #tpu.memory_space<hbm>>
      tpu.enqueue_indirect_dma source(%dma_start3A_885 : memref<1000000x64xf32, #tpu.memory_space<hbm>>) target(%dma_start3A_879 : memref<128x64xf32, #tpu.memory_space<vmem>>) offsets(%dma_start3A_882 : memref<128xi32, #tpu.memory_space<vmem>>) semaphore(%arg15 : memref<!tpu.dma_semaphore, #tpu.memory_space<semaphore_mem>>)
      %dma_start3A_886 = arith.constant 1 : i32
      %dma_start3A_887 = arith.constant 128 : i32
      %dma_start3A_888 = arith.constant 0 : i32
      %dma_start3A_889 = tpu.memref_slice %arg11[%dma_start3A_887, %dma_start3A_888] : memref<256x64xf32, #tpu.memory_space<vmem>> -> memref<128x64xf32, #tpu.memory_space<vmem>>
      %dma_start3A_890 = arith.constant 0 : i32
      %dma_start3A_891 = tpu.memref_slice %arg7[%dma_start3A_886, %dma_start3A_890] : memref<2x128xi32, #tpu.memory_space<vmem>> -> memref<1x128xi32, #tpu.memory_space<vmem>>
      %dma_start3A_892 = tpu.memref_squeeze %dma_start3A_891 : memref<1x128xi32, #tpu.memory_space<vmem>> -> memref<128xi32, #tpu.memory_space<vmem>>
      %dma_start3A_893 = arith.constant 0 : i32
      %dma_start3A_894 = arith.constant 0 : i32
      %dma_start3A_895 = tpu.memref_slice %arg3[%dma_start3A_893, %dma_start3A_894] : memref<1000000x64xf32, #tpu.memory_space<hbm>> -> memref<1000000x64xf32, #tpu.memory_space<hbm>>
      tpu.enqueue_indirect_dma source(%dma_start3A_895 : memref<1000000x64xf32, #tpu.memory_space<hbm>>) target(%dma_start3A_889 : memref<128x64xf32, #tpu.memory_space<vmem>>) offsets(%dma_start3A_892 : memref<128xi32, #tpu.memory_space<vmem>>) semaphore(%arg15 : memref<!tpu.dma_semaphore, #tpu.memory_space<semaphore_mem>>)
    }
    %scan3A_361 = arith.constant 23 : i32
    %dma_wait3A_362 = arith.constant 0 : i32
    %dma_wait3A_363 = arith.constant 0 : i32
    %dma_wait3A_364 = tpu.memref_slice %arg9[%dma_wait3A_362, %dma_wait3A_363] : memref<256x64xf32, #tpu.memory_space<vmem>> -> memref<128x64xf32, #tpu.memory_space<vmem>>
    %dma_wait3A_365 = arith.constant 0 : i32
    %dma_wait3A_366 = arith.constant 0 : i32
    %dma_wait3A_367 = tpu.memref_slice %arg3[%dma_wait3A_365, %dma_wait3A_366] : memref<1000000x64xf32, #tpu.memory_space<hbm>> -> memref<128x64xf32, #tpu.memory_space<hbm>>
    %dma_wait3A_368 = arith.constant 0 : i32
    %dma_wait3A_369 = arith.constant 0 : i32
    %dma_wait3A_370 = tpu.memref_slice %arg9[%dma_wait3A_368, %dma_wait3A_369] : memref<256x64xf32, #tpu.memory_space<vmem>> -> memref<128x64xf32, #tpu.memory_space<vmem>>
    %dma_wait3A_371 = arith.constant 0 : i32
    %dma_wait3A_372 = arith.constant 0 : i32
    %dma_wait3A_373 = tpu.memref_slice %arg3[%dma_wait3A_371, %dma_wait3A_372] : memref<1000000x64xf32, #tpu.memory_space<hbm>> -> memref<128x64xf32, #tpu.memory_space<hbm>>
    tpu.wait_dma2 semaphore(%arg13 : memref<!tpu.dma_semaphore, #tpu.memory_space<semaphore_mem>>) src(%dma_wait3A_373 : memref<128x64xf32, #tpu.memory_space<hbm>>) dst(%dma_wait3A_370 : memref<128x64xf32, #tpu.memory_space<vmem>>)
    %dma_wait3A_374 = arith.constant 128 : i32
    %dma_wait3A_375 = arith.constant 0 : i32
    %dma_wait3A_376 = tpu.memref_slice %arg9[%dma_wait3A_374, %dma_wait3A_375] : memref<256x64xf32, #tpu.memory_space<vmem>> -> memref<128x64xf32, #tpu.memory_space<vmem>>
    %dma_wait3A_377 = arith.constant 0 : i32
    %dma_wait3A_378 = arith.constant 0 : i32
    %dma_wait3A_379 = tpu.memref_slice %arg3[%dma_wait3A_377, %dma_wait3A_378] : memref<1000000x64xf32, #tpu.memory_space<hbm>> -> memref<128x64xf32, #tpu.memory_space<hbm>>
    %dma_wait3A_380 = arith.constant 128 : i32
    %dma_wait3A_381 = arith.constant 0 : i32
    %dma_wait3A_382 = tpu.memref_slice %arg9[%dma_wait3A_380, %dma_wait3A_381] : memref<256x64xf32, #tpu.memory_space<vmem>> -> memref<128x64xf32, #tpu.memory_space<vmem>>
    %dma_wait3A_383 = arith.constant 0 : i32
    %dma_wait3A_384 = arith.constant 0 : i32
    %dma_wait3A_385 = tpu.memref_slice %arg3[%dma_wait3A_383, %dma_wait3A_384] : memref<1000000x64xf32, #tpu.memory_space<hbm>> -> memref<128x64xf32, #tpu.memory_space<hbm>>
    tpu.wait_dma2 semaphore(%arg13 : memref<!tpu.dma_semaphore, #tpu.memory_space<semaphore_mem>>) src(%dma_wait3A_385 : memref<128x64xf32, #tpu.memory_space<hbm>>) dst(%dma_wait3A_382 : memref<128x64xf32, #tpu.memory_space<vmem>>)
    %parallel_loop3A_386 = arith.constant 0 : i32
    %parallel_loop3A_387 = arith.constant 256 : i32
    %parallel_loop3A_388 = arith.constant 1 : i32
    scf.for %parallel_loop3A_558 = %parallel_loop3A_386 to %parallel_loop3A_387 step %parallel_loop3A_388  : i32 {
      %parallel_loop3A_559 = arith.index_cast %parallel_loop3A_558 : i32 to index
      %parallel_loop3A_560 = arith.constant 0 : index
      %parallel_loop3A_561 = tpu.vector_load %arg9[%parallel_loop3A_559, %parallel_loop3A_560] {strides = array<i32>} : memref<256x64xf32, #tpu.memory_space<vmem>>, vector<1x16xf32>,
      %parallel_loop3A_562 = vector.shape_cast %parallel_loop3A_561 : vector<1x16xf32> to vector<16xf32>
      %parallel_loop3A_563 = arith.constant 8.000000e+00 : f32
      %parallel_loop3A_564 = vector.broadcast %parallel_loop3A_563 : f32 to vector<16xf32>
      %parallel_loop3A_565 = arith.mulf %parallel_loop3A_562, %parallel_loop3A_564 : vector<16xf32>
      %parallel_loop3A_566 = arith.index_cast %parallel_loop3A_558 : i32 to index
      %parallel_loop3A_567 = arith.constant 0 : index
      %parallel_loop3A_568 = tpu.vector_load %arg9[%parallel_loop3A_566, %parallel_loop3A_567] {strides = array<i32>} : memref<256x64xf32, #tpu.memory_space<vmem>>, vector<1x16xf32>,
      %parallel_loop3A_569 = vector.shape_cast %parallel_loop3A_568 : vector<1x16xf32> to vector<16xf32>
      %parallel_loop3A_570 = vector.shape_cast %parallel_loop3A_565 : vector<16xf32> to vector<1x16xf32>
      tpu.vector_store %arg9[%parallel_loop3A_566, %parallel_loop3A_567], %parallel_loop3A_570 {strides = array<i32>} : memref<256x64xf32, #tpu.memory_space<vmem>>, vector<1x16xf32>,
      %parallel_loop3A_571 = arith.index_cast %parallel_loop3A_558 : i32 to index
      %parallel_loop3A_572 = arith.constant 16 : index
      %parallel_loop3A_573 = tpu.vector_load %arg9[%parallel_loop3A_571, %parallel_loop3A_572] {strides = array<i32>} : memref<256x64xf32, #tpu.memory_space<vmem>>, vector<1x16xf32>,
      %parallel_loop3A_574 = vector.shape_cast %parallel_loop3A_573 : vector<1x16xf32> to vector<16xf32>
      %parallel_loop3A_575 = arith.constant 8.000000e+00 : f32
      %parallel_loop3A_576 = vector.broadcast %parallel_loop3A_575 : f32 to vector<16xf32>
      %parallel_loop3A_577 = arith.mulf %parallel_loop3A_574, %parallel_loop3A_576 : vector<16xf32>
      %parallel_loop3A_578 = arith.index_cast %parallel_loop3A_558 : i32 to index
      %parallel_loop3A_579 = arith.constant 16 : index
      %parallel_loop3A_580 = tpu.vector_load %arg9[%parallel_loop3A_578, %parallel_loop3A_579] {strides = array<i32>} : memref<256x64xf32, #tpu.memory_space<vmem>>, vector<1x16xf32>,
      %parallel_loop3A_581 = vector.shape_cast %parallel_loop3A_580 : vector<1x16xf32> to vector<16xf32>
      %parallel_loop3A_582 = vector.shape_cast %parallel_loop3A_577 : vector<16xf32> to vector<1x16xf32>
      tpu.vector_store %arg9[%parallel_loop3A_578, %parallel_loop3A_579], %parallel_loop3A_582 {strides = array<i32>} : memref<256x64xf32, #tpu.memory_space<vmem>>, vector<1x16xf32>,
      %parallel_loop3A_583 = arith.index_cast %parallel_loop3A_558 : i32 to index
      %parallel_loop3A_584 = arith.constant 32 : index
      %parallel_loop3A_585 = tpu.vector_load %arg9[%parallel_loop3A_583, %parallel_loop3A_584] {strides = array<i32>} : memref<256x64xf32, #tpu.memory_space<vmem>>, vector<1x16xf32>,
      %parallel_loop3A_586 = vector.shape_cast %parallel_loop3A_585 : vector<1x16xf32> to vector<16xf32>
      %parallel_loop3A_587 = arith.constant 8.000000e+00 : f32
      %parallel_loop3A_588 = vector.broadcast %parallel_loop3A_587 : f32 to vector<16xf32>
      %parallel_loop3A_589 = arith.mulf %parallel_loop3A_586, %parallel_loop3A_588 : vector<16xf32>
      %parallel_loop3A_590 = arith.index_cast %parallel_loop3A_558 : i32 to index
      %parallel_loop3A_591 = arith.constant 32 : index
      %parallel_loop3A_592 = tpu.vector_load %arg9[%parallel_loop3A_590, %parallel_loop3A_591] {strides = array<i32>} : memref<256x64xf32, #tpu.memory_space<vmem>>, vector<1x16xf32>,
      %parallel_loop3A_593 = vector.shape_cast %parallel_loop3A_592 : vector<1x16xf32> to vector<16xf32>
      %parallel_loop3A_594 = vector.shape_cast %parallel_loop3A_589 : vector<16xf32> to vector<1x16xf32>
      tpu.vector_store %arg9[%parallel_loop3A_590, %parallel_loop3A_591], %parallel_loop3A_594 {strides = array<i32>} : memref<256x64xf32, #tpu.memory_space<vmem>>, vector<1x16xf32>,
      %parallel_loop3A_595 = arith.index_cast %parallel_loop3A_558 : i32 to index
      %parallel_loop3A_596 = arith.constant 48 : index
      %parallel_loop3A_597 = tpu.vector_load %arg9[%parallel_loop3A_595, %parallel_loop3A_596] {strides = array<i32>} : memref<256x64xf32, #tpu.memory_space<vmem>>, vector<1x16xf32>,
      %parallel_loop3A_598 = vector.shape_cast %parallel_loop3A_597 : vector<1x16xf32> to vector<16xf32>
      %parallel_loop3A_599 = arith.constant 8.000000e+00 : f32
      %parallel_loop3A_600 = vector.broadcast %parallel_loop3A_599 : f32 to vector<16xf32>
      %parallel_loop3A_601 = arith.mulf %parallel_loop3A_598, %parallel_loop3A_600 : vector<16xf32>
      %parallel_loop3A_602 = arith.index_cast %parallel_loop3A_558 : i32 to index
      %parallel_loop3A_603 = arith.constant 48 : index
      %parallel_loop3A_604 = tpu.vector_load %arg9[%parallel_loop3A_602, %parallel_loop3A_603] {strides = array<i32>} : memref<256x64xf32, #tpu.memory_space<vmem>>, vector<1x16xf32>,
      %parallel_loop3A_605 = vector.shape_cast %parallel_loop3A_604 : vector<1x16xf32> to vector<16xf32>
      %parallel_loop3A_606 = vector.shape_cast %parallel_loop3A_601 : vector<16xf32> to vector<1x16xf32>
      tpu.vector_store %arg9[%parallel_loop3A_602, %parallel_loop3A_603], %parallel_loop3A_606 {strides = array<i32>} : memref<256x64xf32, #tpu.memory_space<vmem>>, vector<1x16xf32>,
    } {sc.loop_unroll_factor = 8 : i64, sc.parallel_access}
    %add3A_389 = arith.constant 192 : i32
    %add3A_390 = arith.addi %mul3A_2, %add3A_389 : i32
    %mul3A_391 = arith.constant 128 : i32
    %mul3A_392 = arith.muli %add3A_390, %mul3A_391 : i32
    %dma_start3A_393 = arith.constant 0 : i32
    %dma_start3A_394 = tpu.memref_slice %arg4[%mul3A_392, %dma_start3A_393] : memref<819200x64xf32, #tpu.memory_space<hbm>> -> memref<256x64xf32, #tpu.memory_space<hbm>>
    %dma_start3A_395 = arith.constant 0 : i32
    %dma_start3A_396 = tpu.memref_slice %arg4[%mul3A_392, %dma_start3A_395] : memref<819200x64xf32, #tpu.memory_space<hbm>> -> memref<256x64xf32, #tpu.memory_space<hbm>>
    tpu.enqueue_dma source(%arg9 : memref<256x64xf32, #tpu.memory_space<vmem>>) target(%dma_start3A_396 : memref<256x64xf32, #tpu.memory_space<hbm>>) target_semaphore(%arg17 : memref<!tpu.dma_semaphore, #tpu.memory_space<semaphore_mem>>)
    %dma_wait3A_397 = arith.constant 0 : i32
    %dma_wait3A_398 = arith.constant 0 : i32
    %dma_wait3A_399 = tpu.memref_slice %arg4[%dma_wait3A_397, %dma_wait3A_398] : memref<819200x64xf32, #tpu.memory_space<hbm>> -> memref<256x64xf32, #tpu.memory_space<hbm>>
    %dma_wait3A_400 = arith.constant 0 : i32
    %dma_wait3A_401 = arith.constant 0 : i32
    %dma_wait3A_402 = tpu.memref_slice %arg4[%dma_wait3A_400, %dma_wait3A_401] : memref<819200x64xf32, #tpu.memory_space<hbm>> -> memref<256x64xf32, #tpu.memory_space<hbm>>
    tpu.wait_dma2 semaphore(%arg20 : memref<!tpu.dma_semaphore, #tpu.memory_space<semaphore_mem>>) src(%arg12 : memref<256x64xf32, #tpu.memory_space<vmem>>) dst(%dma_wait3A_402 : memref<256x64xf32, #tpu.memory_space<hbm>>)
    %dma_wait3A_403 = arith.constant 0 : i32
    %dma_wait3A_404 = arith.constant 0 : i32
    %dma_wait3A_405 = tpu.memref_slice %arg2[%dma_wait3A_403, %dma_wait3A_404] : memref<6400x128xi32, #tpu.memory_space<hbm>> -> memref<2x128xi32, #tpu.memory_space<hbm>>
    %dma_wait3A_406 = arith.constant 0 : i32
    %dma_wait3A_407 = arith.constant 0 : i32
    %dma_wait3A_408 = tpu.memref_slice %arg2[%dma_wait3A_406, %dma_wait3A_407] : memref<6400x128xi32, #tpu.memory_space<hbm>> -> memref<2x128xi32, #tpu.memory_space<hbm>>
    tpu.wait_dma2 semaphore(%arg24 : memref<!tpu.dma_semaphore, #tpu.memory_space<semaphore_mem>>) src(%dma_wait3A_408 : memref<2x128xi32, #tpu.memory_space<hbm>>) dst(%arg8 : memref<2x128xi32, #tpu.memory_space<vmem>>)
    %dma_start3A_409 = arith.constant 0 : i32
    %dma_start3A_410 = arith.constant 0 : i32
    %dma_start3A_411 = arith.constant 0 : i32
    %dma_start3A_412 = tpu.memref_slice %arg12[%dma_start3A_410, %dma_start3A_411] : memref<256x64xf32, #tpu.memory_space<vmem>> -> memref<128x64xf32, #tpu.memory_space<vmem>>
    %dma_start3A_413 = arith.constant 0 : i32
    %dma_start3A_414 = tpu.memref_slice %arg8[%dma_start3A_409, %dma_start3A_413] : memref<2x128xi32, #tpu.memory_space<vmem>> -> memref<1x128xi32, #tpu.memory_space<vmem>>
    %dma_start3A_415 = tpu.memref_squeeze %dma_start3A_414 : memref<1x128xi32, #tpu.memory_space<vmem>> -> memref<128xi32, #tpu.memory_space<vmem>>
    %dma_start3A_416 = arith.constant 0 : i32
    %dma_start3A_417 = arith.constant 0 : i32
    %dma_start3A_418 = tpu.memref_slice %arg3[%dma_start3A_416, %dma_start3A_417] : memref<1000000x64xf32, #tpu.memory_space<hbm>> -> memref<1000000x64xf32, #tpu.memory_space<hbm>>
    tpu.enqueue_indirect_dma source(%dma_start3A_418 : memref<1000000x64xf32, #tpu.memory_space<hbm>>) target(%dma_start3A_412 : memref<128x64xf32, #tpu.memory_space<vmem>>) offsets(%dma_start3A_415 : memref<128xi32, #tpu.memory_space<vmem>>) semaphore(%arg16 : memref<!tpu.dma_semaphore, #tpu.memory_space<semaphore_mem>>)
    %dma_start3A_419 = arith.constant 1 : i32
    %dma_start3A_420 = arith.constant 128 : i32
    %dma_start3A_421 = arith.constant 0 : i32
    %dma_start3A_422 = tpu.memref_slice %arg12[%dma_start3A_420, %dma_start3A_421] : memref<256x64xf32, #tpu.memory_space<vmem>> -> memref<128x64xf32, #tpu.memory_space<vmem>>
    %dma_start3A_423 = arith.constant 0 : i32
    %dma_start3A_424 = tpu.memref_slice %arg8[%dma_start3A_419, %dma_start3A_423] : memref<2x128xi32, #tpu.memory_space<vmem>> -> memref<1x128xi32, #tpu.memory_space<vmem>>
    %dma_start3A_425 = tpu.memref_squeeze %dma_start3A_424 : memref<1x128xi32, #tpu.memory_space<vmem>> -> memref<128xi32, #tpu.memory_space<vmem>>
    %dma_start3A_426 = arith.constant 0 : i32
    %dma_start3A_427 = arith.constant 0 : i32
    %dma_start3A_428 = tpu.memref_slice %arg3[%dma_start3A_426, %dma_start3A_427] : memref<1000000x64xf32, #tpu.memory_space<hbm>> -> memref<1000000x64xf32, #tpu.memory_space<hbm>>
    tpu.enqueue_indirect_dma source(%dma_start3A_428 : memref<1000000x64xf32, #tpu.memory_space<hbm>>) target(%dma_start3A_422 : memref<128x64xf32, #tpu.memory_space<vmem>>) offsets(%dma_start3A_425 : memref<128xi32, #tpu.memory_space<vmem>>) semaphore(%arg16 : memref<!tpu.dma_semaphore, #tpu.memory_space<semaphore_mem>>)
    %dma_wait3A_429 = arith.constant 0 : i32
    %dma_wait3A_430 = arith.constant 0 : i32
    %dma_wait3A_431 = tpu.memref_slice %arg10[%dma_wait3A_429, %dma_wait3A_430] : memref<256x64xf32, #tpu.memory_space<vmem>> -> memref<128x64xf32, #tpu.memory_space<vmem>>
    %dma_wait3A_432 = arith.constant 0 : i32
    %dma_wait3A_433 = arith.constant 0 : i32
    %dma_wait3A_434 = tpu.memref_slice %arg3[%dma_wait3A_432, %dma_wait3A_433] : memref<1000000x64xf32, #tpu.memory_space<hbm>> -> memref<128x64xf32, #tpu.memory_space<hbm>>
    %dma_wait3A_435 = arith.constant 0 : i32
    %dma_wait3A_436 = arith.constant 0 : i32
    %dma_wait3A_437 = tpu.memref_slice %arg10[%dma_wait3A_435, %dma_wait3A_436] : memref<256x64xf32, #tpu.memory_space<vmem>> -> memref<128x64xf32, #tpu.memory_space<vmem>>
    %dma_wait3A_438 = arith.constant 0 : i32
    %dma_wait3A_439 = arith.constant 0 : i32
    %dma_wait3A_440 = tpu.memref_slice %arg3[%dma_wait3A_438, %dma_wait3A_439] : memref<1000000x64xf32, #tpu.memory_space<hbm>> -> memref<128x64xf32, #tpu.memory_space<hbm>>
    tpu.wait_dma2 semaphore(%arg14 : memref<!tpu.dma_semaphore, #tpu.memory_space<semaphore_mem>>) src(%dma_wait3A_440 : memref<128x64xf32, #tpu.memory_space<hbm>>) dst(%dma_wait3A_437 : memref<128x64xf32, #tpu.memory_space<vmem>>)
    %dma_wait3A_441 = arith.constant 128 : i32
    %dma_wait3A_442 = arith.constant 0 : i32
    %dma_wait3A_443 = tpu.memref_slice %arg10[%dma_wait3A_441, %dma_wait3A_442] : memref<256x64xf32, #tpu.memory_space<vmem>> -> memref<128x64xf32, #tpu.memory_space<vmem>>
    %dma_wait3A_444 = arith.constant 0 : i32
    %dma_wait3A_445 = arith.constant 0 : i32
    %dma_wait3A_446 = tpu.memref_slice %arg3[%dma_wait3A_444, %dma_wait3A_445] : memref<1000000x64xf32, #tpu.memory_space<hbm>> -> memref<128x64xf32, #tpu.memory_space<hbm>>
    %dma_wait3A_447 = arith.constant 128 : i32
    %dma_wait3A_448 = arith.constant 0 : i32
    %dma_wait3A_449 = tpu.memref_slice %arg10[%dma_wait3A_447, %dma_wait3A_448] : memref<256x64xf32, #tpu.memory_space<vmem>> -> memref<128x64xf32, #tpu.memory_space<vmem>>
    %dma_wait3A_450 = arith.constant 0 : i32
    %dma_wait3A_451 = arith.constant 0 : i32
    %dma_wait3A_452 = tpu.memref_slice %arg3[%dma_wait3A_450, %dma_wait3A_451] : memref<1000000x64xf32, #tpu.memory_space<hbm>> -> memref<128x64xf32, #tpu.memory_space<hbm>>
    tpu.wait_dma2 semaphore(%arg14 : memref<!tpu.dma_semaphore, #tpu.memory_space<semaphore_mem>>) src(%dma_wait3A_452 : memref<128x64xf32, #tpu.memory_space<hbm>>) dst(%dma_wait3A_449 : memref<128x64xf32, #tpu.memory_space<vmem>>)
    %parallel_loop3A_453 = arith.constant 0 : i32
    %parallel_loop3A_454 = arith.constant 256 : i32
    %parallel_loop3A_455 = arith.constant 1 : i32
    scf.for %parallel_loop3A_558 = %parallel_loop3A_453 to %parallel_loop3A_454 step %parallel_loop3A_455  : i32 {
      %parallel_loop3A_559 = arith.index_cast %parallel_loop3A_558 : i32 to index
      %parallel_loop3A_560 = arith.constant 0 : index
      %parallel_loop3A_561 = tpu.vector_load %arg10[%parallel_loop3A_559, %parallel_loop3A_560] {strides = array<i32>} : memref<256x64xf32, #tpu.memory_space<vmem>>, vector<1x16xf32>,
      %parallel_loop3A_562 = vector.shape_cast %parallel_loop3A_561 : vector<1x16xf32> to vector<16xf32>
      %parallel_loop3A_563 = arith.constant 8.000000e+00 : f32
      %parallel_loop3A_564 = vector.broadcast %parallel_loop3A_563 : f32 to vector<16xf32>
      %parallel_loop3A_565 = arith.mulf %parallel_loop3A_562, %parallel_loop3A_564 : vector<16xf32>
      %parallel_loop3A_566 = arith.index_cast %parallel_loop3A_558 : i32 to index
      %parallel_loop3A_567 = arith.constant 0 : index
      %parallel_loop3A_568 = tpu.vector_load %arg10[%parallel_loop3A_566, %parallel_loop3A_567] {strides = array<i32>} : memref<256x64xf32, #tpu.memory_space<vmem>>, vector<1x16xf32>,
      %parallel_loop3A_569 = vector.shape_cast %parallel_loop3A_568 : vector<1x16xf32> to vector<16xf32>
      %parallel_loop3A_570 = vector.shape_cast %parallel_loop3A_565 : vector<16xf32> to vector<1x16xf32>
      tpu.vector_store %arg10[%parallel_loop3A_566, %parallel_loop3A_567], %parallel_loop3A_570 {strides = array<i32>} : memref<256x64xf32, #tpu.memory_space<vmem>>, vector<1x16xf32>,
      %parallel_loop3A_571 = arith.index_cast %parallel_loop3A_558 : i32 to index
      %parallel_loop3A_572 = arith.constant 16 : index
      %parallel_loop3A_573 = tpu.vector_load %arg10[%parallel_loop3A_571, %parallel_loop3A_572] {strides = array<i32>} : memref<256x64xf32, #tpu.memory_space<vmem>>, vector<1x16xf32>,
      %parallel_loop3A_574 = vector.shape_cast %parallel_loop3A_573 : vector<1x16xf32> to vector<16xf32>
      %parallel_loop3A_575 = arith.constant 8.000000e+00 : f32
      %parallel_loop3A_576 = vector.broadcast %parallel_loop3A_575 : f32 to vector<16xf32>
      %parallel_loop3A_577 = arith.mulf %parallel_loop3A_574, %parallel_loop3A_576 : vector<16xf32>
      %parallel_loop3A_578 = arith.index_cast %parallel_loop3A_558 : i32 to index
      %parallel_loop3A_579 = arith.constant 16 : index
      %parallel_loop3A_580 = tpu.vector_load %arg10[%parallel_loop3A_578, %parallel_loop3A_579] {strides = array<i32>} : memref<256x64xf32, #tpu.memory_space<vmem>>, vector<1x16xf32>,
      %parallel_loop3A_581 = vector.shape_cast %parallel_loop3A_580 : vector<1x16xf32> to vector<16xf32>
      %parallel_loop3A_582 = vector.shape_cast %parallel_loop3A_577 : vector<16xf32> to vector<1x16xf32>
      tpu.vector_store %arg10[%parallel_loop3A_578, %parallel_loop3A_579], %parallel_loop3A_582 {strides = array<i32>} : memref<256x64xf32, #tpu.memory_space<vmem>>, vector<1x16xf32>,
      %parallel_loop3A_583 = arith.index_cast %parallel_loop3A_558 : i32 to index
      %parallel_loop3A_584 = arith.constant 32 : index
      %parallel_loop3A_585 = tpu.vector_load %arg10[%parallel_loop3A_583, %parallel_loop3A_584] {strides = array<i32>} : memref<256x64xf32, #tpu.memory_space<vmem>>, vector<1x16xf32>,
      %parallel_loop3A_586 = vector.shape_cast %parallel_loop3A_585 : vector<1x16xf32> to vector<16xf32>
      %parallel_loop3A_587 = arith.constant 8.000000e+00 : f32
      %parallel_loop3A_588 = vector.broadcast %parallel_loop3A_587 : f32 to vector<16xf32>
      %parallel_loop3A_589 = arith.mulf %parallel_loop3A_586, %parallel_loop3A_588 : vector<16xf32>
      %parallel_loop3A_590 = arith.index_cast %parallel_loop3A_558 : i32 to index
      %parallel_loop3A_591 = arith.constant 32 : index
      %parallel_loop3A_592 = tpu.vector_load %arg10[%parallel_loop3A_590, %parallel_loop3A_591] {strides = array<i32>} : memref<256x64xf32, #tpu.memory_space<vmem>>, vector<1x16xf32>,
      %parallel_loop3A_593 = vector.shape_cast %parallel_loop3A_592 : vector<1x16xf32> to vector<16xf32>
      %parallel_loop3A_594 = vector.shape_cast %parallel_loop3A_589 : vector<16xf32> to vector<1x16xf32>
      tpu.vector_store %arg10[%parallel_loop3A_590, %parallel_loop3A_591], %parallel_loop3A_594 {strides = array<i32>} : memref<256x64xf32, #tpu.memory_space<vmem>>, vector<1x16xf32>,
      %parallel_loop3A_595 = arith.index_cast %parallel_loop3A_558 : i32 to index
      %parallel_loop3A_596 = arith.constant 48 : index
      %parallel_loop3A_597 = tpu.vector_load %arg10[%parallel_loop3A_595, %parallel_loop3A_596] {strides = array<i32>} : memref<256x64xf32, #tpu.memory_space<vmem>>, vector<1x16xf32>,
      %parallel_loop3A_598 = vector.shape_cast %parallel_loop3A_597 : vector<1x16xf32> to vector<16xf32>
      %parallel_loop3A_599 = arith.constant 8.000000e+00 : f32
      %parallel_loop3A_600 = vector.broadcast %parallel_loop3A_599 : f32 to vector<16xf32>
      %parallel_loop3A_601 = arith.mulf %parallel_loop3A_598, %parallel_loop3A_600 : vector<16xf32>
      %parallel_loop3A_602 = arith.index_cast %parallel_loop3A_558 : i32 to index
      %parallel_loop3A_603 = arith.constant 48 : index
      %parallel_loop3A_604 = tpu.vector_load %arg10[%parallel_loop3A_602, %parallel_loop3A_603] {strides = array<i32>} : memref<256x64xf32, #tpu.memory_space<vmem>>, vector<1x16xf32>,
      %parallel_loop3A_605 = vector.shape_cast %parallel_loop3A_604 : vector<1x16xf32> to vector<16xf32>
      %parallel_loop3A_606 = vector.shape_cast %parallel_loop3A_601 : vector<16xf32> to vector<1x16xf32>
      tpu.vector_store %arg10[%parallel_loop3A_602, %parallel_loop3A_603], %parallel_loop3A_606 {strides = array<i32>} : memref<256x64xf32, #tpu.memory_space<vmem>>, vector<1x16xf32>,
    } {sc.loop_unroll_factor = 8 : i64, sc.parallel_access}
    %add3A_456 = arith.constant 194 : i32
    %add3A_457 = arith.addi %mul3A_2, %add3A_456 : i32
    %mul3A_458 = arith.constant 128 : i32
    %mul3A_459 = arith.muli %add3A_457, %mul3A_458 : i32
    %dma_start3A_460 = arith.constant 0 : i32
    %dma_start3A_461 = tpu.memref_slice %arg4[%mul3A_459, %dma_start3A_460] : memref<819200x64xf32, #tpu.memory_space<hbm>> -> memref<256x64xf32, #tpu.memory_space<hbm>>
    %dma_start3A_462 = arith.constant 0 : i32
    %dma_start3A_463 = tpu.memref_slice %arg4[%mul3A_459, %dma_start3A_462] : memref<819200x64xf32, #tpu.memory_space<hbm>> -> memref<256x64xf32, #tpu.memory_space<hbm>>
    tpu.enqueue_dma source(%arg10 : memref<256x64xf32, #tpu.memory_space<vmem>>) target(%dma_start3A_463 : memref<256x64xf32, #tpu.memory_space<hbm>>) target_semaphore(%arg18 : memref<!tpu.dma_semaphore, #tpu.memory_space<semaphore_mem>>)
    %dma_wait3A_464 = arith.constant 0 : i32
    %dma_wait3A_465 = arith.constant 0 : i32
    %dma_wait3A_466 = tpu.memref_slice %arg11[%dma_wait3A_464, %dma_wait3A_465] : memref<256x64xf32, #tpu.memory_space<vmem>> -> memref<128x64xf32, #tpu.memory_space<vmem>>
    %dma_wait3A_467 = arith.constant 0 : i32
    %dma_wait3A_468 = arith.constant 0 : i32
    %dma_wait3A_469 = tpu.memref_slice %arg3[%dma_wait3A_467, %dma_wait3A_468] : memref<1000000x64xf32, #tpu.memory_space<hbm>> -> memref<128x64xf32, #tpu.memory_space<hbm>>
    %dma_wait3A_470 = arith.constant 0 : i32
    %dma_wait3A_471 = arith.constant 0 : i32
    %dma_wait3A_472 = tpu.memref_slice %arg11[%dma_wait3A_470, %dma_wait3A_471] : memref<256x64xf32, #tpu.memory_space<vmem>> -> memref<128x64xf32, #tpu.memory_space<vmem>>
    %dma_wait3A_473 = arith.constant 0 : i32
    %dma_wait3A_474 = arith.constant 0 : i32
    %dma_wait3A_475 = tpu.memref_slice %arg3[%dma_wait3A_473, %dma_wait3A_474] : memref<1000000x64xf32, #tpu.memory_space<hbm>> -> memref<128x64xf32, #tpu.memory_space<hbm>>
    tpu.wait_dma2 semaphore(%arg15 : memref<!tpu.dma_semaphore, #tpu.memory_space<semaphore_mem>>) src(%dma_wait3A_475 : memref<128x64xf32, #tpu.memory_space<hbm>>) dst(%dma_wait3A_472 : memref<128x64xf32, #tpu.memory_space<vmem>>)
    %dma_wait3A_476 = arith.constant 128 : i32
    %dma_wait3A_477 = arith.constant 0 : i32
    %dma_wait3A_478 = tpu.memref_slice %arg11[%dma_wait3A_476, %dma_wait3A_477] : memref<256x64xf32, #tpu.memory_space<vmem>> -> memref<128x64xf32, #tpu.memory_space<vmem>>
    %dma_wait3A_479 = arith.constant 0 : i32
    %dma_wait3A_480 = arith.constant 0 : i32
    %dma_wait3A_481 = tpu.memref_slice %arg3[%dma_wait3A_479, %dma_wait3A_480] : memref<1000000x64xf32, #tpu.memory_space<hbm>> -> memref<128x64xf32, #tpu.memory_space<hbm>>
    %dma_wait3A_482 = arith.constant 128 : i32
    %dma_wait3A_483 = arith.constant 0 : i32
    %dma_wait3A_484 = tpu.memref_slice %arg11[%dma_wait3A_482, %dma_wait3A_483] : memref<256x64xf32, #tpu.memory_space<vmem>> -> memref<128x64xf32, #tpu.memory_space<vmem>>
    %dma_wait3A_485 = arith.constant 0 : i32
    %dma_wait3A_486 = arith.constant 0 : i32
    %dma_wait3A_487 = tpu.memref_slice %arg3[%dma_wait3A_485, %dma_wait3A_486] : memref<1000000x64xf32, #tpu.memory_space<hbm>> -> memref<128x64xf32, #tpu.memory_space<hbm>>
    tpu.wait_dma2 semaphore(%arg15 : memref<!tpu.dma_semaphore, #tpu.memory_space<semaphore_mem>>) src(%dma_wait3A_487 : memref<128x64xf32, #tpu.memory_space<hbm>>) dst(%dma_wait3A_484 : memref<128x64xf32, #tpu.memory_space<vmem>>)
    %parallel_loop3A_488 = arith.constant 0 : i32
    %parallel_loop3A_489 = arith.constant 256 : i32
    %parallel_loop3A_490 = arith.constant 1 : i32
    scf.for %parallel_loop3A_558 = %parallel_loop3A_488 to %parallel_loop3A_489 step %parallel_loop3A_490  : i32 {
      %parallel_loop3A_559 = arith.index_cast %parallel_loop3A_558 : i32 to index
      %parallel_loop3A_560 = arith.constant 0 : index
      %parallel_loop3A_561 = tpu.vector_load %arg11[%parallel_loop3A_559, %parallel_loop3A_560] {strides = array<i32>} : memref<256x64xf32, #tpu.memory_space<vmem>>, vector<1x16xf32>,
      %parallel_loop3A_562 = vector.shape_cast %parallel_loop3A_561 : vector<1x16xf32> to vector<16xf32>
      %parallel_loop3A_563 = arith.constant 8.000000e+00 : f32
      %parallel_loop3A_564 = vector.broadcast %parallel_loop3A_563 : f32 to vector<16xf32>
      %parallel_loop3A_565 = arith.mulf %parallel_loop3A_562, %parallel_loop3A_564 : vector<16xf32>
      %parallel_loop3A_566 = arith.index_cast %parallel_loop3A_558 : i32 to index
      %parallel_loop3A_567 = arith.constant 0 : index
      %parallel_loop3A_568 = tpu.vector_load %arg11[%parallel_loop3A_566, %parallel_loop3A_567] {strides = array<i32>} : memref<256x64xf32, #tpu.memory_space<vmem>>, vector<1x16xf32>,
      %parallel_loop3A_569 = vector.shape_cast %parallel_loop3A_568 : vector<1x16xf32> to vector<16xf32>
      %parallel_loop3A_570 = vector.shape_cast %parallel_loop3A_565 : vector<16xf32> to vector<1x16xf32>
      tpu.vector_store %arg11[%parallel_loop3A_566, %parallel_loop3A_567], %parallel_loop3A_570 {strides = array<i32>} : memref<256x64xf32, #tpu.memory_space<vmem>>, vector<1x16xf32>,
      %parallel_loop3A_571 = arith.index_cast %parallel_loop3A_558 : i32 to index
      %parallel_loop3A_572 = arith.constant 16 : index
      %parallel_loop3A_573 = tpu.vector_load %arg11[%parallel_loop3A_571, %parallel_loop3A_572] {strides = array<i32>} : memref<256x64xf32, #tpu.memory_space<vmem>>, vector<1x16xf32>,
      %parallel_loop3A_574 = vector.shape_cast %parallel_loop3A_573 : vector<1x16xf32> to vector<16xf32>
      %parallel_loop3A_575 = arith.constant 8.000000e+00 : f32
      %parallel_loop3A_576 = vector.broadcast %parallel_loop3A_575 : f32 to vector<16xf32>
      %parallel_loop3A_577 = arith.mulf %parallel_loop3A_574, %parallel_loop3A_576 : vector<16xf32>
      %parallel_loop3A_578 = arith.index_cast %parallel_loop3A_558 : i32 to index
      %parallel_loop3A_579 = arith.constant 16 : index
      %parallel_loop3A_580 = tpu.vector_load %arg11[%parallel_loop3A_578, %parallel_loop3A_579] {strides = array<i32>} : memref<256x64xf32, #tpu.memory_space<vmem>>, vector<1x16xf32>,
      %parallel_loop3A_581 = vector.shape_cast %parallel_loop3A_580 : vector<1x16xf32> to vector<16xf32>
      %parallel_loop3A_582 = vector.shape_cast %parallel_loop3A_577 : vector<16xf32> to vector<1x16xf32>
      tpu.vector_store %arg11[%parallel_loop3A_578, %parallel_loop3A_579], %parallel_loop3A_582 {strides = array<i32>} : memref<256x64xf32, #tpu.memory_space<vmem>>, vector<1x16xf32>,
      %parallel_loop3A_583 = arith.index_cast %parallel_loop3A_558 : i32 to index
      %parallel_loop3A_584 = arith.constant 32 : index
      %parallel_loop3A_585 = tpu.vector_load %arg11[%parallel_loop3A_583, %parallel_loop3A_584] {strides = array<i32>} : memref<256x64xf32, #tpu.memory_space<vmem>>, vector<1x16xf32>,
      %parallel_loop3A_586 = vector.shape_cast %parallel_loop3A_585 : vector<1x16xf32> to vector<16xf32>
      %parallel_loop3A_587 = arith.constant 8.000000e+00 : f32
      %parallel_loop3A_588 = vector.broadcast %parallel_loop3A_587 : f32 to vector<16xf32>
      %parallel_loop3A_589 = arith.mulf %parallel_loop3A_586, %parallel_loop3A_588 : vector<16xf32>
      %parallel_loop3A_590 = arith.index_cast %parallel_loop3A_558 : i32 to index
      %parallel_loop3A_591 = arith.constant 32 : index
      %parallel_loop3A_592 = tpu.vector_load %arg11[%parallel_loop3A_590, %parallel_loop3A_591] {strides = array<i32>} : memref<256x64xf32, #tpu.memory_space<vmem>>, vector<1x16xf32>,
      %parallel_loop3A_593 = vector.shape_cast %parallel_loop3A_592 : vector<1x16xf32> to vector<16xf32>
      %parallel_loop3A_594 = vector.shape_cast %parallel_loop3A_589 : vector<16xf32> to vector<1x16xf32>
      tpu.vector_store %arg11[%parallel_loop3A_590, %parallel_loop3A_591], %parallel_loop3A_594 {strides = array<i32>} : memref<256x64xf32, #tpu.memory_space<vmem>>, vector<1x16xf32>,
      %parallel_loop3A_595 = arith.index_cast %parallel_loop3A_558 : i32 to index
      %parallel_loop3A_596 = arith.constant 48 : index
      %parallel_loop3A_597 = tpu.vector_load %arg11[%parallel_loop3A_595, %parallel_loop3A_596] {strides = array<i32>} : memref<256x64xf32, #tpu.memory_space<vmem>>, vector<1x16xf32>,
      %parallel_loop3A_598 = vector.shape_cast %parallel_loop3A_597 : vector<1x16xf32> to vector<16xf32>
      %parallel_loop3A_599 = arith.constant 8.000000e+00 : f32
      %parallel_loop3A_600 = vector.broadcast %parallel_loop3A_599 : f32 to vector<16xf32>
      %parallel_loop3A_601 = arith.mulf %parallel_loop3A_598, %parallel_loop3A_600 : vector<16xf32>
      %parallel_loop3A_602 = arith.index_cast %parallel_loop3A_558 : i32 to index
      %parallel_loop3A_603 = arith.constant 48 : index
      %parallel_loop3A_604 = tpu.vector_load %arg11[%parallel_loop3A_602, %parallel_loop3A_603] {strides = array<i32>} : memref<256x64xf32, #tpu.memory_space<vmem>>, vector<1x16xf32>,
      %parallel_loop3A_605 = vector.shape_cast %parallel_loop3A_604 : vector<1x16xf32> to vector<16xf32>
      %parallel_loop3A_606 = vector.shape_cast %parallel_loop3A_601 : vector<16xf32> to vector<1x16xf32>
      tpu.vector_store %arg11[%parallel_loop3A_602, %parallel_loop3A_603], %parallel_loop3A_606 {strides = array<i32>} : memref<256x64xf32, #tpu.memory_space<vmem>>, vector<1x16xf32>,
    } {sc.loop_unroll_factor = 8 : i64, sc.parallel_access}
    %add3A_491 = arith.constant 196 : i32
    %add3A_492 = arith.addi %mul3A_2, %add3A_491 : i32
    %mul3A_493 = arith.constant 128 : i32
    %mul3A_494 = arith.muli %add3A_492, %mul3A_493 : i32
    %dma_start3A_495 = arith.constant 0 : i32
    %dma_start3A_496 = tpu.memref_slice %arg4[%mul3A_494, %dma_start3A_495] : memref<819200x64xf32, #tpu.memory_space<hbm>> -> memref<256x64xf32, #tpu.memory_space<hbm>>
    %dma_start3A_497 = arith.constant 0 : i32
    %dma_start3A_498 = tpu.memref_slice %arg4[%mul3A_494, %dma_start3A_497] : memref<819200x64xf32, #tpu.memory_space<hbm>> -> memref<256x64xf32, #tpu.memory_space<hbm>>
    tpu.enqueue_dma source(%arg11 : memref<256x64xf32, #tpu.memory_space<vmem>>) target(%dma_start3A_498 : memref<256x64xf32, #tpu.memory_space<hbm>>) target_semaphore(%arg19 : memref<!tpu.dma_semaphore, #tpu.memory_space<semaphore_mem>>)
    %dma_wait3A_499 = arith.constant 0 : i32
    %dma_wait3A_500 = arith.constant 0 : i32
    %dma_wait3A_501 = tpu.memref_slice %arg12[%dma_wait3A_499, %dma_wait3A_500] : memref<256x64xf32, #tpu.memory_space<vmem>> -> memref<128x64xf32, #tpu.memory_space<vmem>>
    %dma_wait3A_502 = arith.constant 0 : i32
    %dma_wait3A_503 = arith.constant 0 : i32
    %dma_wait3A_504 = tpu.memref_slice %arg3[%dma_wait3A_502, %dma_wait3A_503] : memref<1000000x64xf32, #tpu.memory_space<hbm>> -> memref<128x64xf32, #tpu.memory_space<hbm>>
    %dma_wait3A_505 = arith.constant 0 : i32
    %dma_wait3A_506 = arith.constant 0 : i32
    %dma_wait3A_507 = tpu.memref_slice %arg12[%dma_wait3A_505, %dma_wait3A_506] : memref<256x64xf32, #tpu.memory_space<vmem>> -> memref<128x64xf32, #tpu.memory_space<vmem>>
    %dma_wait3A_508 = arith.constant 0 : i32
    %dma_wait3A_509 = arith.constant 0 : i32
    %dma_wait3A_510 = tpu.memref_slice %arg3[%dma_wait3A_508, %dma_wait3A_509] : memref<1000000x64xf32, #tpu.memory_space<hbm>> -> memref<128x64xf32, #tpu.memory_space<hbm>>
    tpu.wait_dma2 semaphore(%arg16 : memref<!tpu.dma_semaphore, #tpu.memory_space<semaphore_mem>>) src(%dma_wait3A_510 : memref<128x64xf32, #tpu.memory_space<hbm>>) dst(%dma_wait3A_507 : memref<128x64xf32, #tpu.memory_space<vmem>>)
    %dma_wait3A_511 = arith.constant 128 : i32
    %dma_wait3A_512 = arith.constant 0 : i32
    %dma_wait3A_513 = tpu.memref_slice %arg12[%dma_wait3A_511, %dma_wait3A_512] : memref<256x64xf32, #tpu.memory_space<vmem>> -> memref<128x64xf32, #tpu.memory_space<vmem>>
    %dma_wait3A_514 = arith.constant 0 : i32
    %dma_wait3A_515 = arith.constant 0 : i32
    %dma_wait3A_516 = tpu.memref_slice %arg3[%dma_wait3A_514, %dma_wait3A_515] : memref<1000000x64xf32, #tpu.memory_space<hbm>> -> memref<128x64xf32, #tpu.memory_space<hbm>>
    %dma_wait3A_517 = arith.constant 128 : i32
    %dma_wait3A_518 = arith.constant 0 : i32
    %dma_wait3A_519 = tpu.memref_slice %arg12[%dma_wait3A_517, %dma_wait3A_518] : memref<256x64xf32, #tpu.memory_space<vmem>> -> memref<128x64xf32, #tpu.memory_space<vmem>>
    %dma_wait3A_520 = arith.constant 0 : i32
    %dma_wait3A_521 = arith.constant 0 : i32
    %dma_wait3A_522 = tpu.memref_slice %arg3[%dma_wait3A_520, %dma_wait3A_521] : memref<1000000x64xf32, #tpu.memory_space<hbm>> -> memref<128x64xf32, #tpu.memory_space<hbm>>
    tpu.wait_dma2 semaphore(%arg16 : memref<!tpu.dma_semaphore, #tpu.memory_space<semaphore_mem>>) src(%dma_wait3A_522 : memref<128x64xf32, #tpu.memory_space<hbm>>) dst(%dma_wait3A_519 : memref<128x64xf32, #tpu.memory_space<vmem>>)
    %parallel_loop3A_523 = arith.constant 0 : i32
    %parallel_loop3A_524 = arith.constant 256 : i32
    %parallel_loop3A_525 = arith.constant 1 : i32
    scf.for %parallel_loop3A_558 = %parallel_loop3A_523 to %parallel_loop3A_524 step %parallel_loop3A_525  : i32 {
      %parallel_loop3A_559 = arith.index_cast %parallel_loop3A_558 : i32 to index
      %parallel_loop3A_560 = arith.constant 0 : index
      %parallel_loop3A_561 = tpu.vector_load %arg12[%parallel_loop3A_559, %parallel_loop3A_560] {strides = array<i32>} : memref<256x64xf32, #tpu.memory_space<vmem>>, vector<1x16xf32>,
      %parallel_loop3A_562 = vector.shape_cast %parallel_loop3A_561 : vector<1x16xf32> to vector<16xf32>
      %parallel_loop3A_563 = arith.constant 8.000000e+00 : f32
      %parallel_loop3A_564 = vector.broadcast %parallel_loop3A_563 : f32 to vector<16xf32>
      %parallel_loop3A_565 = arith.mulf %parallel_loop3A_562, %parallel_loop3A_564 : vector<16xf32>
      %parallel_loop3A_566 = arith.index_cast %parallel_loop3A_558 : i32 to index
      %parallel_loop3A_567 = arith.constant 0 : index
      %parallel_loop3A_568 = tpu.vector_load %arg12[%parallel_loop3A_566, %parallel_loop3A_567] {strides = array<i32>} : memref<256x64xf32, #tpu.memory_space<vmem>>, vector<1x16xf32>,
      %parallel_loop3A_569 = vector.shape_cast %parallel_loop3A_568 : vector<1x16xf32> to vector<16xf32>
      %parallel_loop3A_570 = vector.shape_cast %parallel_loop3A_565 : vector<16xf32> to vector<1x16xf32>
      tpu.vector_store %arg12[%parallel_loop3A_566, %parallel_loop3A_567], %parallel_loop3A_570 {strides = array<i32>} : memref<256x64xf32, #tpu.memory_space<vmem>>, vector<1x16xf32>,
      %parallel_loop3A_571 = arith.index_cast %parallel_loop3A_558 : i32 to index
      %parallel_loop3A_572 = arith.constant 16 : index
      %parallel_loop3A_573 = tpu.vector_load %arg12[%parallel_loop3A_571, %parallel_loop3A_572] {strides = array<i32>} : memref<256x64xf32, #tpu.memory_space<vmem>>, vector<1x16xf32>,
      %parallel_loop3A_574 = vector.shape_cast %parallel_loop3A_573 : vector<1x16xf32> to vector<16xf32>
      %parallel_loop3A_575 = arith.constant 8.000000e+00 : f32
      %parallel_loop3A_576 = vector.broadcast %parallel_loop3A_575 : f32 to vector<16xf32>
      %parallel_loop3A_577 = arith.mulf %parallel_loop3A_574, %parallel_loop3A_576 : vector<16xf32>
      %parallel_loop3A_578 = arith.index_cast %parallel_loop3A_558 : i32 to index
      %parallel_loop3A_579 = arith.constant 16 : index
      %parallel_loop3A_580 = tpu.vector_load %arg12[%parallel_loop3A_578, %parallel_loop3A_579] {strides = array<i32>} : memref<256x64xf32, #tpu.memory_space<vmem>>, vector<1x16xf32>,
      %parallel_loop3A_581 = vector.shape_cast %parallel_loop3A_580 : vector<1x16xf32> to vector<16xf32>
      %parallel_loop3A_582 = vector.shape_cast %parallel_loop3A_577 : vector<16xf32> to vector<1x16xf32>
      tpu.vector_store %arg12[%parallel_loop3A_578, %parallel_loop3A_579], %parallel_loop3A_582 {strides = array<i32>} : memref<256x64xf32, #tpu.memory_space<vmem>>, vector<1x16xf32>,
      %parallel_loop3A_583 = arith.index_cast %parallel_loop3A_558 : i32 to index
      %parallel_loop3A_584 = arith.constant 32 : index
      %parallel_loop3A_585 = tpu.vector_load %arg12[%parallel_loop3A_583, %parallel_loop3A_584] {strides = array<i32>} : memref<256x64xf32, #tpu.memory_space<vmem>>, vector<1x16xf32>,
      %parallel_loop3A_586 = vector.shape_cast %parallel_loop3A_585 : vector<1x16xf32> to vector<16xf32>
      %parallel_loop3A_587 = arith.constant 8.000000e+00 : f32
      %parallel_loop3A_588 = vector.broadcast %parallel_loop3A_587 : f32 to vector<16xf32>
      %parallel_loop3A_589 = arith.mulf %parallel_loop3A_586, %parallel_loop3A_588 : vector<16xf32>
      %parallel_loop3A_590 = arith.index_cast %parallel_loop3A_558 : i32 to index
      %parallel_loop3A_591 = arith.constant 32 : index
      %parallel_loop3A_592 = tpu.vector_load %arg12[%parallel_loop3A_590, %parallel_loop3A_591] {strides = array<i32>} : memref<256x64xf32, #tpu.memory_space<vmem>>, vector<1x16xf32>,
      %parallel_loop3A_593 = vector.shape_cast %parallel_loop3A_592 : vector<1x16xf32> to vector<16xf32>
      %parallel_loop3A_594 = vector.shape_cast %parallel_loop3A_589 : vector<16xf32> to vector<1x16xf32>
      tpu.vector_store %arg12[%parallel_loop3A_590, %parallel_loop3A_591], %parallel_loop3A_594 {strides = array<i32>} : memref<256x64xf32, #tpu.memory_space<vmem>>, vector<1x16xf32>,
      %parallel_loop3A_595 = arith.index_cast %parallel_loop3A_558 : i32 to index
      %parallel_loop3A_596 = arith.constant 48 : index
      %parallel_loop3A_597 = tpu.vector_load %arg12[%parallel_loop3A_595, %parallel_loop3A_596] {strides = array<i32>} : memref<256x64xf32, #tpu.memory_space<vmem>>, vector<1x16xf32>,
      %parallel_loop3A_598 = vector.shape_cast %parallel_loop3A_597 : vector<1x16xf32> to vector<16xf32>
      %parallel_loop3A_599 = arith.constant 8.000000e+00 : f32
      %parallel_loop3A_600 = vector.broadcast %parallel_loop3A_599 : f32 to vector<16xf32>
      %parallel_loop3A_601 = arith.mulf %parallel_loop3A_598, %parallel_loop3A_600 : vector<16xf32>
      %parallel_loop3A_602 = arith.index_cast %parallel_loop3A_558 : i32 to index
      %parallel_loop3A_603 = arith.constant 48 : index
      %parallel_loop3A_604 = tpu.vector_load %arg12[%parallel_loop3A_602, %parallel_loop3A_603] {strides = array<i32>} : memref<256x64xf32, #tpu.memory_space<vmem>>, vector<1x16xf32>,
      %parallel_loop3A_605 = vector.shape_cast %parallel_loop3A_604 : vector<1x16xf32> to vector<16xf32>
      %parallel_loop3A_606 = vector.shape_cast %parallel_loop3A_601 : vector<16xf32> to vector<1x16xf32>
      tpu.vector_store %arg12[%parallel_loop3A_602, %parallel_loop3A_603], %parallel_loop3A_606 {strides = array<i32>} : memref<256x64xf32, #tpu.memory_space<vmem>>, vector<1x16xf32>,
    } {sc.loop_unroll_factor = 8 : i64, sc.parallel_access}
    %add3A_526 = arith.constant 198 : i32
    %add3A_527 = arith.addi %mul3A_2, %add3A_526 : i32
    %mul3A_528 = arith.constant 128 : i32
    %mul3A_529 = arith.muli %add3A_527, %mul3A_528 : i32
    %dma_start3A_530 = arith.constant 0 : i32
    %dma_start3A_531 = tpu.memref_slice %arg4[%mul3A_529, %dma_start3A_530] : memref<819200x64xf32, #tpu.memory_space<hbm>> -> memref<256x64xf32, #tpu.memory_space<hbm>>
    %dma_start3A_532 = arith.constant 0 : i32
    %dma_start3A_533 = tpu.memref_slice %arg4[%mul3A_529, %dma_start3A_532] : memref<819200x64xf32, #tpu.memory_space<hbm>> -> memref<256x64xf32, #tpu.memory_space<hbm>>
    tpu.enqueue_dma source(%arg12 : memref<256x64xf32, #tpu.memory_space<vmem>>) target(%dma_start3A_533 : memref<256x64xf32, #tpu.memory_space<hbm>>) target_semaphore(%arg20 : memref<!tpu.dma_semaphore, #tpu.memory_space<semaphore_mem>>)
    %dma_wait3A_534 = arith.constant 0 : i32
    %dma_wait3A_535 = arith.constant 0 : i32
    %dma_wait3A_536 = tpu.memref_slice %arg4[%dma_wait3A_534, %dma_wait3A_535] : memref<819200x64xf32, #tpu.memory_space<hbm>> -> memref<256x64xf32, #tpu.memory_space<hbm>>
    %dma_wait3A_537 = arith.constant 0 : i32
    %dma_wait3A_538 = arith.constant 0 : i32
    %dma_wait3A_539 = tpu.memref_slice %arg4[%dma_wait3A_537, %dma_wait3A_538] : memref<819200x64xf32, #tpu.memory_space<hbm>> -> memref<256x64xf32, #tpu.memory_space<hbm>>
    tpu.wait_dma2 semaphore(%arg17 : memref<!tpu.dma_semaphore, #tpu.memory_space<semaphore_mem>>) src(%arg9 : memref<256x64xf32, #tpu.memory_space<vmem>>) dst(%dma_wait3A_539 : memref<256x64xf32, #tpu.memory_space<hbm>>)
    %dma_wait3A_540 = arith.constant 0 : i32
    %dma_wait3A_541 = arith.constant 0 : i32
    %dma_wait3A_542 = tpu.memref_slice %arg4[%dma_wait3A_540, %dma_wait3A_541] : memref<819200x64xf32, #tpu.memory_space<hbm>> -> memref<256x64xf32, #tpu.memory_space<hbm>>
    %dma_wait3A_543 = arith.constant 0 : i32
    %dma_wait3A_544 = arith.constant 0 : i32
    %dma_wait3A_545 = tpu.memref_slice %arg4[%dma_wait3A_543, %dma_wait3A_544] : memref<819200x64xf32, #tpu.memory_space<hbm>> -> memref<256x64xf32, #tpu.memory_space<hbm>>
    tpu.wait_dma2 semaphore(%arg18 : memref<!tpu.dma_semaphore, #tpu.memory_space<semaphore_mem>>) src(%arg10 : memref<256x64xf32, #tpu.memory_space<vmem>>) dst(%dma_wait3A_545 : memref<256x64xf32, #tpu.memory_space<hbm>>)
    %dma_wait3A_546 = arith.constant 0 : i32
    %dma_wait3A_547 = arith.constant 0 : i32
    %dma_wait3A_548 = tpu.memref_slice %arg4[%dma_wait3A_546, %dma_wait3A_547] : memref<819200x64xf32, #tpu.memory_space<hbm>> -> memref<256x64xf32, #tpu.memory_space<hbm>>
    %dma_wait3A_549 = arith.constant 0 : i32
    %dma_wait3A_550 = arith.constant 0 : i32
    %dma_wait3A_551 = tpu.memref_slice %arg4[%dma_wait3A_549, %dma_wait3A_550] : memref<819200x64xf32, #tpu.memory_space<hbm>> -> memref<256x64xf32, #tpu.memory_space<hbm>>
    tpu.wait_dma2 semaphore(%arg19 : memref<!tpu.dma_semaphore, #tpu.memory_space<semaphore_mem>>) src(%arg11 : memref<256x64xf32, #tpu.memory_space<vmem>>) dst(%dma_wait3A_551 : memref<256x64xf32, #tpu.memory_space<hbm>>)
    %dma_wait3A_552 = arith.constant 0 : i32
    %dma_wait3A_553 = arith.constant 0 : i32
    %dma_wait3A_554 = tpu.memref_slice %arg4[%dma_wait3A_552, %dma_wait3A_553] : memref<819200x64xf32, #tpu.memory_space<hbm>> -> memref<256x64xf32, #tpu.memory_space<hbm>>
    %dma_wait3A_555 = arith.constant 0 : i32
    %dma_wait3A_556 = arith.constant 0 : i32
    %dma_wait3A_557 = tpu.memref_slice %arg4[%dma_wait3A_555, %dma_wait3A_556] : memref<819200x64xf32, #tpu.memory_space<hbm>> -> memref<256x64xf32, #tpu.memory_space<hbm>>
    tpu.wait_dma2 semaphore(%arg20 : memref<!tpu.dma_semaphore, #tpu.memory_space<semaphore_mem>>) src(%arg12 : memref<256x64xf32, #tpu.memory_space<vmem>>) dst(%dma_wait3A_557 : memref<256x64xf32, #tpu.memory_space<hbm>>)
    return
  }
}

</mosaic_0001>

<sc_bundles>
// kernel: kernel.3.cloned.1.call-start
scs
__scs_entry_jumppad:
0x0: {  	(pc) =	sbr.rel $0x88, $3  }
0x1: {  	(tag) =	ssettag $0x0;
	lr =	simm.s32 $0x1  }
0x2: {  	[smem:$0x3F9F] =	sst lr;
	_ =	strace $0xD0000000  }
0x3: {  	_ = 	snop  }
0x4: {  	_ = 	snop  }
0x5: {  	_ = 	snop  }
0x6: {  	_ = 	snop  }
0x7: {  	_ = 	snop  }
__scs_overlays_trampoline_lowered:
0x8: {  	[smem:$0x3FAE] =	sst s0  }
0x9: {  	[smem:$0x3FAF] =	sst s1  }
0xa: {  	[smem:$0x3FB0] =	sst s2  }
0xb: {  	[smem:$0x3FB1] =	sst s3  }
0xc: {  	[smem:$0x3FB2] =	sst s4  }
0xd: {  	[smem:$0x3FB3] =	sst s5  }
0xe: {  	[smem:$0x3FB4] =	sst s6  }
0xf: {  	[smem:$0x3FB5] =	sst s7  }
0x10: {  	[smem:$0x3FB6] =	sst s8  }
0x11: {  	[smem:$0x3FB7] =	sst s9;
	s0 =	simm.s32 @!p0 $0x0  }
0x12: {  	s1 =	sld [smem:$0x3F9D];
	s0 =	simm.s32 @p0 $0x1  }
0x13: {  	[smem:$0x3FB8] =	sst s0;
	s0 =	simm.s32 @!p1 $0x0  }
0x14: {  	s2 =	sld [smem:$0x3F9C];
	s0 =	simm.s32 @p1 $0x1  }
0x15: {  	[smem:$0x3FB9] =	sst s0;
	s0 =	simm.s32 @!p2 $0x0  }
0x16: {  	s3 =	sld [smem:$0x3FDB];
	s0 =	simm.s32 @p2 $0x1  }
0x17: {  	s4 =	simm.s32 $0x1BF5;
	[smem:$0x3FBB] =	sst s0  }
0x18: {  	s0 =	sld [smem:$0x3F9E];
	_ =	swait.ge [sflag:s4], $0x0  }
0x19: {  	s7 =	sld [smem:$0x3F9F]  }
0x1a: {  	s8 =	sadd.s32 $0xFFFFE003, lr  }
0x1b: {  	s9 =	sadd.s32 $0xFFFFFEF7, lr;
	s5 =	simm.s32 $0xFFFFFFFF;
	p2 =	slt.u32 s8, $0xFFFFF086  }
0x1c: {  	p1 =	slt.u32 s9, $0xF7A;
	s5 =	simm.s32 @!p2 $0x0  }
0x1d: {  	s5 =	simm.s32 @p1 $0x1;
	p0 =	seq.s32 s7, s2  }
0x1e: {  	s7 =	smul.u32 @!p0 $0xF7A, s2;
	p2 =	seq.s32 @!p0 s5, $0x0  }
0x1f: {  	s9 =	smul.u32 $0xF7A, s1;
	s8 =	simm.s32 @!p0 $0x1BF5;
	p2 =	por !p2, p0  }
0x20: {  	[sflag:s8] =	ssyncset.s32 @!p0 $0xFFFFF086;
	s6 =	sadd.s32 @!p0 s3, s7;
	s7 =	simm.s32 @!p0 $0x108  }
0x21: {  	s3 =	sadd.s32 s3, s9;
	s6 =	sadd.s32 @!p0 $0x88, s6;
	s7 =	simm.s32 @p2 $0x1082  }
0x22: {  	[simem:s7], [sflag:s8] =	dma.local @!p0 [hbm:s6], $0xF7A  }
0x23: {  	s9 =	sor.u32 $0xD0000000, s2;
	s6 =	simm.s32 $0x108;
	_ =	swait.ge @!p0 [sflag:s8], $0x0  }
0x24: {  	s3 =	sadd.s32 $0x88, s3;
	s6 =	simm.s32 @!p1 $0x1082;
	[sflag:s4] =	ssyncset.s32 $0xFFFFF086  }
0x25: {  	[simem:s6], [sflag:s4] =	dma.local [hbm:s3], $0xF7A  }
0x26: {  	[smem:$0x3F9F] =	sst s1;
	(tag) =	ssettag s2;
	_ =	strace s9  }
0x27: {  	s1 =	sld [smem:$0x3FAF]  }
0x28: {  	s2 =	sld [smem:$0x3FB0]  }
0x29: {  	s4 =	sld [smem:$0x3FB2]  }
0x2a: {  	p0 =	seq.s32 s5, $0x0;
	s5 =	sld [smem:$0x3FB3]  }
0x2b: {  	s6 =	sld [smem:$0x3FB4]  }
0x2c: {  	s7 =	sld [smem:$0x3FB5]  }
0x2d: {  	s3 =	simm.s32 $0x108;
	s8 =	sld [smem:$0x3FB6]  }
0x2e: {  	s3 =	simm.s32 @!p0 $0x1082;
	s9 =	sld [smem:$0x3FB7]  }
0x2f: {  	lr =	sadd.s32 s0, s3;
	s0 =	sld [smem:$0x3FAE]  }
0x30: {  	s3 =	sld [smem:$0x3FB1]  }
0x31: {  	[smem:$0x3FBA] =	sst s10  }
0x32: {  	s10 =	sld [smem:$0x3FB8];
	_ =	sdelay $0x3  }
0x33: {  	p0 =	seq.s32 s10, $0x1;
	s10 =	sld [smem:$0x3FBA];
	_ =	sdelay $0x3  }
0x34: {  	[smem:$0x3FBA] =	sst s10  }
0x35: {  	s10 =	sld [smem:$0x3FB9];
	_ =	sdelay $0x3  }
0x36: {  	p1 =	seq.s32 s10, $0x1;
	s10 =	sld [smem:$0x3FBA];
	_ =	sdelay $0x3  }
0x37: {  	[smem:$0x3FBA] =	sst s10  }
0x38: {  	s10 =	sld [smem:$0x3FBB]  }
0x39: {  	_ = 	snop;
	(pc) =	sbr.ind lr, $3  }
0x3a: {  	_ = 	snop  }
0x3b: {  	_ = 	snop  }
0x3c: {  	p2 =	seq.s32 s10, $0x1;
	s10 =	sld [smem:$0x3FBA]  }
0x3d: {  	_ =	shalt  }
0x3e: {  	_ =	shalt  }
0x3f: {  	_ =	shalt  }
0x40: {  	_ =	shalt  }
0x41: {  	_ =	shalt  }
0x42: {  	_ =	shalt  }
0x43: {  	_ =	shalt  }
0x44: {  	_ =	shalt  }
0x45: {  	_ =	shalt  }
0x46: {  	_ =	shalt  }
0x47: {  	_ =	shalt  }
0x48: {  	_ =	shalt  }
0x49: {  	_ =	shalt  }
0x4a: {  	_ =	shalt  }
0x4b: {  	_ =	shalt  }
0x4c: {  	_ =	shalt  }
0x4d: {  	_ =	shalt  }
0x4e: {  	_ =	shalt  }
0x4f: {  	_ =	shalt  }
0x50: {  	_ =	shalt  }
0x51: {  	_ =	shalt  }
0x52: {  	_ =	shalt  }
0x53: {  	_ =	shalt  }
0x54: {  	_ =	shalt  }
0x55: {  	_ =	shalt  }
0x56: {  	_ =	shalt  }
0x57: {  	_ =	shalt  }
0x58: {  	_ =	shalt  }
0x59: {  	_ =	shalt  }
0x5a: {  	_ =	shalt  }
0x5b: {  	_ =	shalt  }
0x5c: {  	_ =	shalt  }
0x5d: {  	_ =	shalt  }
0x5e: {  	_ =	shalt  }
0x5f: {  	_ =	shalt  }
0x60: {  	_ =	shalt  }
0x61: {  	_ =	shalt  }
0x62: {  	_ =	shalt  }
0x63: {  	_ =	shalt  }
0x64: {  	_ =	shalt  }
0x65: {  	_ =	shalt  }
0x66: {  	_ =	shalt  }
0x67: {  	_ =	shalt  }
0x68: {  	_ =	shalt  }
0x69: {  	_ =	shalt  }
0x6a: {  	_ =	shalt  }
0x6b: {  	_ =	shalt  }
0x6c: {  	_ =	shalt  }
0x6d: {  	_ =	shalt  }
0x6e: {  	_ =	shalt  }
0x6f: {  	_ =	shalt  }
0x70: {  	_ =	shalt  }
0x71: {  	_ =	shalt  }
0x72: {  	_ =	shalt  }
0x73: {  	_ =	shalt  }
0x74: {  	_ =	shalt  }
0x75: {  	_ =	shalt  }
0x76: {  	_ =	shalt  }
0x77: {  	_ =	shalt  }
0x78: {  	_ =	shalt  }
0x79: {  	_ =	shalt  }
0x7a: {  	_ =	shalt  }
0x7b: {  	_ =	shalt  }
0x7c: {  	_ =	shalt  }
0x7d: {  	_ =	shalt  }
0x7e: {  	_ =	shalt  }
0x7f: {  	_ =	shalt  }
0x80: {  	_ =	shalt  }
0x81: {  	_ =	shalt  }
0x82: {  	_ =	shalt  }
0x83: {  	_ =	shalt  }
0x84: {  	_ =	shalt  }
0x85: {  	_ =	shalt  }
0x86: {  	_ =	shalt  }
0x87: {  	_ =	shalt  }
.Lfunc_end0:
.L_simem_size_0:
called_computation.1_lowered:
.L_overlay_start_0:
0x88: {  	s2 =	sld [smem:$0x3FD9]  }
0x89: {  	s3 =	sld [smem:$0x3FFE];
	_ =	sdelay $0x1  }
0x8a: {  	s1 =	srdreg.scid  }
0x8b: {  	s0 =	sand.u32 $0x1, s1  }
0x8c: {  	s17 =	sshll.u32 s0, $0xA;
	s2 =	sadd.s32 s3, s2  }
0x8d: {  	s2 =	sadd.s32 s2, s17  }
0x8e: {  	[smem:$0x3FC6] =	sst s2  }
0x8f: {  	_ = 	snop  }
0x90: {  	s2 =	sld [smem:$0x3FD0];
	(tm) =	ssettm $0x1  }
0x91: {  	s18 =	sld [smem:$0x3FFB];
	_ =	sdelay $0x3  }
0x92: {  	_ =	strace s18  }
0x93: {  	s3 =	sld [smem:$0x3FFC];
	_ =	sdelay $0x3  }
0x94: {  	_ =	strace s3  }
0x95: {  	s3 =	sld [smem:$0x3FFD];
	_ =	sdelay $0x3  }
0x96: {  	_ =	strace s3  }
0x97: {  	_ =	strace $0x8FFFFFFF  }
0x98: {  	s19 =	sld [smem:$0x3FDB];
	_ =	sdelay $0x1  }
0x99: {  	s4 =	simm.s32 $_scs_section_size  }
0x9a: {  	s5 =	simm.s32 $_size__tile_overlayer_lowered;
	s6 =	simm.s32 $_tile_overlayer_lowered  }
0x9b: {  	s22 =	simm.s32 $0x1BFF;
	s21 =	sshll.u32 s6, $0x1;
	s3 =	sadd.s32 s4, s19  }
0x9c: {  	s7 =	simm.s32 $0x0;
	s20 =	sshll.u32 s5, $0x1;
	s5 =	sadd.s32 s21, s3  }
0x9d: {  	[timem:s7], [sflag:s22] =	dma.local [hbm:s5], s20  }
0x9e: {  	_ =	swait.ge [sflag:s22], s20  }
0x9f: {  	s4 =	ssub.s32 $0x0, s20;
	[sflag:s22] =	ssyncset.done $0x0  }
0xa0: {  	[sflag:s22] =	ssyncadd.s32 s4;
	_ =	sdelay $0x1  }
0xa1: {  	s23 =	simm.s32 $0x1B8B  }
0xa2: {  	_ =	swait.ge [sflag:s23], $0x1  }
0xa3: {  	[sflag:s23] =	ssyncset.done $0x0  }
0xa4: {  	s25 =	simm.s32 $0x1B8E;
	s24 =	sld [smem:$0x3FFE];
	[sflag:s23] =	ssyncadd.s32 $0xFFFFFFFF  }
0xa5: {  	s26 =	simm.s32 $execute0_lowered;
	[smem:$0x3FD2] =	sst s25  }
0xa6: {  	s5 =	sshll.u32 s26, $0x1;
	_ =	strace $0x80000046;
	[dreg:$0x1] =	wrdreg $0xFFFFFFFF  }
0xa7: {  	s28 =	simm.s32 $_size_execute0_lowered;
	s3 =	sadd.s32 s3, s5;
	[dreg:$0x0] =	wrdreg $0x0  }
0xa8: {  	s5 =	sshll.u32 s28, $0x1;
	[dreg:$0x2] =	wrdreg s3  }
0xa9: {  	[dreg:$0x3] =	wrdreg s5  }
0xaa: {  	[dreg:$0x4] =	wrdreg $0xC0  }
0xab: {  	_ =	task [dreg:s7], $0x5FFFF  }
0xac: {  	[dreg:$0x1] =	wrdreg $0xFFFFFFFF  }
0xad: {  	[dreg:$0x0] =	wrdreg $0x60  }
0xae: {  	[dreg:$0x2] =	wrdreg s24  }
0xaf: {  	[dreg:$0x3] =	wrdreg s2  }
0xb0: {  	[dreg:$0x4] =	wrdreg $0x9  }
0xb1: {  	_ =	task.clear_ibuf [dreg:s7], $0x5FFFF;
	_ =	strace $0x90000046  }
0xb2: {  	s29 =	simm.s32 $0x9;
	_ =	strace $0x80000048  }
0xb3: {  	_ =	swait.ge [sflag:s29], $0x1  }
0xb4: {  	[sflag:s29] =	ssyncadd.s32 $0xFFFFFFFF  }
0xb5: {  	_ =	strace $0x90000048  }
0xb6: {  	_ =	sfence  }
0xb7: {  	s30 =	sld [smem:$0x0];
	_ =	sdelay $0x2  }
0xb8: {  	s31 =	sshll.u32 s1, $0xD;
	s1 =	sshrl.u32 s1, $0x2  }
0xb9: {  	s3 =	sand.u32 $0x4000, s31;
	s1 =	sadd.s32 s1, s30  }
0xba: {  	s0 =	sor.u32 s3, s0;
	s1 =	sshll.u32 s1, $0x11  }
0xbb: {  	s0 =	sor.u32 s1, s0  }
0xbc: {  	s0 =	sadd.s32 $0x8F2B, s0  }
0xbd: {  	[sflag:s0] =	ssyncadd.remote.s32 $0x1  }
0xbe: {  	_ =	sfence.sel $0xFFFF  }
0xbf: {  	[dreg:$0x0] =	wrdreg $0xFFFFFFFF;
	(pc) =	sbr.abs _section_cstart, $3  }
0xc0: {  	[dreg:$0x1] =	wrdreg $0xFFFFFFFF  }
0xc1: {  	_ =	task.clear_ibuf [dreg:s7], $0x2FFFF;
	_ =	strace $0x9FFFFFFF  }
0xc2: {  	(tm) =	ssettm $0x7FFFFFFF  }
0xc3: {  	_ =	shalt  }
tec
execute0_lowered:
.L_overlay_start_1:
0x0: {  	(tag) =	ssettag $0x1  }
0x1: {  	s0 =	rddreg [dreg:$0x0]  }
0x2: {  	s1 =	srdreg.scid;
	s4 =	stileid.u32  }
0x3: {  	s2 =	rddreg [dreg:$0x1];
	s1 =	sand.u32 $0x1, s1;
	s4 =	sshll.u32 s4, $0x1  }
0x4: {  	s3 =	simm.s32 $0x0;
	s28 =	simm.s32 $0xC400;
	s6 =	sor.u32 s1, s4  }
0x5: {  	s31 =	simm.s32 $0x2;
	s29 =	simm.s32 $0x7;
	s7 =	smul.u32 $0x6400, s6  }
0x6: {  	[smem:$0x7FF] =	sst s3;
	s19 =	ssub.s32 $0x2, s1;
	s8 =	smul.u32 $0xC80, s6  }
0x7: {  	s5 =	sadd.s32 $0xF42E00, s0;
	s1 =	sshrl.u32 s19, $0x1;
	s13 =	smul.u32 $0x32000, s6  }
0x8: {  	s4 =	sadd.s32 $0xA00, s0;
	s0 =	ssub.s32 s19, s1;
	s1 =	smul.u32 $0xC8, s6  }
0x9: {  	s30 =	simm.s32 $0xB;
	_ =	strace $0x80000047;
	s6 =	smul.u32 $0x190000, s6  }
0xa: {  	s9 =	sor.u32 $0x100, s7;
	s8 =	sadd.s32 s4, s8;
	s21 =	sor.u32 $0x200, s7  }
0xb: {  	s11 =	sor.u32 $0x300, s7;
	s25 =	sadd.s32 s2, s13;
	[dreg:$0x3] =	wrdreg s8  }
0xc: {  	s7 =	sshrl.u32 s7, $0x3;
	s0 =	smax.u32 s0, $0x1;
	[dreg:$0x8] =	wrdreg s25  }
0xd: {  	s10 =	sshrl.u32 s9, $0x3;
	s15 =	sadd.s32 $0x8, s1;
	[dreg:$0x19] =	wrdreg s0  }
0xe: {  	s22 =	sshrl.u32 s21, $0x3;
	s16 =	sadd.s32 $0xA, s1;
	[dreg:$0xf] =	wrdreg s15  }
0xf: {  	s12 =	sshrl.u32 s11, $0x3;
	s17 =	sor.u32 $0x2, s1;
	[dreg:$0x10] =	wrdreg s16  }
0x10: {  	s7 =	sadd.s32 s4, s7;
	s18 =	sadd.s32 $0xC, s1;
	[dreg:$0x11] =	wrdreg s17  }
0x11: {  	s9 =	sshll.u32 s9, $0x3;
	s19 =	sor.u32 $0x4, s1;
	[dreg:$0x12] =	wrdreg s18  }
0x12: {  	s8 =	sshll.u32 s21, $0x3;
	s20 =	sadd.s32 s4, s10;
	[dreg:$0x13] =	wrdreg s19  }
0x13: {  	s13 =	sshll.u32 s11, $0x3;
	s10 =	sadd.s32 s4, s22;
	[dreg:$0x4] =	wrdreg s20  }
0x14: {  	s25 =	sor.u32 $0x6, s1;
	s23 =	sadd.s32 s4, s12;
	[dreg:$0x5] =	wrdreg s10  }
0x15: {  	s0 =	simm.s32 $0x5;
	s24 =	sadd.s32 $0x80, s7;
	[dreg:$0x6] =	wrdreg s23  }
0x16: {  	s11 =	simm.s32 $0x6;
	s26 =	sadd.s32 $0xA0, s7;
	[dreg:$0x7] =	wrdreg s24  }
0x17: {  	s9 =	sadd.s32 s2, s9;
	s12 =	sadd.s32 $0xC0, s7;
	[dreg:$0x9] =	wrdreg s26  }
0x18: {  	s8 =	sadd.s32 s2, s8;
	s7 =	sadd.s32 $0xE0, s7;
	[dreg:$0xa] =	wrdreg s9  }
0x19: {  	s14 =	sadd.s32 s2, s13;
	s13 =	simm.s32 $0x8400;
	[dreg:$0xb] =	wrdreg s12  }
0x1a: {  	s17 =	simm.s32 $0x300;
	s18 =	simm.s32 $0x1;
	[dreg:$0xc] =	wrdreg s8  }
0x1b: {  	s15 =	simm.s32 $0x4;
	s19 =	simm.s32 $0x8;
	[dreg:$0xd] =	wrdreg s7  }
0x1c: {  	[dreg:$0xe] =	wrdreg s14;
	s24 =	smov.u32 s6;
	s6 =	sshrl.u32 s6, $0x3  }
0x1d: {  	s20 =	sadd.s32 $0xE, s1;
	s1 =	simm.s32 $0x80;
	s8 =	simm.s32 $0x100  }
0x1e: {  	s9 =	simm.s32 $0x4400;
	s12 =	simm.s32 $0x200;
	s6 =	sadd.s32 s2, s6  }
0x1f: {  	s7 =	simm.s32 $0x9;
	[dreg:$0x14] =	wrdreg s20;
	s21 =	sadd.s32 $0x30000, s6  }
0x20: {  	s10 =	simm.s32 $0x3;
	s22 =	sadd.s32 $0x30800, s6;
	[dreg:$0x15] =	wrdreg s21  }
0x21: {  	s14 =	simm.s32 $0xA;
	s23 =	sadd.s32 $0x31000, s6;
	[dreg:$0x16] =	wrdreg s22  }
0x22: {  	s20 =	simm.s32 $0x0;
	s26 =	sadd.s32 $0x31800, s6;
	[dreg:$0x17] =	wrdreg s23  }
0x23: {  	s6 =	simm.s32 $0x400;
	[dreg:$0x18] =	wrdreg s26;
	s26 =	simm.s32 $0xC  }
.LBB2_1:
0x24: {  	[dreg:$0x1a] =	wrdreg s20  }
0x25: {  	s16 =	rddreg [dreg:$0x3];
	s20 =	simm.s32 $0xD  }
0x26: {  	[tilespmem:s3], [sflag:$0xD] =	stream.linear.gather [hbm4b:s16+s3], $0x100, $0x38;
	[tilespmem:$0x10400] =	vst v63  }
0x27: {  	_ =	swait.ge [sflag:s20], $0x100  }
0x28: {  	[sflag:s20] =	ssyncset.done $0x0  }
0x29: {  	[sflag:s20] =	ssyncadd.s32 $0xFFFFFF00  }
0x2a: {  	[tilespmem:s6], [sflag:$0x1] =	stream.indirect.gather [hbm4b:s5+s1], $0x40, s3, s1, $0xb8;
	[tilespmem:$0x10400] =	vst v63  }
0x2b: {  	s23 =	simm.s32 $0x2400  }
0x2c: {  	[tilespmem:s23], [sflag:$0x1] =	stream.indirect.gather [hbm4b:s5+s1], $0x40, s1, s1, $0xb8;
	[tilespmem:$0x10400] =	vst v63  }
0x2d: {  	s21 =	rddreg [dreg:$0x4]  }
0x2e: {  	[tilespmem:s8], [sflag:$0xD] =	stream.linear.gather [hbm4b:s21+s3], $0x100, $0x38;
	[tilespmem:$0x10400] =	vst v63  }
0x2f: {  	_ =	swait.ge [sflag:s20], $0x100  }
0x30: {  	[sflag:s20] =	ssyncset.done $0x0  }
0x31: {  	[sflag:s20] =	ssyncadd.s32 $0xFFFFFF00  }
0x32: {  	[tilespmem:s9], [sflag:$0x2] =	stream.indirect.gather [hbm4b:s5+s1], $0x40, s8, s1, $0xb8;
	[tilespmem:$0x10400] =	vst v63  }
0x33: {  	s22 =	simm.s32 $0x180;
	s21 =	simm.s32 $0x6400  }
0x34: {  	[tilespmem:s21], [sflag:$0x2] =	stream.indirect.gather [hbm4b:s5+s1], $0x40, s22, s1, $0xb8;
	[tilespmem:$0x10400] =	vst v63  }
0x35: {  	s23 =	rddreg [dreg:$0x5]  }
0x36: {  	[tilespmem:s12], [sflag:$0xD] =	stream.linear.gather [hbm4b:s23+s3], $0x100, $0x38;
	[tilespmem:$0x10400] =	vst v63  }
0x37: {  	_ =	swait.ge [sflag:s20], $0x100  }
0x38: {  	[sflag:s20] =	ssyncset.done $0x0  }
0x39: {  	[sflag:s20] =	ssyncadd.s32 $0xFFFFFF00  }
0x3a: {  	[tilespmem:s13], [sflag:$0x3] =	stream.indirect.gather [hbm4b:s5+s1], $0x40, s12, s1, $0xb8;
	[tilespmem:$0x10400] =	vst v63  }
0x3b: {  	s21 =	simm.s32 $0xA400;
	s20 =	simm.s32 $0x280  }
0x3c: {  	[tilespmem:s21], [sflag:$0x3] =	stream.indirect.gather [hbm4b:s5+s1], $0x40, s20, s1, $0xb8;
	[tilespmem:$0x10400] =	vst v63  }
0x3d: {  	s22 =	rddreg [dreg:$0x6]  }
0x3e: {  	[tilespmem:s17], [sflag:$0xC] =	stream.linear.gather [hbm4b:s22+s3], $0x100, $0x38;
	[tilespmem:$0x10400] =	vst v63  }
0x3f: {  	_ =	swait.ge [sflag:s18], $0x2000  }
0x40: {  	[sflag:s18] =	ssyncset.done $0x0  }
0x41: {  	[sflag:s18] =	ssyncadd.s32 $0xFFFFE000  }
0x42: {  	_ =	swait.ge [sflag:s18], $0x2000  }
0x43: {  	[sflag:s18] =	ssyncset.done $0x0  }
0x44: {  	s16 =	simm.s32 $0x500;
	s23 =	rddreg [dreg:$0x7];
	[sflag:s18] =	ssyncadd.s32 $0xFFFFE000  }
0x45: {  	[tilespmem:s3], [sflag:$0x9] =	stream.linear.gather [hbm4b:s23+s3], $0x100, $0x38;
	[tilespmem:$0x10400] =	vst v63  }
0x46: {  	v0 =	vld [tilespmem:s16+$0xF0]  }
0x47: {  	v1 =	vld [tilespmem:s16+$0xFFFFFF10]  }
0x48: {  	v2 =	vld [tilespmem:s16+$0xFFFFFF20]  }
0x49: {  	v3 =	vld [tilespmem:s16+$0xFFFFFF30]  }
0x4a: {  	v4 =	vld [tilespmem:s16+$0xFFFFFF40]  }
0x4b: {  	v5 =	vld [tilespmem:s16+$0xFFFFFF50];
	v0 =	vmul.f32 $8.000000000e+00, v0  }
0x4c: {  	v6 =	vld [tilespmem:s16+$0xFFFFFF60];
	v1 =	vmul.f32 $8.000000000e+00, v1  }
0x4d: {  	v7 =	vld [tilespmem:s16+$0xFFFFFF70];
	v2 =	vmul.f32 $8.000000000e+00, v2;
	[tilespmem:s16+$0xF0] =	vst v0  }
0x4e: {  	[tilespmem:s16+$0xFFFFFF10] =	vst v1;
	v0 =	vmul.f32 $8.000000000e+00, v3;
	v1 =	vld [tilespmem:s16+$0xFFFFFF80]  }
0x4f: {  	[tilespmem:s16+$0xFFFFFF20] =	vst v2;
	v2 =	vmul.f32 $8.000000000e+00, v4;
	v3 =	vld [tilespmem:s16+$0xFFFFFF90]  }
0x50: {  	v4 =	vld [tilespmem:s16+$0xFFFFFFA0];
	[tilespmem:s16+$0xFFFFFF30] =	vst v0;
	v0 =	vmul.f32 $8.000000000e+00, v5  }
0x51: {  	[tilespmem:s16+$0xFFFFFF40] =	vst v2;
	v2 =	vmul.f32 $8.000000000e+00, v6;
	v5 =	vld [tilespmem:s16+$0xFFFFFFB0]  }
0x52: {  	v6 =	vld [tilespmem:s16+$0xFFFFFFC0];
	[tilespmem:s16+$0xFFFFFF50] =	vst v0;
	v0 =	vmul.f32 $8.000000000e+00, v7  }
0x53: {  	[tilespmem:s16+$0xFFFFFF60] =	vst v2;
	v2 =	vld [tilespmem:s16+$0xFFFFFFD0];
	v1 =	vmul.f32 $8.000000000e+00, v1  }
0x54: {  	[tilespmem:s16+$0xFFFFFF70] =	vst v0;
	v0 =	vmul.f32 $8.000000000e+00, v3;
	v3 =	vld [tilespmem:s16+$0xFFFFFFE0]  }
0x55: {  	[tilespmem:s16+$0xFFFFFF80] =	vst v1;
	v1 =	vmul.f32 $8.000000000e+00, v4;
	v4 =	vld [tilespmem:s16+$0xFFFFFFF0]  }
0x56: {  	[tilespmem:s16+$0xFFFFFF90] =	vst v0;
	v0 =	vmul.f32 $8.000000000e+00, v5;
	v5 =	vld [tilespmem:s16+$0x0]  }
0x57: {  	[tilespmem:s16+$0xFFFFFFA0] =	vst v1;
	v1 =	vmul.f32 $8.000000000e+00, v6;
	v6 =	vld [tilespmem:s16+$0x10]  }
0x58: {  	[tilespmem:s16+$0xFFFFFFB0] =	vst v0;
	v0 =	vmul.f32 $8.000000000e+00, v2;
	v2 =	vld [tilespmem:s16+$0x20]  }
0x59: {  	[tilespmem:s16+$0xFFFFFFC0] =	vst v1;
	v1 =	vmul.f32 $8.000000000e+00, v3;
	v3 =	vld [tilespmem:s16+$0x30]  }
0x5a: {  	[tilespmem:s16+$0xFFFFFFD0] =	vst v0;
	v0 =	vmul.f32 $8.000000000e+00, v4;
	v4 =	vld [tilespmem:s16+$0x40]  }
0x5b: {  	[tilespmem:s16+$0xFFFFFFE0] =	vst v1;
	v1 =	vmul.f32 $8.000000000e+00, v5;
	v5 =	vld [tilespmem:s16+$0x50]  }
0x5c: {  	[tilespmem:s16+$0xFFFFFFF0] =	vst v0;
	v0 =	vmul.f32 $8.000000000e+00, v6;
	v6 =	vld [tilespmem:s16+$0x60]  }
0x5d: {  	[tilespmem:s16+$0x0] =	vst v1;
	v1 =	vmul.f32 $8.000000000e+00, v2;
	v2 =	vld [tilespmem:s16+$0x70]  }
0x5e: {  	[tilespmem:s16+$0x10] =	vst v0;
	v0 =	vmul.f32 $8.000000000e+00, v3;
	v3 =	vld [tilespmem:s16+$0x80]  }
0x5f: {  	[tilespmem:s16+$0x20] =	vst v1;
	v1 =	vmul.f32 $8.000000000e+00, v4;
	v4 =	vld [tilespmem:s16+$0x90]  }
0x60: {  	v7 =	vld [tilespmem:s16+$0xA0];
	[tilespmem:s16+$0x30] =	vst v0;
	v5 =	vmul.f32 $8.000000000e+00, v5  }
0x61: {  	v0 =	vld [tilespmem:s16+$0xB0];
	[tilespmem:s16+$0x40] =	vst v1;
	v6 =	vmul.f32 $8.000000000e+00, v6  }
0x62: {  	v1 =	vld [tilespmem:s16+$0xC0];
	[tilespmem:s16+$0x50] =	vst v5;
	v5 =	vmul.f32 $8.000000000e+00, v2  }
0x63: {  	v2 =	vld [tilespmem:s16+$0xD0];
	[tilespmem:s16+$0x60] =	vst v6;
	v6 =	vmul.f32 $8.000000000e+00, v3  }
0x64: {  	v3 =	vld [tilespmem:s16+$0xE0];
	[tilespmem:s16+$0x70] =	vst v5;
	v5 =	vmul.f32 $8.000000000e+00, v4  }
0x65: {  	s20 =	simm.s32 $0x0;
	s21 =	simm.s32 $0x700;
	v4 =	vld [tilespmem:s16+$0xFFFFFF00];
	[tilespmem:s16+$0x80] =	vst v6;
	v6 =	vmul.f32 $8.000000000e+00, v7  }
.LBB2_2:
0x66: {  	v7 =	vld [tilespmem:s21+$0xF0];
	s20 =	sadd.s32 $0x8, s20;
	[tilespmem:s16+$0x90] =	vst v5;
	v0 =	vmul.f32 $8.000000000e+00, v0  }
0x67: {  	v5 =	vld [tilespmem:s21+$0xFFFFFF10];
	p0 =	slt.u32 s20, $0xF8;
	[tilespmem:s16+$0xA0] =	vst v6;
	v1 =	vmul.f32 $8.000000000e+00, v1  }
0x68: {  	v6 =	vld [tilespmem:s21+$0xFFFFFF20];
	[tilespmem:s16+$0xB0] =	vst v0;
	v0 =	vmul.f32 $8.000000000e+00, v2  }
0x69: {  	v2 =	vld [tilespmem:s21+$0xFFFFFF30];
	[tilespmem:s16+$0xC0] =	vst v1;
	v1 =	vmul.f32 $8.000000000e+00, v3  }
0x6a: {  	v3 =	vld [tilespmem:s21+$0xFFFFFF40];
	v4 =	vmul.f32 $8.000000000e+00, v4;
	[tilespmem:s16+$0xD0] =	vst v0  }
0x6b: {  	v0 =	vld [tilespmem:s21+$0xFFFFFF50];
	v7 =	vmul.f32 $8.000000000e+00, v7;
	[tilespmem:s16+$0xE0] =	vst v1  }
0x6c: {  	v1 =	vmul.f32 $8.000000000e+00, v5;
	v5 =	vld [tilespmem:s21+$0xFFFFFF60];
	[tilespmem:s16+$0xFFFFFF00] =	vst v4;
	s16 =	smov.u32 s21  }
0x6d: {  	v4 =	vmul.f32 $8.000000000e+00, v6;
	v6 =	vld [tilespmem:s21+$0xFFFFFF70];
	[tilespmem:s21+$0xF0] =	vst v7  }
0x6e: {  	[tilespmem:s21+$0xFFFFFF10] =	vst v1;
	v1 =	vmul.f32 $8.000000000e+00, v2;
	v2 =	vld [tilespmem:s21+$0xFFFFFF80]  }
0x6f: {  	[tilespmem:s21+$0xFFFFFF20] =	vst v4;
	v3 =	vmul.f32 $8.000000000e+00, v3;
	v4 =	vld [tilespmem:s21+$0xFFFFFF90]  }
0x70: {  	[tilespmem:s21+$0xFFFFFF30] =	vst v1;
	v0 =	vmul.f32 $8.000000000e+00, v0;
	v1 =	vld [tilespmem:s21+$0xFFFFFFA0]  }
0x71: {  	[tilespmem:s21+$0xFFFFFF40] =	vst v3;
	v3 =	vmul.f32 $8.000000000e+00, v5;
	v5 =	vld [tilespmem:s21+$0xFFFFFFB0]  }
0x72: {  	[tilespmem:s21+$0xFFFFFF50] =	vst v0;
	v0 =	vmul.f32 $8.000000000e+00, v6;
	v6 =	vld [tilespmem:s21+$0xFFFFFFC0]  }
0x73: {  	[tilespmem:s21+$0xFFFFFF60] =	vst v3;
	v2 =	vmul.f32 $8.000000000e+00, v2;
	v3 =	vld [tilespmem:s21+$0xFFFFFFD0]  }
0x74: {  	[tilespmem:s21+$0xFFFFFF70] =	vst v0;
	v0 =	vmul.f32 $8.000000000e+00, v4;
	v4 =	vld [tilespmem:s21+$0xFFFFFFE0]  }
0x75: {  	[tilespmem:s21+$0xFFFFFF80] =	vst v2;
	v1 =	vmul.f32 $8.000000000e+00, v1;
	v2 =	vld [tilespmem:s21+$0xFFFFFFF0]  }
0x76: {  	[tilespmem:s21+$0xFFFFFF90] =	vst v0;
	v0 =	vmul.f32 $8.000000000e+00, v5;
	v5 =	vld [tilespmem:s21+$0x0]  }
0x77: {  	[tilespmem:s21+$0xFFFFFFA0] =	vst v1;
	v1 =	vmul.f32 $8.000000000e+00, v6;
	v6 =	vld [tilespmem:s21+$0x10]  }
0x78: {  	[tilespmem:s21+$0xFFFFFFB0] =	vst v0;
	v0 =	vmul.f32 $8.000000000e+00, v3;
	v3 =	vld [tilespmem:s21+$0x20]  }
0x79: {  	[tilespmem:s21+$0xFFFFFFC0] =	vst v1;
	v1 =	vmul.f32 $8.000000000e+00, v4;
	v4 =	vld [tilespmem:s21+$0x30]  }
0x7a: {  	[tilespmem:s21+$0xFFFFFFD0] =	vst v0;
	v0 =	vmul.f32 $8.000000000e+00, v2;
	v2 =	vld [tilespmem:s21+$0x40]  }
0x7b: {  	[tilespmem:s21+$0xFFFFFFE0] =	vst v1;
	v1 =	vmul.f32 $8.000000000e+00, v5;
	v5 =	vld [tilespmem:s21+$0x50]  }
0x7c: {  	[tilespmem:s21+$0xFFFFFFF0] =	vst v0;
	v0 =	vmul.f32 $8.000000000e+00, v6;
	v6 =	vld [tilespmem:s21+$0x60]  }
0x7d: {  	[tilespmem:s21+$0x0] =	vst v1;
	v1 =	vmul.f32 $8.000000000e+00, v3;
	v3 =	vld [tilespmem:s21+$0x70]  }
0x7e: {  	[tilespmem:s21+$0x10] =	vst v0;
	v0 =	vmul.f32 $8.000000000e+00, v4;
	v4 =	vld [tilespmem:s21+$0x80]  }
0x7f: {  	[tilespmem:s21+$0x20] =	vst v1;
	v1 =	vmul.f32 $8.000000000e+00, v2;
	v7 =	vld [tilespmem:s21+$0x90]  }
0x80: {  	[tilespmem:s21+$0x30] =	vst v0;
	v2 =	vmul.f32 $8.000000000e+00, v5;
	v8 =	vld [tilespmem:s21+$0xA0]  }
.Ltmp0:
0x81: {  	[tilespmem:s21+$0x40] =	vst v1;
	v5 =	vmul.f32 $8.000000000e+00, v6;
	v0 =	vld [tilespmem:s21+$0xB0];
	(pc) =	sbr.rel @p0 .LBB2_2-.Ltmp0, $4  }
0x82: {  	[tilespmem:s21+$0x50] =	vst v2;
	v3 =	vmul.f32 $8.000000000e+00, v3;
	v1 =	vld [tilespmem:s21+$0xC0]  }
0x83: {  	[tilespmem:s21+$0x60] =	vst v5;
	v6 =	vmul.f32 $8.000000000e+00, v4;
	v2 =	vld [tilespmem:s21+$0xD0]  }
0x84: {  	[tilespmem:s21+$0x70] =	vst v3;
	v5 =	vmul.f32 $8.000000000e+00, v7;
	v3 =	vld [tilespmem:s21+$0xE0]  }
0x85: {  	s21 =	sadd.s32 $0x200, s21;
	v4 =	vld [tilespmem:s16+$0xFFFFFF00];
	[tilespmem:s16+$0x80] =	vst v6;
	v6 =	vmul.f32 $8.000000000e+00, v8  }
0x86: {  	[tilespmem:s16+$0x90] =	vst v5;
	v0 =	vmul.f32 $8.000000000e+00, v0  }
0x87: {  	[tilespmem:s16+$0xA0] =	vst v6;
	v1 =	vmul.f32 $8.000000000e+00, v1  }
0x88: {  	[tilespmem:s16+$0xB0] =	vst v0;
	v0 =	vmul.f32 $8.000000000e+00, v2  }
0x89: {  	[tilespmem:s16+$0xC0] =	vst v1;
	v1 =	vmul.f32 $8.000000000e+00, v3  }
0x8a: {  	v2 =	vmul.f32 $8.000000000e+00, v4;
	[tilespmem:s16+$0xD0] =	vst v0  }
0x8b: {  	[tilespmem:s16+$0xE0] =	vst v1  }
0x8c: {  	[tilespmem:s16+$0xFFFFFF00] =	vst v2  }
0x8d: {  	s16 =	rddreg [dreg:$0x8]  }
0x8e: {  	[hbm4b:s16+s3] =	stream.linear.scatter [tilespmem:s6], [sflag:$0x5], $0x4000, $0x38;
	[tilespmem:$0x10400] =	vst v63  }
0x8f: {  	_ =	swait.ge [sflag:s26], $0x100  }
0x90: {  	[sflag:s26] =	ssyncset.done $0x0  }
0x91: {  	[sflag:s26] =	ssyncadd.s32 $0xFFFFFF00  }
0x92: {  	[tilespmem:s28], [sflag:$0x4] =	stream.indirect.gather [hbm4b:s5+s1], $0x40, s17, s1, $0xb8;
	[tilespmem:$0x10400] =	vst v63  }
0x93: {  	s22 =	simm.s32 $0x380;
	s20 =	simm.s32 $0xE400  }
0x94: {  	[tilespmem:s20], [sflag:$0x4] =	stream.indirect.gather [hbm4b:s5+s1], $0x40, s22, s1, $0xb8;
	[tilespmem:$0x10400] =	vst v63  }
0x95: {  	_ =	swait.ge [sflag:s31], $0x2000  }
0x96: {  	[sflag:s31] =	ssyncset.done $0x0  }
0x97: {  	[sflag:s31] =	ssyncadd.s32 $0xFFFFE000  }
0x98: {  	_ =	swait.ge [sflag:s31], $0x2000  }
0x99: {  	[sflag:s31] =	ssyncset.done $0x0  }
0x9a: {  	s16 =	simm.s32 $0x4500;
	s23 =	rddreg [dreg:$0x9];
	[sflag:s31] =	ssyncadd.s32 $0xFFFFE000  }
0x9b: {  	[tilespmem:s8], [sflag:$0xA] =	stream.linear.gather [hbm4b:s23+s3], $0x100, $0x38;
	[tilespmem:$0x10400] =	vst v63  }
0x9c: {  	v0 =	vld [tilespmem:s16+$0xF0]  }
0x9d: {  	v1 =	vld [tilespmem:s16+$0xFFFFFF10]  }
0x9e: {  	v2 =	vld [tilespmem:s16+$0xFFFFFF20]  }
0x9f: {  	v3 =	vld [tilespmem:s16+$0xFFFFFF30]  }
0xa0: {  	v4 =	vld [tilespmem:s16+$0xFFFFFF40]  }
0xa1: {  	v5 =	vld [tilespmem:s16+$0xFFFFFF50];
	v0 =	vmul.f32 $8.000000000e+00, v0  }
0xa2: {  	v6 =	vld [tilespmem:s16+$0xFFFFFF60];
	v1 =	vmul.f32 $8.000000000e+00, v1  }
0xa3: {  	v7 =	vld [tilespmem:s16+$0xFFFFFF70];
	v2 =	vmul.f32 $8.000000000e+00, v2;
	[tilespmem:s16+$0xF0] =	vst v0  }
0xa4: {  	[tilespmem:s16+$0xFFFFFF10] =	vst v1;
	v0 =	vmul.f32 $8.000000000e+00, v3;
	v1 =	vld [tilespmem:s16+$0xFFFFFF80]  }
0xa5: {  	[tilespmem:s16+$0xFFFFFF20] =	vst v2;
	v2 =	vmul.f32 $8.000000000e+00, v4;
	v3 =	vld [tilespmem:s16+$0xFFFFFF90]  }
0xa6: {  	v4 =	vld [tilespmem:s16+$0xFFFFFFA0];
	[tilespmem:s16+$0xFFFFFF30] =	vst v0;
	v0 =	vmul.f32 $8.000000000e+00, v5  }
0xa7: {  	[tilespmem:s16+$0xFFFFFF40] =	vst v2;
	v2 =	vmul.f32 $8.000000000e+00, v6;
	v5 =	vld [tilespmem:s16+$0xFFFFFFB0]  }
0xa8: {  	v6 =	vld [tilespmem:s16+$0xFFFFFFC0];
	[tilespmem:s16+$0xFFFFFF50] =	vst v0;
	v0 =	vmul.f32 $8.000000000e+00, v7  }
0xa9: {  	[tilespmem:s16+$0xFFFFFF60] =	vst v2;
	v2 =	vld [tilespmem:s16+$0xFFFFFFD0];
	v1 =	vmul.f32 $8.000000000e+00, v1  }
0xaa: {  	[tilespmem:s16+$0xFFFFFF70] =	vst v0;
	v0 =	vmul.f32 $8.000000000e+00, v3;
	v3 =	vld [tilespmem:s16+$0xFFFFFFE0]  }
0xab: {  	[tilespmem:s16+$0xFFFFFF80] =	vst v1;
	v1 =	vmul.f32 $8.000000000e+00, v4;
	v4 =	vld [tilespmem:s16+$0xFFFFFFF0]  }
0xac: {  	[tilespmem:s16+$0xFFFFFF90] =	vst v0;
	v0 =	vmul.f32 $8.000000000e+00, v5;
	v5 =	vld [tilespmem:s16+$0x0]  }
0xad: {  	[tilespmem:s16+$0xFFFFFFA0] =	vst v1;
	v1 =	vmul.f32 $8.000000000e+00, v6;
	v6 =	vld [tilespmem:s16+$0x10]  }
0xae: {  	[tilespmem:s16+$0xFFFFFFB0] =	vst v0;
	v0 =	vmul.f32 $8.000000000e+00, v2;
	v2 =	vld [tilespmem:s16+$0x20]  }
0xaf: {  	[tilespmem:s16+$0xFFFFFFC0] =	vst v1;
	v1 =	vmul.f32 $8.000000000e+00, v3;
	v3 =	vld [tilespmem:s16+$0x30]  }
0xb0: {  	[tilespmem:s16+$0xFFFFFFD0] =	vst v0;
	v0 =	vmul.f32 $8.000000000e+00, v4;
	v4 =	vld [tilespmem:s16+$0x40]  }
0xb1: {  	[tilespmem:s16+$0xFFFFFFE0] =	vst v1;
	v1 =	vmul.f32 $8.000000000e+00, v5;
	v5 =	vld [tilespmem:s16+$0x50]  }
0xb2: {  	[tilespmem:s16+$0xFFFFFFF0] =	vst v0;
	v0 =	vmul.f32 $8.000000000e+00, v6;
	v6 =	vld [tilespmem:s16+$0x60]  }
0xb3: {  	[tilespmem:s16+$0x0] =	vst v1;
	v1 =	vmul.f32 $8.000000000e+00, v2;
	v2 =	vld [tilespmem:s16+$0x70]  }
0xb4: {  	[tilespmem:s16+$0x10] =	vst v0;
	v0 =	vmul.f32 $8.000000000e+00, v3;
	v3 =	vld [tilespmem:s16+$0x80]  }
0xb5: {  	[tilespmem:s16+$0x20] =	vst v1;
	v1 =	vmul.f32 $8.000000000e+00, v4;
	v4 =	vld [tilespmem:s16+$0x90]  }
0xb6: {  	v7 =	vld [tilespmem:s16+$0xA0];
	[tilespmem:s16+$0x30] =	vst v0;
	v5 =	vmul.f32 $8.000000000e+00, v5  }
0xb7: {  	v0 =	vld [tilespmem:s16+$0xB0];
	[tilespmem:s16+$0x40] =	vst v1;
	v6 =	vmul.f32 $8.000000000e+00, v6  }
0xb8: {  	v1 =	vld [tilespmem:s16+$0xC0];
	[tilespmem:s16+$0x50] =	vst v5;
	v5 =	vmul.f32 $8.000000000e+00, v2  }
0xb9: {  	v2 =	vld [tilespmem:s16+$0xD0];
	[tilespmem:s16+$0x60] =	vst v6;
	v6 =	vmul.f32 $8.000000000e+00, v3  }
0xba: {  	v3 =	vld [tilespmem:s16+$0xE0];
	[tilespmem:s16+$0x70] =	vst v5;
	v5 =	vmul.f32 $8.000000000e+00, v4  }
0xbb: {  	s21 =	simm.s32 $0x4700;
	s20 =	simm.s32 $0x0;
	v4 =	vld [tilespmem:s16+$0xFFFFFF00];
	[tilespmem:s16+$0x80] =	vst v6;
	v6 =	vmul.f32 $8.000000000e+00, v7  }
.LBB2_4:
0xbc: {  	v7 =	vld [tilespmem:s21+$0xF0];
	s20 =	sadd.s32 $0x8, s20;
	[tilespmem:s16+$0x90] =	vst v5;
	v0 =	vmul.f32 $8.000000000e+00, v0  }
0xbd: {  	v5 =	vld [tilespmem:s21+$0xFFFFFF10];
	p0 =	slt.u32 s20, $0xF8;
	[tilespmem:s16+$0xA0] =	vst v6;
	v1 =	vmul.f32 $8.000000000e+00, v1  }
0xbe: {  	v6 =	vld [tilespmem:s21+$0xFFFFFF20];
	[tilespmem:s16+$0xB0] =	vst v0;
	v0 =	vmul.f32 $8.000000000e+00, v2  }
0xbf: {  	v2 =	vld [tilespmem:s21+$0xFFFFFF30];
	[tilespmem:s16+$0xC0] =	vst v1;
	v1 =	vmul.f32 $8.000000000e+00, v3  }
0xc0: {  	v3 =	vld [tilespmem:s21+$0xFFFFFF40];
	v4 =	vmul.f32 $8.000000000e+00, v4;
	[tilespmem:s16+$0xD0] =	vst v0  }
0xc1: {  	v0 =	vld [tilespmem:s21+$0xFFFFFF50];
	v7 =	vmul.f32 $8.000000000e+00, v7;
	[tilespmem:s16+$0xE0] =	vst v1  }
0xc2: {  	v1 =	vmul.f32 $8.000000000e+00, v5;
	v5 =	vld [tilespmem:s21+$0xFFFFFF60];
	[tilespmem:s16+$0xFFFFFF00] =	vst v4;
	s16 =	smov.u32 s21  }
0xc3: {  	v4 =	vmul.f32 $8.000000000e+00, v6;
	v6 =	vld [tilespmem:s21+$0xFFFFFF70];
	[tilespmem:s21+$0xF0] =	vst v7  }
0xc4: {  	[tilespmem:s21+$0xFFFFFF10] =	vst v1;
	v1 =	vmul.f32 $8.000000000e+00, v2;
	v2 =	vld [tilespmem:s21+$0xFFFFFF80]  }
0xc5: {  	[tilespmem:s21+$0xFFFFFF20] =	vst v4;
	v3 =	vmul.f32 $8.000000000e+00, v3;
	v4 =	vld [tilespmem:s21+$0xFFFFFF90]  }
0xc6: {  	[tilespmem:s21+$0xFFFFFF30] =	vst v1;
	v0 =	vmul.f32 $8.000000000e+00, v0;
	v1 =	vld [tilespmem:s21+$0xFFFFFFA0]  }
0xc7: {  	[tilespmem:s21+$0xFFFFFF40] =	vst v3;
	v3 =	vmul.f32 $8.000000000e+00, v5;
	v5 =	vld [tilespmem:s21+$0xFFFFFFB0]  }
0xc8: {  	[tilespmem:s21+$0xFFFFFF50] =	vst v0;
	v0 =	vmul.f32 $8.000000000e+00, v6;
	v6 =	vld [tilespmem:s21+$0xFFFFFFC0]  }
0xc9: {  	[tilespmem:s21+$0xFFFFFF60] =	vst v3;
	v2 =	vmul.f32 $8.000000000e+00, v2;
	v3 =	vld [tilespmem:s21+$0xFFFFFFD0]  }
0xca: {  	[tilespmem:s21+$0xFFFFFF70] =	vst v0;
	v0 =	vmul.f32 $8.000000000e+00, v4;
	v4 =	vld [tilespmem:s21+$0xFFFFFFE0]  }
0xcb: {  	[tilespmem:s21+$0xFFFFFF80] =	vst v2;
	v1 =	vmul.f32 $8.000000000e+00, v1;
	v2 =	vld [tilespmem:s21+$0xFFFFFFF0]  }
0xcc: {  	[tilespmem:s21+$0xFFFFFF90] =	vst v0;
	v0 =	vmul.f32 $8.000000000e+00, v5;
	v5 =	vld [tilespmem:s21+$0x0]  }
0xcd: {  	[tilespmem:s21+$0xFFFFFFA0] =	vst v1;
	v1 =	vmul.f32 $8.000000000e+00, v6;
	v6 =	vld [tilespmem:s21+$0x10]  }
0xce: {  	[tilespmem:s21+$0xFFFFFFB0] =	vst v0;
	v0 =	vmul.f32 $8.000000000e+00, v3;
	v3 =	vld [tilespmem:s21+$0x20]  }
0xcf: {  	[tilespmem:s21+$0xFFFFFFC0] =	vst v1;
	v1 =	vmul.f32 $8.000000000e+00, v4;
	v4 =	vld [tilespmem:s21+$0x30]  }
0xd0: {  	[tilespmem:s21+$0xFFFFFFD0] =	vst v0;
	v0 =	vmul.f32 $8.000000000e+00, v2;
	v2 =	vld [tilespmem:s21+$0x40]  }
0xd1: {  	[tilespmem:s21+$0xFFFFFFE0] =	vst v1;
	v1 =	vmul.f32 $8.000000000e+00, v5;
	v5 =	vld [tilespmem:s21+$0x50]  }
0xd2: {  	[tilespmem:s21+$0xFFFFFFF0] =	vst v0;
	v0 =	vmul.f32 $8.000000000e+00, v6;
	v6 =	vld [tilespmem:s21+$0x60]  }
0xd3: {  	[tilespmem:s21+$0x0] =	vst v1;
	v1 =	vmul.f32 $8.000000000e+00, v3;
	v3 =	vld [tilespmem:s21+$0x70]  }
0xd4: {  	[tilespmem:s21+$0x10] =	vst v0;
	v0 =	vmul.f32 $8.000000000e+00, v4;
	v4 =	vld [tilespmem:s21+$0x80]  }
0xd5: {  	[tilespmem:s21+$0x20] =	vst v1;
	v1 =	vmul.f32 $8.000000000e+00, v2;
	v7 =	vld [tilespmem:s21+$0x90]  }
0xd6: {  	[tilespmem:s21+$0x30] =	vst v0;
	v2 =	vmul.f32 $8.000000000e+00, v5;
	v8 =	vld [tilespmem:s21+$0xA0]  }
.Ltmp1:
0xd7: {  	[tilespmem:s21+$0x40] =	vst v1;
	v5 =	vmul.f32 $8.000000000e+00, v6;
	v0 =	vld [tilespmem:s21+$0xB0];
	(pc) =	sbr.rel @p0 .LBB2_4-.Ltmp1, $4  }
0xd8: {  	[tilespmem:s21+$0x50] =	vst v2;
	v3 =	vmul.f32 $8.000000000e+00, v3;
	v1 =	vld [tilespmem:s21+$0xC0]  }
0xd9: {  	[tilespmem:s21+$0x60] =	vst v5;
	v6 =	vmul.f32 $8.000000000e+00, v4;
	v2 =	vld [tilespmem:s21+$0xD0]  }
0xda: {  	[tilespmem:s21+$0x70] =	vst v3;
	v5 =	vmul.f32 $8.000000000e+00, v7;
	v3 =	vld [tilespmem:s21+$0xE0]  }
0xdb: {  	s21 =	sadd.s32 $0x200, s21;
	v4 =	vld [tilespmem:s16+$0xFFFFFF00];
	[tilespmem:s16+$0x80] =	vst v6;
	v6 =	vmul.f32 $8.000000000e+00, v8  }
0xdc: {  	[tilespmem:s16+$0x90] =	vst v5;
	v0 =	vmul.f32 $8.000000000e+00, v0  }
0xdd: {  	[tilespmem:s16+$0xA0] =	vst v6;
	v1 =	vmul.f32 $8.000000000e+00, v1  }
0xde: {  	[tilespmem:s16+$0xB0] =	vst v0;
	v0 =	vmul.f32 $8.000000000e+00, v2  }
0xdf: {  	[tilespmem:s16+$0xC0] =	vst v1;
	v1 =	vmul.f32 $8.000000000e+00, v3  }
0xe0: {  	v2 =	vmul.f32 $8.000000000e+00, v4;
	[tilespmem:s16+$0xD0] =	vst v0  }
0xe1: {  	[tilespmem:s16+$0xE0] =	vst v1  }
0xe2: {  	[tilespmem:s16+$0xFFFFFF00] =	vst v2  }
0xe3: {  	s16 =	rddreg [dreg:$0xa]  }
0xe4: {  	[hbm4b:s16+s3] =	stream.linear.scatter [tilespmem:s9], [sflag:$0x6], $0x4000, $0x38;
	[tilespmem:$0x10400] =	vst v63  }
0xe5: {  	_ =	swait.ge [sflag:s0], $0x4000  }
0xe6: {  	[sflag:s0] =	ssyncset.done $0x0  }
0xe7: {  	[sflag:s0] =	ssyncadd.s32 $0xFFFFC000  }
0xe8: {  	_ =	swait.ge [sflag:s7], $0x100  }
0xe9: {  	[sflag:s7] =	ssyncset.done $0x0  }
0xea: {  	[sflag:s7] =	ssyncadd.s32 $0xFFFFFF00  }
0xeb: {  	[tilespmem:s6], [sflag:$0x1] =	stream.indirect.gather [hbm4b:s5+s1], $0x40, s3, s1, $0xb8;
	[tilespmem:$0x10400] =	vst v63  }
0xec: {  	s22 =	simm.s32 $0x2400  }
0xed: {  	[tilespmem:s22], [sflag:$0x1] =	stream.indirect.gather [hbm4b:s5+s1], $0x40, s1, s1, $0xb8;
	[tilespmem:$0x10400] =	vst v63  }
0xee: {  	_ =	swait.ge [sflag:s10], $0x2000  }
0xef: {  	[sflag:s10] =	ssyncset.done $0x0  }
0xf0: {  	[sflag:s10] =	ssyncadd.s32 $0xFFFFE000  }
0xf1: {  	_ =	swait.ge [sflag:s10], $0x2000  }
0xf2: {  	[sflag:s10] =	ssyncset.done $0x0  }
0xf3: {  	s16 =	simm.s32 $0x8500;
	s23 =	rddreg [dreg:$0xb];
	[sflag:s10] =	ssyncadd.s32 $0xFFFFE000  }
0xf4: {  	[tilespmem:s12], [sflag:$0xB] =	stream.linear.gather [hbm4b:s23+s3], $0x100, $0x38;
	[tilespmem:$0x10400] =	vst v63  }
0xf5: {  	v0 =	vld [tilespmem:s16+$0xF0]  }
0xf6: {  	v1 =	vld [tilespmem:s16+$0xFFFFFF10]  }
0xf7: {  	v2 =	vld [tilespmem:s16+$0xFFFFFF20]  }
0xf8: {  	v3 =	vld [tilespmem:s16+$0xFFFFFF30]  }
0xf9: {  	v4 =	vld [tilespmem:s16+$0xFFFFFF40]  }
0xfa: {  	v5 =	vld [tilespmem:s16+$0xFFFFFF50];
	v0 =	vmul.f32 $8.000000000e+00, v0  }
0xfb: {  	v6 =	vld [tilespmem:s16+$0xFFFFFF60];
	v1 =	vmul.f32 $8.000000000e+00, v1  }
0xfc: {  	v7 =	vld [tilespmem:s16+$0xFFFFFF70];
	v2 =	vmul.f32 $8.000000000e+00, v2;
	[tilespmem:s16+$0xF0] =	vst v0  }
0xfd: {  	[tilespmem:s16+$0xFFFFFF10] =	vst v1;
	v0 =	vmul.f32 $8.000000000e+00, v3;
	v1 =	vld [tilespmem:s16+$0xFFFFFF80]  }
0xfe: {  	[tilespmem:s16+$0xFFFFFF20] =	vst v2;
	v2 =	vmul.f32 $8.000000000e+00, v4;
	v3 =	vld [tilespmem:s16+$0xFFFFFF90]  }
0xff: {  	v4 =	vld [tilespmem:s16+$0xFFFFFFA0];
	[tilespmem:s16+$0xFFFFFF30] =	vst v0;
	v0 =	vmul.f32 $8.000000000e+00, v5  }
0x100: {  	[tilespmem:s16+$0xFFFFFF40] =	vst v2;
	v2 =	vmul.f32 $8.000000000e+00, v6;
	v5 =	vld [tilespmem:s16+$0xFFFFFFB0]  }
0x101: {  	v6 =	vld [tilespmem:s16+$0xFFFFFFC0];
	[tilespmem:s16+$0xFFFFFF50] =	vst v0;
	v0 =	vmul.f32 $8.000000000e+00, v7  }
0x102: {  	[tilespmem:s16+$0xFFFFFF60] =	vst v2;
	v2 =	vld [tilespmem:s16+$0xFFFFFFD0];
	v1 =	vmul.f32 $8.000000000e+00, v1  }
0x103: {  	[tilespmem:s16+$0xFFFFFF70] =	vst v0;
	v0 =	vmul.f32 $8.000000000e+00, v3;
	v3 =	vld [tilespmem:s16+$0xFFFFFFE0]  }
0x104: {  	[tilespmem:s16+$0xFFFFFF80] =	vst v1;
	v1 =	vmul.f32 $8.000000000e+00, v4;
	v4 =	vld [tilespmem:s16+$0xFFFFFFF0]  }
0x105: {  	[tilespmem:s16+$0xFFFFFF90] =	vst v0;
	v0 =	vmul.f32 $8.000000000e+00, v5;
	v5 =	vld [tilespmem:s16+$0x0]  }
0x106: {  	[tilespmem:s16+$0xFFFFFFA0] =	vst v1;
	v1 =	vmul.f32 $8.000000000e+00, v6;
	v6 =	vld [tilespmem:s16+$0x10]  }
0x107: {  	[tilespmem:s16+$0xFFFFFFB0] =	vst v0;
	v0 =	vmul.f32 $8.000000000e+00, v2;
	v2 =	vld [tilespmem:s16+$0x20]  }
0x108: {  	[tilespmem:s16+$0xFFFFFFC0] =	vst v1;
	v1 =	vmul.f32 $8.000000000e+00, v3;
	v3 =	vld [tilespmem:s16+$0x30]  }
0x109: {  	[tilespmem:s16+$0xFFFFFFD0] =	vst v0;
	v0 =	vmul.f32 $8.000000000e+00, v4;
	v4 =	vld [tilespmem:s16+$0x40]  }
0x10a: {  	[tilespmem:s16+$0xFFFFFFE0] =	vst v1;
	v1 =	vmul.f32 $8.000000000e+00, v5;
	v5 =	vld [tilespmem:s16+$0x50]  }
0x10b: {  	[tilespmem:s16+$0xFFFFFFF0] =	vst v0;
	v0 =	vmul.f32 $8.000000000e+00, v6;
	v6 =	vld [tilespmem:s16+$0x60]  }
0x10c: {  	[tilespmem:s16+$0x0] =	vst v1;
	v1 =	vmul.f32 $8.000000000e+00, v2;
	v2 =	vld [tilespmem:s16+$0x70]  }
0x10d: {  	[tilespmem:s16+$0x10] =	vst v0;
	v0 =	vmul.f32 $8.000000000e+00, v3;
	v3 =	vld [tilespmem:s16+$0x80]  }
0x10e: {  	[tilespmem:s16+$0x20] =	vst v1;
	v1 =	vmul.f32 $8.000000000e+00, v4;
	v4 =	vld [tilespmem:s16+$0x90]  }
0x10f: {  	v7 =	vld [tilespmem:s16+$0xA0];
	[tilespmem:s16+$0x30] =	vst v0;
	v5 =	vmul.f32 $8.000000000e+00, v5  }
0x110: {  	v0 =	vld [tilespmem:s16+$0xB0];
	[tilespmem:s16+$0x40] =	vst v1;
	v6 =	vmul.f32 $8.000000000e+00, v6  }
0x111: {  	v1 =	vld [tilespmem:s16+$0xC0];
	[tilespmem:s16+$0x50] =	vst v5;
	v5 =	vmul.f32 $8.000000000e+00, v2  }
0x112: {  	v2 =	vld [tilespmem:s16+$0xD0];
	[tilespmem:s16+$0x60] =	vst v6;
	v6 =	vmul.f32 $8.000000000e+00, v3  }
0x113: {  	v3 =	vld [tilespmem:s16+$0xE0];
	[tilespmem:s16+$0x70] =	vst v5;
	v5 =	vmul.f32 $8.000000000e+00, v4  }
0x114: {  	s20 =	simm.s32 $0x0;
	s21 =	simm.s32 $0x8700;
	v4 =	vld [tilespmem:s16+$0xFFFFFF00];
	[tilespmem:s16+$0x80] =	vst v6;
	v6 =	vmul.f32 $8.000000000e+00, v7  }
.LBB2_6:
0x115: {  	v7 =	vld [tilespmem:s21+$0xF0];
	s20 =	sadd.s32 $0x8, s20;
	[tilespmem:s16+$0x90] =	vst v5;
	v0 =	vmul.f32 $8.000000000e+00, v0  }
0x116: {  	v5 =	vld [tilespmem:s21+$0xFFFFFF10];
	p0 =	slt.u32 s20, $0xF8;
	[tilespmem:s16+$0xA0] =	vst v6;
	v1 =	vmul.f32 $8.000000000e+00, v1  }
0x117: {  	v6 =	vld [tilespmem:s21+$0xFFFFFF20];
	[tilespmem:s16+$0xB0] =	vst v0;
	v0 =	vmul.f32 $8.000000000e+00, v2  }
0x118: {  	v2 =	vld [tilespmem:s21+$0xFFFFFF30];
	[tilespmem:s16+$0xC0] =	vst v1;
	v1 =	vmul.f32 $8.000000000e+00, v3  }
0x119: {  	v3 =	vld [tilespmem:s21+$0xFFFFFF40];
	v4 =	vmul.f32 $8.000000000e+00, v4;
	[tilespmem:s16+$0xD0] =	vst v0  }
0x11a: {  	v0 =	vld [tilespmem:s21+$0xFFFFFF50];
	v7 =	vmul.f32 $8.000000000e+00, v7;
	[tilespmem:s16+$0xE0] =	vst v1  }
0x11b: {  	v1 =	vmul.f32 $8.000000000e+00, v5;
	v5 =	vld [tilespmem:s21+$0xFFFFFF60];
	[tilespmem:s16+$0xFFFFFF00] =	vst v4;
	s16 =	smov.u32 s21  }
0x11c: {  	v4 =	vmul.f32 $8.000000000e+00, v6;
	v6 =	vld [tilespmem:s21+$0xFFFFFF70];
	[tilespmem:s21+$0xF0] =	vst v7  }
0x11d: {  	[tilespmem:s21+$0xFFFFFF10] =	vst v1;
	v1 =	vmul.f32 $8.000000000e+00, v2;
	v2 =	vld [tilespmem:s21+$0xFFFFFF80]  }
0x11e: {  	[tilespmem:s21+$0xFFFFFF20] =	vst v4;
	v3 =	vmul.f32 $8.000000000e+00, v3;
	v4 =	vld [tilespmem:s21+$0xFFFFFF90]  }
0x11f: {  	[tilespmem:s21+$0xFFFFFF30] =	vst v1;
	v0 =	vmul.f32 $8.000000000e+00, v0;
	v1 =	vld [tilespmem:s21+$0xFFFFFFA0]  }
0x120: {  	[tilespmem:s21+$0xFFFFFF40] =	vst v3;
	v3 =	vmul.f32 $8.000000000e+00, v5;
	v5 =	vld [tilespmem:s21+$0xFFFFFFB0]  }
0x121: {  	[tilespmem:s21+$0xFFFFFF50] =	vst v0;
	v0 =	vmul.f32 $8.000000000e+00, v6;
	v6 =	vld [tilespmem:s21+$0xFFFFFFC0]  }
0x122: {  	[tilespmem:s21+$0xFFFFFF60] =	vst v3;
	v2 =	vmul.f32 $8.000000000e+00, v2;
	v3 =	vld [tilespmem:s21+$0xFFFFFFD0]  }
0x123: {  	[tilespmem:s21+$0xFFFFFF70] =	vst v0;
	v0 =	vmul.f32 $8.000000000e+00, v4;
	v4 =	vld [tilespmem:s21+$0xFFFFFFE0]  }
0x124: {  	[tilespmem:s21+$0xFFFFFF80] =	vst v2;
	v1 =	vmul.f32 $8.000000000e+00, v1;
	v2 =	vld [tilespmem:s21+$0xFFFFFFF0]  }
0x125: {  	[tilespmem:s21+$0xFFFFFF90] =	vst v0;
	v0 =	vmul.f32 $8.000000000e+00, v5;
	v5 =	vld [tilespmem:s21+$0x0]  }
0x126: {  	[tilespmem:s21+$0xFFFFFFA0] =	vst v1;
	v1 =	vmul.f32 $8.000000000e+00, v6;
	v6 =	vld [tilespmem:s21+$0x10]  }
0x127: {  	[tilespmem:s21+$0xFFFFFFB0] =	vst v0;
	v0 =	vmul.f32 $8.000000000e+00, v3;
	v3 =	vld [tilespmem:s21+$0x20]  }
0x128: {  	[tilespmem:s21+$0xFFFFFFC0] =	vst v1;
	v1 =	vmul.f32 $8.000000000e+00, v4;
	v4 =	vld [tilespmem:s21+$0x30]  }
0x129: {  	[tilespmem:s21+$0xFFFFFFD0] =	vst v0;
	v0 =	vmul.f32 $8.000000000e+00, v2;
	v2 =	vld [tilespmem:s21+$0x40]  }
0x12a: {  	[tilespmem:s21+$0xFFFFFFE0] =	vst v1;
	v1 =	vmul.f32 $8.000000000e+00, v5;
	v5 =	vld [tilespmem:s21+$0x50]  }
0x12b: {  	[tilespmem:s21+$0xFFFFFFF0] =	vst v0;
	v0 =	vmul.f32 $8.000000000e+00, v6;
	v6 =	vld [tilespmem:s21+$0x60]  }
0x12c: {  	[tilespmem:s21+$0x0] =	vst v1;
	v1 =	vmul.f32 $8.000000000e+00, v3;
	v3 =	vld [tilespmem:s21+$0x70]  }
0x12d: {  	[tilespmem:s21+$0x10] =	vst v0;
	v0 =	vmul.f32 $8.000000000e+00, v4;
	v4 =	vld [tilespmem:s21+$0x80]  }
0x12e: {  	[tilespmem:s21+$0x20] =	vst v1;
	v1 =	vmul.f32 $8.000000000e+00, v2;
	v7 =	vld [tilespmem:s21+$0x90]  }
0x12f: {  	[tilespmem:s21+$0x30] =	vst v0;
	v2 =	vmul.f32 $8.000000000e+00, v5;
	v8 =	vld [tilespmem:s21+$0xA0]  }
.Ltmp2:
0x130: {  	[tilespmem:s21+$0x40] =	vst v1;
	v5 =	vmul.f32 $8.000000000e+00, v6;
	v0 =	vld [tilespmem:s21+$0xB0];
	(pc) =	sbr.rel @p0 .LBB2_6-.Ltmp2, $4  }
0x131: {  	[tilespmem:s21+$0x50] =	vst v2;
	v3 =	vmul.f32 $8.000000000e+00, v3;
	v1 =	vld [tilespmem:s21+$0xC0]  }
0x132: {  	[tilespmem:s21+$0x60] =	vst v5;
	v6 =	vmul.f32 $8.000000000e+00, v4;
	v2 =	vld [tilespmem:s21+$0xD0]  }
0x133: {  	[tilespmem:s21+$0x70] =	vst v3;
	v5 =	vmul.f32 $8.000000000e+00, v7;
	v3 =	vld [tilespmem:s21+$0xE0]  }
0x134: {  	s21 =	sadd.s32 $0x200, s21;
	v4 =	vld [tilespmem:s16+$0xFFFFFF00];
	[tilespmem:s16+$0x80] =	vst v6;
	v6 =	vmul.f32 $8.000000000e+00, v8  }
0x135: {  	[tilespmem:s16+$0x90] =	vst v5;
	v0 =	vmul.f32 $8.000000000e+00, v0  }
0x136: {  	[tilespmem:s16+$0xA0] =	vst v6;
	v1 =	vmul.f32 $8.000000000e+00, v1  }
0x137: {  	[tilespmem:s16+$0xB0] =	vst v0;
	v0 =	vmul.f32 $8.000000000e+00, v2  }
0x138: {  	[tilespmem:s16+$0xC0] =	vst v1;
	v1 =	vmul.f32 $8.000000000e+00, v3  }
0x139: {  	v2 =	vmul.f32 $8.000000000e+00, v4;
	[tilespmem:s16+$0xD0] =	vst v0  }
0x13a: {  	[tilespmem:s16+$0xE0] =	vst v1  }
0x13b: {  	[tilespmem:s16+$0xFFFFFF00] =	vst v2  }
0x13c: {  	s16 =	rddreg [dreg:$0xc]  }
0x13d: {  	[hbm4b:s16+s3] =	stream.linear.scatter [tilespmem:s13], [sflag:$0x7], $0x4000, $0x38;
	[tilespmem:$0x10400] =	vst v63  }
0x13e: {  	_ =	swait.ge [sflag:s11], $0x4000  }
0x13f: {  	[sflag:s11] =	ssyncset.done $0x0  }
0x140: {  	[sflag:s11] =	ssyncadd.s32 $0xFFFFC000  }
0x141: {  	_ =	swait.ge [sflag:s14], $0x100  }
0x142: {  	[sflag:s14] =	ssyncset.done $0x0  }
0x143: {  	[sflag:s14] =	ssyncadd.s32 $0xFFFFFF00  }
0x144: {  	[tilespmem:s9], [sflag:$0x2] =	stream.indirect.gather [hbm4b:s5+s1], $0x40, s8, s1, $0xb8;
	[tilespmem:$0x10400] =	vst v63  }
0x145: {  	s22 =	simm.s32 $0x180;
	s20 =	simm.s32 $0x6400  }
0x146: {  	[tilespmem:s20], [sflag:$0x2] =	stream.indirect.gather [hbm4b:s5+s1], $0x40, s22, s1, $0xb8;
	[tilespmem:$0x10400] =	vst v63  }
0x147: {  	_ =	swait.ge [sflag:s15], $0x2000  }
0x148: {  	[sflag:s15] =	ssyncset.done $0x0  }
0x149: {  	[sflag:s15] =	ssyncadd.s32 $0xFFFFE000  }
0x14a: {  	_ =	swait.ge [sflag:s15], $0x2000  }
0x14b: {  	[sflag:s15] =	ssyncset.done $0x0  }
0x14c: {  	s16 =	simm.s32 $0xC500;
	s23 =	rddreg [dreg:$0xd];
	[sflag:s15] =	ssyncadd.s32 $0xFFFFE000  }
0x14d: {  	[tilespmem:s17], [sflag:$0xC] =	stream.linear.gather [hbm4b:s23+s3], $0x100, $0x38;
	[tilespmem:$0x10400] =	vst v63  }
0x14e: {  	v0 =	vld [tilespmem:s16+$0xF0]  }
0x14f: {  	v1 =	vld [tilespmem:s16+$0xFFFFFF10]  }
0x150: {  	v2 =	vld [tilespmem:s16+$0xFFFFFF20]  }
0x151: {  	v3 =	vld [tilespmem:s16+$0xFFFFFF30]  }
0x152: {  	v4 =	vld [tilespmem:s16+$0xFFFFFF40]  }
0x153: {  	v5 =	vld [tilespmem:s16+$0xFFFFFF50];
	v0 =	vmul.f32 $8.000000000e+00, v0  }
0x154: {  	v6 =	vld [tilespmem:s16+$0xFFFFFF60];
	v1 =	vmul.f32 $8.000000000e+00, v1  }
0x155: {  	v7 =	vld [tilespmem:s16+$0xFFFFFF70];
	v2 =	vmul.f32 $8.000000000e+00, v2;
	[tilespmem:s16+$0xF0] =	vst v0  }
0x156: {  	[tilespmem:s16+$0xFFFFFF10] =	vst v1;
	v0 =	vmul.f32 $8.000000000e+00, v3;
	v1 =	vld [tilespmem:s16+$0xFFFFFF80]  }
0x157: {  	[tilespmem:s16+$0xFFFFFF20] =	vst v2;
	v2 =	vmul.f32 $8.000000000e+00, v4;
	v3 =	vld [tilespmem:s16+$0xFFFFFF90]  }
0x158: {  	v4 =	vld [tilespmem:s16+$0xFFFFFFA0];
	[tilespmem:s16+$0xFFFFFF30] =	vst v0;
	v0 =	vmul.f32 $8.000000000e+00, v5  }
0x159: {  	[tilespmem:s16+$0xFFFFFF40] =	vst v2;
	v2 =	vmul.f32 $8.000000000e+00, v6;
	v5 =	vld [tilespmem:s16+$0xFFFFFFB0]  }
0x15a: {  	v6 =	vld [tilespmem:s16+$0xFFFFFFC0];
	[tilespmem:s16+$0xFFFFFF50] =	vst v0;
	v0 =	vmul.f32 $8.000000000e+00, v7  }
0x15b: {  	[tilespmem:s16+$0xFFFFFF60] =	vst v2;
	v2 =	vld [tilespmem:s16+$0xFFFFFFD0];
	v1 =	vmul.f32 $8.000000000e+00, v1  }
0x15c: {  	[tilespmem:s16+$0xFFFFFF70] =	vst v0;
	v0 =	vmul.f32 $8.000000000e+00, v3;
	v3 =	vld [tilespmem:s16+$0xFFFFFFE0]  }
0x15d: {  	[tilespmem:s16+$0xFFFFFF80] =	vst v1;
	v1 =	vmul.f32 $8.000000000e+00, v4;
	v4 =	vld [tilespmem:s16+$0xFFFFFFF0]  }
0x15e: {  	[tilespmem:s16+$0xFFFFFF90] =	vst v0;
	v0 =	vmul.f32 $8.000000000e+00, v5;
	v5 =	vld [tilespmem:s16+$0x0]  }
0x15f: {  	[tilespmem:s16+$0xFFFFFFA0] =	vst v1;
	v1 =	vmul.f32 $8.000000000e+00, v6;
	v6 =	vld [tilespmem:s16+$0x10]  }
0x160: {  	[tilespmem:s16+$0xFFFFFFB0] =	vst v0;
	v0 =	vmul.f32 $8.000000000e+00, v2;
	v2 =	vld [tilespmem:s16+$0x20]  }
0x161: {  	[tilespmem:s16+$0xFFFFFFC0] =	vst v1;
	v1 =	vmul.f32 $8.000000000e+00, v3;
	v3 =	vld [tilespmem:s16+$0x30]  }
0x162: {  	[tilespmem:s16+$0xFFFFFFD0] =	vst v0;
	v0 =	vmul.f32 $8.000000000e+00, v4;
	v4 =	vld [tilespmem:s16+$0x40]  }
0x163: {  	[tilespmem:s16+$0xFFFFFFE0] =	vst v1;
	v1 =	vmul.f32 $8.000000000e+00, v5;
	v5 =	vld [tilespmem:s16+$0x50]  }
0x164: {  	[tilespmem:s16+$0xFFFFFFF0] =	vst v0;
	v0 =	vmul.f32 $8.000000000e+00, v6;
	v6 =	vld [tilespmem:s16+$0x60]  }
0x165: {  	[tilespmem:s16+$0x0] =	vst v1;
	v1 =	vmul.f32 $8.000000000e+00, v2;
	v2 =	vld [tilespmem:s16+$0x70]  }
0x166: {  	[tilespmem:s16+$0x10] =	vst v0;
	v0 =	vmul.f32 $8.000000000e+00, v3;
	v3 =	vld [tilespmem:s16+$0x80]  }
0x167: {  	[tilespmem:s16+$0x20] =	vst v1;
	v1 =	vmul.f32 $8.000000000e+00, v4;
	v4 =	vld [tilespmem:s16+$0x90]  }
0x168: {  	v7 =	vld [tilespmem:s16+$0xA0];
	[tilespmem:s16+$0x30] =	vst v0;
	v5 =	vmul.f32 $8.000000000e+00, v5  }
0x169: {  	v0 =	vld [tilespmem:s16+$0xB0];
	[tilespmem:s16+$0x40] =	vst v1;
	v6 =	vmul.f32 $8.000000000e+00, v6  }
0x16a: {  	v1 =	vld [tilespmem:s16+$0xC0];
	[tilespmem:s16+$0x50] =	vst v5;
	v5 =	vmul.f32 $8.000000000e+00, v2  }
0x16b: {  	v2 =	vld [tilespmem:s16+$0xD0];
	[tilespmem:s16+$0x60] =	vst v6;
	v6 =	vmul.f32 $8.000000000e+00, v3  }
0x16c: {  	v3 =	vld [tilespmem:s16+$0xE0];
	[tilespmem:s16+$0x70] =	vst v5;
	v5 =	vmul.f32 $8.000000000e+00, v4  }
0x16d: {  	s21 =	simm.s32 $0xC700;
	s20 =	simm.s32 $0x0;
	v4 =	vld [tilespmem:s16+$0xFFFFFF00];
	[tilespmem:s16+$0x80] =	vst v6;
	v6 =	vmul.f32 $8.000000000e+00, v7  }
.LBB2_8:
0x16e: {  	v7 =	vld [tilespmem:s21+$0xF0];
	s20 =	sadd.s32 $0x8, s20;
	[tilespmem:s16+$0x90] =	vst v5;
	v0 =	vmul.f32 $8.000000000e+00, v0  }
0x16f: {  	v5 =	vld [tilespmem:s21+$0xFFFFFF10];
	p0 =	slt.u32 s20, $0xF8;
	[tilespmem:s16+$0xA0] =	vst v6;
	v1 =	vmul.f32 $8.000000000e+00, v1  }
0x170: {  	v6 =	vld [tilespmem:s21+$0xFFFFFF20];
	[tilespmem:s16+$0xB0] =	vst v0;
	v0 =	vmul.f32 $8.000000000e+00, v2  }
0x171: {  	v2 =	vld [tilespmem:s21+$0xFFFFFF30];
	[tilespmem:s16+$0xC0] =	vst v1;
	v1 =	vmul.f32 $8.000000000e+00, v3  }
0x172: {  	v3 =	vld [tilespmem:s21+$0xFFFFFF40];
	v4 =	vmul.f32 $8.000000000e+00, v4;
	[tilespmem:s16+$0xD0] =	vst v0  }
0x173: {  	v0 =	vld [tilespmem:s21+$0xFFFFFF50];
	v7 =	vmul.f32 $8.000000000e+00, v7;
	[tilespmem:s16+$0xE0] =	vst v1  }
0x174: {  	v1 =	vmul.f32 $8.000000000e+00, v5;
	v5 =	vld [tilespmem:s21+$0xFFFFFF60];
	[tilespmem:s16+$0xFFFFFF00] =	vst v4;
	s16 =	smov.u32 s21  }
0x175: {  	v4 =	vmul.f32 $8.000000000e+00, v6;
	v6 =	vld [tilespmem:s21+$0xFFFFFF70];
	[tilespmem:s21+$0xF0] =	vst v7  }
0x176: {  	[tilespmem:s21+$0xFFFFFF10] =	vst v1;
	v1 =	vmul.f32 $8.000000000e+00, v2;
	v2 =	vld [tilespmem:s21+$0xFFFFFF80]  }
0x177: {  	[tilespmem:s21+$0xFFFFFF20] =	vst v4;
	v3 =	vmul.f32 $8.000000000e+00, v3;
	v4 =	vld [tilespmem:s21+$0xFFFFFF90]  }
0x178: {  	[tilespmem:s21+$0xFFFFFF30] =	vst v1;
	v0 =	vmul.f32 $8.000000000e+00, v0;
	v1 =	vld [tilespmem:s21+$0xFFFFFFA0]  }
0x179: {  	[tilespmem:s21+$0xFFFFFF40] =	vst v3;
	v3 =	vmul.f32 $8.000000000e+00, v5;
	v5 =	vld [tilespmem:s21+$0xFFFFFFB0]  }
0x17a: {  	[tilespmem:s21+$0xFFFFFF50] =	vst v0;
	v0 =	vmul.f32 $8.000000000e+00, v6;
	v6 =	vld [tilespmem:s21+$0xFFFFFFC0]  }
0x17b: {  	[tilespmem:s21+$0xFFFFFF60] =	vst v3;
	v2 =	vmul.f32 $8.000000000e+00, v2;
	v3 =	vld [tilespmem:s21+$0xFFFFFFD0]  }
0x17c: {  	[tilespmem:s21+$0xFFFFFF70] =	vst v0;
	v0 =	vmul.f32 $8.000000000e+00, v4;
	v4 =	vld [tilespmem:s21+$0xFFFFFFE0]  }
0x17d: {  	[tilespmem:s21+$0xFFFFFF80] =	vst v2;
	v1 =	vmul.f32 $8.000000000e+00, v1;
	v2 =	vld [tilespmem:s21+$0xFFFFFFF0]  }
0x17e: {  	[tilespmem:s21+$0xFFFFFF90] =	vst v0;
	v0 =	vmul.f32 $8.000000000e+00, v5;
	v5 =	vld [tilespmem:s21+$0x0]  }
0x17f: {  	[tilespmem:s21+$0xFFFFFFA0] =	vst v1;
	v1 =	vmul.f32 $8.000000000e+00, v6;
	v6 =	vld [tilespmem:s21+$0x10]  }
0x180: {  	[tilespmem:s21+$0xFFFFFFB0] =	vst v0;
	v0 =	vmul.f32 $8.000000000e+00, v3;
	v3 =	vld [tilespmem:s21+$0x20]  }
0x181: {  	[tilespmem:s21+$0xFFFFFFC0] =	vst v1;
	v1 =	vmul.f32 $8.000000000e+00, v4;
	v4 =	vld [tilespmem:s21+$0x30]  }
0x182: {  	[tilespmem:s21+$0xFFFFFFD0] =	vst v0;
	v0 =	vmul.f32 $8.000000000e+00, v2;
	v2 =	vld [tilespmem:s21+$0x40]  }
0x183: {  	[tilespmem:s21+$0xFFFFFFE0] =	vst v1;
	v1 =	vmul.f32 $8.000000000e+00, v5;
	v5 =	vld [tilespmem:s21+$0x50]  }
0x184: {  	[tilespmem:s21+$0xFFFFFFF0] =	vst v0;
	v0 =	vmul.f32 $8.000000000e+00, v6;
	v6 =	vld [tilespmem:s21+$0x60]  }
0x185: {  	[tilespmem:s21+$0x0] =	vst v1;
	v1 =	vmul.f32 $8.000000000e+00, v3;
	v3 =	vld [tilespmem:s21+$0x70]  }
0x186: {  	[tilespmem:s21+$0x10] =	vst v0;
	v0 =	vmul.f32 $8.000000000e+00, v4;
	v4 =	vld [tilespmem:s21+$0x80]  }
0x187: {  	[tilespmem:s21+$0x20] =	vst v1;
	v1 =	vmul.f32 $8.000000000e+00, v2;
	v7 =	vld [tilespmem:s21+$0x90]  }
0x188: {  	[tilespmem:s21+$0x30] =	vst v0;
	v2 =	vmul.f32 $8.000000000e+00, v5;
	v8 =	vld [tilespmem:s21+$0xA0]  }
.Ltmp3:
0x189: {  	[tilespmem:s21+$0x40] =	vst v1;
	v5 =	vmul.f32 $8.000000000e+00, v6;
	v0 =	vld [tilespmem:s21+$0xB0];
	(pc) =	sbr.rel @p0 .LBB2_8-.Ltmp3, $4  }
0x18a: {  	[tilespmem:s21+$0x50] =	vst v2;
	v3 =	vmul.f32 $8.000000000e+00, v3;
	v1 =	vld [tilespmem:s21+$0xC0]  }
0x18b: {  	[tilespmem:s21+$0x60] =	vst v5;
	v6 =	vmul.f32 $8.000000000e+00, v4;
	v2 =	vld [tilespmem:s21+$0xD0]  }
0x18c: {  	[tilespmem:s21+$0x70] =	vst v3;
	v5 =	vmul.f32 $8.000000000e+00, v7;
	v3 =	vld [tilespmem:s21+$0xE0]  }
0x18d: {  	s21 =	sadd.s32 $0x200, s21;
	v4 =	vld [tilespmem:s16+$0xFFFFFF00];
	[tilespmem:s16+$0x80] =	vst v6;
	v6 =	vmul.f32 $8.000000000e+00, v8  }
0x18e: {  	[tilespmem:s16+$0x90] =	vst v5;
	v0 =	vmul.f32 $8.000000000e+00, v0  }
0x18f: {  	[tilespmem:s16+$0xA0] =	vst v6;
	v1 =	vmul.f32 $8.000000000e+00, v1  }
0x190: {  	[tilespmem:s16+$0xB0] =	vst v0;
	v61 =	vmul.f32 $8.000000000e+00, v2  }
0x191: {  	[tilespmem:s16+$0xC0] =	vst v1;
	v62 =	vmul.f32 $8.000000000e+00, v3  }
0x192: {  	v63 =	vmul.f32 $8.000000000e+00, v4;
	[tilespmem:s16+$0xD0] =	vst v61  }
0x193: {  	[tilespmem:s16+$0xE0] =	vst v62  }
0x194: {  	[tilespmem:s16+$0xFFFFFF00] =	vst v63  }
0x195: {  	s16 =	simm.s32 $0x0;
	s20 =	rddreg [dreg:$0xe]  }
0x196: {  	[hbm4b:s20+s16] =	stream.linear.scatter [tilespmem:s28], [sflag:$0x8], $0x4000, $0x38;
	[tilespmem:$0x10400] =	vst v63  }
0x197: {  	_ =	swait.ge [sflag:s29], $0x4000  }
0x198: {  	[sflag:s29] =	ssyncset.done $0x0  }
0x199: {  	[sflag:s29] =	ssyncadd.s32 $0xFFFFC000  }
0x19a: {  	_ =	swait.ge [sflag:s30], $0x100  }
0x19b: {  	[sflag:s30] =	ssyncset.done $0x0  }
0x19c: {  	[sflag:s30] =	ssyncadd.s32 $0xFFFFFF00  }
0x19d: {  	[tilespmem:s13], [sflag:$0x3] =	stream.indirect.gather [hbm4b:s5+s1], $0x40, s12, s1, $0xb8;
	[tilespmem:$0x10400] =	vst v63  }
0x19e: {  	s23 =	simm.s32 $0x280;
	s21 =	simm.s32 $0xA400  }
0x19f: {  	[tilespmem:s21], [sflag:$0x3] =	stream.indirect.gather [hbm4b:s5+s1], $0x40, s23, s1, $0xb8;
	[tilespmem:$0x10400] =	vst v63  }
.LBB2_10:
0x1a0: {  	s16 =	sadd.s32 $0x1, s16;
	_ =	swait.ge [sflag:s18], $0x2000  }
0x1a1: {  	s20 =	sshll.u32 s16, $0x3;
	[sflag:s18] =	ssyncset.done $0x0;
	s21 =	rddreg [dreg:$0xf]  }
0x1a2: {  	[sflag:s18] =	ssyncadd.s32 $0xFFFFE000;
	s21 =	sadd.s32 s20, s21  }
0x1a3: {  	_ =	swait.ge [sflag:s18], $0x2000;
	s21 =	sshll.u32 s21, $0x4  }
0x1a4: {  	[sflag:s18] =	ssyncset.done $0x0;
	s21 =	sand.u32 $0x1FFFFF80, s21  }
0x1a5: {  	[sflag:s18] =	ssyncadd.s32 $0xFFFFE000;
	s21 =	sadd.s32 s4, s21  }
0x1a6: {  	[tilespmem:s3], [sflag:$0x9] =	stream.linear.gather [hbm4b:s21+s3], $0x100, $0x38;
	[tilespmem:$0x10400] =	vst v63  }
0x1a7: {  	s21 =	simm.s32 $0x500  }
0x1a8: {  	v0 =	vld [tilespmem:s21+$0xF0]  }
0x1a9: {  	v1 =	vld [tilespmem:s21+$0xFFFFFF10]  }
0x1aa: {  	v2 =	vld [tilespmem:s21+$0xFFFFFF20]  }
0x1ab: {  	v3 =	vld [tilespmem:s21+$0xFFFFFF30]  }
0x1ac: {  	v4 =	vld [tilespmem:s21+$0xFFFFFF40]  }
0x1ad: {  	v5 =	vld [tilespmem:s21+$0xFFFFFF50];
	v0 =	vmul.f32 $8.000000000e+00, v0  }
0x1ae: {  	v6 =	vld [tilespmem:s21+$0xFFFFFF60];
	v1 =	vmul.f32 $8.000000000e+00, v1  }
0x1af: {  	v7 =	vld [tilespmem:s21+$0xFFFFFF70];
	v2 =	vmul.f32 $8.000000000e+00, v2;
	[tilespmem:s21+$0xF0] =	vst v0  }
0x1b0: {  	[tilespmem:s21+$0xFFFFFF10] =	vst v1;
	v0 =	vmul.f32 $8.000000000e+00, v3;
	v1 =	vld [tilespmem:s21+$0xFFFFFF80]  }
0x1b1: {  	[tilespmem:s21+$0xFFFFFF20] =	vst v2;
	v2 =	vmul.f32 $8.000000000e+00, v4;
	v3 =	vld [tilespmem:s21+$0xFFFFFF90]  }
0x1b2: {  	v4 =	vld [tilespmem:s21+$0xFFFFFFA0];
	[tilespmem:s21+$0xFFFFFF30] =	vst v0;
	v0 =	vmul.f32 $8.000000000e+00, v5  }
0x1b3: {  	[tilespmem:s21+$0xFFFFFF40] =	vst v2;
	v2 =	vmul.f32 $8.000000000e+00, v6;
	v5 =	vld [tilespmem:s21+$0xFFFFFFB0]  }
0x1b4: {  	v6 =	vld [tilespmem:s21+$0xFFFFFFC0];
	[tilespmem:s21+$0xFFFFFF50] =	vst v0;
	v0 =	vmul.f32 $8.000000000e+00, v7  }
0x1b5: {  	[tilespmem:s21+$0xFFFFFF60] =	vst v2;
	v2 =	vld [tilespmem:s21+$0xFFFFFFD0];
	v1 =	vmul.f32 $8.000000000e+00, v1  }
0x1b6: {  	[tilespmem:s21+$0xFFFFFF70] =	vst v0;
	v0 =	vmul.f32 $8.000000000e+00, v3;
	v3 =	vld [tilespmem:s21+$0xFFFFFFE0]  }
0x1b7: {  	[tilespmem:s21+$0xFFFFFF80] =	vst v1;
	v1 =	vmul.f32 $8.000000000e+00, v4;
	v4 =	vld [tilespmem:s21+$0xFFFFFFF0]  }
0x1b8: {  	[tilespmem:s21+$0xFFFFFF90] =	vst v0;
	v0 =	vmul.f32 $8.000000000e+00, v5;
	v5 =	vld [tilespmem:s21+$0x0]  }
0x1b9: {  	[tilespmem:s21+$0xFFFFFFA0] =	vst v1;
	v1 =	vmul.f32 $8.000000000e+00, v6;
	v6 =	vld [tilespmem:s21+$0x10]  }
0x1ba: {  	[tilespmem:s21+$0xFFFFFFB0] =	vst v0;
	v0 =	vmul.f32 $8.000000000e+00, v2;
	v2 =	vld [tilespmem:s21+$0x20]  }
0x1bb: {  	[tilespmem:s21+$0xFFFFFFC0] =	vst v1;
	v1 =	vmul.f32 $8.000000000e+00, v3;
	v3 =	vld [tilespmem:s21+$0x30]  }
0x1bc: {  	[tilespmem:s21+$0xFFFFFFD0] =	vst v0;
	v0 =	vmul.f32 $8.000000000e+00, v4;
	v4 =	vld [tilespmem:s21+$0x40]  }
0x1bd: {  	[tilespmem:s21+$0xFFFFFFE0] =	vst v1;
	v1 =	vmul.f32 $8.000000000e+00, v5;
	v5 =	vld [tilespmem:s21+$0x50]  }
0x1be: {  	[tilespmem:s21+$0xFFFFFFF0] =	vst v0;
	v0 =	vmul.f32 $8.000000000e+00, v6;
	v6 =	vld [tilespmem:s21+$0x60]  }
0x1bf: {  	[tilespmem:s21+$0x0] =	vst v1;
	v1 =	vmul.f32 $8.000000000e+00, v2;
	v2 =	vld [tilespmem:s21+$0x70]  }
0x1c0: {  	[tilespmem:s21+$0x10] =	vst v0;
	v0 =	vmul.f32 $8.000000000e+00, v3;
	v3 =	vld [tilespmem:s21+$0x80]  }
0x1c1: {  	[tilespmem:s21+$0x20] =	vst v1;
	v1 =	vmul.f32 $8.000000000e+00, v4;
	v4 =	vld [tilespmem:s21+$0x90]  }
0x1c2: {  	v7 =	vld [tilespmem:s21+$0xA0];
	[tilespmem:s21+$0x30] =	vst v0;
	v5 =	vmul.f32 $8.000000000e+00, v5  }
0x1c3: {  	v0 =	vld [tilespmem:s21+$0xB0];
	[tilespmem:s21+$0x40] =	vst v1;
	v6 =	vmul.f32 $8.000000000e+00, v6  }
0x1c4: {  	v1 =	vld [tilespmem:s21+$0xC0];
	[tilespmem:s21+$0x50] =	vst v5;
	v5 =	vmul.f32 $8.000000000e+00, v2  }
0x1c5: {  	v2 =	vld [tilespmem:s21+$0xD0];
	[tilespmem:s21+$0x60] =	vst v6;
	v6 =	vmul.f32 $8.000000000e+00, v3  }
0x1c6: {  	v3 =	vld [tilespmem:s21+$0xE0];
	[tilespmem:s21+$0x70] =	vst v5;
	v5 =	vmul.f32 $8.000000000e+00, v4  }
0x1c7: {  	s22 =	simm.s32 $0x0;
	s23 =	simm.s32 $0x700;
	v4 =	vld [tilespmem:s21+$0xFFFFFF00];
	[tilespmem:s21+$0x80] =	vst v6;
	v6 =	vmul.f32 $8.000000000e+00, v7  }
.LBB2_11:
0x1c8: {  	v7 =	vld [tilespmem:s23+$0xF0];
	s22 =	sadd.s32 $0x8, s22;
	[tilespmem:s21+$0x90] =	vst v5;
	v0 =	vmul.f32 $8.000000000e+00, v0  }
0x1c9: {  	v5 =	vld [tilespmem:s23+$0xFFFFFF10];
	p0 =	slt.u32 s22, $0xF8;
	[tilespmem:s21+$0xA0] =	vst v6;
	v1 =	vmul.f32 $8.000000000e+00, v1  }
0x1ca: {  	v6 =	vld [tilespmem:s23+$0xFFFFFF20];
	[tilespmem:s21+$0xB0] =	vst v0;
	v0 =	vmul.f32 $8.000000000e+00, v2  }
0x1cb: {  	v2 =	vld [tilespmem:s23+$0xFFFFFF30];
	[tilespmem:s21+$0xC0] =	vst v1;
	v1 =	vmul.f32 $8.000000000e+00, v3  }
0x1cc: {  	v3 =	vld [tilespmem:s23+$0xFFFFFF40];
	v4 =	vmul.f32 $8.000000000e+00, v4;
	[tilespmem:s21+$0xD0] =	vst v0  }
0x1cd: {  	v0 =	vld [tilespmem:s23+$0xFFFFFF50];
	v7 =	vmul.f32 $8.000000000e+00, v7;
	[tilespmem:s21+$0xE0] =	vst v1  }
0x1ce: {  	v1 =	vmul.f32 $8.000000000e+00, v5;
	v5 =	vld [tilespmem:s23+$0xFFFFFF60];
	[tilespmem:s21+$0xFFFFFF00] =	vst v4;
	s21 =	smov.u32 s23  }
0x1cf: {  	v4 =	vmul.f32 $8.000000000e+00, v6;
	v6 =	vld [tilespmem:s23+$0xFFFFFF70];
	[tilespmem:s23+$0xF0] =	vst v7  }
0x1d0: {  	[tilespmem:s23+$0xFFFFFF10] =	vst v1;
	v1 =	vmul.f32 $8.000000000e+00, v2;
	v2 =	vld [tilespmem:s23+$0xFFFFFF80]  }
0x1d1: {  	[tilespmem:s23+$0xFFFFFF20] =	vst v4;
	v3 =	vmul.f32 $8.000000000e+00, v3;
	v4 =	vld [tilespmem:s23+$0xFFFFFF90]  }
0x1d2: {  	[tilespmem:s23+$0xFFFFFF30] =	vst v1;
	v0 =	vmul.f32 $8.000000000e+00, v0;
	v1 =	vld [tilespmem:s23+$0xFFFFFFA0]  }
0x1d3: {  	[tilespmem:s23+$0xFFFFFF40] =	vst v3;
	v3 =	vmul.f32 $8.000000000e+00, v5;
	v5 =	vld [tilespmem:s23+$0xFFFFFFB0]  }
0x1d4: {  	[tilespmem:s23+$0xFFFFFF50] =	vst v0;
	v0 =	vmul.f32 $8.000000000e+00, v6;
	v6 =	vld [tilespmem:s23+$0xFFFFFFC0]  }
0x1d5: {  	[tilespmem:s23+$0xFFFFFF60] =	vst v3;
	v2 =	vmul.f32 $8.000000000e+00, v2;
	v3 =	vld [tilespmem:s23+$0xFFFFFFD0]  }
0x1d6: {  	[tilespmem:s23+$0xFFFFFF70] =	vst v0;
	v0 =	vmul.f32 $8.000000000e+00, v4;
	v4 =	vld [tilespmem:s23+$0xFFFFFFE0]  }
0x1d7: {  	[tilespmem:s23+$0xFFFFFF80] =	vst v2;
	v1 =	vmul.f32 $8.000000000e+00, v1;
	v2 =	vld [tilespmem:s23+$0xFFFFFFF0]  }
0x1d8: {  	[tilespmem:s23+$0xFFFFFF90] =	vst v0;
	v0 =	vmul.f32 $8.000000000e+00, v5;
	v5 =	vld [tilespmem:s23+$0x0]  }
0x1d9: {  	[tilespmem:s23+$0xFFFFFFA0] =	vst v1;
	v1 =	vmul.f32 $8.000000000e+00, v6;
	v6 =	vld [tilespmem:s23+$0x10]  }
0x1da: {  	[tilespmem:s23+$0xFFFFFFB0] =	vst v0;
	v0 =	vmul.f32 $8.000000000e+00, v3;
	v3 =	vld [tilespmem:s23+$0x20]  }
0x1db: {  	[tilespmem:s23+$0xFFFFFFC0] =	vst v1;
	v1 =	vmul.f32 $8.000000000e+00, v4;
	v4 =	vld [tilespmem:s23+$0x30]  }
0x1dc: {  	[tilespmem:s23+$0xFFFFFFD0] =	vst v0;
	v0 =	vmul.f32 $8.000000000e+00, v2;
	v2 =	vld [tilespmem:s23+$0x40]  }
0x1dd: {  	[tilespmem:s23+$0xFFFFFFE0] =	vst v1;
	v1 =	vmul.f32 $8.000000000e+00, v5;
	v5 =	vld [tilespmem:s23+$0x50]  }
0x1de: {  	[tilespmem:s23+$0xFFFFFFF0] =	vst v0;
	v0 =	vmul.f32 $8.000000000e+00, v6;
	v6 =	vld [tilespmem:s23+$0x60]  }
0x1df: {  	[tilespmem:s23+$0x0] =	vst v1;
	v1 =	vmul.f32 $8.000000000e+00, v3;
	v3 =	vld [tilespmem:s23+$0x70]  }
0x1e0: {  	[tilespmem:s23+$0x10] =	vst v0;
	v0 =	vmul.f32 $8.000000000e+00, v4;
	v4 =	vld [tilespmem:s23+$0x80]  }
0x1e1: {  	[tilespmem:s23+$0x20] =	vst v1;
	v1 =	vmul.f32 $8.000000000e+00, v2;
	v7 =	vld [tilespmem:s23+$0x90]  }
0x1e2: {  	[tilespmem:s23+$0x30] =	vst v0;
	v2 =	vmul.f32 $8.000000000e+00, v5;
	v8 =	vld [tilespmem:s23+$0xA0]  }
.Ltmp4:
0x1e3: {  	[tilespmem:s23+$0x40] =	vst v1;
	v5 =	vmul.f32 $8.000000000e+00, v6;
	v0 =	vld [tilespmem:s23+$0xB0];
	(pc) =	sbr.rel @p0 .LBB2_11-.Ltmp4, $4  }
0x1e4: {  	[tilespmem:s23+$0x50] =	vst v2;
	v3 =	vmul.f32 $8.000000000e+00, v3;
	v1 =	vld [tilespmem:s23+$0xC0]  }
0x1e5: {  	[tilespmem:s23+$0x60] =	vst v5;
	v6 =	vmul.f32 $8.000000000e+00, v4;
	v2 =	vld [tilespmem:s23+$0xD0]  }
0x1e6: {  	[tilespmem:s23+$0x70] =	vst v3;
	v5 =	vmul.f32 $8.000000000e+00, v7;
	v3 =	vld [tilespmem:s23+$0xE0]  }
0x1e7: {  	s23 =	sadd.s32 $0x200, s23;
	v4 =	vld [tilespmem:s21+$0xFFFFFF00];
	[tilespmem:s21+$0x80] =	vst v6;
	v6 =	vmul.f32 $8.000000000e+00, v8  }
0x1e8: {  	[tilespmem:s21+$0x90] =	vst v5;
	v0 =	vmul.f32 $8.000000000e+00, v0  }
0x1e9: {  	[tilespmem:s21+$0xA0] =	vst v6;
	v1 =	vmul.f32 $8.000000000e+00, v1  }
0x1ea: {  	[tilespmem:s21+$0xB0] =	vst v0;
	v0 =	vmul.f32 $8.000000000e+00, v2  }
0x1eb: {  	s22 =	sshll.u32 s16, $0x10;
	[tilespmem:s21+$0xC0] =	vst v1;
	v1 =	vmul.f32 $8.000000000e+00, v3  }
0x1ec: {  	s22 =	sadd.s32 s24, s22;
	v2 =	vmul.f32 $8.000000000e+00, v4;
	[tilespmem:s21+$0xD0] =	vst v0  }
0x1ed: {  	s22 =	sshrl.u32 s22, $0x3;
	[tilespmem:s21+$0xE0] =	vst v1  }
0x1ee: {  	s23 =	sadd.s32 s2, s22;
	[tilespmem:s21+$0xFFFFFF00] =	vst v2  }
0x1ef: {  	[hbm4b:s23+s3] =	stream.linear.scatter [tilespmem:s6], [sflag:$0x5], $0x4000, $0x38;
	[tilespmem:$0x10400] =	vst v63  }
0x1f0: {  	_ =	swait.ge [sflag:s19], $0x4000  }
0x1f1: {  	[sflag:s19] =	ssyncset.done $0x0  }
0x1f2: {  	[sflag:s19] =	ssyncadd.s32 $0xFFFFC000  }
0x1f3: {  	_ =	swait.ge [sflag:s26], $0x100  }
0x1f4: {  	[sflag:s26] =	ssyncset.done $0x0  }
0x1f5: {  	[sflag:s26] =	ssyncadd.s32 $0xFFFFFF00  }
0x1f6: {  	[tilespmem:s28], [sflag:$0x4] =	stream.indirect.gather [hbm4b:s5+s1], $0x40, s17, s1, $0xb8;
	[tilespmem:$0x10400] =	vst v63  }
0x1f7: {  	s22 =	simm.s32 $0x380;
	s23 =	simm.s32 $0xE400  }
0x1f8: {  	[tilespmem:s23], [sflag:$0x4] =	stream.indirect.gather [hbm4b:s5+s1], $0x40, s22, s1, $0xb8;
	[tilespmem:$0x10400] =	vst v63  }
0x1f9: {  	_ =	swait.ge [sflag:s31], $0x2000  }
0x1fa: {  	[sflag:s31] =	ssyncset.done $0x0;
	s23 =	rddreg [dreg:$0x10]  }
0x1fb: {  	[sflag:s31] =	ssyncadd.s32 $0xFFFFE000;
	s21 =	sadd.s32 s20, s23  }
0x1fc: {  	_ =	swait.ge [sflag:s31], $0x2000;
	s21 =	sshll.u32 s21, $0x4  }
0x1fd: {  	[sflag:s31] =	ssyncset.done $0x0;
	s21 =	sand.u32 $0x1FFFFFA0, s21  }
0x1fe: {  	[sflag:s31] =	ssyncadd.s32 $0xFFFFE000;
	s21 =	sadd.s32 s4, s21  }
0x1ff: {  	[tilespmem:s8], [sflag:$0xA] =	stream.linear.gather [hbm4b:s21+s3], $0x100, $0x38;
	[tilespmem:$0x10400] =	vst v63  }
0x200: {  	s21 =	simm.s32 $0x4500  }
0x201: {  	v0 =	vld [tilespmem:s21+$0xF0]  }
0x202: {  	v1 =	vld [tilespmem:s21+$0xFFFFFF10]  }
0x203: {  	v2 =	vld [tilespmem:s21+$0xFFFFFF20]  }
0x204: {  	v3 =	vld [tilespmem:s21+$0xFFFFFF30]  }
0x205: {  	v4 =	vld [tilespmem:s21+$0xFFFFFF40]  }
0x206: {  	v5 =	vld [tilespmem:s21+$0xFFFFFF50];
	v0 =	vmul.f32 $8.000000000e+00, v0  }
0x207: {  	v6 =	vld [tilespmem:s21+$0xFFFFFF60];
	v1 =	vmul.f32 $8.000000000e+00, v1  }
0x208: {  	v7 =	vld [tilespmem:s21+$0xFFFFFF70];
	v2 =	vmul.f32 $8.000000000e+00, v2;
	[tilespmem:s21+$0xF0] =	vst v0  }
0x209: {  	[tilespmem:s21+$0xFFFFFF10] =	vst v1;
	v0 =	vmul.f32 $8.000000000e+00, v3;
	v1 =	vld [tilespmem:s21+$0xFFFFFF80]  }
0x20a: {  	[tilespmem:s21+$0xFFFFFF20] =	vst v2;
	v2 =	vmul.f32 $8.000000000e+00, v4;
	v3 =	vld [tilespmem:s21+$0xFFFFFF90]  }
0x20b: {  	v4 =	vld [tilespmem:s21+$0xFFFFFFA0];
	[tilespmem:s21+$0xFFFFFF30] =	vst v0;
	v0 =	vmul.f32 $8.000000000e+00, v5  }
0x20c: {  	[tilespmem:s21+$0xFFFFFF40] =	vst v2;
	v2 =	vmul.f32 $8.000000000e+00, v6;
	v5 =	vld [tilespmem:s21+$0xFFFFFFB0]  }
0x20d: {  	v6 =	vld [tilespmem:s21+$0xFFFFFFC0];
	[tilespmem:s21+$0xFFFFFF50] =	vst v0;
	v0 =	vmul.f32 $8.000000000e+00, v7  }
0x20e: {  	[tilespmem:s21+$0xFFFFFF60] =	vst v2;
	v2 =	vld [tilespmem:s21+$0xFFFFFFD0];
	v1 =	vmul.f32 $8.000000000e+00, v1  }
0x20f: {  	[tilespmem:s21+$0xFFFFFF70] =	vst v0;
	v0 =	vmul.f32 $8.000000000e+00, v3;
	v3 =	vld [tilespmem:s21+$0xFFFFFFE0]  }
0x210: {  	[tilespmem:s21+$0xFFFFFF80] =	vst v1;
	v1 =	vmul.f32 $8.000000000e+00, v4;
	v4 =	vld [tilespmem:s21+$0xFFFFFFF0]  }
0x211: {  	[tilespmem:s21+$0xFFFFFF90] =	vst v0;
	v0 =	vmul.f32 $8.000000000e+00, v5;
	v5 =	vld [tilespmem:s21+$0x0]  }
0x212: {  	[tilespmem:s21+$0xFFFFFFA0] =	vst v1;
	v1 =	vmul.f32 $8.000000000e+00, v6;
	v6 =	vld [tilespmem:s21+$0x10]  }
0x213: {  	[tilespmem:s21+$0xFFFFFFB0] =	vst v0;
	v0 =	vmul.f32 $8.000000000e+00, v2;
	v2 =	vld [tilespmem:s21+$0x20]  }
0x214: {  	[tilespmem:s21+$0xFFFFFFC0] =	vst v1;
	v1 =	vmul.f32 $8.000000000e+00, v3;
	v3 =	vld [tilespmem:s21+$0x30]  }
0x215: {  	[tilespmem:s21+$0xFFFFFFD0] =	vst v0;
	v0 =	vmul.f32 $8.000000000e+00, v4;
	v4 =	vld [tilespmem:s21+$0x40]  }
0x216: {  	[tilespmem:s21+$0xFFFFFFE0] =	vst v1;
	v1 =	vmul.f32 $8.000000000e+00, v5;
	v5 =	vld [tilespmem:s21+$0x50]  }
0x217: {  	[tilespmem:s21+$0xFFFFFFF0] =	vst v0;
	v0 =	vmul.f32 $8.000000000e+00, v6;
	v6 =	vld [tilespmem:s21+$0x60]  }
0x218: {  	[tilespmem:s21+$0x0] =	vst v1;
	v1 =	vmul.f32 $8.000000000e+00, v2;
	v2 =	vld [tilespmem:s21+$0x70]  }
0x219: {  	[tilespmem:s21+$0x10] =	vst v0;
	v0 =	vmul.f32 $8.000000000e+00, v3;
	v3 =	vld [tilespmem:s21+$0x80]  }
0x21a: {  	[tilespmem:s21+$0x20] =	vst v1;
	v1 =	vmul.f32 $8.000000000e+00, v4;
	v4 =	vld [tilespmem:s21+$0x90]  }
0x21b: {  	v7 =	vld [tilespmem:s21+$0xA0];
	[tilespmem:s21+$0x30] =	vst v0;
	v5 =	vmul.f32 $8.000000000e+00, v5  }
0x21c: {  	v0 =	vld [tilespmem:s21+$0xB0];
	[tilespmem:s21+$0x40] =	vst v1;
	v6 =	vmul.f32 $8.000000000e+00, v6  }
0x21d: {  	v1 =	vld [tilespmem:s21+$0xC0];
	[tilespmem:s21+$0x50] =	vst v5;
	v5 =	vmul.f32 $8.000000000e+00, v2  }
0x21e: {  	v2 =	vld [tilespmem:s21+$0xD0];
	[tilespmem:s21+$0x60] =	vst v6;
	v6 =	vmul.f32 $8.000000000e+00, v3  }
0x21f: {  	v3 =	vld [tilespmem:s21+$0xE0];
	[tilespmem:s21+$0x70] =	vst v5;
	v5 =	vmul.f32 $8.000000000e+00, v4  }
0x220: {  	s22 =	simm.s32 $0x0;
	s23 =	simm.s32 $0x4700;
	v4 =	vld [tilespmem:s21+$0xFFFFFF00];
	[tilespmem:s21+$0x80] =	vst v6;
	v6 =	vmul.f32 $8.000000000e+00, v7  }
.LBB2_13:
0x221: {  	v7 =	vld [tilespmem:s23+$0xF0];
	s22 =	sadd.s32 $0x8, s22;
	[tilespmem:s21+$0x90] =	vst v5;
	v0 =	vmul.f32 $8.000000000e+00, v0  }
0x222: {  	v5 =	vld [tilespmem:s23+$0xFFFFFF10];
	p0 =	slt.u32 s22, $0xF8;
	[tilespmem:s21+$0xA0] =	vst v6;
	v1 =	vmul.f32 $8.000000000e+00, v1  }
0x223: {  	v6 =	vld [tilespmem:s23+$0xFFFFFF20];
	[tilespmem:s21+$0xB0] =	vst v0;
	v0 =	vmul.f32 $8.000000000e+00, v2  }
0x224: {  	v2 =	vld [tilespmem:s23+$0xFFFFFF30];
	[tilespmem:s21+$0xC0] =	vst v1;
	v1 =	vmul.f32 $8.000000000e+00, v3  }
0x225: {  	v3 =	vld [tilespmem:s23+$0xFFFFFF40];
	v4 =	vmul.f32 $8.000000000e+00, v4;
	[tilespmem:s21+$0xD0] =	vst v0  }
0x226: {  	v0 =	vld [tilespmem:s23+$0xFFFFFF50];
	v7 =	vmul.f32 $8.000000000e+00, v7;
	[tilespmem:s21+$0xE0] =	vst v1  }
0x227: {  	v1 =	vmul.f32 $8.000000000e+00, v5;
	v5 =	vld [tilespmem:s23+$0xFFFFFF60];
	[tilespmem:s21+$0xFFFFFF00] =	vst v4;
	s21 =	smov.u32 s23  }
0x228: {  	v4 =	vmul.f32 $8.000000000e+00, v6;
	v6 =	vld [tilespmem:s23+$0xFFFFFF70];
	[tilespmem:s23+$0xF0] =	vst v7  }
0x229: {  	[tilespmem:s23+$0xFFFFFF10] =	vst v1;
	v1 =	vmul.f32 $8.000000000e+00, v2;
	v2 =	vld [tilespmem:s23+$0xFFFFFF80]  }
0x22a: {  	[tilespmem:s23+$0xFFFFFF20] =	vst v4;
	v3 =	vmul.f32 $8.000000000e+00, v3;
	v4 =	vld [tilespmem:s23+$0xFFFFFF90]  }
0x22b: {  	[tilespmem:s23+$0xFFFFFF30] =	vst v1;
	v0 =	vmul.f32 $8.000000000e+00, v0;
	v1 =	vld [tilespmem:s23+$0xFFFFFFA0]  }
0x22c: {  	[tilespmem:s23+$0xFFFFFF40] =	vst v3;
	v3 =	vmul.f32 $8.000000000e+00, v5;
	v5 =	vld [tilespmem:s23+$0xFFFFFFB0]  }
0x22d: {  	[tilespmem:s23+$0xFFFFFF50] =	vst v0;
	v0 =	vmul.f32 $8.000000000e+00, v6;
	v6 =	vld [tilespmem:s23+$0xFFFFFFC0]  }
0x22e: {  	[tilespmem:s23+$0xFFFFFF60] =	vst v3;
	v2 =	vmul.f32 $8.000000000e+00, v2;
	v3 =	vld [tilespmem:s23+$0xFFFFFFD0]  }
0x22f: {  	[tilespmem:s23+$0xFFFFFF70] =	vst v0;
	v0 =	vmul.f32 $8.000000000e+00, v4;
	v4 =	vld [tilespmem:s23+$0xFFFFFFE0]  }
0x230: {  	[tilespmem:s23+$0xFFFFFF80] =	vst v2;
	v1 =	vmul.f32 $8.000000000e+00, v1;
	v2 =	vld [tilespmem:s23+$0xFFFFFFF0]  }
0x231: {  	[tilespmem:s23+$0xFFFFFF90] =	vst v0;
	v0 =	vmul.f32 $8.000000000e+00, v5;
	v5 =	vld [tilespmem:s23+$0x0]  }
0x232: {  	[tilespmem:s23+$0xFFFFFFA0] =	vst v1;
	v1 =	vmul.f32 $8.000000000e+00, v6;
	v6 =	vld [tilespmem:s23+$0x10]  }
0x233: {  	[tilespmem:s23+$0xFFFFFFB0] =	vst v0;
	v0 =	vmul.f32 $8.000000000e+00, v3;
	v3 =	vld [tilespmem:s23+$0x20]  }
0x234: {  	[tilespmem:s23+$0xFFFFFFC0] =	vst v1;
	v1 =	vmul.f32 $8.000000000e+00, v4;
	v4 =	vld [tilespmem:s23+$0x30]  }
0x235: {  	[tilespmem:s23+$0xFFFFFFD0] =	vst v0;
	v0 =	vmul.f32 $8.000000000e+00, v2;
	v2 =	vld [tilespmem:s23+$0x40]  }
0x236: {  	[tilespmem:s23+$0xFFFFFFE0] =	vst v1;
	v1 =	vmul.f32 $8.000000000e+00, v5;
	v5 =	vld [tilespmem:s23+$0x50]  }
0x237: {  	[tilespmem:s23+$0xFFFFFFF0] =	vst v0;
	v0 =	vmul.f32 $8.000000000e+00, v6;
	v6 =	vld [tilespmem:s23+$0x60]  }
0x238: {  	[tilespmem:s23+$0x0] =	vst v1;
	v1 =	vmul.f32 $8.000000000e+00, v3;
	v3 =	vld [tilespmem:s23+$0x70]  }
0x239: {  	[tilespmem:s23+$0x10] =	vst v0;
	v0 =	vmul.f32 $8.000000000e+00, v4;
	v4 =	vld [tilespmem:s23+$0x80]  }
0x23a: {  	[tilespmem:s23+$0x20] =	vst v1;
	v1 =	vmul.f32 $8.000000000e+00, v2;
	v7 =	vld [tilespmem:s23+$0x90]  }
0x23b: {  	[tilespmem:s23+$0x30] =	vst v0;
	v2 =	vmul.f32 $8.000000000e+00, v5;
	v8 =	vld [tilespmem:s23+$0xA0]  }
.Ltmp5:
0x23c: {  	[tilespmem:s23+$0x40] =	vst v1;
	v5 =	vmul.f32 $8.000000000e+00, v6;
	v0 =	vld [tilespmem:s23+$0xB0];
	(pc) =	sbr.rel @p0 .LBB2_13-.Ltmp5, $4  }
0x23d: {  	[tilespmem:s23+$0x50] =	vst v2;
	v3 =	vmul.f32 $8.000000000e+00, v3;
	v1 =	vld [tilespmem:s23+$0xC0]  }
0x23e: {  	[tilespmem:s23+$0x60] =	vst v5;
	v6 =	vmul.f32 $8.000000000e+00, v4;
	v2 =	vld [tilespmem:s23+$0xD0]  }
0x23f: {  	[tilespmem:s23+$0x70] =	vst v3;
	v5 =	vmul.f32 $8.000000000e+00, v7;
	v3 =	vld [tilespmem:s23+$0xE0]  }
0x240: {  	s23 =	sadd.s32 $0x200, s23;
	v4 =	vld [tilespmem:s21+$0xFFFFFF00];
	[tilespmem:s21+$0x80] =	vst v6;
	v6 =	vmul.f32 $8.000000000e+00, v8  }
0x241: {  	[tilespmem:s21+$0x90] =	vst v5;
	v0 =	vmul.f32 $8.000000000e+00, v0  }
0x242: {  	[tilespmem:s21+$0xA0] =	vst v6;
	v1 =	vmul.f32 $8.000000000e+00, v1  }
0x243: {  	[tilespmem:s21+$0xB0] =	vst v0  }
0x244: {  	[tilespmem:s21+$0xC0] =	vst v1  }
0x245: {  	v0 =	vmul.f32 $8.000000000e+00, v2;
	s22 =	rddreg [dreg:$0x11]  }
0x246: {  	v1 =	vmul.f32 $8.000000000e+00, v3;
	s22 =	sadd.s32 s20, s22  }
0x247: {  	v2 =	vmul.f32 $8.000000000e+00, v4;
	[tilespmem:s21+$0xD0] =	vst v0;
	s22 =	sshll.u32 s22, $0xA  }
0x248: {  	[tilespmem:s21+$0xE0] =	vst v1;
	s22 =	sand.u32 $0x1FFFE800, s22  }
0x249: {  	[tilespmem:s21+$0xFFFFFF00] =	vst v2;
	s23 =	sadd.s32 s2, s22  }
0x24a: {  	[hbm4b:s23+s3] =	stream.linear.scatter [tilespmem:s9], [sflag:$0x6], $0x4000, $0x38;
	[tilespmem:$0x10400] =	vst v63  }
0x24b: {  	_ =	swait.ge [sflag:s0], $0x4000  }
0x24c: {  	[sflag:s0] =	ssyncset.done $0x0  }
0x24d: {  	[sflag:s0] =	ssyncadd.s32 $0xFFFFC000  }
0x24e: {  	_ =	swait.ge [sflag:s7], $0x100  }
0x24f: {  	[sflag:s7] =	ssyncset.done $0x0  }
0x250: {  	[sflag:s7] =	ssyncadd.s32 $0xFFFFFF00  }
0x251: {  	[tilespmem:s6], [sflag:$0x1] =	stream.indirect.gather [hbm4b:s5+s1], $0x40, s3, s1, $0xb8;
	[tilespmem:$0x10400] =	vst v63  }
0x252: {  	s22 =	simm.s32 $0x2400  }
0x253: {  	[tilespmem:s22], [sflag:$0x1] =	stream.indirect.gather [hbm4b:s5+s1], $0x40, s1, s1, $0xb8;
	[tilespmem:$0x10400] =	vst v63  }
0x254: {  	_ =	swait.ge [sflag:s10], $0x2000  }
0x255: {  	[sflag:s10] =	ssyncset.done $0x0;
	s23 =	rddreg [dreg:$0x12]  }
0x256: {  	[sflag:s10] =	ssyncadd.s32 $0xFFFFE000;
	s21 =	sadd.s32 s20, s23  }
0x257: {  	_ =	swait.ge [sflag:s10], $0x2000;
	s21 =	sshll.u32 s21, $0x4  }
0x258: {  	[sflag:s10] =	ssyncset.done $0x0;
	s21 =	sand.u32 $0x1FFFFFC0, s21  }
0x259: {  	[sflag:s10] =	ssyncadd.s32 $0xFFFFE000;
	s21 =	sadd.s32 s4, s21  }
0x25a: {  	[tilespmem:s12], [sflag:$0xB] =	stream.linear.gather [hbm4b:s21+s3], $0x100, $0x38;
	[tilespmem:$0x10400] =	vst v63  }
0x25b: {  	s21 =	simm.s32 $0x8500  }
0x25c: {  	v0 =	vld [tilespmem:s21+$0xF0]  }
0x25d: {  	v1 =	vld [tilespmem:s21+$0xFFFFFF10]  }
0x25e: {  	v2 =	vld [tilespmem:s21+$0xFFFFFF20]  }
0x25f: {  	v3 =	vld [tilespmem:s21+$0xFFFFFF30]  }
0x260: {  	v4 =	vld [tilespmem:s21+$0xFFFFFF40]  }
0x261: {  	v5 =	vld [tilespmem:s21+$0xFFFFFF50];
	v0 =	vmul.f32 $8.000000000e+00, v0  }
0x262: {  	v6 =	vld [tilespmem:s21+$0xFFFFFF60];
	v1 =	vmul.f32 $8.000000000e+00, v1  }
0x263: {  	v7 =	vld [tilespmem:s21+$0xFFFFFF70];
	v2 =	vmul.f32 $8.000000000e+00, v2;
	[tilespmem:s21+$0xF0] =	vst v0  }
0x264: {  	[tilespmem:s21+$0xFFFFFF10] =	vst v1;
	v0 =	vmul.f32 $8.000000000e+00, v3;
	v1 =	vld [tilespmem:s21+$0xFFFFFF80]  }
0x265: {  	[tilespmem:s21+$0xFFFFFF20] =	vst v2;
	v2 =	vmul.f32 $8.000000000e+00, v4;
	v3 =	vld [tilespmem:s21+$0xFFFFFF90]  }
0x266: {  	v4 =	vld [tilespmem:s21+$0xFFFFFFA0];
	[tilespmem:s21+$0xFFFFFF30] =	vst v0;
	v0 =	vmul.f32 $8.000000000e+00, v5  }
0x267: {  	[tilespmem:s21+$0xFFFFFF40] =	vst v2;
	v2 =	vmul.f32 $8.000000000e+00, v6;
	v5 =	vld [tilespmem:s21+$0xFFFFFFB0]  }
0x268: {  	v6 =	vld [tilespmem:s21+$0xFFFFFFC0];
	[tilespmem:s21+$0xFFFFFF50] =	vst v0;
	v0 =	vmul.f32 $8.000000000e+00, v7  }
0x269: {  	[tilespmem:s21+$0xFFFFFF60] =	vst v2;
	v2 =	vld [tilespmem:s21+$0xFFFFFFD0];
	v1 =	vmul.f32 $8.000000000e+00, v1  }
0x26a: {  	[tilespmem:s21+$0xFFFFFF70] =	vst v0;
	v0 =	vmul.f32 $8.000000000e+00, v3;
	v3 =	vld [tilespmem:s21+$0xFFFFFFE0]  }
0x26b: {  	[tilespmem:s21+$0xFFFFFF80] =	vst v1;
	v1 =	vmul.f32 $8.000000000e+00, v4;
	v4 =	vld [tilespmem:s21+$0xFFFFFFF0]  }
0x26c: {  	[tilespmem:s21+$0xFFFFFF90] =	vst v0;
	v0 =	vmul.f32 $8.000000000e+00, v5;
	v5 =	vld [tilespmem:s21+$0x0]  }
0x26d: {  	[tilespmem:s21+$0xFFFFFFA0] =	vst v1;
	v1 =	vmul.f32 $8.000000000e+00, v6;
	v6 =	vld [tilespmem:s21+$0x10]  }
0x26e: {  	[tilespmem:s21+$0xFFFFFFB0] =	vst v0;
	v0 =	vmul.f32 $8.000000000e+00, v2;
	v2 =	vld [tilespmem:s21+$0x20]  }
0x26f: {  	[tilespmem:s21+$0xFFFFFFC0] =	vst v1;
	v1 =	vmul.f32 $8.000000000e+00, v3;
	v3 =	vld [tilespmem:s21+$0x30]  }
0x270: {  	[tilespmem:s21+$0xFFFFFFD0] =	vst v0;
	v0 =	vmul.f32 $8.000000000e+00, v4;
	v4 =	vld [tilespmem:s21+$0x40]  }
0x271: {  	[tilespmem:s21+$0xFFFFFFE0] =	vst v1;
	v1 =	vmul.f32 $8.000000000e+00, v5;
	v5 =	vld [tilespmem:s21+$0x50]  }
0x272: {  	[tilespmem:s21+$0xFFFFFFF0] =	vst v0;
	v0 =	vmul.f32 $8.000000000e+00, v6;
	v6 =	vld [tilespmem:s21+$0x60]  }
0x273: {  	[tilespmem:s21+$0x0] =	vst v1;
	v1 =	vmul.f32 $8.000000000e+00, v2;
	v2 =	vld [tilespmem:s21+$0x70]  }
0x274: {  	[tilespmem:s21+$0x10] =	vst v0;
	v0 =	vmul.f32 $8.000000000e+00, v3;
	v3 =	vld [tilespmem:s21+$0x80]  }
0x275: {  	[tilespmem:s21+$0x20] =	vst v1;
	v1 =	vmul.f32 $8.000000000e+00, v4;
	v4 =	vld [tilespmem:s21+$0x90]  }
0x276: {  	v7 =	vld [tilespmem:s21+$0xA0];
	[tilespmem:s21+$0x30] =	vst v0;
	v5 =	vmul.f32 $8.000000000e+00, v5  }
0x277: {  	v0 =	vld [tilespmem:s21+$0xB0];
	[tilespmem:s21+$0x40] =	vst v1;
	v6 =	vmul.f32 $8.000000000e+00, v6  }
0x278: {  	v1 =	vld [tilespmem:s21+$0xC0];
	[tilespmem:s21+$0x50] =	vst v5;
	v5 =	vmul.f32 $8.000000000e+00, v2  }
0x279: {  	v2 =	vld [tilespmem:s21+$0xD0];
	[tilespmem:s21+$0x60] =	vst v6;
	v6 =	vmul.f32 $8.000000000e+00, v3  }
0x27a: {  	v3 =	vld [tilespmem:s21+$0xE0];
	[tilespmem:s21+$0x70] =	vst v5;
	v5 =	vmul.f32 $8.000000000e+00, v4  }
0x27b: {  	s22 =	simm.s32 $0x0;
	s23 =	simm.s32 $0x8700;
	v4 =	vld [tilespmem:s21+$0xFFFFFF00];
	[tilespmem:s21+$0x80] =	vst v6;
	v6 =	vmul.f32 $8.000000000e+00, v7  }
.LBB2_15:
0x27c: {  	v7 =	vld [tilespmem:s23+$0xF0];
	s22 =	sadd.s32 $0x8, s22;
	[tilespmem:s21+$0x90] =	vst v5;
	v0 =	vmul.f32 $8.000000000e+00, v0  }
0x27d: {  	v5 =	vld [tilespmem:s23+$0xFFFFFF10];
	p0 =	slt.u32 s22, $0xF8;
	[tilespmem:s21+$0xA0] =	vst v6;
	v1 =	vmul.f32 $8.000000000e+00, v1  }
0x27e: {  	v6 =	vld [tilespmem:s23+$0xFFFFFF20];
	[tilespmem:s21+$0xB0] =	vst v0;
	v0 =	vmul.f32 $8.000000000e+00, v2  }
0x27f: {  	v2 =	vld [tilespmem:s23+$0xFFFFFF30];
	[tilespmem:s21+$0xC0] =	vst v1;
	v1 =	vmul.f32 $8.000000000e+00, v3  }
0x280: {  	v3 =	vld [tilespmem:s23+$0xFFFFFF40];
	v4 =	vmul.f32 $8.000000000e+00, v4;
	[tilespmem:s21+$0xD0] =	vst v0  }
0x281: {  	v0 =	vld [tilespmem:s23+$0xFFFFFF50];
	v7 =	vmul.f32 $8.000000000e+00, v7;
	[tilespmem:s21+$0xE0] =	vst v1  }
0x282: {  	v1 =	vmul.f32 $8.000000000e+00, v5;
	v5 =	vld [tilespmem:s23+$0xFFFFFF60];
	[tilespmem:s21+$0xFFFFFF00] =	vst v4;
	s21 =	smov.u32 s23  }
0x283: {  	v4 =	vmul.f32 $8.000000000e+00, v6;
	v6 =	vld [tilespmem:s23+$0xFFFFFF70];
	[tilespmem:s23+$0xF0] =	vst v7  }
0x284: {  	[tilespmem:s23+$0xFFFFFF10] =	vst v1;
	v1 =	vmul.f32 $8.000000000e+00, v2;
	v2 =	vld [tilespmem:s23+$0xFFFFFF80]  }
0x285: {  	[tilespmem:s23+$0xFFFFFF20] =	vst v4;
	v3 =	vmul.f32 $8.000000000e+00, v3;
	v4 =	vld [tilespmem:s23+$0xFFFFFF90]  }
0x286: {  	[tilespmem:s23+$0xFFFFFF30] =	vst v1;
	v0 =	vmul.f32 $8.000000000e+00, v0;
	v1 =	vld [tilespmem:s23+$0xFFFFFFA0]  }
0x287: {  	[tilespmem:s23+$0xFFFFFF40] =	vst v3;
	v3 =	vmul.f32 $8.000000000e+00, v5;
	v5 =	vld [tilespmem:s23+$0xFFFFFFB0]  }
0x288: {  	[tilespmem:s23+$0xFFFFFF50] =	vst v0;
	v0 =	vmul.f32 $8.000000000e+00, v6;
	v6 =	vld [tilespmem:s23+$0xFFFFFFC0]  }
0x289: {  	[tilespmem:s23+$0xFFFFFF60] =	vst v3;
	v2 =	vmul.f32 $8.000000000e+00, v2;
	v3 =	vld [tilespmem:s23+$0xFFFFFFD0]  }
0x28a: {  	[tilespmem:s23+$0xFFFFFF70] =	vst v0;
	v0 =	vmul.f32 $8.000000000e+00, v4;
	v4 =	vld [tilespmem:s23+$0xFFFFFFE0]  }
0x28b: {  	[tilespmem:s23+$0xFFFFFF80] =	vst v2;
	v1 =	vmul.f32 $8.000000000e+00, v1;
	v2 =	vld [tilespmem:s23+$0xFFFFFFF0]  }
0x28c: {  	[tilespmem:s23+$0xFFFFFF90] =	vst v0;
	v0 =	vmul.f32 $8.000000000e+00, v5;
	v5 =	vld [tilespmem:s23+$0x0]  }
0x28d: {  	[tilespmem:s23+$0xFFFFFFA0] =	vst v1;
	v1 =	vmul.f32 $8.000000000e+00, v6;
	v6 =	vld [tilespmem:s23+$0x10]  }
0x28e: {  	[tilespmem:s23+$0xFFFFFFB0] =	vst v0;
	v0 =	vmul.f32 $8.000000000e+00, v3;
	v3 =	vld [tilespmem:s23+$0x20]  }
0x28f: {  	[tilespmem:s23+$0xFFFFFFC0] =	vst v1;
	v1 =	vmul.f32 $8.000000000e+00, v4;
	v4 =	vld [tilespmem:s23+$0x30]  }
0x290: {  	[tilespmem:s23+$0xFFFFFFD0] =	vst v0;
	v0 =	vmul.f32 $8.000000000e+00, v2;
	v2 =	vld [tilespmem:s23+$0x40]  }
0x291: {  	[tilespmem:s23+$0xFFFFFFE0] =	vst v1;
	v1 =	vmul.f32 $8.000000000e+00, v5;
	v5 =	vld [tilespmem:s23+$0x50]  }
0x292: {  	[tilespmem:s23+$0xFFFFFFF0] =	vst v0;
	v0 =	vmul.f32 $8.000000000e+00, v6;
	v6 =	vld [tilespmem:s23+$0x60]  }
0x293: {  	[tilespmem:s23+$0x0] =	vst v1;
	v1 =	vmul.f32 $8.000000000e+00, v3;
	v3 =	vld [tilespmem:s23+$0x70]  }
0x294: {  	[tilespmem:s23+$0x10] =	vst v0;
	v0 =	vmul.f32 $8.000000000e+00, v4;
	v4 =	vld [tilespmem:s23+$0x80]  }
0x295: {  	[tilespmem:s23+$0x20] =	vst v1;
	v1 =	vmul.f32 $8.000000000e+00, v2;
	v7 =	vld [tilespmem:s23+$0x90]  }
0x296: {  	[tilespmem:s23+$0x30] =	vst v0;
	v2 =	vmul.f32 $8.000000000e+00, v5;
	v8 =	vld [tilespmem:s23+$0xA0]  }
.Ltmp6:
0x297: {  	[tilespmem:s23+$0x40] =	vst v1;
	v5 =	vmul.f32 $8.000000000e+00, v6;
	v0 =	vld [tilespmem:s23+$0xB0];
	(pc) =	sbr.rel @p0 .LBB2_15-.Ltmp6, $4  }
0x298: {  	[tilespmem:s23+$0x50] =	vst v2;
	v3 =	vmul.f32 $8.000000000e+00, v3;
	v1 =	vld [tilespmem:s23+$0xC0]  }
0x299: {  	[tilespmem:s23+$0x60] =	vst v5;
	v6 =	vmul.f32 $8.000000000e+00, v4;
	v2 =	vld [tilespmem:s23+$0xD0]  }
0x29a: {  	[tilespmem:s23+$0x70] =	vst v3;
	v5 =	vmul.f32 $8.000000000e+00, v7;
	v3 =	vld [tilespmem:s23+$0xE0]  }
0x29b: {  	s23 =	sadd.s32 $0x200, s23;
	v4 =	vld [tilespmem:s21+$0xFFFFFF00];
	[tilespmem:s21+$0x80] =	vst v6;
	v6 =	vmul.f32 $8.000000000e+00, v8  }
0x29c: {  	[tilespmem:s21+$0x90] =	vst v5;
	v0 =	vmul.f32 $8.000000000e+00, v0  }
0x29d: {  	[tilespmem:s21+$0xA0] =	vst v6;
	v1 =	vmul.f32 $8.000000000e+00, v1  }
0x29e: {  	[tilespmem:s21+$0xB0] =	vst v0  }
0x29f: {  	[tilespmem:s21+$0xC0] =	vst v1  }
0x2a0: {  	v0 =	vmul.f32 $8.000000000e+00, v2;
	s22 =	rddreg [dreg:$0x13]  }
0x2a1: {  	v1 =	vmul.f32 $8.000000000e+00, v3;
	s22 =	sadd.s32 s20, s22  }
0x2a2: {  	v2 =	vmul.f32 $8.000000000e+00, v4;
	[tilespmem:s21+$0xD0] =	vst v0;
	s22 =	sshll.u32 s22, $0xA  }
0x2a3: {  	[tilespmem:s21+$0xE0] =	vst v1;
	s22 =	sand.u32 $0x1FFFF000, s22  }
0x2a4: {  	[tilespmem:s21+$0xFFFFFF00] =	vst v2;
	s23 =	sadd.s32 s2, s22  }
0x2a5: {  	[hbm4b:s23+s3] =	stream.linear.scatter [tilespmem:s13], [sflag:$0x7], $0x4000, $0x38;
	[tilespmem:$0x10400] =	vst v63  }
0x2a6: {  	_ =	swait.ge [sflag:s11], $0x4000  }
0x2a7: {  	[sflag:s11] =	ssyncset.done $0x0  }
0x2a8: {  	[sflag:s11] =	ssyncadd.s32 $0xFFFFC000  }
0x2a9: {  	_ =	swait.ge [sflag:s14], $0x100  }
0x2aa: {  	[sflag:s14] =	ssyncset.done $0x0  }
0x2ab: {  	[sflag:s14] =	ssyncadd.s32 $0xFFFFFF00  }
0x2ac: {  	[tilespmem:s9], [sflag:$0x2] =	stream.indirect.gather [hbm4b:s5+s1], $0x40, s8, s1, $0xb8;
	[tilespmem:$0x10400] =	vst v63  }
0x2ad: {  	s22 =	simm.s32 $0x180;
	s23 =	simm.s32 $0x6400  }
0x2ae: {  	[tilespmem:s23], [sflag:$0x2] =	stream.indirect.gather [hbm4b:s5+s1], $0x40, s22, s1, $0xb8;
	[tilespmem:$0x10400] =	vst v63  }
0x2af: {  	_ =	swait.ge [sflag:s15], $0x2000  }
0x2b0: {  	[sflag:s15] =	ssyncset.done $0x0;
	s23 =	rddreg [dreg:$0x14]  }
0x2b1: {  	[sflag:s15] =	ssyncadd.s32 $0xFFFFE000;
	s21 =	sadd.s32 s20, s23  }
0x2b2: {  	_ =	swait.ge [sflag:s15], $0x2000;
	s21 =	sshll.u32 s21, $0x4  }
0x2b3: {  	[sflag:s15] =	ssyncset.done $0x0;
	s21 =	sand.u32 $0x1FFFFFE0, s21  }
0x2b4: {  	[sflag:s15] =	ssyncadd.s32 $0xFFFFE000;
	s21 =	sadd.s32 s4, s21  }
0x2b5: {  	[tilespmem:s17], [sflag:$0xC] =	stream.linear.gather [hbm4b:s21+s3], $0x100, $0x38;
	[tilespmem:$0x10400] =	vst v63  }
0x2b6: {  	s21 =	simm.s32 $0xC500  }
0x2b7: {  	v0 =	vld [tilespmem:s21+$0xF0]  }
0x2b8: {  	v1 =	vld [tilespmem:s21+$0xFFFFFF10]  }
0x2b9: {  	v2 =	vld [tilespmem:s21+$0xFFFFFF20]  }
0x2ba: {  	v3 =	vld [tilespmem:s21+$0xFFFFFF30]  }
0x2bb: {  	v4 =	vld [tilespmem:s21+$0xFFFFFF40]  }
0x2bc: {  	v5 =	vld [tilespmem:s21+$0xFFFFFF50];
	v0 =	vmul.f32 $8.000000000e+00, v0  }
0x2bd: {  	v6 =	vld [tilespmem:s21+$0xFFFFFF60];
	v1 =	vmul.f32 $8.000000000e+00, v1  }
0x2be: {  	v7 =	vld [tilespmem:s21+$0xFFFFFF70];
	v2 =	vmul.f32 $8.000000000e+00, v2;
	[tilespmem:s21+$0xF0] =	vst v0  }
0x2bf: {  	[tilespmem:s21+$0xFFFFFF10] =	vst v1;
	v0 =	vmul.f32 $8.000000000e+00, v3;
	v1 =	vld [tilespmem:s21+$0xFFFFFF80]  }
0x2c0: {  	[tilespmem:s21+$0xFFFFFF20] =	vst v2;
	v2 =	vmul.f32 $8.000000000e+00, v4;
	v3 =	vld [tilespmem:s21+$0xFFFFFF90]  }
0x2c1: {  	v4 =	vld [tilespmem:s21+$0xFFFFFFA0];
	[tilespmem:s21+$0xFFFFFF30] =	vst v0;
	v0 =	vmul.f32 $8.000000000e+00, v5  }
0x2c2: {  	[tilespmem:s21+$0xFFFFFF40] =	vst v2;
	v2 =	vmul.f32 $8.000000000e+00, v6;
	v5 =	vld [tilespmem:s21+$0xFFFFFFB0]  }
0x2c3: {  	v6 =	vld [tilespmem:s21+$0xFFFFFFC0];
	[tilespmem:s21+$0xFFFFFF50] =	vst v0;
	v0 =	vmul.f32 $8.000000000e+00, v7  }
0x2c4: {  	[tilespmem:s21+$0xFFFFFF60] =	vst v2;
	v2 =	vld [tilespmem:s21+$0xFFFFFFD0];
	v1 =	vmul.f32 $8.000000000e+00, v1  }
0x2c5: {  	[tilespmem:s21+$0xFFFFFF70] =	vst v0;
	v0 =	vmul.f32 $8.000000000e+00, v3;
	v3 =	vld [tilespmem:s21+$0xFFFFFFE0]  }
0x2c6: {  	[tilespmem:s21+$0xFFFFFF80] =	vst v1;
	v1 =	vmul.f32 $8.000000000e+00, v4;
	v4 =	vld [tilespmem:s21+$0xFFFFFFF0]  }
0x2c7: {  	[tilespmem:s21+$0xFFFFFF90] =	vst v0;
	v0 =	vmul.f32 $8.000000000e+00, v5;
	v5 =	vld [tilespmem:s21+$0x0]  }
0x2c8: {  	[tilespmem:s21+$0xFFFFFFA0] =	vst v1;
	v1 =	vmul.f32 $8.000000000e+00, v6;
	v6 =	vld [tilespmem:s21+$0x10]  }
0x2c9: {  	[tilespmem:s21+$0xFFFFFFB0] =	vst v0;
	v0 =	vmul.f32 $8.000000000e+00, v2;
	v2 =	vld [tilespmem:s21+$0x20]  }
0x2ca: {  	[tilespmem:s21+$0xFFFFFFC0] =	vst v1;
	v1 =	vmul.f32 $8.000000000e+00, v3;
	v3 =	vld [tilespmem:s21+$0x30]  }
0x2cb: {  	[tilespmem:s21+$0xFFFFFFD0] =	vst v0;
	v0 =	vmul.f32 $8.000000000e+00, v4;
	v4 =	vld [tilespmem:s21+$0x40]  }
0x2cc: {  	[tilespmem:s21+$0xFFFFFFE0] =	vst v1;
	v1 =	vmul.f32 $8.000000000e+00, v5;
	v5 =	vld [tilespmem:s21+$0x50]  }
0x2cd: {  	[tilespmem:s21+$0xFFFFFFF0] =	vst v0;
	v0 =	vmul.f32 $8.000000000e+00, v6;
	v6 =	vld [tilespmem:s21+$0x60]  }
0x2ce: {  	[tilespmem:s21+$0x0] =	vst v1;
	v1 =	vmul.f32 $8.000000000e+00, v2;
	v2 =	vld [tilespmem:s21+$0x70]  }
0x2cf: {  	[tilespmem:s21+$0x10] =	vst v0;
	v0 =	vmul.f32 $8.000000000e+00, v3;
	v3 =	vld [tilespmem:s21+$0x80]  }
0x2d0: {  	[tilespmem:s21+$0x20] =	vst v1;
	v1 =	vmul.f32 $8.000000000e+00, v4;
	v4 =	vld [tilespmem:s21+$0x90]  }
0x2d1: {  	v7 =	vld [tilespmem:s21+$0xA0];
	[tilespmem:s21+$0x30] =	vst v0;
	v5 =	vmul.f32 $8.000000000e+00, v5  }
0x2d2: {  	v0 =	vld [tilespmem:s21+$0xB0];
	[tilespmem:s21+$0x40] =	vst v1;
	v6 =	vmul.f32 $8.000000000e+00, v6  }
0x2d3: {  	v1 =	vld [tilespmem:s21+$0xC0];
	[tilespmem:s21+$0x50] =	vst v5;
	v5 =	vmul.f32 $8.000000000e+00, v2  }
0x2d4: {  	v2 =	vld [tilespmem:s21+$0xD0];
	[tilespmem:s21+$0x60] =	vst v6;
	v6 =	vmul.f32 $8.000000000e+00, v3  }
0x2d5: {  	v3 =	vld [tilespmem:s21+$0xE0];
	[tilespmem:s21+$0x70] =	vst v5;
	v5 =	vmul.f32 $8.000000000e+00, v4  }
0x2d6: {  	s22 =	simm.s32 $0x0;
	s23 =	simm.s32 $0xC700;
	v4 =	vld [tilespmem:s21+$0xFFFFFF00];
	[tilespmem:s21+$0x80] =	vst v6;
	v6 =	vmul.f32 $8.000000000e+00, v7  }
.LBB2_17:
0x2d7: {  	v7 =	vld [tilespmem:s23+$0xF0];
	s22 =	sadd.s32 $0x8, s22;
	[tilespmem:s21+$0x90] =	vst v5;
	v0 =	vmul.f32 $8.000000000e+00, v0  }
0x2d8: {  	v5 =	vld [tilespmem:s23+$0xFFFFFF10];
	p0 =	slt.u32 s22, $0xF8;
	[tilespmem:s21+$0xA0] =	vst v6;
	v1 =	vmul.f32 $8.000000000e+00, v1  }
0x2d9: {  	v6 =	vld [tilespmem:s23+$0xFFFFFF20];
	[tilespmem:s21+$0xB0] =	vst v0;
	v0 =	vmul.f32 $8.000000000e+00, v2  }
0x2da: {  	v2 =	vld [tilespmem:s23+$0xFFFFFF30];
	[tilespmem:s21+$0xC0] =	vst v1;
	v1 =	vmul.f32 $8.000000000e+00, v3  }
0x2db: {  	v3 =	vld [tilespmem:s23+$0xFFFFFF40];
	v4 =	vmul.f32 $8.000000000e+00, v4;
	[tilespmem:s21+$0xD0] =	vst v0  }
0x2dc: {  	v0 =	vld [tilespmem:s23+$0xFFFFFF50];
	v7 =	vmul.f32 $8.000000000e+00, v7;
	[tilespmem:s21+$0xE0] =	vst v1  }
0x2dd: {  	v1 =	vmul.f32 $8.000000000e+00, v5;
	v5 =	vld [tilespmem:s23+$0xFFFFFF60];
	[tilespmem:s21+$0xFFFFFF00] =	vst v4;
	s21 =	smov.u32 s23  }
0x2de: {  	v4 =	vmul.f32 $8.000000000e+00, v6;
	v6 =	vld [tilespmem:s23+$0xFFFFFF70];
	[tilespmem:s23+$0xF0] =	vst v7  }
0x2df: {  	[tilespmem:s23+$0xFFFFFF10] =	vst v1;
	v1 =	vmul.f32 $8.000000000e+00, v2;
	v2 =	vld [tilespmem:s23+$0xFFFFFF80]  }
0x2e0: {  	[tilespmem:s23+$0xFFFFFF20] =	vst v4;
	v3 =	vmul.f32 $8.000000000e+00, v3;
	v4 =	vld [tilespmem:s23+$0xFFFFFF90]  }
0x2e1: {  	[tilespmem:s23+$0xFFFFFF30] =	vst v1;
	v0 =	vmul.f32 $8.000000000e+00, v0;
	v1 =	vld [tilespmem:s23+$0xFFFFFFA0]  }
0x2e2: {  	[tilespmem:s23+$0xFFFFFF40] =	vst v3;
	v3 =	vmul.f32 $8.000000000e+00, v5;
	v5 =	vld [tilespmem:s23+$0xFFFFFFB0]  }
0x2e3: {  	[tilespmem:s23+$0xFFFFFF50] =	vst v0;
	v0 =	vmul.f32 $8.000000000e+00, v6;
	v6 =	vld [tilespmem:s23+$0xFFFFFFC0]  }
0x2e4: {  	[tilespmem:s23+$0xFFFFFF60] =	vst v3;
	v2 =	vmul.f32 $8.000000000e+00, v2;
	v3 =	vld [tilespmem:s23+$0xFFFFFFD0]  }
0x2e5: {  	[tilespmem:s23+$0xFFFFFF70] =	vst v0;
	v0 =	vmul.f32 $8.000000000e+00, v4;
	v4 =	vld [tilespmem:s23+$0xFFFFFFE0]  }
0x2e6: {  	[tilespmem:s23+$0xFFFFFF80] =	vst v2;
	v1 =	vmul.f32 $8.000000000e+00, v1;
	v2 =	vld [tilespmem:s23+$0xFFFFFFF0]  }
0x2e7: {  	[tilespmem:s23+$0xFFFFFF90] =	vst v0;
	v0 =	vmul.f32 $8.000000000e+00, v5;
	v5 =	vld [tilespmem:s23+$0x0]  }
0x2e8: {  	[tilespmem:s23+$0xFFFFFFA0] =	vst v1;
	v1 =	vmul.f32 $8.000000000e+00, v6;
	v6 =	vld [tilespmem:s23+$0x10]  }
0x2e9: {  	[tilespmem:s23+$0xFFFFFFB0] =	vst v0;
	v0 =	vmul.f32 $8.000000000e+00, v3;
	v3 =	vld [tilespmem:s23+$0x20]  }
0x2ea: {  	[tilespmem:s23+$0xFFFFFFC0] =	vst v1;
	v1 =	vmul.f32 $8.000000000e+00, v4;
	v4 =	vld [tilespmem:s23+$0x30]  }
0x2eb: {  	[tilespmem:s23+$0xFFFFFFD0] =	vst v0;
	v0 =	vmul.f32 $8.000000000e+00, v2;
	v2 =	vld [tilespmem:s23+$0x40]  }
0x2ec: {  	[tilespmem:s23+$0xFFFFFFE0] =	vst v1;
	v1 =	vmul.f32 $8.000000000e+00, v5;
	v5 =	vld [tilespmem:s23+$0x50]  }
0x2ed: {  	[tilespmem:s23+$0xFFFFFFF0] =	vst v0;
	v0 =	vmul.f32 $8.000000000e+00, v6;
	v6 =	vld [tilespmem:s23+$0x60]  }
0x2ee: {  	[tilespmem:s23+$0x0] =	vst v1;
	v1 =	vmul.f32 $8.000000000e+00, v3;
	v3 =	vld [tilespmem:s23+$0x70]  }
0x2ef: {  	[tilespmem:s23+$0x10] =	vst v0;
	v0 =	vmul.f32 $8.000000000e+00, v4;
	v4 =	vld [tilespmem:s23+$0x80]  }
0x2f0: {  	[tilespmem:s23+$0x20] =	vst v1;
	v1 =	vmul.f32 $8.000000000e+00, v2;
	v7 =	vld [tilespmem:s23+$0x90]  }
0x2f1: {  	[tilespmem:s23+$0x30] =	vst v0;
	v2 =	vmul.f32 $8.000000000e+00, v5;
	v8 =	vld [tilespmem:s23+$0xA0]  }
.Ltmp7:
0x2f2: {  	[tilespmem:s23+$0x40] =	vst v1;
	v5 =	vmul.f32 $8.000000000e+00, v6;
	v0 =	vld [tilespmem:s23+$0xB0];
	(pc) =	sbr.rel @p0 .LBB2_17-.Ltmp7, $4  }
0x2f3: {  	[tilespmem:s23+$0x50] =	vst v2;
	v3 =	vmul.f32 $8.000000000e+00, v3;
	v1 =	vld [tilespmem:s23+$0xC0]  }
0x2f4: {  	[tilespmem:s23+$0x60] =	vst v5;
	v6 =	vmul.f32 $8.000000000e+00, v4;
	v2 =	vld [tilespmem:s23+$0xD0]  }
0x2f5: {  	[tilespmem:s23+$0x70] =	vst v3;
	v5 =	vmul.f32 $8.000000000e+00, v7;
	v3 =	vld [tilespmem:s23+$0xE0]  }
0x2f6: {  	s23 =	sadd.s32 $0x200, s23;
	v4 =	vld [tilespmem:s21+$0xFFFFFF00];
	[tilespmem:s21+$0x80] =	vst v6;
	v6 =	vmul.f32 $8.000000000e+00, v8  }
0x2f7: {  	[tilespmem:s21+$0x90] =	vst v5;
	v0 =	vmul.f32 $8.000000000e+00, v0  }
0x2f8: {  	[tilespmem:s21+$0xA0] =	vst v6;
	v1 =	vmul.f32 $8.000000000e+00, v1  }
0x2f9: {  	[tilespmem:s21+$0xB0] =	vst v0;
	v61 =	vmul.f32 $8.000000000e+00, v2  }
0x2fa: {  	s20 =	sadd.s32 s20, s25;
	[tilespmem:s21+$0xC0] =	vst v1;
	v62 =	vmul.f32 $8.000000000e+00, v3  }
0x2fb: {  	s20 =	sshll.u32 s20, $0xA;
	v63 =	vmul.f32 $8.000000000e+00, v4;
	[tilespmem:s21+$0xD0] =	vst v61  }
0x2fc: {  	s20 =	sand.u32 $0x1FFFF800, s20;
	[tilespmem:s21+$0xE0] =	vst v62  }
0x2fd: {  	s20 =	sadd.s32 s2, s20;
	[tilespmem:s21+$0xFFFFFF00] =	vst v63  }
0x2fe: {  	[hbm4b:s20+s3] =	stream.linear.scatter [tilespmem:s28], [sflag:$0x8], $0x4000, $0x38;
	[tilespmem:$0x10400] =	vst v63  }
0x2ff: {  	_ =	swait.ge [sflag:s29], $0x4000  }
0x300: {  	[sflag:s29] =	ssyncset.done $0x0  }
0x301: {  	[sflag:s29] =	ssyncadd.s32 $0xFFFFC000  }
0x302: {  	p0 =	sne.s32 s16, $0x17;
	_ =	swait.ge [sflag:s30], $0x100  }
.Ltmp8:
0x303: {  	[sflag:s30] =	ssyncset.done $0x0;
	(pc) =	sbr.rel @p0 .LBB2_10-.Ltmp8, $4  }
0x304: {  	[sflag:s30] =	ssyncadd.s32 $0xFFFFFF00  }
0x305: {  	[tilespmem:s13], [sflag:$0x3] =	stream.indirect.gather [hbm4b:s5+s1], $0x40, s12, s1, $0xb8;
	[tilespmem:$0x10400] =	vst v63  }
0x306: {  	s22 =	simm.s32 $0x280;
	s23 =	simm.s32 $0xA400  }
0x307: {  	[tilespmem:s23], [sflag:$0x3] =	stream.indirect.gather [hbm4b:s5+s1], $0x40, s22, s1, $0xb8;
	[tilespmem:$0x10400] =	vst v63  }
0x308: {  	_ =	swait.ge [sflag:s18], $0x2000  }
0x309: {  	[sflag:s18] =	ssyncset.done $0x0  }
0x30a: {  	[sflag:s18] =	ssyncadd.s32 $0xFFFFE000  }
0x30b: {  	_ =	swait.ge [sflag:s18], $0x2000  }
0x30c: {  	[sflag:s18] =	ssyncset.done $0x0  }
0x30d: {  	s16 =	simm.s32 $0x500;
	[sflag:s18] =	ssyncadd.s32 $0xFFFFE000  }
0x30e: {  	v0 =	vld [tilespmem:s16+$0xF0]  }
0x30f: {  	v1 =	vld [tilespmem:s16+$0xFFFFFF10]  }
0x310: {  	v2 =	vld [tilespmem:s16+$0xFFFFFF20]  }
0x311: {  	v3 =	vld [tilespmem:s16+$0xFFFFFF30]  }
0x312: {  	v4 =	vld [tilespmem:s16+$0xFFFFFF40]  }
0x313: {  	v5 =	vld [tilespmem:s16+$0xFFFFFF50];
	v0 =	vmul.f32 $8.000000000e+00, v0  }
0x314: {  	v6 =	vld [tilespmem:s16+$0xFFFFFF60];
	v1 =	vmul.f32 $8.000000000e+00, v1  }
0x315: {  	v7 =	vld [tilespmem:s16+$0xFFFFFF70];
	v2 =	vmul.f32 $8.000000000e+00, v2;
	[tilespmem:s16+$0xF0] =	vst v0  }
0x316: {  	[tilespmem:s16+$0xFFFFFF10] =	vst v1;
	v0 =	vmul.f32 $8.000000000e+00, v3;
	v1 =	vld [tilespmem:s16+$0xFFFFFF80]  }
0x317: {  	[tilespmem:s16+$0xFFFFFF20] =	vst v2;
	v2 =	vmul.f32 $8.000000000e+00, v4;
	v3 =	vld [tilespmem:s16+$0xFFFFFF90]  }
0x318: {  	v4 =	vld [tilespmem:s16+$0xFFFFFFA0];
	[tilespmem:s16+$0xFFFFFF30] =	vst v0;
	v0 =	vmul.f32 $8.000000000e+00, v5  }
0x319: {  	[tilespmem:s16+$0xFFFFFF40] =	vst v2;
	v2 =	vmul.f32 $8.000000000e+00, v6;
	v5 =	vld [tilespmem:s16+$0xFFFFFFB0]  }
0x31a: {  	v6 =	vld [tilespmem:s16+$0xFFFFFFC0];
	[tilespmem:s16+$0xFFFFFF50] =	vst v0;
	v0 =	vmul.f32 $8.000000000e+00, v7  }
0x31b: {  	[tilespmem:s16+$0xFFFFFF60] =	vst v2;
	v2 =	vld [tilespmem:s16+$0xFFFFFFD0];
	v1 =	vmul.f32 $8.000000000e+00, v1  }
0x31c: {  	[tilespmem:s16+$0xFFFFFF70] =	vst v0;
	v0 =	vmul.f32 $8.000000000e+00, v3;
	v3 =	vld [tilespmem:s16+$0xFFFFFFE0]  }
0x31d: {  	[tilespmem:s16+$0xFFFFFF80] =	vst v1;
	v1 =	vmul.f32 $8.000000000e+00, v4;
	v4 =	vld [tilespmem:s16+$0xFFFFFFF0]  }
0x31e: {  	[tilespmem:s16+$0xFFFFFF90] =	vst v0;
	v0 =	vmul.f32 $8.000000000e+00, v5;
	v5 =	vld [tilespmem:s16+$0x0]  }
0x31f: {  	[tilespmem:s16+$0xFFFFFFA0] =	vst v1;
	v1 =	vmul.f32 $8.000000000e+00, v6;
	v6 =	vld [tilespmem:s16+$0x10]  }
0x320: {  	[tilespmem:s16+$0xFFFFFFB0] =	vst v0;
	v0 =	vmul.f32 $8.000000000e+00, v2;
	v2 =	vld [tilespmem:s16+$0x20]  }
0x321: {  	[tilespmem:s16+$0xFFFFFFC0] =	vst v1;
	v1 =	vmul.f32 $8.000000000e+00, v3;
	v3 =	vld [tilespmem:s16+$0x30]  }
0x322: {  	[tilespmem:s16+$0xFFFFFFD0] =	vst v0;
	v0 =	vmul.f32 $8.000000000e+00, v4;
	v4 =	vld [tilespmem:s16+$0x40]  }
0x323: {  	[tilespmem:s16+$0xFFFFFFE0] =	vst v1;
	v1 =	vmul.f32 $8.000000000e+00, v5;
	v5 =	vld [tilespmem:s16+$0x50]  }
0x324: {  	[tilespmem:s16+$0xFFFFFFF0] =	vst v0;
	v0 =	vmul.f32 $8.000000000e+00, v6;
	v6 =	vld [tilespmem:s16+$0x60]  }
0x325: {  	[tilespmem:s16+$0x0] =	vst v1;
	v1 =	vmul.f32 $8.000000000e+00, v2;
	v2 =	vld [tilespmem:s16+$0x70]  }
0x326: {  	[tilespmem:s16+$0x10] =	vst v0;
	v0 =	vmul.f32 $8.000000000e+00, v3;
	v3 =	vld [tilespmem:s16+$0x80]  }
0x327: {  	[tilespmem:s16+$0x20] =	vst v1;
	v1 =	vmul.f32 $8.000000000e+00, v4;
	v4 =	vld [tilespmem:s16+$0x90]  }
0x328: {  	v7 =	vld [tilespmem:s16+$0xA0];
	[tilespmem:s16+$0x30] =	vst v0;
	v5 =	vmul.f32 $8.000000000e+00, v5  }
0x329: {  	v0 =	vld [tilespmem:s16+$0xB0];
	[tilespmem:s16+$0x40] =	vst v1;
	v6 =	vmul.f32 $8.000000000e+00, v6  }
0x32a: {  	v1 =	vld [tilespmem:s16+$0xC0];
	[tilespmem:s16+$0x50] =	vst v5;
	v5 =	vmul.f32 $8.000000000e+00, v2  }
0x32b: {  	v2 =	vld [tilespmem:s16+$0xD0];
	[tilespmem:s16+$0x60] =	vst v6;
	v6 =	vmul.f32 $8.000000000e+00, v3  }
0x32c: {  	v3 =	vld [tilespmem:s16+$0xE0];
	[tilespmem:s16+$0x70] =	vst v5;
	v5 =	vmul.f32 $8.000000000e+00, v4  }
0x32d: {  	s20 =	simm.s32 $0x0;
	s21 =	simm.s32 $0x700;
	v4 =	vld [tilespmem:s16+$0xFFFFFF00];
	[tilespmem:s16+$0x80] =	vst v6;
	v6 =	vmul.f32 $8.000000000e+00, v7  }
.LBB2_20:
0x32e: {  	v7 =	vld [tilespmem:s21+$0xF0];
	s20 =	sadd.s32 $0x8, s20;
	[tilespmem:s16+$0x90] =	vst v5;
	v0 =	vmul.f32 $8.000000000e+00, v0  }
0x32f: {  	v5 =	vld [tilespmem:s21+$0xFFFFFF10];
	p0 =	slt.u32 s20, $0xF8;
	[tilespmem:s16+$0xA0] =	vst v6;
	v1 =	vmul.f32 $8.000000000e+00, v1  }
0x330: {  	v6 =	vld [tilespmem:s21+$0xFFFFFF20];
	[tilespmem:s16+$0xB0] =	vst v0;
	v0 =	vmul.f32 $8.000000000e+00, v2  }
0x331: {  	v2 =	vld [tilespmem:s21+$0xFFFFFF30];
	[tilespmem:s16+$0xC0] =	vst v1;
	v1 =	vmul.f32 $8.000000000e+00, v3  }
0x332: {  	v3 =	vld [tilespmem:s21+$0xFFFFFF40];
	v4 =	vmul.f32 $8.000000000e+00, v4;
	[tilespmem:s16+$0xD0] =	vst v0  }
0x333: {  	v0 =	vld [tilespmem:s21+$0xFFFFFF50];
	v7 =	vmul.f32 $8.000000000e+00, v7;
	[tilespmem:s16+$0xE0] =	vst v1  }
0x334: {  	v1 =	vmul.f32 $8.000000000e+00, v5;
	v5 =	vld [tilespmem:s21+$0xFFFFFF60];
	[tilespmem:s16+$0xFFFFFF00] =	vst v4;
	s16 =	smov.u32 s21  }
0x335: {  	v4 =	vmul.f32 $8.000000000e+00, v6;
	v6 =	vld [tilespmem:s21+$0xFFFFFF70];
	[tilespmem:s21+$0xF0] =	vst v7  }
0x336: {  	[tilespmem:s21+$0xFFFFFF10] =	vst v1;
	v1 =	vmul.f32 $8.000000000e+00, v2;
	v2 =	vld [tilespmem:s21+$0xFFFFFF80]  }
0x337: {  	[tilespmem:s21+$0xFFFFFF20] =	vst v4;
	v3 =	vmul.f32 $8.000000000e+00, v3;
	v4 =	vld [tilespmem:s21+$0xFFFFFF90]  }
0x338: {  	[tilespmem:s21+$0xFFFFFF30] =	vst v1;
	v0 =	vmul.f32 $8.000000000e+00, v0;
	v1 =	vld [tilespmem:s21+$0xFFFFFFA0]  }
0x339: {  	[tilespmem:s21+$0xFFFFFF40] =	vst v3;
	v3 =	vmul.f32 $8.000000000e+00, v5;
	v5 =	vld [tilespmem:s21+$0xFFFFFFB0]  }
0x33a: {  	[tilespmem:s21+$0xFFFFFF50] =	vst v0;
	v0 =	vmul.f32 $8.000000000e+00, v6;
	v6 =	vld [tilespmem:s21+$0xFFFFFFC0]  }
0x33b: {  	[tilespmem:s21+$0xFFFFFF60] =	vst v3;
	v2 =	vmul.f32 $8.000000000e+00, v2;
	v3 =	vld [tilespmem:s21+$0xFFFFFFD0]  }
0x33c: {  	[tilespmem:s21+$0xFFFFFF70] =	vst v0;
	v0 =	vmul.f32 $8.000000000e+00, v4;
	v4 =	vld [tilespmem:s21+$0xFFFFFFE0]  }
0x33d: {  	[tilespmem:s21+$0xFFFFFF80] =	vst v2;
	v1 =	vmul.f32 $8.000000000e+00, v1;
	v2 =	vld [tilespmem:s21+$0xFFFFFFF0]  }
0x33e: {  	[tilespmem:s21+$0xFFFFFF90] =	vst v0;
	v0 =	vmul.f32 $8.000000000e+00, v5;
	v5 =	vld [tilespmem:s21+$0x0]  }
0x33f: {  	[tilespmem:s21+$0xFFFFFFA0] =	vst v1;
	v1 =	vmul.f32 $8.000000000e+00, v6;
	v6 =	vld [tilespmem:s21+$0x10]  }
0x340: {  	[tilespmem:s21+$0xFFFFFFB0] =	vst v0;
	v0 =	vmul.f32 $8.000000000e+00, v3;
	v3 =	vld [tilespmem:s21+$0x20]  }
0x341: {  	[tilespmem:s21+$0xFFFFFFC0] =	vst v1;
	v1 =	vmul.f32 $8.000000000e+00, v4;
	v4 =	vld [tilespmem:s21+$0x30]  }
0x342: {  	[tilespmem:s21+$0xFFFFFFD0] =	vst v0;
	v0 =	vmul.f32 $8.000000000e+00, v2;
	v2 =	vld [tilespmem:s21+$0x40]  }
0x343: {  	[tilespmem:s21+$0xFFFFFFE0] =	vst v1;
	v1 =	vmul.f32 $8.000000000e+00, v5;
	v5 =	vld [tilespmem:s21+$0x50]  }
0x344: {  	[tilespmem:s21+$0xFFFFFFF0] =	vst v0;
	v0 =	vmul.f32 $8.000000000e+00, v6;
	v6 =	vld [tilespmem:s21+$0x60]  }
0x345: {  	[tilespmem:s21+$0x0] =	vst v1;
	v1 =	vmul.f32 $8.000000000e+00, v3;
	v3 =	vld [tilespmem:s21+$0x70]  }
0x346: {  	[tilespmem:s21+$0x10] =	vst v0;
	v0 =	vmul.f32 $8.000000000e+00, v4;
	v4 =	vld [tilespmem:s21+$0x80]  }
0x347: {  	[tilespmem:s21+$0x20] =	vst v1;
	v1 =	vmul.f32 $8.000000000e+00, v2;
	v7 =	vld [tilespmem:s21+$0x90]  }
0x348: {  	[tilespmem:s21+$0x30] =	vst v0;
	v2 =	vmul.f32 $8.000000000e+00, v5;
	v8 =	vld [tilespmem:s21+$0xA0]  }
.Ltmp9:
0x349: {  	[tilespmem:s21+$0x40] =	vst v1;
	v5 =	vmul.f32 $8.000000000e+00, v6;
	v0 =	vld [tilespmem:s21+$0xB0];
	(pc) =	sbr.rel @p0 .LBB2_20-.Ltmp9, $4  }
0x34a: {  	[tilespmem:s21+$0x50] =	vst v2;
	v3 =	vmul.f32 $8.000000000e+00, v3;
	v1 =	vld [tilespmem:s21+$0xC0]  }
0x34b: {  	[tilespmem:s21+$0x60] =	vst v5;
	v6 =	vmul.f32 $8.000000000e+00, v4;
	v2 =	vld [tilespmem:s21+$0xD0]  }
0x34c: {  	[tilespmem:s21+$0x70] =	vst v3;
	v5 =	vmul.f32 $8.000000000e+00, v7;
	v3 =	vld [tilespmem:s21+$0xE0]  }
0x34d: {  	s21 =	sadd.s32 $0x200, s21;
	v4 =	vld [tilespmem:s16+$0xFFFFFF00];
	[tilespmem:s16+$0x80] =	vst v6;
	v6 =	vmul.f32 $8.000000000e+00, v8  }
0x34e: {  	[tilespmem:s16+$0x90] =	vst v5;
	v0 =	vmul.f32 $8.000000000e+00, v0  }
0x34f: {  	[tilespmem:s16+$0xA0] =	vst v6;
	v1 =	vmul.f32 $8.000000000e+00, v1  }
0x350: {  	[tilespmem:s16+$0xB0] =	vst v0;
	v0 =	vmul.f32 $8.000000000e+00, v2  }
0x351: {  	[tilespmem:s16+$0xC0] =	vst v1;
	v1 =	vmul.f32 $8.000000000e+00, v3  }
0x352: {  	v2 =	vmul.f32 $8.000000000e+00, v4;
	[tilespmem:s16+$0xD0] =	vst v0  }
0x353: {  	[tilespmem:s16+$0xE0] =	vst v1  }
0x354: {  	[tilespmem:s16+$0xFFFFFF00] =	vst v2  }
0x355: {  	s16 =	rddreg [dreg:$0x15]  }
0x356: {  	[hbm4b:s16+s3] =	stream.linear.scatter [tilespmem:s6], [sflag:$0x5], $0x4000, $0x38;
	[tilespmem:$0x10400] =	vst v63  }
0x357: {  	_ =	swait.ge [sflag:s19], $0x4000  }
0x358: {  	[sflag:s19] =	ssyncset.done $0x0  }
0x359: {  	[sflag:s19] =	ssyncadd.s32 $0xFFFFC000  }
0x35a: {  	_ =	swait.ge [sflag:s26], $0x100  }
0x35b: {  	[sflag:s26] =	ssyncset.done $0x0  }
0x35c: {  	[sflag:s26] =	ssyncadd.s32 $0xFFFFFF00  }
0x35d: {  	[tilespmem:s28], [sflag:$0x4] =	stream.indirect.gather [hbm4b:s5+s1], $0x40, s17, s1, $0xb8;
	[tilespmem:$0x10400] =	vst v63  }
0x35e: {  	s23 =	simm.s32 $0x380;
	s20 =	simm.s32 $0xE400  }
0x35f: {  	[tilespmem:s20], [sflag:$0x4] =	stream.indirect.gather [hbm4b:s5+s1], $0x40, s23, s1, $0xb8;
	[tilespmem:$0x10400] =	vst v63  }
0x360: {  	_ =	swait.ge [sflag:s31], $0x2000  }
0x361: {  	[sflag:s31] =	ssyncset.done $0x0  }
0x362: {  	[sflag:s31] =	ssyncadd.s32 $0xFFFFE000  }
0x363: {  	_ =	swait.ge [sflag:s31], $0x2000  }
0x364: {  	[sflag:s31] =	ssyncset.done $0x0  }
0x365: {  	s16 =	simm.s32 $0x4500;
	[sflag:s31] =	ssyncadd.s32 $0xFFFFE000  }
0x366: {  	v0 =	vld [tilespmem:s16+$0xF0]  }
0x367: {  	v1 =	vld [tilespmem:s16+$0xFFFFFF10]  }
0x368: {  	v2 =	vld [tilespmem:s16+$0xFFFFFF20]  }
0x369: {  	v3 =	vld [tilespmem:s16+$0xFFFFFF30]  }
0x36a: {  	v4 =	vld [tilespmem:s16+$0xFFFFFF40]  }
0x36b: {  	v5 =	vld [tilespmem:s16+$0xFFFFFF50];
	v0 =	vmul.f32 $8.000000000e+00, v0  }
0x36c: {  	v6 =	vld [tilespmem:s16+$0xFFFFFF60];
	v1 =	vmul.f32 $8.000000000e+00, v1  }
0x36d: {  	v7 =	vld [tilespmem:s16+$0xFFFFFF70];
	v2 =	vmul.f32 $8.000000000e+00, v2;
	[tilespmem:s16+$0xF0] =	vst v0  }
0x36e: {  	[tilespmem:s16+$0xFFFFFF10] =	vst v1;
	v0 =	vmul.f32 $8.000000000e+00, v3;
	v1 =	vld [tilespmem:s16+$0xFFFFFF80]  }
0x36f: {  	[tilespmem:s16+$0xFFFFFF20] =	vst v2;
	v2 =	vmul.f32 $8.000000000e+00, v4;
	v3 =	vld [tilespmem:s16+$0xFFFFFF90]  }
0x370: {  	v4 =	vld [tilespmem:s16+$0xFFFFFFA0];
	[tilespmem:s16+$0xFFFFFF30] =	vst v0;
	v0 =	vmul.f32 $8.000000000e+00, v5  }
0x371: {  	[tilespmem:s16+$0xFFFFFF40] =	vst v2;
	v2 =	vmul.f32 $8.000000000e+00, v6;
	v5 =	vld [tilespmem:s16+$0xFFFFFFB0]  }
0x372: {  	v6 =	vld [tilespmem:s16+$0xFFFFFFC0];
	[tilespmem:s16+$0xFFFFFF50] =	vst v0;
	v0 =	vmul.f32 $8.000000000e+00, v7  }
0x373: {  	[tilespmem:s16+$0xFFFFFF60] =	vst v2;
	v2 =	vld [tilespmem:s16+$0xFFFFFFD0];
	v1 =	vmul.f32 $8.000000000e+00, v1  }
0x374: {  	[tilespmem:s16+$0xFFFFFF70] =	vst v0;
	v0 =	vmul.f32 $8.000000000e+00, v3;
	v3 =	vld [tilespmem:s16+$0xFFFFFFE0]  }
0x375: {  	[tilespmem:s16+$0xFFFFFF80] =	vst v1;
	v1 =	vmul.f32 $8.000000000e+00, v4;
	v4 =	vld [tilespmem:s16+$0xFFFFFFF0]  }
0x376: {  	[tilespmem:s16+$0xFFFFFF90] =	vst v0;
	v0 =	vmul.f32 $8.000000000e+00, v5;
	v5 =	vld [tilespmem:s16+$0x0]  }
0x377: {  	[tilespmem:s16+$0xFFFFFFA0] =	vst v1;
	v1 =	vmul.f32 $8.000000000e+00, v6;
	v6 =	vld [tilespmem:s16+$0x10]  }
0x378: {  	[tilespmem:s16+$0xFFFFFFB0] =	vst v0;
	v0 =	vmul.f32 $8.000000000e+00, v2;
	v2 =	vld [tilespmem:s16+$0x20]  }
0x379: {  	[tilespmem:s16+$0xFFFFFFC0] =	vst v1;
	v1 =	vmul.f32 $8.000000000e+00, v3;
	v3 =	vld [tilespmem:s16+$0x30]  }
0x37a: {  	[tilespmem:s16+$0xFFFFFFD0] =	vst v0;
	v0 =	vmul.f32 $8.000000000e+00, v4;
	v4 =	vld [tilespmem:s16+$0x40]  }
0x37b: {  	[tilespmem:s16+$0xFFFFFFE0] =	vst v1;
	v1 =	vmul.f32 $8.000000000e+00, v5;
	v5 =	vld [tilespmem:s16+$0x50]  }
0x37c: {  	[tilespmem:s16+$0xFFFFFFF0] =	vst v0;
	v0 =	vmul.f32 $8.000000000e+00, v6;
	v6 =	vld [tilespmem:s16+$0x60]  }
0x37d: {  	[tilespmem:s16+$0x0] =	vst v1;
	v1 =	vmul.f32 $8.000000000e+00, v2;
	v2 =	vld [tilespmem:s16+$0x70]  }
0x37e: {  	[tilespmem:s16+$0x10] =	vst v0;
	v0 =	vmul.f32 $8.000000000e+00, v3;
	v3 =	vld [tilespmem:s16+$0x80]  }
0x37f: {  	[tilespmem:s16+$0x20] =	vst v1;
	v1 =	vmul.f32 $8.000000000e+00, v4;
	v4 =	vld [tilespmem:s16+$0x90]  }
0x380: {  	v7 =	vld [tilespmem:s16+$0xA0];
	[tilespmem:s16+$0x30] =	vst v0;
	v5 =	vmul.f32 $8.000000000e+00, v5  }
0x381: {  	v0 =	vld [tilespmem:s16+$0xB0];
	[tilespmem:s16+$0x40] =	vst v1;
	v6 =	vmul.f32 $8.000000000e+00, v6  }
0x382: {  	v1 =	vld [tilespmem:s16+$0xC0];
	[tilespmem:s16+$0x50] =	vst v5;
	v5 =	vmul.f32 $8.000000000e+00, v2  }
0x383: {  	v2 =	vld [tilespmem:s16+$0xD0];
	[tilespmem:s16+$0x60] =	vst v6;
	v6 =	vmul.f32 $8.000000000e+00, v3  }
0x384: {  	v3 =	vld [tilespmem:s16+$0xE0];
	[tilespmem:s16+$0x70] =	vst v5;
	v5 =	vmul.f32 $8.000000000e+00, v4  }
0x385: {  	s21 =	simm.s32 $0x4700;
	s20 =	simm.s32 $0x0;
	v4 =	vld [tilespmem:s16+$0xFFFFFF00];
	[tilespmem:s16+$0x80] =	vst v6;
	v6 =	vmul.f32 $8.000000000e+00, v7  }
.LBB2_22:
0x386: {  	v7 =	vld [tilespmem:s21+$0xF0];
	s20 =	sadd.s32 $0x8, s20;
	[tilespmem:s16+$0x90] =	vst v5;
	v0 =	vmul.f32 $8.000000000e+00, v0  }
0x387: {  	v5 =	vld [tilespmem:s21+$0xFFFFFF10];
	p0 =	slt.u32 s20, $0xF8;
	[tilespmem:s16+$0xA0] =	vst v6;
	v1 =	vmul.f32 $8.000000000e+00, v1  }
0x388: {  	v6 =	vld [tilespmem:s21+$0xFFFFFF20];
	[tilespmem:s16+$0xB0] =	vst v0;
	v0 =	vmul.f32 $8.000000000e+00, v2  }
0x389: {  	v2 =	vld [tilespmem:s21+$0xFFFFFF30];
	[tilespmem:s16+$0xC0] =	vst v1;
	v1 =	vmul.f32 $8.000000000e+00, v3  }
0x38a: {  	v3 =	vld [tilespmem:s21+$0xFFFFFF40];
	v4 =	vmul.f32 $8.000000000e+00, v4;
	[tilespmem:s16+$0xD0] =	vst v0  }
0x38b: {  	v0 =	vld [tilespmem:s21+$0xFFFFFF50];
	v7 =	vmul.f32 $8.000000000e+00, v7;
	[tilespmem:s16+$0xE0] =	vst v1  }
0x38c: {  	v1 =	vmul.f32 $8.000000000e+00, v5;
	v5 =	vld [tilespmem:s21+$0xFFFFFF60];
	[tilespmem:s16+$0xFFFFFF00] =	vst v4;
	s16 =	smov.u32 s21  }
0x38d: {  	v4 =	vmul.f32 $8.000000000e+00, v6;
	v6 =	vld [tilespmem:s21+$0xFFFFFF70];
	[tilespmem:s21+$0xF0] =	vst v7  }
0x38e: {  	[tilespmem:s21+$0xFFFFFF10] =	vst v1;
	v1 =	vmul.f32 $8.000000000e+00, v2;
	v2 =	vld [tilespmem:s21+$0xFFFFFF80]  }
0x38f: {  	[tilespmem:s21+$0xFFFFFF20] =	vst v4;
	v3 =	vmul.f32 $8.000000000e+00, v3;
	v4 =	vld [tilespmem:s21+$0xFFFFFF90]  }
0x390: {  	[tilespmem:s21+$0xFFFFFF30] =	vst v1;
	v0 =	vmul.f32 $8.000000000e+00, v0;
	v1 =	vld [tilespmem:s21+$0xFFFFFFA0]  }
0x391: {  	[tilespmem:s21+$0xFFFFFF40] =	vst v3;
	v3 =	vmul.f32 $8.000000000e+00, v5;
	v5 =	vld [tilespmem:s21+$0xFFFFFFB0]  }
0x392: {  	[tilespmem:s21+$0xFFFFFF50] =	vst v0;
	v0 =	vmul.f32 $8.000000000e+00, v6;
	v6 =	vld [tilespmem:s21+$0xFFFFFFC0]  }
0x393: {  	[tilespmem:s21+$0xFFFFFF60] =	vst v3;
	v2 =	vmul.f32 $8.000000000e+00, v2;
	v3 =	vld [tilespmem:s21+$0xFFFFFFD0]  }
0x394: {  	[tilespmem:s21+$0xFFFFFF70] =	vst v0;
	v0 =	vmul.f32 $8.000000000e+00, v4;
	v4 =	vld [tilespmem:s21+$0xFFFFFFE0]  }
0x395: {  	[tilespmem:s21+$0xFFFFFF80] =	vst v2;
	v1 =	vmul.f32 $8.000000000e+00, v1;
	v2 =	vld [tilespmem:s21+$0xFFFFFFF0]  }
0x396: {  	[tilespmem:s21+$0xFFFFFF90] =	vst v0;
	v0 =	vmul.f32 $8.000000000e+00, v5;
	v5 =	vld [tilespmem:s21+$0x0]  }
0x397: {  	[tilespmem:s21+$0xFFFFFFA0] =	vst v1;
	v1 =	vmul.f32 $8.000000000e+00, v6;
	v6 =	vld [tilespmem:s21+$0x10]  }
0x398: {  	[tilespmem:s21+$0xFFFFFFB0] =	vst v0;
	v0 =	vmul.f32 $8.000000000e+00, v3;
	v3 =	vld [tilespmem:s21+$0x20]  }
0x399: {  	[tilespmem:s21+$0xFFFFFFC0] =	vst v1;
	v1 =	vmul.f32 $8.000000000e+00, v4;
	v4 =	vld [tilespmem:s21+$0x30]  }
0x39a: {  	[tilespmem:s21+$0xFFFFFFD0] =	vst v0;
	v0 =	vmul.f32 $8.000000000e+00, v2;
	v2 =	vld [tilespmem:s21+$0x40]  }
0x39b: {  	[tilespmem:s21+$0xFFFFFFE0] =	vst v1;
	v1 =	vmul.f32 $8.000000000e+00, v5;
	v5 =	vld [tilespmem:s21+$0x50]  }
0x39c: {  	[tilespmem:s21+$0xFFFFFFF0] =	vst v0;
	v0 =	vmul.f32 $8.000000000e+00, v6;
	v6 =	vld [tilespmem:s21+$0x60]  }
0x39d: {  	[tilespmem:s21+$0x0] =	vst v1;
	v1 =	vmul.f32 $8.000000000e+00, v3;
	v3 =	vld [tilespmem:s21+$0x70]  }
0x39e: {  	[tilespmem:s21+$0x10] =	vst v0;
	v0 =	vmul.f32 $8.000000000e+00, v4;
	v4 =	vld [tilespmem:s21+$0x80]  }
0x39f: {  	[tilespmem:s21+$0x20] =	vst v1;
	v1 =	vmul.f32 $8.000000000e+00, v2;
	v7 =	vld [tilespmem:s21+$0x90]  }
0x3a0: {  	[tilespmem:s21+$0x30] =	vst v0;
	v2 =	vmul.f32 $8.000000000e+00, v5;
	v8 =	vld [tilespmem:s21+$0xA0]  }
.Ltmp10:
0x3a1: {  	[tilespmem:s21+$0x40] =	vst v1;
	v5 =	vmul.f32 $8.000000000e+00, v6;
	v0 =	vld [tilespmem:s21+$0xB0];
	(pc) =	sbr.rel @p0 .LBB2_22-.Ltmp10, $4  }
0x3a2: {  	[tilespmem:s21+$0x50] =	vst v2;
	v3 =	vmul.f32 $8.000000000e+00, v3;
	v1 =	vld [tilespmem:s21+$0xC0]  }
0x3a3: {  	[tilespmem:s21+$0x60] =	vst v5;
	v6 =	vmul.f32 $8.000000000e+00, v4;
	v2 =	vld [tilespmem:s21+$0xD0]  }
0x3a4: {  	[tilespmem:s21+$0x70] =	vst v3;
	v5 =	vmul.f32 $8.000000000e+00, v7;
	v3 =	vld [tilespmem:s21+$0xE0]  }
0x3a5: {  	s21 =	sadd.s32 $0x200, s21;
	v4 =	vld [tilespmem:s16+$0xFFFFFF00];
	[tilespmem:s16+$0x80] =	vst v6;
	v6 =	vmul.f32 $8.000000000e+00, v8  }
0x3a6: {  	[tilespmem:s16+$0x90] =	vst v5;
	v0 =	vmul.f32 $8.000000000e+00, v0  }
0x3a7: {  	[tilespmem:s16+$0xA0] =	vst v6;
	v1 =	vmul.f32 $8.000000000e+00, v1  }
0x3a8: {  	[tilespmem:s16+$0xB0] =	vst v0;
	v0 =	vmul.f32 $8.000000000e+00, v2  }
0x3a9: {  	[tilespmem:s16+$0xC0] =	vst v1;
	v1 =	vmul.f32 $8.000000000e+00, v3  }
0x3aa: {  	v2 =	vmul.f32 $8.000000000e+00, v4;
	[tilespmem:s16+$0xD0] =	vst v0  }
0x3ab: {  	[tilespmem:s16+$0xE0] =	vst v1  }
0x3ac: {  	[tilespmem:s16+$0xFFFFFF00] =	vst v2  }
0x3ad: {  	s16 =	rddreg [dreg:$0x16]  }
0x3ae: {  	[hbm4b:s16+s3] =	stream.linear.scatter [tilespmem:s9], [sflag:$0x6], $0x4000, $0x38;
	[tilespmem:$0x10400] =	vst v63  }
0x3af: {  	_ =	swait.ge [sflag:s10], $0x2000  }
0x3b0: {  	[sflag:s10] =	ssyncset.done $0x0  }
0x3b1: {  	[sflag:s10] =	ssyncadd.s32 $0xFFFFE000  }
0x3b2: {  	_ =	swait.ge [sflag:s10], $0x2000  }
0x3b3: {  	[sflag:s10] =	ssyncset.done $0x0  }
0x3b4: {  	s16 =	simm.s32 $0x8500;
	[sflag:s10] =	ssyncadd.s32 $0xFFFFE000  }
0x3b5: {  	v0 =	vld [tilespmem:s16+$0xF0]  }
0x3b6: {  	v1 =	vld [tilespmem:s16+$0xFFFFFF10]  }
0x3b7: {  	v2 =	vld [tilespmem:s16+$0xFFFFFF20]  }
0x3b8: {  	v3 =	vld [tilespmem:s16+$0xFFFFFF30]  }
0x3b9: {  	v4 =	vld [tilespmem:s16+$0xFFFFFF40]  }
0x3ba: {  	v5 =	vld [tilespmem:s16+$0xFFFFFF50];
	v0 =	vmul.f32 $8.000000000e+00, v0  }
0x3bb: {  	v6 =	vld [tilespmem:s16+$0xFFFFFF60];
	v1 =	vmul.f32 $8.000000000e+00, v1  }
0x3bc: {  	v7 =	vld [tilespmem:s16+$0xFFFFFF70];
	v2 =	vmul.f32 $8.000000000e+00, v2;
	[tilespmem:s16+$0xF0] =	vst v0  }
0x3bd: {  	[tilespmem:s16+$0xFFFFFF10] =	vst v1;
	v0 =	vmul.f32 $8.000000000e+00, v3;
	v1 =	vld [tilespmem:s16+$0xFFFFFF80]  }
0x3be: {  	[tilespmem:s16+$0xFFFFFF20] =	vst v2;
	v2 =	vmul.f32 $8.000000000e+00, v4;
	v3 =	vld [tilespmem:s16+$0xFFFFFF90]  }
0x3bf: {  	v4 =	vld [tilespmem:s16+$0xFFFFFFA0];
	[tilespmem:s16+$0xFFFFFF30] =	vst v0;
	v0 =	vmul.f32 $8.000000000e+00, v5  }
0x3c0: {  	[tilespmem:s16+$0xFFFFFF40] =	vst v2;
	v2 =	vmul.f32 $8.000000000e+00, v6;
	v5 =	vld [tilespmem:s16+$0xFFFFFFB0]  }
0x3c1: {  	v6 =	vld [tilespmem:s16+$0xFFFFFFC0];
	[tilespmem:s16+$0xFFFFFF50] =	vst v0;
	v0 =	vmul.f32 $8.000000000e+00, v7  }
0x3c2: {  	[tilespmem:s16+$0xFFFFFF60] =	vst v2;
	v2 =	vld [tilespmem:s16+$0xFFFFFFD0];
	v1 =	vmul.f32 $8.000000000e+00, v1  }
0x3c3: {  	[tilespmem:s16+$0xFFFFFF70] =	vst v0;
	v0 =	vmul.f32 $8.000000000e+00, v3;
	v3 =	vld [tilespmem:s16+$0xFFFFFFE0]  }
0x3c4: {  	[tilespmem:s16+$0xFFFFFF80] =	vst v1;
	v1 =	vmul.f32 $8.000000000e+00, v4;
	v4 =	vld [tilespmem:s16+$0xFFFFFFF0]  }
0x3c5: {  	[tilespmem:s16+$0xFFFFFF90] =	vst v0;
	v0 =	vmul.f32 $8.000000000e+00, v5;
	v5 =	vld [tilespmem:s16+$0x0]  }
0x3c6: {  	[tilespmem:s16+$0xFFFFFFA0] =	vst v1;
	v1 =	vmul.f32 $8.000000000e+00, v6;
	v6 =	vld [tilespmem:s16+$0x10]  }
0x3c7: {  	[tilespmem:s16+$0xFFFFFFB0] =	vst v0;
	v0 =	vmul.f32 $8.000000000e+00, v2;
	v2 =	vld [tilespmem:s16+$0x20]  }
0x3c8: {  	[tilespmem:s16+$0xFFFFFFC0] =	vst v1;
	v1 =	vmul.f32 $8.000000000e+00, v3;
	v3 =	vld [tilespmem:s16+$0x30]  }
0x3c9: {  	[tilespmem:s16+$0xFFFFFFD0] =	vst v0;
	v0 =	vmul.f32 $8.000000000e+00, v4;
	v4 =	vld [tilespmem:s16+$0x40]  }
0x3ca: {  	[tilespmem:s16+$0xFFFFFFE0] =	vst v1;
	v1 =	vmul.f32 $8.000000000e+00, v5;
	v5 =	vld [tilespmem:s16+$0x50]  }
0x3cb: {  	[tilespmem:s16+$0xFFFFFFF0] =	vst v0;
	v0 =	vmul.f32 $8.000000000e+00, v6;
	v6 =	vld [tilespmem:s16+$0x60]  }
0x3cc: {  	[tilespmem:s16+$0x0] =	vst v1;
	v1 =	vmul.f32 $8.000000000e+00, v2;
	v2 =	vld [tilespmem:s16+$0x70]  }
0x3cd: {  	[tilespmem:s16+$0x10] =	vst v0;
	v0 =	vmul.f32 $8.000000000e+00, v3;
	v3 =	vld [tilespmem:s16+$0x80]  }
0x3ce: {  	[tilespmem:s16+$0x20] =	vst v1;
	v1 =	vmul.f32 $8.000000000e+00, v4;
	v4 =	vld [tilespmem:s16+$0x90]  }
0x3cf: {  	v7 =	vld [tilespmem:s16+$0xA0];
	[tilespmem:s16+$0x30] =	vst v0;
	v5 =	vmul.f32 $8.000000000e+00, v5  }
0x3d0: {  	v0 =	vld [tilespmem:s16+$0xB0];
	[tilespmem:s16+$0x40] =	vst v1;
	v6 =	vmul.f32 $8.000000000e+00, v6  }
0x3d1: {  	v1 =	vld [tilespmem:s16+$0xC0];
	[tilespmem:s16+$0x50] =	vst v5;
	v5 =	vmul.f32 $8.000000000e+00, v2  }
0x3d2: {  	v2 =	vld [tilespmem:s16+$0xD0];
	[tilespmem:s16+$0x60] =	vst v6;
	v6 =	vmul.f32 $8.000000000e+00, v3  }
0x3d3: {  	v3 =	vld [tilespmem:s16+$0xE0];
	[tilespmem:s16+$0x70] =	vst v5;
	v5 =	vmul.f32 $8.000000000e+00, v4  }
0x3d4: {  	s20 =	simm.s32 $0x0;
	s21 =	simm.s32 $0x8700;
	v4 =	vld [tilespmem:s16+$0xFFFFFF00];
	[tilespmem:s16+$0x80] =	vst v6;
	v6 =	vmul.f32 $8.000000000e+00, v7  }
.LBB2_24:
0x3d5: {  	v7 =	vld [tilespmem:s21+$0xF0];
	s20 =	sadd.s32 $0x8, s20;
	[tilespmem:s16+$0x90] =	vst v5;
	v0 =	vmul.f32 $8.000000000e+00, v0  }
0x3d6: {  	v5 =	vld [tilespmem:s21+$0xFFFFFF10];
	p0 =	slt.u32 s20, $0xF8;
	[tilespmem:s16+$0xA0] =	vst v6;
	v1 =	vmul.f32 $8.000000000e+00, v1  }
0x3d7: {  	v6 =	vld [tilespmem:s21+$0xFFFFFF20];
	[tilespmem:s16+$0xB0] =	vst v0;
	v0 =	vmul.f32 $8.000000000e+00, v2  }
0x3d8: {  	v2 =	vld [tilespmem:s21+$0xFFFFFF30];
	[tilespmem:s16+$0xC0] =	vst v1;
	v1 =	vmul.f32 $8.000000000e+00, v3  }
0x3d9: {  	v3 =	vld [tilespmem:s21+$0xFFFFFF40];
	v4 =	vmul.f32 $8.000000000e+00, v4;
	[tilespmem:s16+$0xD0] =	vst v0  }
0x3da: {  	v0 =	vld [tilespmem:s21+$0xFFFFFF50];
	v7 =	vmul.f32 $8.000000000e+00, v7;
	[tilespmem:s16+$0xE0] =	vst v1  }
0x3db: {  	v1 =	vmul.f32 $8.000000000e+00, v5;
	v5 =	vld [tilespmem:s21+$0xFFFFFF60];
	[tilespmem:s16+$0xFFFFFF00] =	vst v4;
	s16 =	smov.u32 s21  }
0x3dc: {  	v4 =	vmul.f32 $8.000000000e+00, v6;
	v6 =	vld [tilespmem:s21+$0xFFFFFF70];
	[tilespmem:s21+$0xF0] =	vst v7  }
0x3dd: {  	[tilespmem:s21+$0xFFFFFF10] =	vst v1;
	v1 =	vmul.f32 $8.000000000e+00, v2;
	v2 =	vld [tilespmem:s21+$0xFFFFFF80]  }
0x3de: {  	[tilespmem:s21+$0xFFFFFF20] =	vst v4;
	v3 =	vmul.f32 $8.000000000e+00, v3;
	v4 =	vld [tilespmem:s21+$0xFFFFFF90]  }
0x3df: {  	[tilespmem:s21+$0xFFFFFF30] =	vst v1;
	v0 =	vmul.f32 $8.000000000e+00, v0;
	v1 =	vld [tilespmem:s21+$0xFFFFFFA0]  }
0x3e0: {  	[tilespmem:s21+$0xFFFFFF40] =	vst v3;
	v3 =	vmul.f32 $8.000000000e+00, v5;
	v5 =	vld [tilespmem:s21+$0xFFFFFFB0]  }
0x3e1: {  	[tilespmem:s21+$0xFFFFFF50] =	vst v0;
	v0 =	vmul.f32 $8.000000000e+00, v6;
	v6 =	vld [tilespmem:s21+$0xFFFFFFC0]  }
0x3e2: {  	[tilespmem:s21+$0xFFFFFF60] =	vst v3;
	v2 =	vmul.f32 $8.000000000e+00, v2;
	v3 =	vld [tilespmem:s21+$0xFFFFFFD0]  }
0x3e3: {  	[tilespmem:s21+$0xFFFFFF70] =	vst v0;
	v0 =	vmul.f32 $8.000000000e+00, v4;
	v4 =	vld [tilespmem:s21+$0xFFFFFFE0]  }
0x3e4: {  	[tilespmem:s21+$0xFFFFFF80] =	vst v2;
	v1 =	vmul.f32 $8.000000000e+00, v1;
	v2 =	vld [tilespmem:s21+$0xFFFFFFF0]  }
0x3e5: {  	[tilespmem:s21+$0xFFFFFF90] =	vst v0;
	v0 =	vmul.f32 $8.000000000e+00, v5;
	v5 =	vld [tilespmem:s21+$0x0]  }
0x3e6: {  	[tilespmem:s21+$0xFFFFFFA0] =	vst v1;
	v1 =	vmul.f32 $8.000000000e+00, v6;
	v6 =	vld [tilespmem:s21+$0x10]  }
0x3e7: {  	[tilespmem:s21+$0xFFFFFFB0] =	vst v0;
	v0 =	vmul.f32 $8.000000000e+00, v3;
	v3 =	vld [tilespmem:s21+$0x20]  }
0x3e8: {  	[tilespmem:s21+$0xFFFFFFC0] =	vst v1;
	v1 =	vmul.f32 $8.000000000e+00, v4;
	v4 =	vld [tilespmem:s21+$0x30]  }
0x3e9: {  	[tilespmem:s21+$0xFFFFFFD0] =	vst v0;
	v0 =	vmul.f32 $8.000000000e+00, v2;
	v2 =	vld [tilespmem:s21+$0x40]  }
0x3ea: {  	[tilespmem:s21+$0xFFFFFFE0] =	vst v1;
	v1 =	vmul.f32 $8.000000000e+00, v5;
	v5 =	vld [tilespmem:s21+$0x50]  }
0x3eb: {  	[tilespmem:s21+$0xFFFFFFF0] =	vst v0;
	v0 =	vmul.f32 $8.000000000e+00, v6;
	v6 =	vld [tilespmem:s21+$0x60]  }
0x3ec: {  	[tilespmem:s21+$0x0] =	vst v1;
	v1 =	vmul.f32 $8.000000000e+00, v3;
	v3 =	vld [tilespmem:s21+$0x70]  }
0x3ed: {  	[tilespmem:s21+$0x10] =	vst v0;
	v0 =	vmul.f32 $8.000000000e+00, v4;
	v4 =	vld [tilespmem:s21+$0x80]  }
0x3ee: {  	[tilespmem:s21+$0x20] =	vst v1;
	v1 =	vmul.f32 $8.000000000e+00, v2;
	v7 =	vld [tilespmem:s21+$0x90]  }
0x3ef: {  	[tilespmem:s21+$0x30] =	vst v0;
	v2 =	vmul.f32 $8.000000000e+00, v5;
	v8 =	vld [tilespmem:s21+$0xA0]  }
.Ltmp11:
0x3f0: {  	[tilespmem:s21+$0x40] =	vst v1;
	v5 =	vmul.f32 $8.000000000e+00, v6;
	v0 =	vld [tilespmem:s21+$0xB0];
	(pc) =	sbr.rel @p0 .LBB2_24-.Ltmp11, $4  }
0x3f1: {  	[tilespmem:s21+$0x50] =	vst v2;
	v3 =	vmul.f32 $8.000000000e+00, v3;
	v1 =	vld [tilespmem:s21+$0xC0]  }
0x3f2: {  	[tilespmem:s21+$0x60] =	vst v5;
	v6 =	vmul.f32 $8.000000000e+00, v4;
	v2 =	vld [tilespmem:s21+$0xD0]  }
0x3f3: {  	[tilespmem:s21+$0x70] =	vst v3;
	v5 =	vmul.f32 $8.000000000e+00, v7;
	v3 =	vld [tilespmem:s21+$0xE0]  }
0x3f4: {  	s21 =	sadd.s32 $0x200, s21;
	v4 =	vld [tilespmem:s16+$0xFFFFFF00];
	[tilespmem:s16+$0x80] =	vst v6;
	v6 =	vmul.f32 $8.000000000e+00, v8  }
0x3f5: {  	[tilespmem:s16+$0x90] =	vst v5;
	v0 =	vmul.f32 $8.000000000e+00, v0  }
0x3f6: {  	[tilespmem:s16+$0xA0] =	vst v6;
	v1 =	vmul.f32 $8.000000000e+00, v1  }
0x3f7: {  	[tilespmem:s16+$0xB0] =	vst v0;
	v0 =	vmul.f32 $8.000000000e+00, v2  }
0x3f8: {  	[tilespmem:s16+$0xC0] =	vst v1;
	v1 =	vmul.f32 $8.000000000e+00, v3  }
0x3f9: {  	v2 =	vmul.f32 $8.000000000e+00, v4;
	[tilespmem:s16+$0xD0] =	vst v0  }
0x3fa: {  	[tilespmem:s16+$0xE0] =	vst v1  }
0x3fb: {  	[tilespmem:s16+$0xFFFFFF00] =	vst v2  }
0x3fc: {  	s16 =	rddreg [dreg:$0x17]  }
0x3fd: {  	[hbm4b:s16+s3] =	stream.linear.scatter [tilespmem:s13], [sflag:$0x7], $0x4000, $0x38;
	[tilespmem:$0x10400] =	vst v63  }
0x3fe: {  	_ =	swait.ge [sflag:s15], $0x2000  }
0x3ff: {  	[sflag:s15] =	ssyncset.done $0x0  }
0x400: {  	[sflag:s15] =	ssyncadd.s32 $0xFFFFE000  }
0x401: {  	_ =	swait.ge [sflag:s15], $0x2000  }
0x402: {  	[sflag:s15] =	ssyncset.done $0x0  }
0x403: {  	s16 =	simm.s32 $0xC500;
	[sflag:s15] =	ssyncadd.s32 $0xFFFFE000  }
0x404: {  	v0 =	vld [tilespmem:s16+$0xF0]  }
0x405: {  	v1 =	vld [tilespmem:s16+$0xFFFFFF10]  }
0x406: {  	v2 =	vld [tilespmem:s16+$0xFFFFFF20]  }
0x407: {  	v3 =	vld [tilespmem:s16+$0xFFFFFF30]  }
0x408: {  	v4 =	vld [tilespmem:s16+$0xFFFFFF40]  }
0x409: {  	v5 =	vld [tilespmem:s16+$0xFFFFFF50];
	v0 =	vmul.f32 $8.000000000e+00, v0  }
0x40a: {  	v6 =	vld [tilespmem:s16+$0xFFFFFF60];
	v1 =	vmul.f32 $8.000000000e+00, v1  }
0x40b: {  	v7 =	vld [tilespmem:s16+$0xFFFFFF70];
	v2 =	vmul.f32 $8.000000000e+00, v2;
	[tilespmem:s16+$0xF0] =	vst v0  }
0x40c: {  	[tilespmem:s16+$0xFFFFFF10] =	vst v1;
	v0 =	vmul.f32 $8.000000000e+00, v3;
	v1 =	vld [tilespmem:s16+$0xFFFFFF80]  }
0x40d: {  	[tilespmem:s16+$0xFFFFFF20] =	vst v2;
	v2 =	vmul.f32 $8.000000000e+00, v4;
	v3 =	vld [tilespmem:s16+$0xFFFFFF90]  }
0x40e: {  	v4 =	vld [tilespmem:s16+$0xFFFFFFA0];
	[tilespmem:s16+$0xFFFFFF30] =	vst v0;
	v0 =	vmul.f32 $8.000000000e+00, v5  }
0x40f: {  	[tilespmem:s16+$0xFFFFFF40] =	vst v2;
	v2 =	vmul.f32 $8.000000000e+00, v6;
	v5 =	vld [tilespmem:s16+$0xFFFFFFB0]  }
0x410: {  	v6 =	vld [tilespmem:s16+$0xFFFFFFC0];
	[tilespmem:s16+$0xFFFFFF50] =	vst v0;
	v0 =	vmul.f32 $8.000000000e+00, v7  }
0x411: {  	[tilespmem:s16+$0xFFFFFF60] =	vst v2;
	v2 =	vld [tilespmem:s16+$0xFFFFFFD0];
	v1 =	vmul.f32 $8.000000000e+00, v1  }
0x412: {  	[tilespmem:s16+$0xFFFFFF70] =	vst v0;
	v0 =	vmul.f32 $8.000000000e+00, v3;
	v3 =	vld [tilespmem:s16+$0xFFFFFFE0]  }
0x413: {  	[tilespmem:s16+$0xFFFFFF80] =	vst v1;
	v1 =	vmul.f32 $8.000000000e+00, v4;
	v4 =	vld [tilespmem:s16+$0xFFFFFFF0]  }
0x414: {  	[tilespmem:s16+$0xFFFFFF90] =	vst v0;
	v0 =	vmul.f32 $8.000000000e+00, v5;
	v5 =	vld [tilespmem:s16+$0x0]  }
0x415: {  	[tilespmem:s16+$0xFFFFFFA0] =	vst v1;
	v1 =	vmul.f32 $8.000000000e+00, v6;
	v6 =	vld [tilespmem:s16+$0x10]  }
0x416: {  	[tilespmem:s16+$0xFFFFFFB0] =	vst v0;
	v0 =	vmul.f32 $8.000000000e+00, v2;
	v2 =	vld [tilespmem:s16+$0x20]  }
0x417: {  	[tilespmem:s16+$0xFFFFFFC0] =	vst v1;
	v1 =	vmul.f32 $8.000000000e+00, v3;
	v3 =	vld [tilespmem:s16+$0x30]  }
0x418: {  	[tilespmem:s16+$0xFFFFFFD0] =	vst v0;
	v0 =	vmul.f32 $8.000000000e+00, v4;
	v4 =	vld [tilespmem:s16+$0x40]  }
0x419: {  	[tilespmem:s16+$0xFFFFFFE0] =	vst v1;
	v1 =	vmul.f32 $8.000000000e+00, v5;
	v5 =	vld [tilespmem:s16+$0x50]  }
0x41a: {  	[tilespmem:s16+$0xFFFFFFF0] =	vst v0;
	v0 =	vmul.f32 $8.000000000e+00, v6;
	v6 =	vld [tilespmem:s16+$0x60]  }
0x41b: {  	[tilespmem:s16+$0x0] =	vst v1;
	v1 =	vmul.f32 $8.000000000e+00, v2;
	v2 =	vld [tilespmem:s16+$0x70]  }
0x41c: {  	[tilespmem:s16+$0x10] =	vst v0;
	v0 =	vmul.f32 $8.000000000e+00, v3;
	v3 =	vld [tilespmem:s16+$0x80]  }
0x41d: {  	[tilespmem:s16+$0x20] =	vst v1;
	v1 =	vmul.f32 $8.000000000e+00, v4;
	v4 =	vld [tilespmem:s16+$0x90]  }
0x41e: {  	v7 =	vld [tilespmem:s16+$0xA0];
	[tilespmem:s16+$0x30] =	vst v0;
	v5 =	vmul.f32 $8.000000000e+00, v5  }
0x41f: {  	v0 =	vld [tilespmem:s16+$0xB0];
	[tilespmem:s16+$0x40] =	vst v1;
	v6 =	vmul.f32 $8.000000000e+00, v6  }
0x420: {  	v1 =	vld [tilespmem:s16+$0xC0];
	[tilespmem:s16+$0x50] =	vst v5;
	v5 =	vmul.f32 $8.000000000e+00, v2  }
0x421: {  	v2 =	vld [tilespmem:s16+$0xD0];
	[tilespmem:s16+$0x60] =	vst v6;
	v6 =	vmul.f32 $8.000000000e+00, v3  }
0x422: {  	v3 =	vld [tilespmem:s16+$0xE0];
	[tilespmem:s16+$0x70] =	vst v5;
	v5 =	vmul.f32 $8.000000000e+00, v4  }
0x423: {  	s20 =	simm.s32 $0x0;
	s21 =	simm.s32 $0xC700;
	v4 =	vld [tilespmem:s16+$0xFFFFFF00];
	[tilespmem:s16+$0x80] =	vst v6;
	v6 =	vmul.f32 $8.000000000e+00, v7  }
.LBB2_26:
0x424: {  	v7 =	vld [tilespmem:s21+$0xF0];
	s20 =	sadd.s32 $0x8, s20;
	[tilespmem:s16+$0x90] =	vst v5;
	v0 =	vmul.f32 $8.000000000e+00, v0  }
0x425: {  	v5 =	vld [tilespmem:s21+$0xFFFFFF10];
	p0 =	slt.u32 s20, $0xF8;
	[tilespmem:s16+$0xA0] =	vst v6;
	v1 =	vmul.f32 $8.000000000e+00, v1  }
0x426: {  	v6 =	vld [tilespmem:s21+$0xFFFFFF20];
	[tilespmem:s16+$0xB0] =	vst v0;
	v0 =	vmul.f32 $8.000000000e+00, v2  }
0x427: {  	v2 =	vld [tilespmem:s21+$0xFFFFFF30];
	[tilespmem:s16+$0xC0] =	vst v1;
	v1 =	vmul.f32 $8.000000000e+00, v3  }
0x428: {  	v3 =	vld [tilespmem:s21+$0xFFFFFF40];
	v4 =	vmul.f32 $8.000000000e+00, v4;
	[tilespmem:s16+$0xD0] =	vst v0  }
0x429: {  	v0 =	vld [tilespmem:s21+$0xFFFFFF50];
	v7 =	vmul.f32 $8.000000000e+00, v7;
	[tilespmem:s16+$0xE0] =	vst v1  }
0x42a: {  	v1 =	vmul.f32 $8.000000000e+00, v5;
	v5 =	vld [tilespmem:s21+$0xFFFFFF60];
	[tilespmem:s16+$0xFFFFFF00] =	vst v4;
	s16 =	smov.u32 s21  }
0x42b: {  	v4 =	vmul.f32 $8.000000000e+00, v6;
	v6 =	vld [tilespmem:s21+$0xFFFFFF70];
	[tilespmem:s21+$0xF0] =	vst v7  }
0x42c: {  	[tilespmem:s21+$0xFFFFFF10] =	vst v1;
	v1 =	vmul.f32 $8.000000000e+00, v2;
	v2 =	vld [tilespmem:s21+$0xFFFFFF80]  }
0x42d: {  	[tilespmem:s21+$0xFFFFFF20] =	vst v4;
	v3 =	vmul.f32 $8.000000000e+00, v3;
	v4 =	vld [tilespmem:s21+$0xFFFFFF90]  }
0x42e: {  	[tilespmem:s21+$0xFFFFFF30] =	vst v1;
	v0 =	vmul.f32 $8.000000000e+00, v0;
	v1 =	vld [tilespmem:s21+$0xFFFFFFA0]  }
0x42f: {  	[tilespmem:s21+$0xFFFFFF40] =	vst v3;
	v3 =	vmul.f32 $8.000000000e+00, v5;
	v5 =	vld [tilespmem:s21+$0xFFFFFFB0]  }
0x430: {  	[tilespmem:s21+$0xFFFFFF50] =	vst v0;
	v0 =	vmul.f32 $8.000000000e+00, v6;
	v6 =	vld [tilespmem:s21+$0xFFFFFFC0]  }
0x431: {  	[tilespmem:s21+$0xFFFFFF60] =	vst v3;
	v2 =	vmul.f32 $8.000000000e+00, v2;
	v3 =	vld [tilespmem:s21+$0xFFFFFFD0]  }
0x432: {  	[tilespmem:s21+$0xFFFFFF70] =	vst v0;
	v0 =	vmul.f32 $8.000000000e+00, v4;
	v4 =	vld [tilespmem:s21+$0xFFFFFFE0]  }
0x433: {  	[tilespmem:s21+$0xFFFFFF80] =	vst v2;
	v1 =	vmul.f32 $8.000000000e+00, v1;
	v2 =	vld [tilespmem:s21+$0xFFFFFFF0]  }
0x434: {  	[tilespmem:s21+$0xFFFFFF90] =	vst v0;
	v0 =	vmul.f32 $8.000000000e+00, v5;
	v5 =	vld [tilespmem:s21+$0x0]  }
0x435: {  	[tilespmem:s21+$0xFFFFFFA0] =	vst v1;
	v1 =	vmul.f32 $8.000000000e+00, v6;
	v6 =	vld [tilespmem:s21+$0x10]  }
0x436: {  	[tilespmem:s21+$0xFFFFFFB0] =	vst v0;
	v0 =	vmul.f32 $8.000000000e+00, v3;
	v3 =	vld [tilespmem:s21+$0x20]  }
0x437: {  	[tilespmem:s21+$0xFFFFFFC0] =	vst v1;
	v1 =	vmul.f32 $8.000000000e+00, v4;
	v4 =	vld [tilespmem:s21+$0x30]  }
0x438: {  	[tilespmem:s21+$0xFFFFFFD0] =	vst v0;
	v0 =	vmul.f32 $8.000000000e+00, v2;
	v2 =	vld [tilespmem:s21+$0x40]  }
0x439: {  	[tilespmem:s21+$0xFFFFFFE0] =	vst v1;
	v1 =	vmul.f32 $8.000000000e+00, v5;
	v5 =	vld [tilespmem:s21+$0x50]  }
0x43a: {  	[tilespmem:s21+$0xFFFFFFF0] =	vst v0;
	v0 =	vmul.f32 $8.000000000e+00, v6;
	v6 =	vld [tilespmem:s21+$0x60]  }
0x43b: {  	[tilespmem:s21+$0x0] =	vst v1;
	v1 =	vmul.f32 $8.000000000e+00, v3;
	v3 =	vld [tilespmem:s21+$0x70]  }
0x43c: {  	[tilespmem:s21+$0x10] =	vst v0;
	v0 =	vmul.f32 $8.000000000e+00, v4;
	v4 =	vld [tilespmem:s21+$0x80]  }
0x43d: {  	[tilespmem:s21+$0x20] =	vst v1;
	v1 =	vmul.f32 $8.000000000e+00, v2;
	v7 =	vld [tilespmem:s21+$0x90]  }
0x43e: {  	[tilespmem:s21+$0x30] =	vst v0;
	v2 =	vmul.f32 $8.000000000e+00, v5;
	v8 =	vld [tilespmem:s21+$0xA0]  }
.Ltmp12:
0x43f: {  	[tilespmem:s21+$0x40] =	vst v1;
	v5 =	vmul.f32 $8.000000000e+00, v6;
	v0 =	vld [tilespmem:s21+$0xB0];
	(pc) =	sbr.rel @p0 .LBB2_26-.Ltmp12, $4  }
0x440: {  	[tilespmem:s21+$0x50] =	vst v2;
	v3 =	vmul.f32 $8.000000000e+00, v3;
	v1 =	vld [tilespmem:s21+$0xC0]  }
0x441: {  	[tilespmem:s21+$0x60] =	vst v5;
	v6 =	vmul.f32 $8.000000000e+00, v4;
	v2 =	vld [tilespmem:s21+$0xD0]  }
0x442: {  	[tilespmem:s21+$0x70] =	vst v3;
	v5 =	vmul.f32 $8.000000000e+00, v7;
	v3 =	vld [tilespmem:s21+$0xE0]  }
0x443: {  	s21 =	sadd.s32 $0x200, s21;
	v4 =	vld [tilespmem:s16+$0xFFFFFF00];
	[tilespmem:s16+$0x80] =	vst v6;
	v6 =	vmul.f32 $8.000000000e+00, v8  }
0x444: {  	[tilespmem:s16+$0x90] =	vst v5;
	v0 =	vmul.f32 $8.000000000e+00, v0  }
0x445: {  	[tilespmem:s16+$0xA0] =	vst v6;
	v1 =	vmul.f32 $8.000000000e+00, v1  }
0x446: {  	[tilespmem:s16+$0xB0] =	vst v0;
	v61 =	vmul.f32 $8.000000000e+00, v2  }
0x447: {  	[tilespmem:s16+$0xC0] =	vst v1;
	v62 =	vmul.f32 $8.000000000e+00, v3  }
0x448: {  	v63 =	vmul.f32 $8.000000000e+00, v4;
	[tilespmem:s16+$0xD0] =	vst v61  }
0x449: {  	[tilespmem:s16+$0xE0] =	vst v62  }
0x44a: {  	[tilespmem:s16+$0xFFFFFF00] =	vst v63  }
0x44b: {  	s16 =	rddreg [dreg:$0x18]  }
0x44c: {  	[hbm4b:s16+s3] =	stream.linear.scatter [tilespmem:s28], [sflag:$0x8], $0x4000, $0x38;
	[tilespmem:$0x10400] =	vst v63  }
0x44d: {  	_ =	swait.ge [sflag:s0], $0x4000  }
0x44e: {  	[sflag:s0] =	ssyncset.done $0x0  }
0x44f: {  	[sflag:s0] =	ssyncadd.s32 $0xFFFFC000  }
0x450: {  	_ =	swait.ge [sflag:s11], $0x4000  }
0x451: {  	[sflag:s11] =	ssyncset.done $0x0  }
0x452: {  	[sflag:s11] =	ssyncadd.s32 $0xFFFFC000  }
0x453: {  	_ =	swait.ge [sflag:s29], $0x4000  }
0x454: {  	[sflag:s29] =	ssyncset.done $0x0  }
0x455: {  	[sflag:s29] =	ssyncadd.s32 $0xFFFFC000  }
0x456: {  	_ =	swait.ge [sflag:s19], $0x4000  }
0x457: {  	s20 =	rddreg [dreg:$0x1a]  }
0x458: {  	s23 =	rddreg [dreg:$0x19];
	s20 =	sadd.s32 $0x1, s20  }
0x459: {  	p0 =	sne.s32 s20, s23  }
.Ltmp13:
0x45a: {  	_ = 	snop;
	(pc) =	sbr.rel @p0 .LBB2_1-.Ltmp13, $3  }
0x45b: {  	_ =	sdelay $0x1  }
0x45c: {  	[sflag:s19] =	ssyncset.done $0x0  }
0x45d: {  	[sflag:s19] =	ssyncadd.s32 $0xFFFFC000  }
0x45e: {  	_ =	sfence.sel $0x180000  }
0x45f: {  	[bflag:$0x0] =	sbarrier.arrive $0xFFFF  }
0x460: {  	_ =	strace $0x90000047  }
0x461: {  	s0 =	stileid.u32;
	[bflag:$0x2] =	sbarrier.arrive $0xFFFF  }
0x462: {  	p0 =	sne.s32 s0, $0x0;
	s0 =	rddreg [dreg:$0x2]  }
0x463: {  	s0 =	sadd.s32 @!p0 $0x100000, s0  }
0x464: {  	[sflag:s0] =	ssyncadd.tile.s32 @!p0 $0x1;
	_ =	shalt  }
.Lfunc_end2:
_tile_overlayer_lowered:
.L_overlay_start_2:
0x465: {  	(tag) =	ssettag $0x2  }
0x466: {  	s0 =	rddreg [dreg:$0x0];
	s2 =	stileid.u32  }
0x467: {  	s1 =	rddreg [dreg:$0x1];
	p0 =	sne.s32 s2, $0x0  }
0x468: {  	s3 =	rddreg [dreg:$0x2];
	[bflag:$0x3] =	sbarrier.arrive $0xFFFF;
	s2 =	simm.s32 @!p0 $0x1C0D  }
0x469: {  	[timem:s3], [sflag:s2] =	dma.local @!p0 [hbm:s0], s1  }
0x46a: {  	s0 =	simm.s32 @!p0 $0xD  }
0x46b: {  	_ =	swait.ge @!p0 [sflag:s0], s1  }
0x46c: {  	s1 =	ssub.s32 @!p0 $0x0, s1;
	[sflag:s0] =	ssyncset.done @!p0 $0x0  }
0x46d: {  	[sflag:s0] =	ssyncadd.s32 @!p0 s1  }
0x46e: {  	[bflag:$0x3] =	sbarrier.arrive $0xFFFF  }
0x46f: {  	_ =	shalt  }

// kernel: sparse-core-data-format-call.cloned.1.call-start
scs
called_computation_lowered:
.L_overlay_start_0:
0x0: {  	s2 =	sld [smem:$0x3FD9]  }
0x1: {  	s3 =	sld [smem:$0x3FFE];
	_ =	sdelay $0x1  }
0x2: {  	s1 =	srdreg.scid  }
0x3: {  	s0 =	sand.u32 $0x1, s1  }
0x4: {  	s18 =	sshll.u32 s0, $0xA;
	s2 =	sadd.s32 s3, s2  }
0x5: {  	s2 =	sadd.s32 s2, s18  }
0x6: {  	[smem:$0x3FC6] =	sst s2  }
0x7: {  	_ = 	snop  }
0x8: {  	s2 =	sld [smem:$0x3FD0];
	(tm) =	ssettm $0x1  }
0x9: {  	s19 =	sld [smem:$0x3FFB];
	_ =	sdelay $0x3  }
0xa: {  	_ =	strace s19  }
0xb: {  	s3 =	sld [smem:$0x3FFC];
	_ =	sdelay $0x3  }
0xc: {  	_ =	strace s3  }
0xd: {  	s3 =	sld [smem:$0x3FFD];
	_ =	sdelay $0x3  }
0xe: {  	_ =	strace s3  }
0xf: {  	_ =	strace $0x8FFFFFFF  }
0x10: {  	s20 =	sld [smem:$0x3FDB];
	_ =	sdelay $0x1  }
0x11: {  	s4 =	simm.s32 $_scs_section_size  }
0x12: {  	s5 =	simm.s32 $_size__tile_overlayer_lowered;
	s6 =	simm.s32 $_tile_overlayer_lowered  }
0x13: {  	s23 =	simm.s32 $0x1BFF;
	s22 =	sshll.u32 s6, $0x1;
	s3 =	sadd.s32 s4, s20  }
0x14: {  	s7 =	simm.s32 $0x0;
	s21 =	sshll.u32 s5, $0x1;
	s5 =	sadd.s32 s22, s3  }
0x15: {  	[timem:s7], [sflag:s23] =	dma.local [hbm:s5], s21  }
0x16: {  	_ =	swait.ge [sflag:s23], s21  }
0x17: {  	s4 =	ssub.s32 $0x0, s21;
	[sflag:s23] =	ssyncset.done $0x0  }
0x18: {  	[sflag:s23] =	ssyncadd.s32 s4;
	_ =	sdelay $0x1  }
0x19: {  	s24 =	simm.s32 $0x1B8B  }
0x1a: {  	_ =	swait.ge [sflag:s24], $0x1  }
0x1b: {  	[sflag:s24] =	ssyncset.done $0x0  }
0x1c: {  	s26 =	simm.s32 $0x1B8E;
	s25 =	sld [smem:$0x3FFE];
	[sflag:s24] =	ssyncadd.s32 $0xFFFFFFFF  }
0x1d: {  	s27 =	simm.s32 $execute0_lowered;
	[smem:$0x3FD2] =	sst s26  }
0x1e: {  	s5 =	sshll.u32 s27, $0x1;
	_ =	strace $0x80000049;
	[dreg:$0x1] =	wrdreg $0xFFFFFFFF  }
0x1f: {  	s28 =	simm.s32 $_size_execute0_lowered;
	s3 =	sadd.s32 s3, s5;
	[dreg:$0x0] =	wrdreg $0x0  }
0x20: {  	s5 =	sshll.u32 s28, $0x1;
	[dreg:$0x2] =	wrdreg s3  }
0x21: {  	[dreg:$0x3] =	wrdreg s5  }
0x22: {  	[dreg:$0x4] =	wrdreg $0xC0  }
0x23: {  	_ =	task [dreg:s7], $0x5FFFF  }
0x24: {  	[dreg:$0x1] =	wrdreg $0xFFFFFFFF  }
0x25: {  	[dreg:$0x0] =	wrdreg $0x60  }
0x26: {  	[dreg:$0x2] =	wrdreg s25  }
0x27: {  	[dreg:$0x3] =	wrdreg s2  }
0x28: {  	[dreg:$0x4] =	wrdreg $0x9  }
0x29: {  	_ =	task.clear_ibuf [dreg:s7], $0x5FFFF;
	_ =	strace $0x90000049  }
0x2a: {  	s29 =	simm.s32 $0x9;
	_ =	strace $0x8000004B  }
0x2b: {  	_ =	swait.ge [sflag:s29], $0x1  }
0x2c: {  	[sflag:s29] =	ssyncadd.s32 $0xFFFFFFFF  }
0x2d: {  	_ =	strace $0x9000004B  }
0x2e: {  	_ =	sfence  }
0x2f: {  	s30 =	sld [smem:$0x0];
	_ =	sdelay $0x2  }
0x30: {  	s31 =	sshll.u32 s1, $0xD;
	s1 =	sshrl.u32 s1, $0x2  }
0x31: {  	s3 =	sand.u32 $0x4000, s31;
	s1 =	sadd.s32 s1, s30  }
0x32: {  	s0 =	sor.u32 s3, s0;
	s1 =	sshll.u32 s1, $0x11  }
0x33: {  	s0 =	sor.u32 s1, s0  }
0x34: {  	s0 =	sadd.s32 $0x8F2B, s0  }
0x35: {  	[sflag:s0] =	ssyncadd.remote.s32 $0x1  }
0x36: {  	_ =	sfence.sel $0xFFFF  }
0x37: {  	[dreg:$0x0] =	wrdreg $0xFFFFFFFF;
	(pc) =	sbr.abs _section_cstart, $3  }
0x38: {  	[dreg:$0x1] =	wrdreg $0xFFFFFFFF  }
0x39: {  	_ =	task.clear_ibuf [dreg:s7], $0x2FFFF;
	_ =	strace $0x9FFFFFFF  }
0x3a: {  	(tm) =	ssettm $0x7FFFFFFF  }
0x3b: {  	_ =	shalt  }
tec
execute0_lowered:
.L_overlay_start_1:
0x0: {  	(tag) =	ssettag $0x1  }
0x1: {  	s0 =	srdreg.scid  }
0x2: {  	s1 =	sshll.u32 s0, $0x4  }
0x3: {  	s0 =	stileid.u32;
	s1 =	sand.u32 $0x10, s1  }
0x4: {  	s1 =	sor.u32 s0, s1  }
0x5: {  	s6 =	rddreg [dreg:$0x0];
	s4 =	simm.s32 $0x1;
	s2 =	sshll.u32 s1, $0x7  }
0x6: {  	s7 =	simm.s32 $0x2;
	s12 =	simm.s32 $0x0;
	s1 =	ssub.s32 $0x1000, s2  }
0x7: {  	s8 =	simm.s32 $0x8000;
	s13 =	simm.s32 $0x0;
	s3 =	sand.u32 $0xF80, s1  }
0x8: {  	s9 =	simm.s32 $0x0;
	s5 =	sshrl.u32 s1, $0xC;
	p0 =	sne.s32 s3, $0x0  }
.Ltmp0:
0x9: {  	s1 =	rddreg [dreg:$0x2];
	s4 =	simm.s32 @!p0 $0x0;
	(pc) =	sbr.rel .LBB1_1-.Ltmp0, $4  }
0xa: {  	s11 =	simm.s32 $0x0;
	s3 =	rddreg [dreg:$0x1];
	s5 =	sadd.s32 s4, s5  }
0xb: {  	_ =	strace $0x8000004A;
	s4 =	simm.s32 $0x1;
	s5 =	smul.u32 $0xC8, s5  }
0xc: {  	s6 =	sadd.s32 $0xA00, s6;
	s10 =	smov.u32 s2;
	[sflag:s4] =	ssyncpa.u1 $0x0  }
0xd: {  	p0 =	por $0x0, $0x0;
	[sflag:s7] =	ssyncpa.u1 $0x0;
	s7 =	sor.u32 $0x1, s5  }
.LBB1_4:
0xe: {  	s16 =	sshll.u32 s13, $0x3;
	s17 =	sand.u32 $0x78, s13  }
0xf: {  	s30 =	sand.u32 $0x7E00, s13;
	s12 =	sshll.u32 s12, $0xF;
	s16 =	sand.u32 $0xC00, s16  }
0x10: {  	[tilespmem:s15+$0x810 ss:$0x81] =	vst.msk $0xffff, v2;
	s31 =	sand.u32 $0x7, s13;
	s16 =	sor.u32 s17, s16;
	s17 =	sadd.s32 s3, s30  }
0x11: {  	[tilespmem:s15+$0x1020 ss:$0x81] =	vst.msk $0xffff, v0;
	s13 =	sshll.u32 s31, $0x12;
	s12 =	sadd.s32 s12, s17;
	s16 =	sshrl.u32 s16, $0x3  }
0x12: {  	[tilespmem:s15+$0x0 ss:$0x81] =	vst.msk $0xffff, v1;
	s13 =	sor.u32 $0x400, s13;
	s12 =	sadd.s32 s16, s12  }
0x13: {  	[hbm4b:s12+s13] =	stream.strided.scatter [tilespmem:s14], [sflag:$0x2], $0x2000, s8, s13, $0x20;
	[tilespmem:$0x8080] =	vst v63  }
.LBB1_5:
0x14: {  	s14 =	sadd.s32 $0x1, s9  }
0x15: {  	s12 =	sadd.s32 $0x1000, s10;
	s16 =	smov.u32 s10;
	p2 =	sgt.s32 s14, $0xC7  }
0x16: {  	s16 =	smov.u32 @p2 s12  }
0x17: {  	s14 =	simm.s32 @p2 $0x0;
	p2 =	sgt.s32 s16, $0xFFF  }
0x18: {  	s16 =	smov.u32 @p2 s2;
	p2 =	sne.s32 s11, s7  }
.Ltmp1:
0x19: {  	p1 =	slt.u32 s11, $0x2;
	(pc) =	sbr.rel @!p2 .LBB1_6-.Ltmp1, $4  }
0x1a: {  	s15 =	simm.s32 @!p1 $0x2  }
0x1b: {  	s13 =	smov.u32 s10;
	p0 =	por !p0, !p0;
	_ =	swait.ge @!p1 [sflag:s15], $0x2000  }
0x1c: {  	s12 =	smov.u32 s9;
	[sflag:s15] =	ssyncset.done @!p1 $0x0;
	s9 =	smov.u32 s14  }
0x1d: {  	s11 =	sadd.s32 $0x1, s11;
	[sflag:s15] =	ssyncadd.s32 @!p1 $0xFFFFE000;
	s10 =	smov.u32 s16  }
.LBB1_1:
0x1e: {  	p1 =	sge.u32 s11, s5  }
0x1f: {  	s14 =	sand.u32 @!p1 $0x1FFFFFF, s9  }
0x20: {  	s15 =	smulhi.u32 @!p1 $0x147AE15, s14;
	_ =	sdelay $0x1  }
0x21: {  	s15 =	smul.u32 @!p1 $0xC8, s15  }
0x22: {  	s16 =	sxor.u32 @!p1 $0xFFFFFFFF, s11;
	s17 =	smul.u32 @!p1 $0xC80, s10  }
0x23: {  	s31 =	sadd.s32 $0xFFFFFFFF, s11;
	s16 =	sshll.u32 @!p1 s16, $0xD;
	s14 =	ssub.s32 @!p1 s14, s15  }
0x24: {  	s15 =	sand.u32 @!p1 $0x2000, s16;
	s16 =	sadd.s32 @!p1 s6, s17;
	s14 =	sshll.u32 @!p1 s14, $0x4  }
0x25: {  	s17 =	simm.s32 @!p1 $0x6400;
	s14 =	sadd.s32 @!p1 s14, s16;
	s16 =	simm.s32 @!p1 $0x40  }
0x26: {  	[tilespmem:s15], [sflag:$0x1] =	stream.strided.gather @!p1 [hbm4b:s14+s16], $0x2000, s17, s16, $0x38;
	[tilespmem:$0x8080] =	vst v63  }
0x27: {  	p1 =	sge.u32 s31, s5  }
.Ltmp2:
0x28: {  	_ = 	snop;
	(pc) =	sbr.rel @p1 .LBB1_5-.Ltmp2, $1  }
0x29: {  	_ =	sdelay $0x3  }
0x2a: {  	s14 =	simm.s32 $0x1  }
0x2b: {  	_ =	swait.ge [sflag:s4], $0x2000;
	s14 =	simm.s32 @!p0 $0x0  }
0x2c: {  	[sflag:s4] =	ssyncset.done $0x0;
	s15 =	sshll.u32 s14, $0xD  }
0x2d: {  	[sflag:s4] =	ssyncadd.s32 $0xFFFFE000;
	s18 =	sor.u32 $0x20, s15  }
0x2e: {  	s14 =	smul.u32 $0x8100, s14;
	v3 =	vld [tilespmem:s18+$0x10]  }
0x2f: {  	s30 =	sand.u32 $0x1, s11;
	v2 =	vld [tilespmem:s18+$0xFFFFFFF0]  }
0x30: {  	s15 =	smul.u32 $0x8100, s30;
	s14 =	sshrl.u32 s14, $0x2;
	v0 =	vld [tilespmem:s18+$0x0]  }
0x31: {  	v1 =	vld [tilespmem:s18+$0xFFFFFFE0];
	s16 =	sor.u32 $0x4000, s14  }
0x32: {  	s31 =	sshrl.u32 s15, $0x2;
	s15 =	sadd.s32 $0x0, s16  }
0x33: {  	s17 =	simm.s32 $0x4;
	s18 =	sadd.s32 $0x40, s18;
	s14 =	sor.u32 $0x4000, s31;
	[tilespmem:s15+$0x1830 ss:$0x81] =	vst.msk $0xffff, v3  }
.LBB1_3:
0x34: {  	v3 =	vld [tilespmem:s18+$0x10];
	p1 =	sne.s32 s17, $0x1FC;
	[tilespmem:s15+$0x810 ss:$0x81] =	vst.msk $0xffff, v2;
	s19 =	smov.u32 s17;
	s17 =	sadd.s32 $0x4, s17  }
.Ltmp3:
0x35: {  	v2 =	vld [tilespmem:s18+$0xFFFFFFF0];
	[tilespmem:s15+$0x1020 ss:$0x81] =	vst.msk $0xffff, v0;
	(pc) =	sbr.rel @p1 .LBB1_3-.Ltmp3, $4  }
0x36: {  	v0 =	vld [tilespmem:s18+$0x0];
	[tilespmem:s15+$0x0 ss:$0x81] =	vst.msk $0xffff, v1  }
0x37: {  	s15 =	sshra.s32 s19, $0x2;
	v1 =	vld [tilespmem:s18+$0xFFFFFFE0]  }
0x38: {  	s15 =	sadd.s32 s15, s16  }
0x39: {  	s18 =	sadd.s32 $0x40, s18;
	[tilespmem:s15+$0x1830 ss:$0x81] =	vst.msk $0xffff, v3  }
.Ltmp4:
0x3a: {  	_ = 	snop;
	(pc) =	sbr.rel .LBB1_4-.Ltmp4, $1  }
0x3b: {  	_ =	sdelay $0x3  }
.LBB1_6:
0x3c: {  	_ =	sfence.sel $0x180000  }
0x3d: {  	s2 =	simm.s32 $0x1;
	[bflag:$0x0] =	sbarrier.arrive $0xFFFF  }
0x3e: {  	s31 =	simm.s32 $0x2;
	[sflag:s2] =	ssyncpa.u1 $0x1  }
0x3f: {  	[sflag:s31] =	ssyncpa.u1 $0x1  }
0x40: {  	p0 =	sne.s32 s0, $0x0;
	_ =	strace $0x9000004A  }
0x41: {  	s0 =	sadd.s32 @!p0 $0x100000, s1;
	[bflag:$0x2] =	sbarrier.arrive $0xFFFF  }
0x42: {  	[sflag:s0] =	ssyncadd.tile.s32 @!p0 $0x1;
	_ =	shalt  }
.Lfunc_end1:
_tile_overlayer_lowered:
.L_overlay_start_2:
0x43: {  	(tag) =	ssettag $0x2  }
0x44: {  	s0 =	rddreg [dreg:$0x0];
	s2 =	stileid.u32  }
0x45: {  	s1 =	rddreg [dreg:$0x1];
	p0 =	sne.s32 s2, $0x0  }
0x46: {  	s3 =	rddreg [dreg:$0x2];
	[bflag:$0x3] =	sbarrier.arrive $0xFFFF;
	s2 =	simm.s32 @!p0 $0x1C01  }
0x47: {  	[timem:s3], [sflag:s2] =	dma.local @!p0 [hbm:s0], s1  }
0x48: {  	s0 =	simm.s32 @!p0 $0x1  }
0x49: {  	_ =	swait.ge @!p0 [sflag:s0], s1  }
0x4a: {  	s1 =	ssub.s32 @!p0 $0x0, s1;
	[sflag:s0] =	ssyncset.done @!p0 $0x0  }
0x4b: {  	[sflag:s0] =	ssyncadd.s32 @!p0 s1  }
0x4c: {  	[bflag:$0x3] =	sbarrier.arrive $0xFFFF  }
0x4d: {  	_ =	shalt  }

</sc_bundles>
